<compile_context>
chip_gen: v7x
topology: tpu7x:2x2x1
jax: 0.10.2.dev20260603
libtpu: 0.0.44.dev20260713+nightly
codegen_flags: <defaults>
</compile_context>

<pallas_src>
import functools

import jax
import jax.numpy as jnp
from jax import lax
from jax.experimental import pallas as pl
from jax.experimental.pallas import tpu as pltpu, tpu_sc as plsc

B = 16384
D_CHAMP = 32
D_MISC = 16
H1 = 256
H2 = 128
N_CSLOT = 10
N_MSLOT = 5
NG = 4

NC = 2
NS = 16
NW = NC * NS
NCHUNK = 2
BCH = B // NCHUNK
BPW = BCH // NW
RING = 3

BM = 512


def _sc_gather(ctab, my_i, ally_i, enem_i, mtab, midx, chunk):
    mesh = plsc.VectorSubcoreMesh(core_axis_name="c", subcore_axis_name="s")

    @functools.partial(
        pl.kernel,
        mesh=mesh,
        compiler_params=pltpu.CompilerParams(use_tc_tiling_on_sc=False),
        out_type=jax.ShapeDtypeStruct((NG, BCH, 128), jnp.float32),
        scratch_types=[
            pltpu.VMEM((N_CSLOT, BPW), jnp.int32),
            pltpu.VMEM((N_MSLOT, BPW), jnp.int32),
            pltpu.VMEM((RING, BPW, D_CHAMP), jnp.float32),
            pltpu.VMEM((RING, BPW, D_MISC), jnp.float32),
            pltpu.SemaphoreType.DMA,
            pltpu.SemaphoreType.DMA,
            pltpu.SemaphoreType.DMA,
        ],
    )
    def k(ctab_hbm, my_hbm, ally_hbm, enem_hbm, mtab_hbm, midx_hbm, xp_hbm,
          idxc_v, idxm_v, crows_v, mrows_v, sg, sw, si):
        wid = lax.axis_index("s") * NC + lax.axis_index("c")
        base = wid * BPW
        cbase = chunk * BCH + base

        def idx_src(s):
            if s == 0:
                return my_hbm.at[pl.ds(cbase, BPW)]
            if s <= 4:
                return ally_hbm.at[s - 1, pl.ds(cbase, BPW)]
            return enem_hbm.at[s - 5, pl.ds(cbase, BPW)]

        idescs = []
        for s in range(N_CSLOT):
            idescs.append(pltpu.async_copy(idx_src(s), idxc_v.at[s], si))
        for m in range(N_MSLOT):
            idescs.append(pltpu.async_copy(
                midx_hbm.at[m, pl.ds(cbase, BPW)], idxm_v.at[m], si))

        def cgather(s):
            return pltpu.async_copy(
                ctab_hbm.at[idxc_v.at[s]],
                crows_v.at[s % RING], sg)

        def cwrite(s, lane, width=D_CHAMP, buf=None):
            return pltpu.async_copy(
                crows_v.at[buf if buf is not None else s % RING],
                xp_hbm.at[s // 4, pl.ds(base, BPW), pl.ds(lane, width)], sw)

        def mgather(m):
            return pltpu.async_copy(
                mtab_hbm.at[idxm_v.at[m]],
                mrows_v.at[m % RING], sg)

        def mwrite(m, lane, buf=None):
            return pltpu.async_copy(
                mrows_v.at[buf if buf is not None else m % RING],
                xp_hbm.at[3, pl.ds(base, BPW), pl.ds(lane, D_MISC)], sw)

        pend = []
        gd = {}
        for s in range(RING):
            idescs[s].wait()
            gd[s] = cgather(s)
        for s in range(RING, N_CSLOT):
            idescs[s].wait()
        for m in range(N_MSLOT):
            idescs[N_CSLOT + m].wait()
        for s in range(N_CSLOT):
            gd[s].wait()
            w = cwrite(s, (s % 4) * D_CHAMP)
            if s + RING < N_CSLOT:
                w.wait()
                gd[s + RING] = cgather(s + RING)
            else:
                pend.append(w)
        gm = {m: mgather(m) for m in range(RING)}
        pend.append(cwrite(8, 64, buf=8 % RING))
        pend.append(cwrite(8, 96, buf=8 % RING))
        for m in range(N_MSLOT):
            gm[m].wait()
            w = mwrite(m, m * D_MISC)
            if m + RING < N_MSLOT:
                w.wait()
                gm[m + RING] = mgather(m + RING)
            else:
                pend.append(w)
        pend.append(mwrite(4, 80, buf=4 % RING))
        pend.append(mwrite(4, 96, buf=4 % RING))
        pend.append(mwrite(4, 112, buf=4 % RING))
        for w in pend:
            w.wait()

    return k(ctab, my_i, ally_i, enem_i, mtab, midx)


def _mlp_body(xp_ref, w1x_ref, b1_ref, w2_ref, b2_ref, w3_ref, b3_ref,
              out_ref):
    x = jnp.concatenate(
        [xp_ref[0], xp_ref[1], xp_ref[2], xp_ref[3]], axis=-1)
    h = jnp.maximum(jnp.dot(x, w1x_ref[...]) + b1_ref[...], 0.0)
    h2 = jnp.maximum(jnp.dot(h, w2_ref[...]) + b2_ref[...], 0.0)
    out_ref[...] = jnp.dot(h2, w3_ref[...]) + b3_ref[...]


def _tc_mlp(xp, W1, b1, W2, b2, W3, b3):
    z64 = jnp.zeros((64, H1), jnp.float32)
    z48 = jnp.zeros((48, H1), jnp.float32)
    W1x = jnp.concatenate([W1[:320], z64, W1[320:], z48], axis=0)
    out = pl.pallas_call(
        _mlp_body,
        grid=(BCH // BM,),
        in_specs=[
            pl.BlockSpec((NG, BM, 128), lambda i: (0, i, 0)),
            pl.BlockSpec((NG * 128, H1), lambda i: (0, 0)),
            pl.BlockSpec((1, H1), lambda i: (0, 0)),
            pl.BlockSpec((H1, H2), lambda i: (0, 0)),
            pl.BlockSpec((1, H2), lambda i: (0, 0)),
            pl.BlockSpec((H2, 1), lambda i: (0, 0)),
            pl.BlockSpec((1, 1), lambda i: (0, 0)),
        ],
        out_specs=pl.BlockSpec((BM, 1), lambda i: (i, 0)),
        out_shape=jax.ShapeDtypeStruct((BCH, 1), jnp.float32),
    )(xp, W1x, b1.reshape(1, H1), W2, b2.reshape(1, H2), W3,
      b3.reshape(1, 1))
    return out


def kernel(my_idx, ally_lists, enem_lists, misc_idx, emb_champ, emb_sp,
           emb_pri, emb_sub, emb_key, emb_pat, W1, b1, W2, b2, W3, b3):
    mtab = jnp.concatenate([emb_sp, emb_pri, emb_sub, emb_key, emb_pat], axis=0)
    midx = (
        misc_idx.astype(jnp.int32)
        + jnp.arange(N_MSLOT, dtype=jnp.int32)[None, :] * emb_sp.shape[0]
    ).T
    xps = [
        _sc_gather(emb_champ, my_idx.astype(jnp.int32),
                   ally_lists.astype(jnp.int32), enem_lists.astype(jnp.int32),
                   mtab, midx, c)
        for c in range(NCHUNK)
    ]
    outs = [_tc_mlp(xp, W1, b1, W2, b2, W3, b3) for xp in xps]
    return jnp.concatenate(outs, axis=0)[:, 0]

# --- scband reference (transcript-rebuilt; emitter-appended) ---
"""Pipeline reference for scband-comp-mlp-exact-7868380086622 (READ-ONLY COPY).

The authoritative reference and input builder live on the scoring server;
editing this copy changes nothing except your own understanding.
"""

import jax, jax.numpy as jnp
import numpy as np

B = 16384
N_CHAMP = 100000
D_CHAMP = 32
N_MISC = 1000
D_MISC = 16
IN_DIM = 400
H1 = 256
H2 = 128
N_ALLIES = 4
N_ENEMIES = 5


def setup_inputs(seed: int = 0) -> dict:
    key = jax.random.key(seed)
    ks = jax.random.split(key, 16)
    inp = {}
    inp["my_idx"] = jax.random.randint(ks[0], (B,), 0, N_CHAMP)
    inp["ally_lists"] = jax.random.randint(ks[1], (N_ALLIES, B), 0, N_CHAMP)
    inp["enem_lists"] = jax.random.randint(ks[2], (N_ENEMIES, B), 0, N_CHAMP)
    inp["misc_idx"] = jax.random.randint(ks[3], (B, 5), 0, N_MISC)
    inp["emb_champ"] = jax.random.normal(ks[4], (N_CHAMP, D_CHAMP), jnp.float32)
    inp["emb_sp"] = jax.random.normal(ks[5], (N_MISC, D_MISC), jnp.float32)
    inp["emb_pri"] = jax.random.normal(ks[6], (N_MISC, D_MISC), jnp.float32)
    inp["emb_sub"] = jax.random.normal(ks[7], (N_MISC, D_MISC), jnp.float32)
    inp["emb_key"] = jax.random.normal(ks[8], (N_MISC, D_MISC), jnp.float32)
    inp["emb_pat"] = jax.random.normal(ks[9], (N_MISC, D_MISC), jnp.float32)
    inp["W1"] = jax.random.normal(ks[10], (IN_DIM, H1), jnp.float32) * 0.05
    inp["b1"] = jnp.zeros((H1,), jnp.float32)
    inp["W2"] = jax.random.normal(ks[11], (H1, H2), jnp.float32) * 0.05
    inp["b2"] = jnp.zeros((H2,), jnp.float32)
    inp["W3"] = jax.random.normal(ks[12], (H2, 1), jnp.float32) * 0.05
    inp["b3"] = jnp.zeros((1,), jnp.float32)
    return inp


def reference(my_idx, ally_lists, enem_lists, misc_idx, emb_champ, emb_sp, emb_pri, emb_sub, emb_key, emb_pat, W1, b1, W2, b2, W3, b3):
    me = jnp.take(emb_champ, my_idx, axis=0)
    allies = [jnp.take(emb_champ, ally_lists[i], axis=0) for i in range(N_ALLIES)]
    enemies = [jnp.take(emb_champ, enem_lists[i], axis=0) for i in range(N_ENEMIES)]
    sp = jnp.take(emb_sp, misc_idx[:, 0], axis=0)
    pri = jnp.take(emb_pri, misc_idx[:, 1], axis=0)
    sub = jnp.take(emb_sub, misc_idx[:, 2], axis=0)
    key_e = jnp.take(emb_key, misc_idx[:, 3], axis=0)
    pat = jnp.take(emb_pat, misc_idx[:, 4], axis=0)
    misc = jnp.concatenate([sp, pri, sub, key_e, pat], axis=-1)
    x = jnp.concatenate([me] + allies + enemies + [misc], axis=-1)
    cur = x.shape[-1]
    if cur < IN_DIM:
        x = jnp.concatenate([x, jnp.zeros((x.shape[0], IN_DIM - cur), x.dtype)], axis=-1)
    elif cur > IN_DIM:
        x = x[..., :IN_DIM]
    h = jnp.maximum(x @ W1 + b1, 0.0)
    h = jnp.maximum(h @ W2 + b2, 0.0)
    out = (h @ W3 + b3).squeeze(-1)
    return out

if __name__ == "__main__":
    import jax
    _d = setup_inputs()
    print(jax.jit(kernel)(*tuple(_d.values())))

</pallas_src>

<mosaic_0001>
#map = affine_map<(d0, d1) -> (0, 0)>
#map1 = affine_map<(d0, d1) -> (0)>
#map2 = affine_map<(d0, d1) -> (0, 0, 0)>
module attributes {stable_mosaic.version = 14 : i64} {
  func.func @k(%arg0: i32, %arg1: i32, %arg2: memref<100000x32xf32, #tpu.memory_space<hbm>>, %arg3: memref<16384xi32, #tpu.memory_space<hbm>>, %arg4: memref<4x16384xi32, #tpu.memory_space<hbm>>, %arg5: memref<5x16384xi32, #tpu.memory_space<hbm>>, %arg6: memref<5000x16xf32, #tpu.memory_space<hbm>>, %arg7: memref<5x16384xi32, #tpu.memory_space<hbm>>, %arg8: memref<4x8192x128xf32, #tpu.memory_space<hbm>>, %arg9: memref<10x256xi32, #tpu.memory_space<vmem>>, %arg10: memref<5x256xi32, #tpu.memory_space<vmem>>, %arg11: memref<3x256x32xf32, #tpu.memory_space<vmem>>, %arg12: memref<3x256x16xf32, #tpu.memory_space<vmem>>, %arg13: memref<!tpu.dma_semaphore, #tpu.memory_space<semaphore_mem>>, %arg14: memref<!tpu.dma_semaphore, #tpu.memory_space<semaphore_mem>>, %arg15: memref<!tpu.dma_semaphore, #tpu.memory_space<semaphore_mem>>) attributes {dimension_semantics = [#tpu.dimension_semantics<core_parallel>, #tpu.dimension_semantics<subcore_parallel>], iteration_bounds = array<i64: 2, 16>, scalar_prefetch = 0 : i64, scratch_operands = 7 : i64, tpu.core_type = #tpu.core_type<sc_vector_subcore>, window_params = [{transform_indices = #map}, {transform_indices = #map1}, {transform_indices = #map}, {transform_indices = #map}, {transform_indices = #map}, {transform_indices = #map}, {transform_indices = #map2}]} {
    %mul3A = arith.constant 2 : i32
    %mul3A_0 = arith.muli %arg1, %mul3A : i32
    %add3A = arith.addi %mul3A_0, %arg0 : i32
    %mul3A_1 = arith.constant 256 : i32
    %mul3A_2 = arith.muli %add3A, %mul3A_1 : i32
    %add3A_3 = arith.constant 0 : i32
    %add3A_4 = arith.addi %add3A_3, %mul3A_2 : i32
    %dma_start3A = arith.constant 0 : i32
    %dma_start3A_5 = arith.constant 0 : i32
    %dma_start3A_6 = tpu.memref_slice %arg9[%dma_start3A, %dma_start3A_5] : memref<10x256xi32, #tpu.memory_space<vmem>> -> memref<1x256xi32, #tpu.memory_space<vmem>>
    %dma_start3A_7 = tpu.memref_squeeze %dma_start3A_6 : memref<1x256xi32, #tpu.memory_space<vmem>> -> memref<256xi32, #tpu.memory_space<vmem>>
    %dma_start3A_8 = tpu.memref_slice %arg3[%add3A_4] : memref<16384xi32, #tpu.memory_space<hbm>> -> memref<256xi32, #tpu.memory_space<hbm>>
    %dma_start3A_9 = arith.constant 0 : i32
    %dma_start3A_10 = tpu.memref_slice %arg9[%dma_start3A, %dma_start3A_9] : memref<10x256xi32, #tpu.memory_space<vmem>> -> memref<1x256xi32, #tpu.memory_space<vmem>>
    %dma_start3A_11 = tpu.memref_squeeze %dma_start3A_10 : memref<1x256xi32, #tpu.memory_space<vmem>> -> memref<256xi32, #tpu.memory_space<vmem>>
    %dma_start3A_12 = tpu.memref_slice %arg3[%add3A_4] : memref<16384xi32, #tpu.memory_space<hbm>> -> memref<256xi32, #tpu.memory_space<hbm>>
    tpu.enqueue_dma source(%dma_start3A_12 : memref<256xi32, #tpu.memory_space<hbm>>) target(%dma_start3A_11 : memref<256xi32, #tpu.memory_space<vmem>>) target_semaphore(%arg15 : memref<!tpu.dma_semaphore, #tpu.memory_space<semaphore_mem>>)
    %dma_start3A_13 = arith.constant 0 : i32
    %dma_start3A_14 = arith.constant 1 : i32
    %dma_start3A_15 = arith.constant 0 : i32
    %dma_start3A_16 = tpu.memref_slice %arg9[%dma_start3A_14, %dma_start3A_15] : memref<10x256xi32, #tpu.memory_space<vmem>> -> memref<1x256xi32, #tpu.memory_space<vmem>>
    %dma_start3A_17 = tpu.memref_squeeze %dma_start3A_16 : memref<1x256xi32, #tpu.memory_space<vmem>> -> memref<256xi32, #tpu.memory_space<vmem>>
    %dma_start3A_18 = tpu.memref_slice %arg4[%dma_start3A_13, %add3A_4] : memref<4x16384xi32, #tpu.memory_space<hbm>> -> memref<1x256xi32, #tpu.memory_space<hbm>>
    %dma_start3A_19 = tpu.memref_squeeze %dma_start3A_18 : memref<1x256xi32, #tpu.memory_space<hbm>> -> memref<256xi32, #tpu.memory_space<hbm>>
    %dma_start3A_20 = arith.constant 0 : i32
    %dma_start3A_21 = tpu.memref_slice %arg9[%dma_start3A_14, %dma_start3A_20] : memref<10x256xi32, #tpu.memory_space<vmem>> -> memref<1x256xi32, #tpu.memory_space<vmem>>
    %dma_start3A_22 = tpu.memref_squeeze %dma_start3A_21 : memref<1x256xi32, #tpu.memory_space<vmem>> -> memref<256xi32, #tpu.memory_space<vmem>>
    %dma_start3A_23 = tpu.memref_slice %arg4[%dma_start3A_13, %add3A_4] : memref<4x16384xi32, #tpu.memory_space<hbm>> -> memref<1x256xi32, #tpu.memory_space<hbm>>
    %dma_start3A_24 = tpu.memref_squeeze %dma_start3A_23 : memref<1x256xi32, #tpu.memory_space<hbm>> -> memref<256xi32, #tpu.memory_space<hbm>>
    tpu.enqueue_dma source(%dma_start3A_24 : memref<256xi32, #tpu.memory_space<hbm>>) target(%dma_start3A_22 : memref<256xi32, #tpu.memory_space<vmem>>) target_semaphore(%arg15 : memref<!tpu.dma_semaphore, #tpu.memory_space<semaphore_mem>>)
    %dma_start3A_25 = arith.constant 1 : i32
    %dma_start3A_26 = arith.constant 2 : i32
    %dma_start3A_27 = arith.constant 0 : i32
    %dma_start3A_28 = tpu.memref_slice %arg9[%dma_start3A_26, %dma_start3A_27] : memref<10x256xi32, #tpu.memory_space<vmem>> -> memref<1x256xi32, #tpu.memory_space<vmem>>
    %dma_start3A_29 = tpu.memref_squeeze %dma_start3A_28 : memref<1x256xi32, #tpu.memory_space<vmem>> -> memref<256xi32, #tpu.memory_space<vmem>>
    %dma_start3A_30 = tpu.memref_slice %arg4[%dma_start3A_25, %add3A_4] : memref<4x16384xi32, #tpu.memory_space<hbm>> -> memref<1x256xi32, #tpu.memory_space<hbm>>
    %dma_start3A_31 = tpu.memref_squeeze %dma_start3A_30 : memref<1x256xi32, #tpu.memory_space<hbm>> -> memref<256xi32, #tpu.memory_space<hbm>>
    %dma_start3A_32 = arith.constant 0 : i32
    %dma_start3A_33 = tpu.memref_slice %arg9[%dma_start3A_26, %dma_start3A_32] : memref<10x256xi32, #tpu.memory_space<vmem>> -> memref<1x256xi32, #tpu.memory_space<vmem>>
    %dma_start3A_34 = tpu.memref_squeeze %dma_start3A_33 : memref<1x256xi32, #tpu.memory_space<vmem>> -> memref<256xi32, #tpu.memory_space<vmem>>
    %dma_start3A_35 = tpu.memref_slice %arg4[%dma_start3A_25, %add3A_4] : memref<4x16384xi32, #tpu.memory_space<hbm>> -> memref<1x256xi32, #tpu.memory_space<hbm>>
    %dma_start3A_36 = tpu.memref_squeeze %dma_start3A_35 : memref<1x256xi32, #tpu.memory_space<hbm>> -> memref<256xi32, #tpu.memory_space<hbm>>
    tpu.enqueue_dma source(%dma_start3A_36 : memref<256xi32, #tpu.memory_space<hbm>>) target(%dma_start3A_34 : memref<256xi32, #tpu.memory_space<vmem>>) target_semaphore(%arg15 : memref<!tpu.dma_semaphore, #tpu.memory_space<semaphore_mem>>)
    %dma_start3A_37 = arith.constant 2 : i32
    %dma_start3A_38 = arith.constant 3 : i32
    %dma_start3A_39 = arith.constant 0 : i32
    %dma_start3A_40 = tpu.memref_slice %arg9[%dma_start3A_38, %dma_start3A_39] : memref<10x256xi32, #tpu.memory_space<vmem>> -> memref<1x256xi32, #tpu.memory_space<vmem>>
    %dma_start3A_41 = tpu.memref_squeeze %dma_start3A_40 : memref<1x256xi32, #tpu.memory_space<vmem>> -> memref<256xi32, #tpu.memory_space<vmem>>
    %dma_start3A_42 = tpu.memref_slice %arg4[%dma_start3A_37, %add3A_4] : memref<4x16384xi32, #tpu.memory_space<hbm>> -> memref<1x256xi32, #tpu.memory_space<hbm>>
    %dma_start3A_43 = tpu.memref_squeeze %dma_start3A_42 : memref<1x256xi32, #tpu.memory_space<hbm>> -> memref<256xi32, #tpu.memory_space<hbm>>
    %dma_start3A_44 = arith.constant 0 : i32
    %dma_start3A_45 = tpu.memref_slice %arg9[%dma_start3A_38, %dma_start3A_44] : memref<10x256xi32, #tpu.memory_space<vmem>> -> memref<1x256xi32, #tpu.memory_space<vmem>>
    %dma_start3A_46 = tpu.memref_squeeze %dma_start3A_45 : memref<1x256xi32, #tpu.memory_space<vmem>> -> memref<256xi32, #tpu.memory_space<vmem>>
    %dma_start3A_47 = tpu.memref_slice %arg4[%dma_start3A_37, %add3A_4] : memref<4x16384xi32, #tpu.memory_space<hbm>> -> memref<1x256xi32, #tpu.memory_space<hbm>>
    %dma_start3A_48 = tpu.memref_squeeze %dma_start3A_47 : memref<1x256xi32, #tpu.memory_space<hbm>> -> memref<256xi32, #tpu.memory_space<hbm>>
    tpu.enqueue_dma source(%dma_start3A_48 : memref<256xi32, #tpu.memory_space<hbm>>) target(%dma_start3A_46 : memref<256xi32, #tpu.memory_space<vmem>>) target_semaphore(%arg15 : memref<!tpu.dma_semaphore, #tpu.memory_space<semaphore_mem>>)
    %dma_start3A_49 = arith.constant 3 : i32
    %dma_start3A_50 = arith.constant 4 : i32
    %dma_start3A_51 = arith.constant 0 : i32
    %dma_start3A_52 = tpu.memref_slice %arg9[%dma_start3A_50, %dma_start3A_51] : memref<10x256xi32, #tpu.memory_space<vmem>> -> memref<1x256xi32, #tpu.memory_space<vmem>>
    %dma_start3A_53 = tpu.memref_squeeze %dma_start3A_52 : memref<1x256xi32, #tpu.memory_space<vmem>> -> memref<256xi32, #tpu.memory_space<vmem>>
    %dma_start3A_54 = tpu.memref_slice %arg4[%dma_start3A_49, %add3A_4] : memref<4x16384xi32, #tpu.memory_space<hbm>> -> memref<1x256xi32, #tpu.memory_space<hbm>>
    %dma_start3A_55 = tpu.memref_squeeze %dma_start3A_54 : memref<1x256xi32, #tpu.memory_space<hbm>> -> memref<256xi32, #tpu.memory_space<hbm>>
    %dma_start3A_56 = arith.constant 0 : i32
    %dma_start3A_57 = tpu.memref_slice %arg9[%dma_start3A_50, %dma_start3A_56] : memref<10x256xi32, #tpu.memory_space<vmem>> -> memref<1x256xi32, #tpu.memory_space<vmem>>
    %dma_start3A_58 = tpu.memref_squeeze %dma_start3A_57 : memref<1x256xi32, #tpu.memory_space<vmem>> -> memref<256xi32, #tpu.memory_space<vmem>>
    %dma_start3A_59 = tpu.memref_slice %arg4[%dma_start3A_49, %add3A_4] : memref<4x16384xi32, #tpu.memory_space<hbm>> -> memref<1x256xi32, #tpu.memory_space<hbm>>
    %dma_start3A_60 = tpu.memref_squeeze %dma_start3A_59 : memref<1x256xi32, #tpu.memory_space<hbm>> -> memref<256xi32, #tpu.memory_space<hbm>>
    tpu.enqueue_dma source(%dma_start3A_60 : memref<256xi32, #tpu.memory_space<hbm>>) target(%dma_start3A_58 : memref<256xi32, #tpu.memory_space<vmem>>) target_semaphore(%arg15 : memref<!tpu.dma_semaphore, #tpu.memory_space<semaphore_mem>>)
    %dma_start3A_61 = arith.constant 0 : i32
    %dma_start3A_62 = arith.constant 5 : i32
    %dma_start3A_63 = arith.constant 0 : i32
    %dma_start3A_64 = tpu.memref_slice %arg9[%dma_start3A_62, %dma_start3A_63] : memref<10x256xi32, #tpu.memory_space<vmem>> -> memref<1x256xi32, #tpu.memory_space<vmem>>
    %dma_start3A_65 = tpu.memref_squeeze %dma_start3A_64 : memref<1x256xi32, #tpu.memory_space<vmem>> -> memref<256xi32, #tpu.memory_space<vmem>>
    %dma_start3A_66 = tpu.memref_slice %arg5[%dma_start3A_61, %add3A_4] : memref<5x16384xi32, #tpu.memory_space<hbm>> -> memref<1x256xi32, #tpu.memory_space<hbm>>
    %dma_start3A_67 = tpu.memref_squeeze %dma_start3A_66 : memref<1x256xi32, #tpu.memory_space<hbm>> -> memref<256xi32, #tpu.memory_space<hbm>>
    %dma_start3A_68 = arith.constant 0 : i32
    %dma_start3A_69 = tpu.memref_slice %arg9[%dma_start3A_62, %dma_start3A_68] : memref<10x256xi32, #tpu.memory_space<vmem>> -> memref<1x256xi32, #tpu.memory_space<vmem>>
    %dma_start3A_70 = tpu.memref_squeeze %dma_start3A_69 : memref<1x256xi32, #tpu.memory_space<vmem>> -> memref<256xi32, #tpu.memory_space<vmem>>
    %dma_start3A_71 = tpu.memref_slice %arg5[%dma_start3A_61, %add3A_4] : memref<5x16384xi32, #tpu.memory_space<hbm>> -> memref<1x256xi32, #tpu.memory_space<hbm>>
    %dma_start3A_72 = tpu.memref_squeeze %dma_start3A_71 : memref<1x256xi32, #tpu.memory_space<hbm>> -> memref<256xi32, #tpu.memory_space<hbm>>
    tpu.enqueue_dma source(%dma_start3A_72 : memref<256xi32, #tpu.memory_space<hbm>>) target(%dma_start3A_70 : memref<256xi32, #tpu.memory_space<vmem>>) target_semaphore(%arg15 : memref<!tpu.dma_semaphore, #tpu.memory_space<semaphore_mem>>)
    %dma_start3A_73 = arith.constant 1 : i32
    %dma_start3A_74 = arith.constant 6 : i32
    %dma_start3A_75 = arith.constant 0 : i32
    %dma_start3A_76 = tpu.memref_slice %arg9[%dma_start3A_74, %dma_start3A_75] : memref<10x256xi32, #tpu.memory_space<vmem>> -> memref<1x256xi32, #tpu.memory_space<vmem>>
    %dma_start3A_77 = tpu.memref_squeeze %dma_start3A_76 : memref<1x256xi32, #tpu.memory_space<vmem>> -> memref<256xi32, #tpu.memory_space<vmem>>
    %dma_start3A_78 = tpu.memref_slice %arg5[%dma_start3A_73, %add3A_4] : memref<5x16384xi32, #tpu.memory_space<hbm>> -> memref<1x256xi32, #tpu.memory_space<hbm>>
    %dma_start3A_79 = tpu.memref_squeeze %dma_start3A_78 : memref<1x256xi32, #tpu.memory_space<hbm>> -> memref<256xi32, #tpu.memory_space<hbm>>
    %dma_start3A_80 = arith.constant 0 : i32
    %dma_start3A_81 = tpu.memref_slice %arg9[%dma_start3A_74, %dma_start3A_80] : memref<10x256xi32, #tpu.memory_space<vmem>> -> memref<1x256xi32, #tpu.memory_space<vmem>>
    %dma_start3A_82 = tpu.memref_squeeze %dma_start3A_81 : memref<1x256xi32, #tpu.memory_space<vmem>> -> memref<256xi32, #tpu.memory_space<vmem>>
    %dma_start3A_83 = tpu.memref_slice %arg5[%dma_start3A_73, %add3A_4] : memref<5x16384xi32, #tpu.memory_space<hbm>> -> memref<1x256xi32, #tpu.memory_space<hbm>>
    %dma_start3A_84 = tpu.memref_squeeze %dma_start3A_83 : memref<1x256xi32, #tpu.memory_space<hbm>> -> memref<256xi32, #tpu.memory_space<hbm>>
    tpu.enqueue_dma source(%dma_start3A_84 : memref<256xi32, #tpu.memory_space<hbm>>) target(%dma_start3A_82 : memref<256xi32, #tpu.memory_space<vmem>>) target_semaphore(%arg15 : memref<!tpu.dma_semaphore, #tpu.memory_space<semaphore_mem>>)
    %dma_start3A_85 = arith.constant 2 : i32
    %dma_start3A_86 = arith.constant 7 : i32
    %dma_start3A_87 = arith.constant 0 : i32
    %dma_start3A_88 = tpu.memref_slice %arg9[%dma_start3A_86, %dma_start3A_87] : memref<10x256xi32, #tpu.memory_space<vmem>> -> memref<1x256xi32, #tpu.memory_space<vmem>>
    %dma_start3A_89 = tpu.memref_squeeze %dma_start3A_88 : memref<1x256xi32, #tpu.memory_space<vmem>> -> memref<256xi32, #tpu.memory_space<vmem>>
    %dma_start3A_90 = tpu.memref_slice %arg5[%dma_start3A_85, %add3A_4] : memref<5x16384xi32, #tpu.memory_space<hbm>> -> memref<1x256xi32, #tpu.memory_space<hbm>>
    %dma_start3A_91 = tpu.memref_squeeze %dma_start3A_90 : memref<1x256xi32, #tpu.memory_space<hbm>> -> memref<256xi32, #tpu.memory_space<hbm>>
    %dma_start3A_92 = arith.constant 0 : i32
    %dma_start3A_93 = tpu.memref_slice %arg9[%dma_start3A_86, %dma_start3A_92] : memref<10x256xi32, #tpu.memory_space<vmem>> -> memref<1x256xi32, #tpu.memory_space<vmem>>
    %dma_start3A_94 = tpu.memref_squeeze %dma_start3A_93 : memref<1x256xi32, #tpu.memory_space<vmem>> -> memref<256xi32, #tpu.memory_space<vmem>>
    %dma_start3A_95 = tpu.memref_slice %arg5[%dma_start3A_85, %add3A_4] : memref<5x16384xi32, #tpu.memory_space<hbm>> -> memref<1x256xi32, #tpu.memory_space<hbm>>
    %dma_start3A_96 = tpu.memref_squeeze %dma_start3A_95 : memref<1x256xi32, #tpu.memory_space<hbm>> -> memref<256xi32, #tpu.memory_space<hbm>>
    tpu.enqueue_dma source(%dma_start3A_96 : memref<256xi32, #tpu.memory_space<hbm>>) target(%dma_start3A_94 : memref<256xi32, #tpu.memory_space<vmem>>) target_semaphore(%arg15 : memref<!tpu.dma_semaphore, #tpu.memory_space<semaphore_mem>>)
    %dma_start3A_97 = arith.constant 3 : i32
    %dma_start3A_98 = arith.constant 8 : i32
    %dma_start3A_99 = arith.constant 0 : i32
    %dma_start3A_100 = tpu.memref_slice %arg9[%dma_start3A_98, %dma_start3A_99] : memref<10x256xi32, #tpu.memory_space<vmem>> -> memref<1x256xi32, #tpu.memory_space<vmem>>
    %dma_start3A_101 = tpu.memref_squeeze %dma_start3A_100 : memref<1x256xi32, #tpu.memory_space<vmem>> -> memref<256xi32, #tpu.memory_space<vmem>>
    %dma_start3A_102 = tpu.memref_slice %arg5[%dma_start3A_97, %add3A_4] : memref<5x16384xi32, #tpu.memory_space<hbm>> -> memref<1x256xi32, #tpu.memory_space<hbm>>
    %dma_start3A_103 = tpu.memref_squeeze %dma_start3A_102 : memref<1x256xi32, #tpu.memory_space<hbm>> -> memref<256xi32, #tpu.memory_space<hbm>>
    %dma_start3A_104 = arith.constant 0 : i32
    %dma_start3A_105 = tpu.memref_slice %arg9[%dma_start3A_98, %dma_start3A_104] : memref<10x256xi32, #tpu.memory_space<vmem>> -> memref<1x256xi32, #tpu.memory_space<vmem>>
    %dma_start3A_106 = tpu.memref_squeeze %dma_start3A_105 : memref<1x256xi32, #tpu.memory_space<vmem>> -> memref<256xi32, #tpu.memory_space<vmem>>
    %dma_start3A_107 = tpu.memref_slice %arg5[%dma_start3A_97, %add3A_4] : memref<5x16384xi32, #tpu.memory_space<hbm>> -> memref<1x256xi32, #tpu.memory_space<hbm>>
    %dma_start3A_108 = tpu.memref_squeeze %dma_start3A_107 : memref<1x256xi32, #tpu.memory_space<hbm>> -> memref<256xi32, #tpu.memory_space<hbm>>
    tpu.enqueue_dma source(%dma_start3A_108 : memref<256xi32, #tpu.memory_space<hbm>>) target(%dma_start3A_106 : memref<256xi32, #tpu.memory_space<vmem>>) target_semaphore(%arg15 : memref<!tpu.dma_semaphore, #tpu.memory_space<semaphore_mem>>)
    %dma_start3A_109 = arith.constant 4 : i32
    %dma_start3A_110 = arith.constant 9 : i32
    %dma_start3A_111 = arith.constant 0 : i32
    %dma_start3A_112 = tpu.memref_slice %arg9[%dma_start3A_110, %dma_start3A_111] : memref<10x256xi32, #tpu.memory_space<vmem>> -> memref<1x256xi32, #tpu.memory_space<vmem>>
    %dma_start3A_113 = tpu.memref_squeeze %dma_start3A_112 : memref<1x256xi32, #tpu.memory_space<vmem>> -> memref<256xi32, #tpu.memory_space<vmem>>
    %dma_start3A_114 = tpu.memref_slice %arg5[%dma_start3A_109, %add3A_4] : memref<5x16384xi32, #tpu.memory_space<hbm>> -> memref<1x256xi32, #tpu.memory_space<hbm>>
    %dma_start3A_115 = tpu.memref_squeeze %dma_start3A_114 : memref<1x256xi32, #tpu.memory_space<hbm>> -> memref<256xi32, #tpu.memory_space<hbm>>
    %dma_start3A_116 = arith.constant 0 : i32
    %dma_start3A_117 = tpu.memref_slice %arg9[%dma_start3A_110, %dma_start3A_116] : memref<10x256xi32, #tpu.memory_space<vmem>> -> memref<1x256xi32, #tpu.memory_space<vmem>>
    %dma_start3A_118 = tpu.memref_squeeze %dma_start3A_117 : memref<1x256xi32, #tpu.memory_space<vmem>> -> memref<256xi32, #tpu.memory_space<vmem>>
    %dma_start3A_119 = tpu.memref_slice %arg5[%dma_start3A_109, %add3A_4] : memref<5x16384xi32, #tpu.memory_space<hbm>> -> memref<1x256xi32, #tpu.memory_space<hbm>>
    %dma_start3A_120 = tpu.memref_squeeze %dma_start3A_119 : memref<1x256xi32, #tpu.memory_space<hbm>> -> memref<256xi32, #tpu.memory_space<hbm>>
    tpu.enqueue_dma source(%dma_start3A_120 : memref<256xi32, #tpu.memory_space<hbm>>) target(%dma_start3A_118 : memref<256xi32, #tpu.memory_space<vmem>>) target_semaphore(%arg15 : memref<!tpu.dma_semaphore, #tpu.memory_space<semaphore_mem>>)
    %dma_start3A_121 = arith.constant 0 : i32
    %dma_start3A_122 = arith.constant 0 : i32
    %dma_start3A_123 = arith.constant 0 : i32
    %dma_start3A_124 = tpu.memref_slice %arg10[%dma_start3A_122, %dma_start3A_123] : memref<5x256xi32, #tpu.memory_space<vmem>> -> memref<1x256xi32, #tpu.memory_space<vmem>>
    %dma_start3A_125 = tpu.memref_squeeze %dma_start3A_124 : memref<1x256xi32, #tpu.memory_space<vmem>> -> memref<256xi32, #tpu.memory_space<vmem>>
    %dma_start3A_126 = tpu.memref_slice %arg7[%dma_start3A_121, %add3A_4] : memref<5x16384xi32, #tpu.memory_space<hbm>> -> memref<1x256xi32, #tpu.memory_space<hbm>>
    %dma_start3A_127 = tpu.memref_squeeze %dma_start3A_126 : memref<1x256xi32, #tpu.memory_space<hbm>> -> memref<256xi32, #tpu.memory_space<hbm>>
    %dma_start3A_128 = arith.constant 0 : i32
    %dma_start3A_129 = tpu.memref_slice %arg10[%dma_start3A_122, %dma_start3A_128] : memref<5x256xi32, #tpu.memory_space<vmem>> -> memref<1x256xi32, #tpu.memory_space<vmem>>
    %dma_start3A_130 = tpu.memref_squeeze %dma_start3A_129 : memref<1x256xi32, #tpu.memory_space<vmem>> -> memref<256xi32, #tpu.memory_space<vmem>>
    %dma_start3A_131 = tpu.memref_slice %arg7[%dma_start3A_121, %add3A_4] : memref<5x16384xi32, #tpu.memory_space<hbm>> -> memref<1x256xi32, #tpu.memory_space<hbm>>
    %dma_start3A_132 = tpu.memref_squeeze %dma_start3A_131 : memref<1x256xi32, #tpu.memory_space<hbm>> -> memref<256xi32, #tpu.memory_space<hbm>>
    tpu.enqueue_dma source(%dma_start3A_132 : memref<256xi32, #tpu.memory_space<hbm>>) target(%dma_start3A_130 : memref<256xi32, #tpu.memory_space<vmem>>) target_semaphore(%arg15 : memref<!tpu.dma_semaphore, #tpu.memory_space<semaphore_mem>>)
    %dma_start3A_133 = arith.constant 1 : i32
    %dma_start3A_134 = arith.constant 1 : i32
    %dma_start3A_135 = arith.constant 0 : i32
    %dma_start3A_136 = tpu.memref_slice %arg10[%dma_start3A_134, %dma_start3A_135] : memref<5x256xi32, #tpu.memory_space<vmem>> -> memref<1x256xi32, #tpu.memory_space<vmem>>
    %dma_start3A_137 = tpu.memref_squeeze %dma_start3A_136 : memref<1x256xi32, #tpu.memory_space<vmem>> -> memref<256xi32, #tpu.memory_space<vmem>>
    %dma_start3A_138 = tpu.memref_slice %arg7[%dma_start3A_133, %add3A_4] : memref<5x16384xi32, #tpu.memory_space<hbm>> -> memref<1x256xi32, #tpu.memory_space<hbm>>
    %dma_start3A_139 = tpu.memref_squeeze %dma_start3A_138 : memref<1x256xi32, #tpu.memory_space<hbm>> -> memref<256xi32, #tpu.memory_space<hbm>>
    %dma_start3A_140 = arith.constant 0 : i32
    %dma_start3A_141 = tpu.memref_slice %arg10[%dma_start3A_134, %dma_start3A_140] : memref<5x256xi32, #tpu.memory_space<vmem>> -> memref<1x256xi32, #tpu.memory_space<vmem>>
    %dma_start3A_142 = tpu.memref_squeeze %dma_start3A_141 : memref<1x256xi32, #tpu.memory_space<vmem>> -> memref<256xi32, #tpu.memory_space<vmem>>
    %dma_start3A_143 = tpu.memref_slice %arg7[%dma_start3A_133, %add3A_4] : memref<5x16384xi32, #tpu.memory_space<hbm>> -> memref<1x256xi32, #tpu.memory_space<hbm>>
    %dma_start3A_144 = tpu.memref_squeeze %dma_start3A_143 : memref<1x256xi32, #tpu.memory_space<hbm>> -> memref<256xi32, #tpu.memory_space<hbm>>
    tpu.enqueue_dma source(%dma_start3A_144 : memref<256xi32, #tpu.memory_space<hbm>>) target(%dma_start3A_142 : memref<256xi32, #tpu.memory_space<vmem>>) target_semaphore(%arg15 : memref<!tpu.dma_semaphore, #tpu.memory_space<semaphore_mem>>)
    %dma_start3A_145 = arith.constant 2 : i32
    %dma_start3A_146 = arith.constant 2 : i32
    %dma_start3A_147 = arith.constant 0 : i32
    %dma_start3A_148 = tpu.memref_slice %arg10[%dma_start3A_146, %dma_start3A_147] : memref<5x256xi32, #tpu.memory_space<vmem>> -> memref<1x256xi32, #tpu.memory_space<vmem>>
    %dma_start3A_149 = tpu.memref_squeeze %dma_start3A_148 : memref<1x256xi32, #tpu.memory_space<vmem>> -> memref<256xi32, #tpu.memory_space<vmem>>
    %dma_start3A_150 = tpu.memref_slice %arg7[%dma_start3A_145, %add3A_4] : memref<5x16384xi32, #tpu.memory_space<hbm>> -> memref<1x256xi32, #tpu.memory_space<hbm>>
    %dma_start3A_151 = tpu.memref_squeeze %dma_start3A_150 : memref<1x256xi32, #tpu.memory_space<hbm>> -> memref<256xi32, #tpu.memory_space<hbm>>
    %dma_start3A_152 = arith.constant 0 : i32
    %dma_start3A_153 = tpu.memref_slice %arg10[%dma_start3A_146, %dma_start3A_152] : memref<5x256xi32, #tpu.memory_space<vmem>> -> memref<1x256xi32, #tpu.memory_space<vmem>>
    %dma_start3A_154 = tpu.memref_squeeze %dma_start3A_153 : memref<1x256xi32, #tpu.memory_space<vmem>> -> memref<256xi32, #tpu.memory_space<vmem>>
    %dma_start3A_155 = tpu.memref_slice %arg7[%dma_start3A_145, %add3A_4] : memref<5x16384xi32, #tpu.memory_space<hbm>> -> memref<1x256xi32, #tpu.memory_space<hbm>>
    %dma_start3A_156 = tpu.memref_squeeze %dma_start3A_155 : memref<1x256xi32, #tpu.memory_space<hbm>> -> memref<256xi32, #tpu.memory_space<hbm>>
    tpu.enqueue_dma source(%dma_start3A_156 : memref<256xi32, #tpu.memory_space<hbm>>) target(%dma_start3A_154 : memref<256xi32, #tpu.memory_space<vmem>>) target_semaphore(%arg15 : memref<!tpu.dma_semaphore, #tpu.memory_space<semaphore_mem>>)
    %dma_start3A_157 = arith.constant 3 : i32
    %dma_start3A_158 = arith.constant 3 : i32
    %dma_start3A_159 = arith.constant 0 : i32
    %dma_start3A_160 = tpu.memref_slice %arg10[%dma_start3A_158, %dma_start3A_159] : memref<5x256xi32, #tpu.memory_space<vmem>> -> memref<1x256xi32, #tpu.memory_space<vmem>>
    %dma_start3A_161 = tpu.memref_squeeze %dma_start3A_160 : memref<1x256xi32, #tpu.memory_space<vmem>> -> memref<256xi32, #tpu.memory_space<vmem>>
    %dma_start3A_162 = tpu.memref_slice %arg7[%dma_start3A_157, %add3A_4] : memref<5x16384xi32, #tpu.memory_space<hbm>> -> memref<1x256xi32, #tpu.memory_space<hbm>>
    %dma_start3A_163 = tpu.memref_squeeze %dma_start3A_162 : memref<1x256xi32, #tpu.memory_space<hbm>> -> memref<256xi32, #tpu.memory_space<hbm>>
    %dma_start3A_164 = arith.constant 0 : i32
    %dma_start3A_165 = tpu.memref_slice %arg10[%dma_start3A_158, %dma_start3A_164] : memref<5x256xi32, #tpu.memory_space<vmem>> -> memref<1x256xi32, #tpu.memory_space<vmem>>
    %dma_start3A_166 = tpu.memref_squeeze %dma_start3A_165 : memref<1x256xi32, #tpu.memory_space<vmem>> -> memref<256xi32, #tpu.memory_space<vmem>>
    %dma_start3A_167 = tpu.memref_slice %arg7[%dma_start3A_157, %add3A_4] : memref<5x16384xi32, #tpu.memory_space<hbm>> -> memref<1x256xi32, #tpu.memory_space<hbm>>
    %dma_start3A_168 = tpu.memref_squeeze %dma_start3A_167 : memref<1x256xi32, #tpu.memory_space<hbm>> -> memref<256xi32, #tpu.memory_space<hbm>>
    tpu.enqueue_dma source(%dma_start3A_168 : memref<256xi32, #tpu.memory_space<hbm>>) target(%dma_start3A_166 : memref<256xi32, #tpu.memory_space<vmem>>) target_semaphore(%arg15 : memref<!tpu.dma_semaphore, #tpu.memory_space<semaphore_mem>>)
    %dma_start3A_169 = arith.constant 4 : i32
    %dma_start3A_170 = arith.constant 4 : i32
    %dma_start3A_171 = arith.constant 0 : i32
    %dma_start3A_172 = tpu.memref_slice %arg10[%dma_start3A_170, %dma_start3A_171] : memref<5x256xi32, #tpu.memory_space<vmem>> -> memref<1x256xi32, #tpu.memory_space<vmem>>
    %dma_start3A_173 = tpu.memref_squeeze %dma_start3A_172 : memref<1x256xi32, #tpu.memory_space<vmem>> -> memref<256xi32, #tpu.memory_space<vmem>>
    %dma_start3A_174 = tpu.memref_slice %arg7[%dma_start3A_169, %add3A_4] : memref<5x16384xi32, #tpu.memory_space<hbm>> -> memref<1x256xi32, #tpu.memory_space<hbm>>
    %dma_start3A_175 = tpu.memref_squeeze %dma_start3A_174 : memref<1x256xi32, #tpu.memory_space<hbm>> -> memref<256xi32, #tpu.memory_space<hbm>>
    %dma_start3A_176 = arith.constant 0 : i32
    %dma_start3A_177 = tpu.memref_slice %arg10[%dma_start3A_170, %dma_start3A_176] : memref<5x256xi32, #tpu.memory_space<vmem>> -> memref<1x256xi32, #tpu.memory_space<vmem>>
    %dma_start3A_178 = tpu.memref_squeeze %dma_start3A_177 : memref<1x256xi32, #tpu.memory_space<vmem>> -> memref<256xi32, #tpu.memory_space<vmem>>
    %dma_start3A_179 = tpu.memref_slice %arg7[%dma_start3A_169, %add3A_4] : memref<5x16384xi32, #tpu.memory_space<hbm>> -> memref<1x256xi32, #tpu.memory_space<hbm>>
    %dma_start3A_180 = tpu.memref_squeeze %dma_start3A_179 : memref<1x256xi32, #tpu.memory_space<hbm>> -> memref<256xi32, #tpu.memory_space<hbm>>
    tpu.enqueue_dma source(%dma_start3A_180 : memref<256xi32, #tpu.memory_space<hbm>>) target(%dma_start3A_178 : memref<256xi32, #tpu.memory_space<vmem>>) target_semaphore(%arg15 : memref<!tpu.dma_semaphore, #tpu.memory_space<semaphore_mem>>)
    %dma_wait3A = arith.constant 0 : i32
    %dma_wait3A_181 = arith.constant 0 : i32
    %dma_wait3A_182 = tpu.memref_slice %arg9[%dma_wait3A, %dma_wait3A_181] : memref<10x256xi32, #tpu.memory_space<vmem>> -> memref<1x256xi32, #tpu.memory_space<vmem>>
    %dma_wait3A_183 = tpu.memref_squeeze %dma_wait3A_182 : memref<1x256xi32, #tpu.memory_space<vmem>> -> memref<256xi32, #tpu.memory_space<vmem>>
    %dma_wait3A_184 = tpu.memref_slice %arg3[%add3A_4] : memref<16384xi32, #tpu.memory_space<hbm>> -> memref<256xi32, #tpu.memory_space<hbm>>
    %dma_wait3A_185 = arith.constant 0 : i32
    %dma_wait3A_186 = tpu.memref_slice %arg9[%dma_wait3A, %dma_wait3A_185] : memref<10x256xi32, #tpu.memory_space<vmem>> -> memref<1x256xi32, #tpu.memory_space<vmem>>
    %dma_wait3A_187 = tpu.memref_squeeze %dma_wait3A_186 : memref<1x256xi32, #tpu.memory_space<vmem>> -> memref<256xi32, #tpu.memory_space<vmem>>
    %dma_wait3A_188 = tpu.memref_slice %arg3[%add3A_4] : memref<16384xi32, #tpu.memory_space<hbm>> -> memref<256xi32, #tpu.memory_space<hbm>>
    tpu.wait_dma2 semaphore(%arg15 : memref<!tpu.dma_semaphore, #tpu.memory_space<semaphore_mem>>) src(%dma_wait3A_188 : memref<256xi32, #tpu.memory_space<hbm>>) dst(%dma_wait3A_187 : memref<256xi32, #tpu.memory_space<vmem>>)
    %dma_start3A_189 = arith.constant 0 : i32
    %dma_start3A_190 = arith.constant 0 : i32
    %dma_start3A_191 = arith.constant 0 : i32
    %dma_start3A_192 = arith.constant 0 : i32
    %dma_start3A_193 = tpu.memref_slice %arg11[%dma_start3A_190, %dma_start3A_191, %dma_start3A_192] : memref<3x256x32xf32, #tpu.memory_space<vmem>> -> memref<1x256x32xf32, #tpu.memory_space<vmem>>
    %dma_start3A_194 = tpu.memref_squeeze %dma_start3A_193 : memref<1x256x32xf32, #tpu.memory_space<vmem>> -> memref<256x32xf32, #tpu.memory_space<vmem>>
    %dma_start3A_195 = arith.constant 0 : i32
    %dma_start3A_196 = tpu.memref_slice %arg9[%dma_start3A_189, %dma_start3A_195] : memref<10x256xi32, #tpu.memory_space<vmem>> -> memref<1x256xi32, #tpu.memory_space<vmem>>
    %dma_start3A_197 = tpu.memref_squeeze %dma_start3A_196 : memref<1x256xi32, #tpu.memory_space<vmem>> -> memref<256xi32, #tpu.memory_space<vmem>>
    %dma_start3A_198 = arith.constant 0 : i32
    %dma_start3A_199 = arith.constant 0 : i32
    %dma_start3A_200 = tpu.memref_slice %arg2[%dma_start3A_198, %dma_start3A_199] : memref<100000x32xf32, #tpu.memory_space<hbm>> -> memref<100000x32xf32, #tpu.memory_space<hbm>>
    tpu.enqueue_indirect_dma source(%dma_start3A_200 : memref<100000x32xf32, #tpu.memory_space<hbm>>) target(%dma_start3A_194 : memref<256x32xf32, #tpu.memory_space<vmem>>) offsets(%dma_start3A_197 : memref<256xi32, #tpu.memory_space<vmem>>) semaphore(%arg13 : memref<!tpu.dma_semaphore, #tpu.memory_space<semaphore_mem>>)
    %dma_wait3A_201 = arith.constant 0 : i32
    %dma_wait3A_202 = arith.constant 1 : i32
    %dma_wait3A_203 = arith.constant 0 : i32
    %dma_wait3A_204 = tpu.memref_slice %arg9[%dma_wait3A_202, %dma_wait3A_203] : memref<10x256xi32, #tpu.memory_space<vmem>> -> memref<1x256xi32, #tpu.memory_space<vmem>>
    %dma_wait3A_205 = tpu.memref_squeeze %dma_wait3A_204 : memref<1x256xi32, #tpu.memory_space<vmem>> -> memref<256xi32, #tpu.memory_space<vmem>>
    %dma_wait3A_206 = tpu.memref_slice %arg4[%dma_wait3A_201, %add3A_4] : memref<4x16384xi32, #tpu.memory_space<hbm>> -> memref<1x256xi32, #tpu.memory_space<hbm>>
    %dma_wait3A_207 = tpu.memref_squeeze %dma_wait3A_206 : memref<1x256xi32, #tpu.memory_space<hbm>> -> memref<256xi32, #tpu.memory_space<hbm>>
    %dma_wait3A_208 = arith.constant 0 : i32
    %dma_wait3A_209 = tpu.memref_slice %arg9[%dma_wait3A_202, %dma_wait3A_208] : memref<10x256xi32, #tpu.memory_space<vmem>> -> memref<1x256xi32, #tpu.memory_space<vmem>>
    %dma_wait3A_210 = tpu.memref_squeeze %dma_wait3A_209 : memref<1x256xi32, #tpu.memory_space<vmem>> -> memref<256xi32, #tpu.memory_space<vmem>>
    %dma_wait3A_211 = tpu.memref_slice %arg4[%dma_wait3A_201, %add3A_4] : memref<4x16384xi32, #tpu.memory_space<hbm>> -> memref<1x256xi32, #tpu.memory_space<hbm>>
    %dma_wait3A_212 = tpu.memref_squeeze %dma_wait3A_211 : memref<1x256xi32, #tpu.memory_space<hbm>> -> memref<256xi32, #tpu.memory_space<hbm>>
    tpu.wait_dma2 semaphore(%arg15 : memref<!tpu.dma_semaphore, #tpu.memory_space<semaphore_mem>>) src(%dma_wait3A_212 : memref<256xi32, #tpu.memory_space<hbm>>) dst(%dma_wait3A_210 : memref<256xi32, #tpu.memory_space<vmem>>)
    %dma_start3A_213 = arith.constant 1 : i32
    %dma_start3A_214 = arith.constant 1 : i32
    %dma_start3A_215 = arith.constant 0 : i32
    %dma_start3A_216 = arith.constant 0 : i32
    %dma_start3A_217 = tpu.memref_slice %arg11[%dma_start3A_214, %dma_start3A_215, %dma_start3A_216] : memref<3x256x32xf32, #tpu.memory_space<vmem>> -> memref<1x256x32xf32, #tpu.memory_space<vmem>>
    %dma_start3A_218 = tpu.memref_squeeze %dma_start3A_217 : memref<1x256x32xf32, #tpu.memory_space<vmem>> -> memref<256x32xf32, #tpu.memory_space<vmem>>
    %dma_start3A_219 = arith.constant 0 : i32
    %dma_start3A_220 = tpu.memref_slice %arg9[%dma_start3A_213, %dma_start3A_219] : memref<10x256xi32, #tpu.memory_space<vmem>> -> memref<1x256xi32, #tpu.memory_space<vmem>>
    %dma_start3A_221 = tpu.memref_squeeze %dma_start3A_220 : memref<1x256xi32, #tpu.memory_space<vmem>> -> memref<256xi32, #tpu.memory_space<vmem>>
    %dma_start3A_222 = arith.constant 0 : i32
    %dma_start3A_223 = arith.constant 0 : i32
    %dma_start3A_224 = tpu.memref_slice %arg2[%dma_start3A_222, %dma_start3A_223] : memref<100000x32xf32, #tpu.memory_space<hbm>> -> memref<100000x32xf32, #tpu.memory_space<hbm>>
    tpu.enqueue_indirect_dma source(%dma_start3A_224 : memref<100000x32xf32, #tpu.memory_space<hbm>>) target(%dma_start3A_218 : memref<256x32xf32, #tpu.memory_space<vmem>>) offsets(%dma_start3A_221 : memref<256xi32, #tpu.memory_space<vmem>>) semaphore(%arg13 : memref<!tpu.dma_semaphore, #tpu.memory_space<semaphore_mem>>)
    %dma_wait3A_225 = arith.constant 1 : i32
    %dma_wait3A_226 = arith.constant 2 : i32
    %dma_wait3A_227 = arith.constant 0 : i32
    %dma_wait3A_228 = tpu.memref_slice %arg9[%dma_wait3A_226, %dma_wait3A_227] : memref<10x256xi32, #tpu.memory_space<vmem>> -> memref<1x256xi32, #tpu.memory_space<vmem>>
    %dma_wait3A_229 = tpu.memref_squeeze %dma_wait3A_228 : memref<1x256xi32, #tpu.memory_space<vmem>> -> memref<256xi32, #tpu.memory_space<vmem>>
    %dma_wait3A_230 = tpu.memref_slice %arg4[%dma_wait3A_225, %add3A_4] : memref<4x16384xi32, #tpu.memory_space<hbm>> -> memref<1x256xi32, #tpu.memory_space<hbm>>
    %dma_wait3A_231 = tpu.memref_squeeze %dma_wait3A_230 : memref<1x256xi32, #tpu.memory_space<hbm>> -> memref<256xi32, #tpu.memory_space<hbm>>
    %dma_wait3A_232 = arith.constant 0 : i32
    %dma_wait3A_233 = tpu.memref_slice %arg9[%dma_wait3A_226, %dma_wait3A_232] : memref<10x256xi32, #tpu.memory_space<vmem>> -> memref<1x256xi32, #tpu.memory_space<vmem>>
    %dma_wait3A_234 = tpu.memref_squeeze %dma_wait3A_233 : memref<1x256xi32, #tpu.memory_space<vmem>> -> memref<256xi32, #tpu.memory_space<vmem>>
    %dma_wait3A_235 = tpu.memref_slice %arg4[%dma_wait3A_225, %add3A_4] : memref<4x16384xi32, #tpu.memory_space<hbm>> -> memref<1x256xi32, #tpu.memory_space<hbm>>
    %dma_wait3A_236 = tpu.memref_squeeze %dma_wait3A_235 : memref<1x256xi32, #tpu.memory_space<hbm>> -> memref<256xi32, #tpu.memory_space<hbm>>
    tpu.wait_dma2 semaphore(%arg15 : memref<!tpu.dma_semaphore, #tpu.memory_space<semaphore_mem>>) src(%dma_wait3A_236 : memref<256xi32, #tpu.memory_space<hbm>>) dst(%dma_wait3A_234 : memref<256xi32, #tpu.memory_space<vmem>>)
    %dma_start3A_237 = arith.constant 2 : i32
    %dma_start3A_238 = arith.constant 2 : i32
    %dma_start3A_239 = arith.constant 0 : i32
    %dma_start3A_240 = arith.constant 0 : i32
    %dma_start3A_241 = tpu.memref_slice %arg11[%dma_start3A_238, %dma_start3A_239, %dma_start3A_240] : memref<3x256x32xf32, #tpu.memory_space<vmem>> -> memref<1x256x32xf32, #tpu.memory_space<vmem>>
    %dma_start3A_242 = tpu.memref_squeeze %dma_start3A_241 : memref<1x256x32xf32, #tpu.memory_space<vmem>> -> memref<256x32xf32, #tpu.memory_space<vmem>>
    %dma_start3A_243 = arith.constant 0 : i32
    %dma_start3A_244 = tpu.memref_slice %arg9[%dma_start3A_237, %dma_start3A_243] : memref<10x256xi32, #tpu.memory_space<vmem>> -> memref<1x256xi32, #tpu.memory_space<vmem>>
    %dma_start3A_245 = tpu.memref_squeeze %dma_start3A_244 : memref<1x256xi32, #tpu.memory_space<vmem>> -> memref<256xi32, #tpu.memory_space<vmem>>
    %dma_start3A_246 = arith.constant 0 : i32
    %dma_start3A_247 = arith.constant 0 : i32
    %dma_start3A_248 = tpu.memref_slice %arg2[%dma_start3A_246, %dma_start3A_247] : memref<100000x32xf32, #tpu.memory_space<hbm>> -> memref<100000x32xf32, #tpu.memory_space<hbm>>
    tpu.enqueue_indirect_dma source(%dma_start3A_248 : memref<100000x32xf32, #tpu.memory_space<hbm>>) target(%dma_start3A_242 : memref<256x32xf32, #tpu.memory_space<vmem>>) offsets(%dma_start3A_245 : memref<256xi32, #tpu.memory_space<vmem>>) semaphore(%arg13 : memref<!tpu.dma_semaphore, #tpu.memory_space<semaphore_mem>>)
    %dma_wait3A_249 = arith.constant 2 : i32
    %dma_wait3A_250 = arith.constant 3 : i32
    %dma_wait3A_251 = arith.constant 0 : i32
    %dma_wait3A_252 = tpu.memref_slice %arg9[%dma_wait3A_250, %dma_wait3A_251] : memref<10x256xi32, #tpu.memory_space<vmem>> -> memref<1x256xi32, #tpu.memory_space<vmem>>
    %dma_wait3A_253 = tpu.memref_squeeze %dma_wait3A_252 : memref<1x256xi32, #tpu.memory_space<vmem>> -> memref<256xi32, #tpu.memory_space<vmem>>
    %dma_wait3A_254 = tpu.memref_slice %arg4[%dma_wait3A_249, %add3A_4] : memref<4x16384xi32, #tpu.memory_space<hbm>> -> memref<1x256xi32, #tpu.memory_space<hbm>>
    %dma_wait3A_255 = tpu.memref_squeeze %dma_wait3A_254 : memref<1x256xi32, #tpu.memory_space<hbm>> -> memref<256xi32, #tpu.memory_space<hbm>>
    %dma_wait3A_256 = arith.constant 0 : i32
    %dma_wait3A_257 = tpu.memref_slice %arg9[%dma_wait3A_250, %dma_wait3A_256] : memref<10x256xi32, #tpu.memory_space<vmem>> -> memref<1x256xi32, #tpu.memory_space<vmem>>
    %dma_wait3A_258 = tpu.memref_squeeze %dma_wait3A_257 : memref<1x256xi32, #tpu.memory_space<vmem>> -> memref<256xi32, #tpu.memory_space<vmem>>
    %dma_wait3A_259 = tpu.memref_slice %arg4[%dma_wait3A_249, %add3A_4] : memref<4x16384xi32, #tpu.memory_space<hbm>> -> memref<1x256xi32, #tpu.memory_space<hbm>>
    %dma_wait3A_260 = tpu.memref_squeeze %dma_wait3A_259 : memref<1x256xi32, #tpu.memory_space<hbm>> -> memref<256xi32, #tpu.memory_space<hbm>>
    tpu.wait_dma2 semaphore(%arg15 : memref<!tpu.dma_semaphore, #tpu.memory_space<semaphore_mem>>) src(%dma_wait3A_260 : memref<256xi32, #tpu.memory_space<hbm>>) dst(%dma_wait3A_258 : memref<256xi32, #tpu.memory_space<vmem>>)
    %dma_wait3A_261 = arith.constant 3 : i32
    %dma_wait3A_262 = arith.constant 4 : i32
    %dma_wait3A_263 = arith.constant 0 : i32
    %dma_wait3A_264 = tpu.memref_slice %arg9[%dma_wait3A_262, %dma_wait3A_263] : memref<10x256xi32, #tpu.memory_space<vmem>> -> memref<1x256xi32, #tpu.memory_space<vmem>>
    %dma_wait3A_265 = tpu.memref_squeeze %dma_wait3A_264 : memref<1x256xi32, #tpu.memory_space<vmem>> -> memref<256xi32, #tpu.memory_space<vmem>>
    %dma_wait3A_266 = tpu.memref_slice %arg4[%dma_wait3A_261, %add3A_4] : memref<4x16384xi32, #tpu.memory_space<hbm>> -> memref<1x256xi32, #tpu.memory_space<hbm>>
    %dma_wait3A_267 = tpu.memref_squeeze %dma_wait3A_266 : memref<1x256xi32, #tpu.memory_space<hbm>> -> memref<256xi32, #tpu.memory_space<hbm>>
    %dma_wait3A_268 = arith.constant 0 : i32
    %dma_wait3A_269 = tpu.memref_slice %arg9[%dma_wait3A_262, %dma_wait3A_268] : memref<10x256xi32, #tpu.memory_space<vmem>> -> memref<1x256xi32, #tpu.memory_space<vmem>>
    %dma_wait3A_270 = tpu.memref_squeeze %dma_wait3A_269 : memref<1x256xi32, #tpu.memory_space<vmem>> -> memref<256xi32, #tpu.memory_space<vmem>>
    %dma_wait3A_271 = tpu.memref_slice %arg4[%dma_wait3A_261, %add3A_4] : memref<4x16384xi32, #tpu.memory_space<hbm>> -> memref<1x256xi32, #tpu.memory_space<hbm>>
    %dma_wait3A_272 = tpu.memref_squeeze %dma_wait3A_271 : memref<1x256xi32, #tpu.memory_space<hbm>> -> memref<256xi32, #tpu.memory_space<hbm>>
    tpu.wait_dma2 semaphore(%arg15 : memref<!tpu.dma_semaphore, #tpu.memory_space<semaphore_mem>>) src(%dma_wait3A_272 : memref<256xi32, #tpu.memory_space<hbm>>) dst(%dma_wait3A_270 : memref<256xi32, #tpu.memory_space<vmem>>)
    %dma_wait3A_273 = arith.constant 0 : i32
    %dma_wait3A_274 = arith.constant 5 : i32
    %dma_wait3A_275 = arith.constant 0 : i32
    %dma_wait3A_276 = tpu.memref_slice %arg9[%dma_wait3A_274, %dma_wait3A_275] : memref<10x256xi32, #tpu.memory_space<vmem>> -> memref<1x256xi32, #tpu.memory_space<vmem>>
    %dma_wait3A_277 = tpu.memref_squeeze %dma_wait3A_276 : memref<1x256xi32, #tpu.memory_space<vmem>> -> memref<256xi32, #tpu.memory_space<vmem>>
    %dma_wait3A_278 = tpu.memref_slice %arg5[%dma_wait3A_273, %add3A_4] : memref<5x16384xi32, #tpu.memory_space<hbm>> -> memref<1x256xi32, #tpu.memory_space<hbm>>
    %dma_wait3A_279 = tpu.memref_squeeze %dma_wait3A_278 : memref<1x256xi32, #tpu.memory_space<hbm>> -> memref<256xi32, #tpu.memory_space<hbm>>
    %dma_wait3A_280 = arith.constant 0 : i32
    %dma_wait3A_281 = tpu.memref_slice %arg9[%dma_wait3A_274, %dma_wait3A_280] : memref<10x256xi32, #tpu.memory_space<vmem>> -> memref<1x256xi32, #tpu.memory_space<vmem>>
    %dma_wait3A_282 = tpu.memref_squeeze %dma_wait3A_281 : memref<1x256xi32, #tpu.memory_space<vmem>> -> memref<256xi32, #tpu.memory_space<vmem>>
    %dma_wait3A_283 = tpu.memref_slice %arg5[%dma_wait3A_273, %add3A_4] : memref<5x16384xi32, #tpu.memory_space<hbm>> -> memref<1x256xi32, #tpu.memory_space<hbm>>
    %dma_wait3A_284 = tpu.memref_squeeze %dma_wait3A_283 : memref<1x256xi32, #tpu.memory_space<hbm>> -> memref<256xi32, #tpu.memory_space<hbm>>
    tpu.wait_dma2 semaphore(%arg15 : memref<!tpu.dma_semaphore, #tpu.memory_space<semaphore_mem>>) src(%dma_wait3A_284 : memref<256xi32, #tpu.memory_space<hbm>>) dst(%dma_wait3A_282 : memref<256xi32, #tpu.memory_space<vmem>>)
    %dma_wait3A_285 = arith.constant 1 : i32
    %dma_wait3A_286 = arith.constant 6 : i32
    %dma_wait3A_287 = arith.constant 0 : i32
    %dma_wait3A_288 = tpu.memref_slice %arg9[%dma_wait3A_286, %dma_wait3A_287] : memref<10x256xi32, #tpu.memory_space<vmem>> -> memref<1x256xi32, #tpu.memory_space<vmem>>
    %dma_wait3A_289 = tpu.memref_squeeze %dma_wait3A_288 : memref<1x256xi32, #tpu.memory_space<vmem>> -> memref<256xi32, #tpu.memory_space<vmem>>
    %dma_wait3A_290 = tpu.memref_slice %arg5[%dma_wait3A_285, %add3A_4] : memref<5x16384xi32, #tpu.memory_space<hbm>> -> memref<1x256xi32, #tpu.memory_space<hbm>>
    %dma_wait3A_291 = tpu.memref_squeeze %dma_wait3A_290 : memref<1x256xi32, #tpu.memory_space<hbm>> -> memref<256xi32, #tpu.memory_space<hbm>>
    %dma_wait3A_292 = arith.constant 0 : i32
    %dma_wait3A_293 = tpu.memref_slice %arg9[%dma_wait3A_286, %dma_wait3A_292] : memref<10x256xi32, #tpu.memory_space<vmem>> -> memref<1x256xi32, #tpu.memory_space<vmem>>
    %dma_wait3A_294 = tpu.memref_squeeze %dma_wait3A_293 : memref<1x256xi32, #tpu.memory_space<vmem>> -> memref<256xi32, #tpu.memory_space<vmem>>
    %dma_wait3A_295 = tpu.memref_slice %arg5[%dma_wait3A_285, %add3A_4] : memref<5x16384xi32, #tpu.memory_space<hbm>> -> memref<1x256xi32, #tpu.memory_space<hbm>>
    %dma_wait3A_296 = tpu.memref_squeeze %dma_wait3A_295 : memref<1x256xi32, #tpu.memory_space<hbm>> -> memref<256xi32, #tpu.memory_space<hbm>>
    tpu.wait_dma2 semaphore(%arg15 : memref<!tpu.dma_semaphore, #tpu.memory_space<semaphore_mem>>) src(%dma_wait3A_296 : memref<256xi32, #tpu.memory_space<hbm>>) dst(%dma_wait3A_294 : memref<256xi32, #tpu.memory_space<vmem>>)
    %dma_wait3A_297 = arith.constant 2 : i32
    %dma_wait3A_298 = arith.constant 7 : i32
    %dma_wait3A_299 = arith.constant 0 : i32
    %dma_wait3A_300 = tpu.memref_slice %arg9[%dma_wait3A_298, %dma_wait3A_299] : memref<10x256xi32, #tpu.memory_space<vmem>> -> memref<1x256xi32, #tpu.memory_space<vmem>>
    %dma_wait3A_301 = tpu.memref_squeeze %dma_wait3A_300 : memref<1x256xi32, #tpu.memory_space<vmem>> -> memref<256xi32, #tpu.memory_space<vmem>>
    %dma_wait3A_302 = tpu.memref_slice %arg5[%dma_wait3A_297, %add3A_4] : memref<5x16384xi32, #tpu.memory_space<hbm>> -> memref<1x256xi32, #tpu.memory_space<hbm>>
    %dma_wait3A_303 = tpu.memref_squeeze %dma_wait3A_302 : memref<1x256xi32, #tpu.memory_space<hbm>> -> memref<256xi32, #tpu.memory_space<hbm>>
    %dma_wait3A_304 = arith.constant 0 : i32
    %dma_wait3A_305 = tpu.memref_slice %arg9[%dma_wait3A_298, %dma_wait3A_304] : memref<10x256xi32, #tpu.memory_space<vmem>> -> memref<1x256xi32, #tpu.memory_space<vmem>>
    %dma_wait3A_306 = tpu.memref_squeeze %dma_wait3A_305 : memref<1x256xi32, #tpu.memory_space<vmem>> -> memref<256xi32, #tpu.memory_space<vmem>>
    %dma_wait3A_307 = tpu.memref_slice %arg5[%dma_wait3A_297, %add3A_4] : memref<5x16384xi32, #tpu.memory_space<hbm>> -> memref<1x256xi32, #tpu.memory_space<hbm>>
    %dma_wait3A_308 = tpu.memref_squeeze %dma_wait3A_307 : memref<1x256xi32, #tpu.memory_space<hbm>> -> memref<256xi32, #tpu.memory_space<hbm>>
    tpu.wait_dma2 semaphore(%arg15 : memref<!tpu.dma_semaphore, #tpu.memory_space<semaphore_mem>>) src(%dma_wait3A_308 : memref<256xi32, #tpu.memory_space<hbm>>) dst(%dma_wait3A_306 : memref<256xi32, #tpu.memory_space<vmem>>)
    %dma_wait3A_309 = arith.constant 3 : i32
    %dma_wait3A_310 = arith.constant 8 : i32
    %dma_wait3A_311 = arith.constant 0 : i32
    %dma_wait3A_312 = tpu.memref_slice %arg9[%dma_wait3A_310, %dma_wait3A_311] : memref<10x256xi32, #tpu.memory_space<vmem>> -> memref<1x256xi32, #tpu.memory_space<vmem>>
    %dma_wait3A_313 = tpu.memref_squeeze %dma_wait3A_312 : memref<1x256xi32, #tpu.memory_space<vmem>> -> memref<256xi32, #tpu.memory_space<vmem>>
    %dma_wait3A_314 = tpu.memref_slice %arg5[%dma_wait3A_309, %add3A_4] : memref<5x16384xi32, #tpu.memory_space<hbm>> -> memref<1x256xi32, #tpu.memory_space<hbm>>
    %dma_wait3A_315 = tpu.memref_squeeze %dma_wait3A_314 : memref<1x256xi32, #tpu.memory_space<hbm>> -> memref<256xi32, #tpu.memory_space<hbm>>
    %dma_wait3A_316 = arith.constant 0 : i32
    %dma_wait3A_317 = tpu.memref_slice %arg9[%dma_wait3A_310, %dma_wait3A_316] : memref<10x256xi32, #tpu.memory_space<vmem>> -> memref<1x256xi32, #tpu.memory_space<vmem>>
    %dma_wait3A_318 = tpu.memref_squeeze %dma_wait3A_317 : memref<1x256xi32, #tpu.memory_space<vmem>> -> memref<256xi32, #tpu.memory_space<vmem>>
    %dma_wait3A_319 = tpu.memref_slice %arg5[%dma_wait3A_309, %add3A_4] : memref<5x16384xi32, #tpu.memory_space<hbm>> -> memref<1x256xi32, #tpu.memory_space<hbm>>
    %dma_wait3A_320 = tpu.memref_squeeze %dma_wait3A_319 : memref<1x256xi32, #tpu.memory_space<hbm>> -> memref<256xi32, #tpu.memory_space<hbm>>
    tpu.wait_dma2 semaphore(%arg15 : memref<!tpu.dma_semaphore, #tpu.memory_space<semaphore_mem>>) src(%dma_wait3A_320 : memref<256xi32, #tpu.memory_space<hbm>>) dst(%dma_wait3A_318 : memref<256xi32, #tpu.memory_space<vmem>>)
    %dma_wait3A_321 = arith.constant 4 : i32
    %dma_wait3A_322 = arith.constant 9 : i32
    %dma_wait3A_323 = arith.constant 0 : i32
    %dma_wait3A_324 = tpu.memref_slice %arg9[%dma_wait3A_322, %dma_wait3A_323] : memref<10x256xi32, #tpu.memory_space<vmem>> -> memref<1x256xi32, #tpu.memory_space<vmem>>
    %dma_wait3A_325 = tpu.memref_squeeze %dma_wait3A_324 : memref<1x256xi32, #tpu.memory_space<vmem>> -> memref<256xi32, #tpu.memory_space<vmem>>
    %dma_wait3A_326 = tpu.memref_slice %arg5[%dma_wait3A_321, %add3A_4] : memref<5x16384xi32, #tpu.memory_space<hbm>> -> memref<1x256xi32, #tpu.memory_space<hbm>>
    %dma_wait3A_327 = tpu.memref_squeeze %dma_wait3A_326 : memref<1x256xi32, #tpu.memory_space<hbm>> -> memref<256xi32, #tpu.memory_space<hbm>>
    %dma_wait3A_328 = arith.constant 0 : i32
    %dma_wait3A_329 = tpu.memref_slice %arg9[%dma_wait3A_322, %dma_wait3A_328] : memref<10x256xi32, #tpu.memory_space<vmem>> -> memref<1x256xi32, #tpu.memory_space<vmem>>
    %dma_wait3A_330 = tpu.memref_squeeze %dma_wait3A_329 : memref<1x256xi32, #tpu.memory_space<vmem>> -> memref<256xi32, #tpu.memory_space<vmem>>
    %dma_wait3A_331 = tpu.memref_slice %arg5[%dma_wait3A_321, %add3A_4] : memref<5x16384xi32, #tpu.memory_space<hbm>> -> memref<1x256xi32, #tpu.memory_space<hbm>>
    %dma_wait3A_332 = tpu.memref_squeeze %dma_wait3A_331 : memref<1x256xi32, #tpu.memory_space<hbm>> -> memref<256xi32, #tpu.memory_space<hbm>>
    tpu.wait_dma2 semaphore(%arg15 : memref<!tpu.dma_semaphore, #tpu.memory_space<semaphore_mem>>) src(%dma_wait3A_332 : memref<256xi32, #tpu.memory_space<hbm>>) dst(%dma_wait3A_330 : memref<256xi32, #tpu.memory_space<vmem>>)
    %dma_wait3A_333 = arith.constant 0 : i32
    %dma_wait3A_334 = arith.constant 0 : i32
    %dma_wait3A_335 = arith.constant 0 : i32
    %dma_wait3A_336 = tpu.memref_slice %arg10[%dma_wait3A_334, %dma_wait3A_335] : memref<5x256xi32, #tpu.memory_space<vmem>> -> memref<1x256xi32, #tpu.memory_space<vmem>>
    %dma_wait3A_337 = tpu.memref_squeeze %dma_wait3A_336 : memref<1x256xi32, #tpu.memory_space<vmem>> -> memref<256xi32, #tpu.memory_space<vmem>>
    %dma_wait3A_338 = tpu.memref_slice %arg7[%dma_wait3A_333, %add3A_4] : memref<5x16384xi32, #tpu.memory_space<hbm>> -> memref<1x256xi32, #tpu.memory_space<hbm>>
    %dma_wait3A_339 = tpu.memref_squeeze %dma_wait3A_338 : memref<1x256xi32, #tpu.memory_space<hbm>> -> memref<256xi32, #tpu.memory_space<hbm>>
    %dma_wait3A_340 = arith.constant 0 : i32
    %dma_wait3A_341 = tpu.memref_slice %arg10[%dma_wait3A_334, %dma_wait3A_340] : memref<5x256xi32, #tpu.memory_space<vmem>> -> memref<1x256xi32, #tpu.memory_space<vmem>>
    %dma_wait3A_342 = tpu.memref_squeeze %dma_wait3A_341 : memref<1x256xi32, #tpu.memory_space<vmem>> -> memref<256xi32, #tpu.memory_space<vmem>>
    %dma_wait3A_343 = tpu.memref_slice %arg7[%dma_wait3A_333, %add3A_4] : memref<5x16384xi32, #tpu.memory_space<hbm>> -> memref<1x256xi32, #tpu.memory_space<hbm>>
    %dma_wait3A_344 = tpu.memref_squeeze %dma_wait3A_343 : memref<1x256xi32, #tpu.memory_space<hbm>> -> memref<256xi32, #tpu.memory_space<hbm>>
    tpu.wait_dma2 semaphore(%arg15 : memref<!tpu.dma_semaphore, #tpu.memory_space<semaphore_mem>>) src(%dma_wait3A_344 : memref<256xi32, #tpu.memory_space<hbm>>) dst(%dma_wait3A_342 : memref<256xi32, #tpu.memory_space<vmem>>)
    %dma_wait3A_345 = arith.constant 1 : i32
    %dma_wait3A_346 = arith.constant 1 : i32
    %dma_wait3A_347 = arith.constant 0 : i32
    %dma_wait3A_348 = tpu.memref_slice %arg10[%dma_wait3A_346, %dma_wait3A_347] : memref<5x256xi32, #tpu.memory_space<vmem>> -> memref<1x256xi32, #tpu.memory_space<vmem>>
    %dma_wait3A_349 = tpu.memref_squeeze %dma_wait3A_348 : memref<1x256xi32, #tpu.memory_space<vmem>> -> memref<256xi32, #tpu.memory_space<vmem>>
    %dma_wait3A_350 = tpu.memref_slice %arg7[%dma_wait3A_345, %add3A_4] : memref<5x16384xi32, #tpu.memory_space<hbm>> -> memref<1x256xi32, #tpu.memory_space<hbm>>
    %dma_wait3A_351 = tpu.memref_squeeze %dma_wait3A_350 : memref<1x256xi32, #tpu.memory_space<hbm>> -> memref<256xi32, #tpu.memory_space<hbm>>
    %dma_wait3A_352 = arith.constant 0 : i32
    %dma_wait3A_353 = tpu.memref_slice %arg10[%dma_wait3A_346, %dma_wait3A_352] : memref<5x256xi32, #tpu.memory_space<vmem>> -> memref<1x256xi32, #tpu.memory_space<vmem>>
    %dma_wait3A_354 = tpu.memref_squeeze %dma_wait3A_353 : memref<1x256xi32, #tpu.memory_space<vmem>> -> memref<256xi32, #tpu.memory_space<vmem>>
    %dma_wait3A_355 = tpu.memref_slice %arg7[%dma_wait3A_345, %add3A_4] : memref<5x16384xi32, #tpu.memory_space<hbm>> -> memref<1x256xi32, #tpu.memory_space<hbm>>
    %dma_wait3A_356 = tpu.memref_squeeze %dma_wait3A_355 : memref<1x256xi32, #tpu.memory_space<hbm>> -> memref<256xi32, #tpu.memory_space<hbm>>
    tpu.wait_dma2 semaphore(%arg15 : memref<!tpu.dma_semaphore, #tpu.memory_space<semaphore_mem>>) src(%dma_wait3A_356 : memref<256xi32, #tpu.memory_space<hbm>>) dst(%dma_wait3A_354 : memref<256xi32, #tpu.memory_space<vmem>>)
    %dma_wait3A_357 = arith.constant 2 : i32
    %dma_wait3A_358 = arith.constant 2 : i32
    %dma_wait3A_359 = arith.constant 0 : i32
    %dma_wait3A_360 = tpu.memref_slice %arg10[%dma_wait3A_358, %dma_wait3A_359] : memref<5x256xi32, #tpu.memory_space<vmem>> -> memref<1x256xi32, #tpu.memory_space<vmem>>
    %dma_wait3A_361 = tpu.memref_squeeze %dma_wait3A_360 : memref<1x256xi32, #tpu.memory_space<vmem>> -> memref<256xi32, #tpu.memory_space<vmem>>
    %dma_wait3A_362 = tpu.memref_slice %arg7[%dma_wait3A_357, %add3A_4] : memref<5x16384xi32, #tpu.memory_space<hbm>> -> memref<1x256xi32, #tpu.memory_space<hbm>>
    %dma_wait3A_363 = tpu.memref_squeeze %dma_wait3A_362 : memref<1x256xi32, #tpu.memory_space<hbm>> -> memref<256xi32, #tpu.memory_space<hbm>>
    %dma_wait3A_364 = arith.constant 0 : i32
    %dma_wait3A_365 = tpu.memref_slice %arg10[%dma_wait3A_358, %dma_wait3A_364] : memref<5x256xi32, #tpu.memory_space<vmem>> -> memref<1x256xi32, #tpu.memory_space<vmem>>
    %dma_wait3A_366 = tpu.memref_squeeze %dma_wait3A_365 : memref<1x256xi32, #tpu.memory_space<vmem>> -> memref<256xi32, #tpu.memory_space<vmem>>
    %dma_wait3A_367 = tpu.memref_slice %arg7[%dma_wait3A_357, %add3A_4] : memref<5x16384xi32, #tpu.memory_space<hbm>> -> memref<1x256xi32, #tpu.memory_space<hbm>>
    %dma_wait3A_368 = tpu.memref_squeeze %dma_wait3A_367 : memref<1x256xi32, #tpu.memory_space<hbm>> -> memref<256xi32, #tpu.memory_space<hbm>>
    tpu.wait_dma2 semaphore(%arg15 : memref<!tpu.dma_semaphore, #tpu.memory_space<semaphore_mem>>) src(%dma_wait3A_368 : memref<256xi32, #tpu.memory_space<hbm>>) dst(%dma_wait3A_366 : memref<256xi32, #tpu.memory_space<vmem>>)
    %dma_wait3A_369 = arith.constant 3 : i32
    %dma_wait3A_370 = arith.constant 3 : i32
    %dma_wait3A_371 = arith.constant 0 : i32
    %dma_wait3A_372 = tpu.memref_slice %arg10[%dma_wait3A_370, %dma_wait3A_371] : memref<5x256xi32, #tpu.memory_space<vmem>> -> memref<1x256xi32, #tpu.memory_space<vmem>>
    %dma_wait3A_373 = tpu.memref_squeeze %dma_wait3A_372 : memref<1x256xi32, #tpu.memory_space<vmem>> -> memref<256xi32, #tpu.memory_space<vmem>>
    %dma_wait3A_374 = tpu.memref_slice %arg7[%dma_wait3A_369, %add3A_4] : memref<5x16384xi32, #tpu.memory_space<hbm>> -> memref<1x256xi32, #tpu.memory_space<hbm>>
    %dma_wait3A_375 = tpu.memref_squeeze %dma_wait3A_374 : memref<1x256xi32, #tpu.memory_space<hbm>> -> memref<256xi32, #tpu.memory_space<hbm>>
    %dma_wait3A_376 = arith.constant 0 : i32
    %dma_wait3A_377 = tpu.memref_slice %arg10[%dma_wait3A_370, %dma_wait3A_376] : memref<5x256xi32, #tpu.memory_space<vmem>> -> memref<1x256xi32, #tpu.memory_space<vmem>>
    %dma_wait3A_378 = tpu.memref_squeeze %dma_wait3A_377 : memref<1x256xi32, #tpu.memory_space<vmem>> -> memref<256xi32, #tpu.memory_space<vmem>>
    %dma_wait3A_379 = tpu.memref_slice %arg7[%dma_wait3A_369, %add3A_4] : memref<5x16384xi32, #tpu.memory_space<hbm>> -> memref<1x256xi32, #tpu.memory_space<hbm>>
    %dma_wait3A_380 = tpu.memref_squeeze %dma_wait3A_379 : memref<1x256xi32, #tpu.memory_space<hbm>> -> memref<256xi32, #tpu.memory_space<hbm>>
    tpu.wait_dma2 semaphore(%arg15 : memref<!tpu.dma_semaphore, #tpu.memory_space<semaphore_mem>>) src(%dma_wait3A_380 : memref<256xi32, #tpu.memory_space<hbm>>) dst(%dma_wait3A_378 : memref<256xi32, #tpu.memory_space<vmem>>)
    %dma_wait3A_381 = arith.constant 4 : i32
    %dma_wait3A_382 = arith.constant 4 : i32
    %dma_wait3A_383 = arith.constant 0 : i32
    %dma_wait3A_384 = tpu.memref_slice %arg10[%dma_wait3A_382, %dma_wait3A_383] : memref<5x256xi32, #tpu.memory_space<vmem>> -> memref<1x256xi32, #tpu.memory_space<vmem>>
    %dma_wait3A_385 = tpu.memref_squeeze %dma_wait3A_384 : memref<1x256xi32, #tpu.memory_space<vmem>> -> memref<256xi32, #tpu.memory_space<vmem>>
    %dma_wait3A_386 = tpu.memref_slice %arg7[%dma_wait3A_381, %add3A_4] : memref<5x16384xi32, #tpu.memory_space<hbm>> -> memref<1x256xi32, #tpu.memory_space<hbm>>
    %dma_wait3A_387 = tpu.memref_squeeze %dma_wait3A_386 : memref<1x256xi32, #tpu.memory_space<hbm>> -> memref<256xi32, #tpu.memory_space<hbm>>
    %dma_wait3A_388 = arith.constant 0 : i32
    %dma_wait3A_389 = tpu.memref_slice %arg10[%dma_wait3A_382, %dma_wait3A_388] : memref<5x256xi32, #tpu.memory_space<vmem>> -> memref<1x256xi32, #tpu.memory_space<vmem>>
    %dma_wait3A_390 = tpu.memref_squeeze %dma_wait3A_389 : memref<1x256xi32, #tpu.memory_space<vmem>> -> memref<256xi32, #tpu.memory_space<vmem>>
    %dma_wait3A_391 = tpu.memref_slice %arg7[%dma_wait3A_381, %add3A_4] : memref<5x16384xi32, #tpu.memory_space<hbm>> -> memref<1x256xi32, #tpu.memory_space<hbm>>
    %dma_wait3A_392 = tpu.memref_squeeze %dma_wait3A_391 : memref<1x256xi32, #tpu.memory_space<hbm>> -> memref<256xi32, #tpu.memory_space<hbm>>
    tpu.wait_dma2 semaphore(%arg15 : memref<!tpu.dma_semaphore, #tpu.memory_space<semaphore_mem>>) src(%dma_wait3A_392 : memref<256xi32, #tpu.memory_space<hbm>>) dst(%dma_wait3A_390 : memref<256xi32, #tpu.memory_space<vmem>>)
    %dma_wait3A_393 = arith.constant 0 : i32
    %dma_wait3A_394 = arith.constant 0 : i32
    %dma_wait3A_395 = arith.constant 0 : i32
    %dma_wait3A_396 = arith.constant 0 : i32
    %dma_wait3A_397 = tpu.memref_slice %arg11[%dma_wait3A_394, %dma_wait3A_395, %dma_wait3A_396] : memref<3x256x32xf32, #tpu.memory_space<vmem>> -> memref<1x256x32xf32, #tpu.memory_space<vmem>>
    %dma_wait3A_398 = tpu.memref_squeeze %dma_wait3A_397 : memref<1x256x32xf32, #tpu.memory_space<vmem>> -> memref<256x32xf32, #tpu.memory_space<vmem>>
    %dma_wait3A_399 = arith.constant 0 : i32
    %dma_wait3A_400 = tpu.memref_slice %arg9[%dma_wait3A_393, %dma_wait3A_399] : memref<10x256xi32, #tpu.memory_space<vmem>> -> memref<1x256xi32, #tpu.memory_space<vmem>>
    %dma_wait3A_401 = tpu.memref_squeeze %dma_wait3A_400 : memref<1x256xi32, #tpu.memory_space<vmem>> -> memref<256xi32, #tpu.memory_space<vmem>>
    %dma_wait3A_402 = arith.constant 0 : i32
    %dma_wait3A_403 = arith.constant 0 : i32
    %dma_wait3A_404 = tpu.memref_slice %arg2[%dma_wait3A_402, %dma_wait3A_403] : memref<100000x32xf32, #tpu.memory_space<hbm>> -> memref<100000x32xf32, #tpu.memory_space<hbm>>
    tpu.wait_indirect_dma semaphore(%arg13 : memref<!tpu.dma_semaphore, #tpu.memory_space<semaphore_mem>>) src(%dma_wait3A_404 : memref<100000x32xf32, #tpu.memory_space<hbm>>) dst(%dma_wait3A_398 : memref<256x32xf32, #tpu.memory_space<vmem>>)
    %dma_start3A_405 = arith.constant 0 : i32
    %dma_start3A_406 = arith.constant 0 : i32
    %dma_start3A_407 = arith.constant 0 : i32
    %dma_start3A_408 = arith.constant 0 : i32
    %dma_start3A_409 = tpu.memref_slice %arg11[%dma_start3A_405, %dma_start3A_407, %dma_start3A_408] : memref<3x256x32xf32, #tpu.memory_space<vmem>> -> memref<1x256x32xf32, #tpu.memory_space<vmem>>
    %dma_start3A_410 = tpu.memref_squeeze %dma_start3A_409 : memref<1x256x32xf32, #tpu.memory_space<vmem>> -> memref<256x32xf32, #tpu.memory_space<vmem>>
    %dma_start3A_411 = arith.constant 0 : i32
    %dma_start3A_412 = tpu.memref_slice %arg8[%dma_start3A_406, %mul3A_2, %dma_start3A_411] : memref<4x8192x128xf32, #tpu.memory_space<hbm>> -> memref<1x256x32xf32, #tpu.memory_space<hbm>>
    %dma_start3A_413 = tpu.memref_squeeze %dma_start3A_412 : memref<1x256x32xf32, #tpu.memory_space<hbm>> -> memref<256x32xf32, #tpu.memory_space<hbm>>
    %dma_start3A_414 = arith.constant 0 : i32
    %dma_start3A_415 = tpu.memref_slice %arg8[%dma_start3A_406, %mul3A_2, %dma_start3A_414] : memref<4x8192x128xf32, #tpu.memory_space<hbm>> -> memref<1x256x32xf32, #tpu.memory_space<hbm>>
    %dma_start3A_416 = tpu.memref_squeeze %dma_start3A_415 : memref<1x256x32xf32, #tpu.memory_space<hbm>> -> memref<256x32xf32, #tpu.memory_space<hbm>>
    %dma_start3A_417 = arith.constant 0 : i32
    %dma_start3A_418 = arith.constant 0 : i32
    %dma_start3A_419 = tpu.memref_slice %arg11[%dma_start3A_405, %dma_start3A_417, %dma_start3A_418] : memref<3x256x32xf32, #tpu.memory_space<vmem>> -> memref<1x256x32xf32, #tpu.memory_space<vmem>>
    %dma_start3A_420 = tpu.memref_squeeze %dma_start3A_419 : memref<1x256x32xf32, #tpu.memory_space<vmem>> -> memref<256x32xf32, #tpu.memory_space<vmem>>
    tpu.enqueue_dma source(%dma_start3A_420 : memref<256x32xf32, #tpu.memory_space<vmem>>) target(%dma_start3A_416 : memref<256x32xf32, #tpu.memory_space<hbm>>) target_semaphore(%arg14 : memref<!tpu.dma_semaphore, #tpu.memory_space<semaphore_mem>>)
    %dma_wait3A_421 = arith.constant 0 : i32
    %dma_wait3A_422 = arith.constant 0 : i32
    %dma_wait3A_423 = arith.constant 0 : i32
    %dma_wait3A_424 = arith.constant 0 : i32
    %dma_wait3A_425 = tpu.memref_slice %arg11[%dma_wait3A_421, %dma_wait3A_423, %dma_wait3A_424] : memref<3x256x32xf32, #tpu.memory_space<vmem>> -> memref<1x256x32xf32, #tpu.memory_space<vmem>>
    %dma_wait3A_426 = tpu.memref_squeeze %dma_wait3A_425 : memref<1x256x32xf32, #tpu.memory_space<vmem>> -> memref<256x32xf32, #tpu.memory_space<vmem>>
    %dma_wait3A_427 = arith.constant 0 : i32
    %dma_wait3A_428 = tpu.memref_slice %arg8[%dma_wait3A_422, %mul3A_2, %dma_wait3A_427] : memref<4x8192x128xf32, #tpu.memory_space<hbm>> -> memref<1x256x32xf32, #tpu.memory_space<hbm>>
    %dma_wait3A_429 = tpu.memref_squeeze %dma_wait3A_428 : memref<1x256x32xf32, #tpu.memory_space<hbm>> -> memref<256x32xf32, #tpu.memory_space<hbm>>
    %dma_wait3A_430 = arith.constant 0 : i32
    %dma_wait3A_431 = tpu.memref_slice %arg8[%dma_wait3A_422, %mul3A_2, %dma_wait3A_430] : memref<4x8192x128xf32, #tpu.memory_space<hbm>> -> memref<1x256x32xf32, #tpu.memory_space<hbm>>
    %dma_wait3A_432 = tpu.memref_squeeze %dma_wait3A_431 : memref<1x256x32xf32, #tpu.memory_space<hbm>> -> memref<256x32xf32, #tpu.memory_space<hbm>>
    %dma_wait3A_433 = arith.constant 0 : i32
    %dma_wait3A_434 = arith.constant 0 : i32
    %dma_wait3A_435 = tpu.memref_slice %arg11[%dma_wait3A_421, %dma_wait3A_433, %dma_wait3A_434] : memref<3x256x32xf32, #tpu.memory_space<vmem>> -> memref<1x256x32xf32, #tpu.memory_space<vmem>>
    %dma_wait3A_436 = tpu.memref_squeeze %dma_wait3A_435 : memref<1x256x32xf32, #tpu.memory_space<vmem>> -> memref<256x32xf32, #tpu.memory_space<vmem>>
    tpu.wait_dma2 semaphore(%arg14 : memref<!tpu.dma_semaphore, #tpu.memory_space<semaphore_mem>>) src(%dma_wait3A_436 : memref<256x32xf32, #tpu.memory_space<vmem>>) dst(%dma_wait3A_432 : memref<256x32xf32, #tpu.memory_space<hbm>>)
    %dma_start3A_437 = arith.constant 3 : i32
    %dma_start3A_438 = arith.constant 0 : i32
    %dma_start3A_439 = arith.constant 0 : i32
    %dma_start3A_440 = arith.constant 0 : i32
    %dma_start3A_441 = tpu.memref_slice %arg11[%dma_start3A_438, %dma_start3A_439, %dma_start3A_440] : memref<3x256x32xf32, #tpu.memory_space<vmem>> -> memref<1x256x32xf32, #tpu.memory_space<vmem>>
    %dma_start3A_442 = tpu.memref_squeeze %dma_start3A_441 : memref<1x256x32xf32, #tpu.memory_space<vmem>> -> memref<256x32xf32, #tpu.memory_space<vmem>>
    %dma_start3A_443 = arith.constant 0 : i32
    %dma_start3A_444 = tpu.memref_slice %arg9[%dma_start3A_437, %dma_start3A_443] : memref<10x256xi32, #tpu.memory_space<vmem>> -> memref<1x256xi32, #tpu.memory_space<vmem>>
    %dma_start3A_445 = tpu.memref_squeeze %dma_start3A_444 : memref<1x256xi32, #tpu.memory_space<vmem>> -> memref<256xi32, #tpu.memory_space<vmem>>
    %dma_start3A_446 = arith.constant 0 : i32
    %dma_start3A_447 = arith.constant 0 : i32
    %dma_start3A_448 = tpu.memref_slice %arg2[%dma_start3A_446, %dma_start3A_447] : memref<100000x32xf32, #tpu.memory_space<hbm>> -> memref<100000x32xf32, #tpu.memory_space<hbm>>
    tpu.enqueue_indirect_dma source(%dma_start3A_448 : memref<100000x32xf32, #tpu.memory_space<hbm>>) target(%dma_start3A_442 : memref<256x32xf32, #tpu.memory_space<vmem>>) offsets(%dma_start3A_445 : memref<256xi32, #tpu.memory_space<vmem>>) semaphore(%arg13 : memref<!tpu.dma_semaphore, #tpu.memory_space<semaphore_mem>>)
    %dma_wait3A_449 = arith.constant 1 : i32
    %dma_wait3A_450 = arith.constant 1 : i32
    %dma_wait3A_451 = arith.constant 0 : i32
    %dma_wait3A_452 = arith.constant 0 : i32
    %dma_wait3A_453 = tpu.memref_slice %arg11[%dma_wait3A_450, %dma_wait3A_451, %dma_wait3A_452] : memref<3x256x32xf32, #tpu.memory_space<vmem>> -> memref<1x256x32xf32, #tpu.memory_space<vmem>>
    %dma_wait3A_454 = tpu.memref_squeeze %dma_wait3A_453 : memref<1x256x32xf32, #tpu.memory_space<vmem>> -> memref<256x32xf32, #tpu.memory_space<vmem>>
    %dma_wait3A_455 = arith.constant 0 : i32
    %dma_wait3A_456 = tpu.memref_slice %arg9[%dma_wait3A_449, %dma_wait3A_455] : memref<10x256xi32, #tpu.memory_space<vmem>> -> memref<1x256xi32, #tpu.memory_space<vmem>>
    %dma_wait3A_457 = tpu.memref_squeeze %dma_wait3A_456 : memref<1x256xi32, #tpu.memory_space<vmem>> -> memref<256xi32, #tpu.memory_space<vmem>>
    %dma_wait3A_458 = arith.constant 0 : i32
    %dma_wait3A_459 = arith.constant 0 : i32
    %dma_wait3A_460 = tpu.memref_slice %arg2[%dma_wait3A_458, %dma_wait3A_459] : memref<100000x32xf32, #tpu.memory_space<hbm>> -> memref<100000x32xf32, #tpu.memory_space<hbm>>
    tpu.wait_indirect_dma semaphore(%arg13 : memref<!tpu.dma_semaphore, #tpu.memory_space<semaphore_mem>>) src(%dma_wait3A_460 : memref<100000x32xf32, #tpu.memory_space<hbm>>) dst(%dma_wait3A_454 : memref<256x32xf32, #tpu.memory_space<vmem>>)
    %dma_start3A_461 = arith.constant 1 : i32
    %dma_start3A_462 = arith.constant 0 : i32
    %dma_start3A_463 = arith.constant 0 : i32
    %dma_start3A_464 = arith.constant 0 : i32
    %dma_start3A_465 = tpu.memref_slice %arg11[%dma_start3A_461, %dma_start3A_463, %dma_start3A_464] : memref<3x256x32xf32, #tpu.memory_space<vmem>> -> memref<1x256x32xf32, #tpu.memory_space<vmem>>
    %dma_start3A_466 = tpu.memref_squeeze %dma_start3A_465 : memref<1x256x32xf32, #tpu.memory_space<vmem>> -> memref<256x32xf32, #tpu.memory_space<vmem>>
    %dma_start3A_467 = arith.constant 32 : i32
    %dma_start3A_468 = tpu.memref_slice %arg8[%dma_start3A_462, %mul3A_2, %dma_start3A_467] : memref<4x8192x128xf32, #tpu.memory_space<hbm>> -> memref<1x256x32xf32, #tpu.memory_space<hbm>>
    %dma_start3A_469 = tpu.memref_squeeze %dma_start3A_468 : memref<1x256x32xf32, #tpu.memory_space<hbm>> -> memref<256x32xf32, #tpu.memory_space<hbm>>
    %dma_start3A_470 = arith.constant 32 : i32
    %dma_start3A_471 = tpu.memref_slice %arg8[%dma_start3A_462, %mul3A_2, %dma_start3A_470] : memref<4x8192x128xf32, #tpu.memory_space<hbm>> -> memref<1x256x32xf32, #tpu.memory_space<hbm>>
    %dma_start3A_472 = tpu.memref_squeeze %dma_start3A_471 : memref<1x256x32xf32, #tpu.memory_space<hbm>> -> memref<256x32xf32, #tpu.memory_space<hbm>>
    %dma_start3A_473 = arith.constant 0 : i32
    %dma_start3A_474 = arith.constant 0 : i32
    %dma_start3A_475 = tpu.memref_slice %arg11[%dma_start3A_461, %dma_start3A_473, %dma_start3A_474] : memref<3x256x32xf32, #tpu.memory_space<vmem>> -> memref<1x256x32xf32, #tpu.memory_space<vmem>>
    %dma_start3A_476 = tpu.memref_squeeze %dma_start3A_475 : memref<1x256x32xf32, #tpu.memory_space<vmem>> -> memref<256x32xf32, #tpu.memory_space<vmem>>
    tpu.enqueue_dma source(%dma_start3A_476 : memref<256x32xf32, #tpu.memory_space<vmem>>) target(%dma_start3A_472 : memref<256x32xf32, #tpu.memory_space<hbm>>) target_semaphore(%arg14 : memref<!tpu.dma_semaphore, #tpu.memory_space<semaphore_mem>>)
    %dma_wait3A_477 = arith.constant 1 : i32
    %dma_wait3A_478 = arith.constant 0 : i32
    %dma_wait3A_479 = arith.constant 0 : i32
    %dma_wait3A_480 = arith.constant 0 : i32
    %dma_wait3A_481 = tpu.memref_slice %arg11[%dma_wait3A_477, %dma_wait3A_479, %dma_wait3A_480] : memref<3x256x32xf32, #tpu.memory_space<vmem>> -> memref<1x256x32xf32, #tpu.memory_space<vmem>>
    %dma_wait3A_482 = tpu.memref_squeeze %dma_wait3A_481 : memref<1x256x32xf32, #tpu.memory_space<vmem>> -> memref<256x32xf32, #tpu.memory_space<vmem>>
    %dma_wait3A_483 = arith.constant 32 : i32
    %dma_wait3A_484 = tpu.memref_slice %arg8[%dma_wait3A_478, %mul3A_2, %dma_wait3A_483] : memref<4x8192x128xf32, #tpu.memory_space<hbm>> -> memref<1x256x32xf32, #tpu.memory_space<hbm>>
    %dma_wait3A_485 = tpu.memref_squeeze %dma_wait3A_484 : memref<1x256x32xf32, #tpu.memory_space<hbm>> -> memref<256x32xf32, #tpu.memory_space<hbm>>
    %dma_wait3A_486 = arith.constant 32 : i32
    %dma_wait3A_487 = tpu.memref_slice %arg8[%dma_wait3A_478, %mul3A_2, %dma_wait3A_486] : memref<4x8192x128xf32, #tpu.memory_space<hbm>> -> memref<1x256x32xf32, #tpu.memory_space<hbm>>
    %dma_wait3A_488 = tpu.memref_squeeze %dma_wait3A_487 : memref<1x256x32xf32, #tpu.memory_space<hbm>> -> memref<256x32xf32, #tpu.memory_space<hbm>>
    %dma_wait3A_489 = arith.constant 0 : i32
    %dma_wait3A_490 = arith.constant 0 : i32
    %dma_wait3A_491 = tpu.memref_slice %arg11[%dma_wait3A_477, %dma_wait3A_489, %dma_wait3A_490] : memref<3x256x32xf32, #tpu.memory_space<vmem>> -> memref<1x256x32xf32, #tpu.memory_space<vmem>>
    %dma_wait3A_492 = tpu.memref_squeeze %dma_wait3A_491 : memref<1x256x32xf32, #tpu.memory_space<vmem>> -> memref<256x32xf32, #tpu.memory_space<vmem>>
    tpu.wait_dma2 semaphore(%arg14 : memref<!tpu.dma_semaphore, #tpu.memory_space<semaphore_mem>>) src(%dma_wait3A_492 : memref<256x32xf32, #tpu.memory_space<vmem>>) dst(%dma_wait3A_488 : memref<256x32xf32, #tpu.memory_space<hbm>>)
    %dma_start3A_493 = arith.constant 4 : i32
    %dma_start3A_494 = arith.constant 1 : i32
    %dma_start3A_495 = arith.constant 0 : i32
    %dma_start3A_496 = arith.constant 0 : i32
    %dma_start3A_497 = tpu.memref_slice %arg11[%dma_start3A_494, %dma_start3A_495, %dma_start3A_496] : memref<3x256x32xf32, #tpu.memory_space<vmem>> -> memref<1x256x32xf32, #tpu.memory_space<vmem>>
    %dma_start3A_498 = tpu.memref_squeeze %dma_start3A_497 : memref<1x256x32xf32, #tpu.memory_space<vmem>> -> memref<256x32xf32, #tpu.memory_space<vmem>>
    %dma_start3A_499 = arith.constant 0 : i32
    %dma_start3A_500 = tpu.memref_slice %arg9[%dma_start3A_493, %dma_start3A_499] : memref<10x256xi32, #tpu.memory_space<vmem>> -> memref<1x256xi32, #tpu.memory_space<vmem>>
    %dma_start3A_501 = tpu.memref_squeeze %dma_start3A_500 : memref<1x256xi32, #tpu.memory_space<vmem>> -> memref<256xi32, #tpu.memory_space<vmem>>
    %dma_start3A_502 = arith.constant 0 : i32
    %dma_start3A_503 = arith.constant 0 : i32
    %dma_start3A_504 = tpu.memref_slice %arg2[%dma_start3A_502, %dma_start3A_503] : memref<100000x32xf32, #tpu.memory_space<hbm>> -> memref<100000x32xf32, #tpu.memory_space<hbm>>
    tpu.enqueue_indirect_dma source(%dma_start3A_504 : memref<100000x32xf32, #tpu.memory_space<hbm>>) target(%dma_start3A_498 : memref<256x32xf32, #tpu.memory_space<vmem>>) offsets(%dma_start3A_501 : memref<256xi32, #tpu.memory_space<vmem>>) semaphore(%arg13 : memref<!tpu.dma_semaphore, #tpu.memory_space<semaphore_mem>>)
    %dma_wait3A_505 = arith.constant 2 : i32
    %dma_wait3A_506 = arith.constant 2 : i32
    %dma_wait3A_507 = arith.constant 0 : i32
    %dma_wait3A_508 = arith.constant 0 : i32
    %dma_wait3A_509 = tpu.memref_slice %arg11[%dma_wait3A_506, %dma_wait3A_507, %dma_wait3A_508] : memref<3x256x32xf32, #tpu.memory_space<vmem>> -> memref<1x256x32xf32, #tpu.memory_space<vmem>>
    %dma_wait3A_510 = tpu.memref_squeeze %dma_wait3A_509 : memref<1x256x32xf32, #tpu.memory_space<vmem>> -> memref<256x32xf32, #tpu.memory_space<vmem>>
    %dma_wait3A_511 = arith.constant 0 : i32
    %dma_wait3A_512 = tpu.memref_slice %arg9[%dma_wait3A_505, %dma_wait3A_511] : memref<10x256xi32, #tpu.memory_space<vmem>> -> memref<1x256xi32, #tpu.memory_space<vmem>>
    %dma_wait3A_513 = tpu.memref_squeeze %dma_wait3A_512 : memref<1x256xi32, #tpu.memory_space<vmem>> -> memref<256xi32, #tpu.memory_space<vmem>>
    %dma_wait3A_514 = arith.constant 0 : i32
    %dma_wait3A_515 = arith.constant 0 : i32
    %dma_wait3A_516 = tpu.memref_slice %arg2[%dma_wait3A_514, %dma_wait3A_515] : memref<100000x32xf32, #tpu.memory_space<hbm>> -> memref<100000x32xf32, #tpu.memory_space<hbm>>
    tpu.wait_indirect_dma semaphore(%arg13 : memref<!tpu.dma_semaphore, #tpu.memory_space<semaphore_mem>>) src(%dma_wait3A_516 : memref<100000x32xf32, #tpu.memory_space<hbm>>) dst(%dma_wait3A_510 : memref<256x32xf32, #tpu.memory_space<vmem>>)
    %dma_start3A_517 = arith.constant 2 : i32
    %dma_start3A_518 = arith.constant 0 : i32
    %dma_start3A_519 = arith.constant 0 : i32
    %dma_start3A_520 = arith.constant 0 : i32
    %dma_start3A_521 = tpu.memref_slice %arg11[%dma_start3A_517, %dma_start3A_519, %dma_start3A_520] : memref<3x256x32xf32, #tpu.memory_space<vmem>> -> memref<1x256x32xf32, #tpu.memory_space<vmem>>
    %dma_start3A_522 = tpu.memref_squeeze %dma_start3A_521 : memref<1x256x32xf32, #tpu.memory_space<vmem>> -> memref<256x32xf32, #tpu.memory_space<vmem>>
    %dma_start3A_523 = arith.constant 64 : i32
    %dma_start3A_524 = tpu.memref_slice %arg8[%dma_start3A_518, %mul3A_2, %dma_start3A_523] : memref<4x8192x128xf32, #tpu.memory_space<hbm>> -> memref<1x256x32xf32, #tpu.memory_space<hbm>>
    %dma_start3A_525 = tpu.memref_squeeze %dma_start3A_524 : memref<1x256x32xf32, #tpu.memory_space<hbm>> -> memref<256x32xf32, #tpu.memory_space<hbm>>
    %dma_start3A_526 = arith.constant 64 : i32
    %dma_start3A_527 = tpu.memref_slice %arg8[%dma_start3A_518, %mul3A_2, %dma_start3A_526] : memref<4x8192x128xf32, #tpu.memory_space<hbm>> -> memref<1x256x32xf32, #tpu.memory_space<hbm>>
    %dma_start3A_528 = tpu.memref_squeeze %dma_start3A_527 : memref<1x256x32xf32, #tpu.memory_space<hbm>> -> memref<256x32xf32, #tpu.memory_space<hbm>>
    %dma_start3A_529 = arith.constant 0 : i32
    %dma_start3A_530 = arith.constant 0 : i32
    %dma_start3A_531 = tpu.memref_slice %arg11[%dma_start3A_517, %dma_start3A_529, %dma_start3A_530] : memref<3x256x32xf32, #tpu.memory_space<vmem>> -> memref<1x256x32xf32, #tpu.memory_space<vmem>>
    %dma_start3A_532 = tpu.memref_squeeze %dma_start3A_531 : memref<1x256x32xf32, #tpu.memory_space<vmem>> -> memref<256x32xf32, #tpu.memory_space<vmem>>
    tpu.enqueue_dma source(%dma_start3A_532 : memref<256x32xf32, #tpu.memory_space<vmem>>) target(%dma_start3A_528 : memref<256x32xf32, #tpu.memory_space<hbm>>) target_semaphore(%arg14 : memref<!tpu.dma_semaphore, #tpu.memory_space<semaphore_mem>>)
    %dma_wait3A_533 = arith.constant 2 : i32
    %dma_wait3A_534 = arith.constant 0 : i32
    %dma_wait3A_535 = arith.constant 0 : i32
    %dma_wait3A_536 = arith.constant 0 : i32
    %dma_wait3A_537 = tpu.memref_slice %arg11[%dma_wait3A_533, %dma_wait3A_535, %dma_wait3A_536] : memref<3x256x32xf32, #tpu.memory_space<vmem>> -> memref<1x256x32xf32, #tpu.memory_space<vmem>>
    %dma_wait3A_538 = tpu.memref_squeeze %dma_wait3A_537 : memref<1x256x32xf32, #tpu.memory_space<vmem>> -> memref<256x32xf32, #tpu.memory_space<vmem>>
    %dma_wait3A_539 = arith.constant 64 : i32
    %dma_wait3A_540 = tpu.memref_slice %arg8[%dma_wait3A_534, %mul3A_2, %dma_wait3A_539] : memref<4x8192x128xf32, #tpu.memory_space<hbm>> -> memref<1x256x32xf32, #tpu.memory_space<hbm>>
    %dma_wait3A_541 = tpu.memref_squeeze %dma_wait3A_540 : memref<1x256x32xf32, #tpu.memory_space<hbm>> -> memref<256x32xf32, #tpu.memory_space<hbm>>
    %dma_wait3A_542 = arith.constant 64 : i32
    %dma_wait3A_543 = tpu.memref_slice %arg8[%dma_wait3A_534, %mul3A_2, %dma_wait3A_542] : memref<4x8192x128xf32, #tpu.memory_space<hbm>> -> memref<1x256x32xf32, #tpu.memory_space<hbm>>
    %dma_wait3A_544 = tpu.memref_squeeze %dma_wait3A_543 : memref<1x256x32xf32, #tpu.memory_space<hbm>> -> memref<256x32xf32, #tpu.memory_space<hbm>>
    %dma_wait3A_545 = arith.constant 0 : i32
    %dma_wait3A_546 = arith.constant 0 : i32
    %dma_wait3A_547 = tpu.memref_slice %arg11[%dma_wait3A_533, %dma_wait3A_545, %dma_wait3A_546] : memref<3x256x32xf32, #tpu.memory_space<vmem>> -> memref<1x256x32xf32, #tpu.memory_space<vmem>>
    %dma_wait3A_548 = tpu.memref_squeeze %dma_wait3A_547 : memref<1x256x32xf32, #tpu.memory_space<vmem>> -> memref<256x32xf32, #tpu.memory_space<vmem>>
    tpu.wait_dma2 semaphore(%arg14 : memref<!tpu.dma_semaphore, #tpu.memory_space<semaphore_mem>>) src(%dma_wait3A_548 : memref<256x32xf32, #tpu.memory_space<vmem>>) dst(%dma_wait3A_544 : memref<256x32xf32, #tpu.memory_space<hbm>>)
    %dma_start3A_549 = arith.constant 5 : i32
    %dma_start3A_550 = arith.constant 2 : i32
    %dma_start3A_551 = arith.constant 0 : i32
    %dma_start3A_552 = arith.constant 0 : i32
    %dma_start3A_553 = tpu.memref_slice %arg11[%dma_start3A_550, %dma_start3A_551, %dma_start3A_552] : memref<3x256x32xf32, #tpu.memory_space<vmem>> -> memref<1x256x32xf32, #tpu.memory_space<vmem>>
    %dma_start3A_554 = tpu.memref_squeeze %dma_start3A_553 : memref<1x256x32xf32, #tpu.memory_space<vmem>> -> memref<256x32xf32, #tpu.memory_space<vmem>>
    %dma_start3A_555 = arith.constant 0 : i32
    %dma_start3A_556 = tpu.memref_slice %arg9[%dma_start3A_549, %dma_start3A_555] : memref<10x256xi32, #tpu.memory_space<vmem>> -> memref<1x256xi32, #tpu.memory_space<vmem>>
    %dma_start3A_557 = tpu.memref_squeeze %dma_start3A_556 : memref<1x256xi32, #tpu.memory_space<vmem>> -> memref<256xi32, #tpu.memory_space<vmem>>
    %dma_start3A_558 = arith.constant 0 : i32
    %dma_start3A_559 = arith.constant 0 : i32
    %dma_start3A_560 = tpu.memref_slice %arg2[%dma_start3A_558, %dma_start3A_559] : memref<100000x32xf32, #tpu.memory_space<hbm>> -> memref<100000x32xf32, #tpu.memory_space<hbm>>
    tpu.enqueue_indirect_dma source(%dma_start3A_560 : memref<100000x32xf32, #tpu.memory_space<hbm>>) target(%dma_start3A_554 : memref<256x32xf32, #tpu.memory_space<vmem>>) offsets(%dma_start3A_557 : memref<256xi32, #tpu.memory_space<vmem>>) semaphore(%arg13 : memref<!tpu.dma_semaphore, #tpu.memory_space<semaphore_mem>>)
    %dma_wait3A_561 = arith.constant 3 : i32
    %dma_wait3A_562 = arith.constant 0 : i32
    %dma_wait3A_563 = arith.constant 0 : i32
    %dma_wait3A_564 = arith.constant 0 : i32
    %dma_wait3A_565 = tpu.memref_slice %arg11[%dma_wait3A_562, %dma_wait3A_563, %dma_wait3A_564] : memref<3x256x32xf32, #tpu.memory_space<vmem>> -> memref<1x256x32xf32, #tpu.memory_space<vmem>>
    %dma_wait3A_566 = tpu.memref_squeeze %dma_wait3A_565 : memref<1x256x32xf32, #tpu.memory_space<vmem>> -> memref<256x32xf32, #tpu.memory_space<vmem>>
    %dma_wait3A_567 = arith.constant 0 : i32
    %dma_wait3A_568 = tpu.memref_slice %arg9[%dma_wait3A_561, %dma_wait3A_567] : memref<10x256xi32, #tpu.memory_space<vmem>> -> memref<1x256xi32, #tpu.memory_space<vmem>>
    %dma_wait3A_569 = tpu.memref_squeeze %dma_wait3A_568 : memref<1x256xi32, #tpu.memory_space<vmem>> -> memref<256xi32, #tpu.memory_space<vmem>>
    %dma_wait3A_570 = arith.constant 0 : i32
    %dma_wait3A_571 = arith.constant 0 : i32
    %dma_wait3A_572 = tpu.memref_slice %arg2[%dma_wait3A_570, %dma_wait3A_571] : memref<100000x32xf32, #tpu.memory_space<hbm>> -> memref<100000x32xf32, #tpu.memory_space<hbm>>
    tpu.wait_indirect_dma semaphore(%arg13 : memref<!tpu.dma_semaphore, #tpu.memory_space<semaphore_mem>>) src(%dma_wait3A_572 : memref<100000x32xf32, #tpu.memory_space<hbm>>) dst(%dma_wait3A_566 : memref<256x32xf32, #tpu.memory_space<vmem>>)
    %dma_start3A_573 = arith.constant 0 : i32
    %dma_start3A_574 = arith.constant 0 : i32
    %dma_start3A_575 = arith.constant 0 : i32
    %dma_start3A_576 = arith.constant 0 : i32
    %dma_start3A_577 = tpu.memref_slice %arg11[%dma_start3A_573, %dma_start3A_575, %dma_start3A_576] : memref<3x256x32xf32, #tpu.memory_space<vmem>> -> memref<1x256x32xf32, #tpu.memory_space<vmem>>
    %dma_start3A_578 = tpu.memref_squeeze %dma_start3A_577 : memref<1x256x32xf32, #tpu.memory_space<vmem>> -> memref<256x32xf32, #tpu.memory_space<vmem>>
    %dma_start3A_579 = arith.constant 96 : i32
    %dma_start3A_580 = tpu.memref_slice %arg8[%dma_start3A_574, %mul3A_2, %dma_start3A_579] : memref<4x8192x128xf32, #tpu.memory_space<hbm>> -> memref<1x256x32xf32, #tpu.memory_space<hbm>>
    %dma_start3A_581 = tpu.memref_squeeze %dma_start3A_580 : memref<1x256x32xf32, #tpu.memory_space<hbm>> -> memref<256x32xf32, #tpu.memory_space<hbm>>
    %dma_start3A_582 = arith.constant 96 : i32
    %dma_start3A_583 = tpu.memref_slice %arg8[%dma_start3A_574, %mul3A_2, %dma_start3A_582] : memref<4x8192x128xf32, #tpu.memory_space<hbm>> -> memref<1x256x32xf32, #tpu.memory_space<hbm>>
    %dma_start3A_584 = tpu.memref_squeeze %dma_start3A_583 : memref<1x256x32xf32, #tpu.memory_space<hbm>> -> memref<256x32xf32, #tpu.memory_space<hbm>>
    %dma_start3A_585 = arith.constant 0 : i32
    %dma_start3A_586 = arith.constant 0 : i32
    %dma_start3A_587 = tpu.memref_slice %arg11[%dma_start3A_573, %dma_start3A_585, %dma_start3A_586] : memref<3x256x32xf32, #tpu.memory_space<vmem>> -> memref<1x256x32xf32, #tpu.memory_space<vmem>>
    %dma_start3A_588 = tpu.memref_squeeze %dma_start3A_587 : memref<1x256x32xf32, #tpu.memory_space<vmem>> -> memref<256x32xf32, #tpu.memory_space<vmem>>
    tpu.enqueue_dma source(%dma_start3A_588 : memref<256x32xf32, #tpu.memory_space<vmem>>) target(%dma_start3A_584 : memref<256x32xf32, #tpu.memory_space<hbm>>) target_semaphore(%arg14 : memref<!tpu.dma_semaphore, #tpu.memory_space<semaphore_mem>>)
    %dma_wait3A_589 = arith.constant 0 : i32
    %dma_wait3A_590 = arith.constant 0 : i32
    %dma_wait3A_591 = arith.constant 0 : i32
    %dma_wait3A_592 = arith.constant 0 : i32
    %dma_wait3A_593 = tpu.memref_slice %arg11[%dma_wait3A_589, %dma_wait3A_591, %dma_wait3A_592] : memref<3x256x32xf32, #tpu.memory_space<vmem>> -> memref<1x256x32xf32, #tpu.memory_space<vmem>>
    %dma_wait3A_594 = tpu.memref_squeeze %dma_wait3A_593 : memref<1x256x32xf32, #tpu.memory_space<vmem>> -> memref<256x32xf32, #tpu.memory_space<vmem>>
    %dma_wait3A_595 = arith.constant 96 : i32
    %dma_wait3A_596 = tpu.memref_slice %arg8[%dma_wait3A_590, %mul3A_2, %dma_wait3A_595] : memref<4x8192x128xf32, #tpu.memory_space<hbm>> -> memref<1x256x32xf32, #tpu.memory_space<hbm>>
    %dma_wait3A_597 = tpu.memref_squeeze %dma_wait3A_596 : memref<1x256x32xf32, #tpu.memory_space<hbm>> -> memref<256x32xf32, #tpu.memory_space<hbm>>
    %dma_wait3A_598 = arith.constant 96 : i32
    %dma_wait3A_599 = tpu.memref_slice %arg8[%dma_wait3A_590, %mul3A_2, %dma_wait3A_598] : memref<4x8192x128xf32, #tpu.memory_space<hbm>> -> memref<1x256x32xf32, #tpu.memory_space<hbm>>
    %dma_wait3A_600 = tpu.memref_squeeze %dma_wait3A_599 : memref<1x256x32xf32, #tpu.memory_space<hbm>> -> memref<256x32xf32, #tpu.memory_space<hbm>>
    %dma_wait3A_601 = arith.constant 0 : i32
    %dma_wait3A_602 = arith.constant 0 : i32
    %dma_wait3A_603 = tpu.memref_slice %arg11[%dma_wait3A_589, %dma_wait3A_601, %dma_wait3A_602] : memref<3x256x32xf32, #tpu.memory_space<vmem>> -> memref<1x256x32xf32, #tpu.memory_space<vmem>>
    %dma_wait3A_604 = tpu.memref_squeeze %dma_wait3A_603 : memref<1x256x32xf32, #tpu.memory_space<vmem>> -> memref<256x32xf32, #tpu.memory_space<vmem>>
    tpu.wait_dma2 semaphore(%arg14 : memref<!tpu.dma_semaphore, #tpu.memory_space<semaphore_mem>>) src(%dma_wait3A_604 : memref<256x32xf32, #tpu.memory_space<vmem>>) dst(%dma_wait3A_600 : memref<256x32xf32, #tpu.memory_space<hbm>>)
    %dma_start3A_605 = arith.constant 6 : i32
    %dma_start3A_606 = arith.constant 0 : i32
    %dma_start3A_607 = arith.constant 0 : i32
    %dma_start3A_608 = arith.constant 0 : i32
    %dma_start3A_609 = tpu.memref_slice %arg11[%dma_start3A_606, %dma_start3A_607, %dma_start3A_608] : memref<3x256x32xf32, #tpu.memory_space<vmem>> -> memref<1x256x32xf32, #tpu.memory_space<vmem>>
    %dma_start3A_610 = tpu.memref_squeeze %dma_start3A_609 : memref<1x256x32xf32, #tpu.memory_space<vmem>> -> memref<256x32xf32, #tpu.memory_space<vmem>>
    %dma_start3A_611 = arith.constant 0 : i32
    %dma_start3A_612 = tpu.memref_slice %arg9[%dma_start3A_605, %dma_start3A_611] : memref<10x256xi32, #tpu.memory_space<vmem>> -> memref<1x256xi32, #tpu.memory_space<vmem>>
    %dma_start3A_613 = tpu.memref_squeeze %dma_start3A_612 : memref<1x256xi32, #tpu.memory_space<vmem>> -> memref<256xi32, #tpu.memory_space<vmem>>
    %dma_start3A_614 = arith.constant 0 : i32
    %dma_start3A_615 = arith.constant 0 : i32
    %dma_start3A_616 = tpu.memref_slice %arg2[%dma_start3A_614, %dma_start3A_615] : memref<100000x32xf32, #tpu.memory_space<hbm>> -> memref<100000x32xf32, #tpu.memory_space<hbm>>
    tpu.enqueue_indirect_dma source(%dma_start3A_616 : memref<100000x32xf32, #tpu.memory_space<hbm>>) target(%dma_start3A_610 : memref<256x32xf32, #tpu.memory_space<vmem>>) offsets(%dma_start3A_613 : memref<256xi32, #tpu.memory_space<vmem>>) semaphore(%arg13 : memref<!tpu.dma_semaphore, #tpu.memory_space<semaphore_mem>>)
    %dma_wait3A_617 = arith.constant 4 : i32
    %dma_wait3A_618 = arith.constant 1 : i32
    %dma_wait3A_619 = arith.constant 0 : i32
    %dma_wait3A_620 = arith.constant 0 : i32
    %dma_wait3A_621 = tpu.memref_slice %arg11[%dma_wait3A_618, %dma_wait3A_619, %dma_wait3A_620] : memref<3x256x32xf32, #tpu.memory_space<vmem>> -> memref<1x256x32xf32, #tpu.memory_space<vmem>>
    %dma_wait3A_622 = tpu.memref_squeeze %dma_wait3A_621 : memref<1x256x32xf32, #tpu.memory_space<vmem>> -> memref<256x32xf32, #tpu.memory_space<vmem>>
    %dma_wait3A_623 = arith.constant 0 : i32
    %dma_wait3A_624 = tpu.memref_slice %arg9[%dma_wait3A_617, %dma_wait3A_623] : memref<10x256xi32, #tpu.memory_space<vmem>> -> memref<1x256xi32, #tpu.memory_space<vmem>>
    %dma_wait3A_625 = tpu.memref_squeeze %dma_wait3A_624 : memref<1x256xi32, #tpu.memory_space<vmem>> -> memref<256xi32, #tpu.memory_space<vmem>>
    %dma_wait3A_626 = arith.constant 0 : i32
    %dma_wait3A_627 = arith.constant 0 : i32
    %dma_wait3A_628 = tpu.memref_slice %arg2[%dma_wait3A_626, %dma_wait3A_627] : memref<100000x32xf32, #tpu.memory_space<hbm>> -> memref<100000x32xf32, #tpu.memory_space<hbm>>
    tpu.wait_indirect_dma semaphore(%arg13 : memref<!tpu.dma_semaphore, #tpu.memory_space<semaphore_mem>>) src(%dma_wait3A_628 : memref<100000x32xf32, #tpu.memory_space<hbm>>) dst(%dma_wait3A_622 : memref<256x32xf32, #tpu.memory_space<vmem>>)
    %dma_start3A_629 = arith.constant 1 : i32
    %dma_start3A_630 = arith.constant 1 : i32
    %dma_start3A_631 = arith.constant 0 : i32
    %dma_start3A_632 = arith.constant 0 : i32
    %dma_start3A_633 = tpu.memref_slice %arg11[%dma_start3A_629, %dma_start3A_631, %dma_start3A_632] : memref<3x256x32xf32, #tpu.memory_space<vmem>> -> memref<1x256x32xf32, #tpu.memory_space<vmem>>
    %dma_start3A_634 = tpu.memref_squeeze %dma_start3A_633 : memref<1x256x32xf32, #tpu.memory_space<vmem>> -> memref<256x32xf32, #tpu.memory_space<vmem>>
    %dma_start3A_635 = arith.constant 0 : i32
    %dma_start3A_636 = tpu.memref_slice %arg8[%dma_start3A_630, %mul3A_2, %dma_start3A_635] : memref<4x8192x128xf32, #tpu.memory_space<hbm>> -> memref<1x256x32xf32, #tpu.memory_space<hbm>>
    %dma_start3A_637 = tpu.memref_squeeze %dma_start3A_636 : memref<1x256x32xf32, #tpu.memory_space<hbm>> -> memref<256x32xf32, #tpu.memory_space<hbm>>
    %dma_start3A_638 = arith.constant 0 : i32
    %dma_start3A_639 = tpu.memref_slice %arg8[%dma_start3A_630, %mul3A_2, %dma_start3A_638] : memref<4x8192x128xf32, #tpu.memory_space<hbm>> -> memref<1x256x32xf32, #tpu.memory_space<hbm>>
    %dma_start3A_640 = tpu.memref_squeeze %dma_start3A_639 : memref<1x256x32xf32, #tpu.memory_space<hbm>> -> memref<256x32xf32, #tpu.memory_space<hbm>>
    %dma_start3A_641 = arith.constant 0 : i32
    %dma_start3A_642 = arith.constant 0 : i32
    %dma_start3A_643 = tpu.memref_slice %arg11[%dma_start3A_629, %dma_start3A_641, %dma_start3A_642] : memref<3x256x32xf32, #tpu.memory_space<vmem>> -> memref<1x256x32xf32, #tpu.memory_space<vmem>>
    %dma_start3A_644 = tpu.memref_squeeze %dma_start3A_643 : memref<1x256x32xf32, #tpu.memory_space<vmem>> -> memref<256x32xf32, #tpu.memory_space<vmem>>
    tpu.enqueue_dma source(%dma_start3A_644 : memref<256x32xf32, #tpu.memory_space<vmem>>) target(%dma_start3A_640 : memref<256x32xf32, #tpu.memory_space<hbm>>) target_semaphore(%arg14 : memref<!tpu.dma_semaphore, #tpu.memory_space<semaphore_mem>>)
    %dma_wait3A_645 = arith.constant 1 : i32
    %dma_wait3A_646 = arith.constant 1 : i32
    %dma_wait3A_647 = arith.constant 0 : i32
    %dma_wait3A_648 = arith.constant 0 : i32
    %dma_wait3A_649 = tpu.memref_slice %arg11[%dma_wait3A_645, %dma_wait3A_647, %dma_wait3A_648] : memref<3x256x32xf32, #tpu.memory_space<vmem>> -> memref<1x256x32xf32, #tpu.memory_space<vmem>>
    %dma_wait3A_650 = tpu.memref_squeeze %dma_wait3A_649 : memref<1x256x32xf32, #tpu.memory_space<vmem>> -> memref<256x32xf32, #tpu.memory_space<vmem>>
    %dma_wait3A_651 = arith.constant 0 : i32
    %dma_wait3A_652 = tpu.memref_slice %arg8[%dma_wait3A_646, %mul3A_2, %dma_wait3A_651] : memref<4x8192x128xf32, #tpu.memory_space<hbm>> -> memref<1x256x32xf32, #tpu.memory_space<hbm>>
    %dma_wait3A_653 = tpu.memref_squeeze %dma_wait3A_652 : memref<1x256x32xf32, #tpu.memory_space<hbm>> -> memref<256x32xf32, #tpu.memory_space<hbm>>
    %dma_wait3A_654 = arith.constant 0 : i32
    %dma_wait3A_655 = tpu.memref_slice %arg8[%dma_wait3A_646, %mul3A_2, %dma_wait3A_654] : memref<4x8192x128xf32, #tpu.memory_space<hbm>> -> memref<1x256x32xf32, #tpu.memory_space<hbm>>
    %dma_wait3A_656 = tpu.memref_squeeze %dma_wait3A_655 : memref<1x256x32xf32, #tpu.memory_space<hbm>> -> memref<256x32xf32, #tpu.memory_space<hbm>>
    %dma_wait3A_657 = arith.constant 0 : i32
    %dma_wait3A_658 = arith.constant 0 : i32
    %dma_wait3A_659 = tpu.memref_slice %arg11[%dma_wait3A_645, %dma_wait3A_657, %dma_wait3A_658] : memref<3x256x32xf32, #tpu.memory_space<vmem>> -> memref<1x256x32xf32, #tpu.memory_space<vmem>>
    %dma_wait3A_660 = tpu.memref_squeeze %dma_wait3A_659 : memref<1x256x32xf32, #tpu.memory_space<vmem>> -> memref<256x32xf32, #tpu.memory_space<vmem>>
    tpu.wait_dma2 semaphore(%arg14 : memref<!tpu.dma_semaphore, #tpu.memory_space<semaphore_mem>>) src(%dma_wait3A_660 : memref<256x32xf32, #tpu.memory_space<vmem>>) dst(%dma_wait3A_656 : memref<256x32xf32, #tpu.memory_space<hbm>>)
    %dma_start3A_661 = arith.constant 7 : i32
    %dma_start3A_662 = arith.constant 1 : i32
    %dma_start3A_663 = arith.constant 0 : i32
    %dma_start3A_664 = arith.constant 0 : i32
    %dma_start3A_665 = tpu.memref_slice %arg11[%dma_start3A_662, %dma_start3A_663, %dma_start3A_664] : memref<3x256x32xf32, #tpu.memory_space<vmem>> -> memref<1x256x32xf32, #tpu.memory_space<vmem>>
    %dma_start3A_666 = tpu.memref_squeeze %dma_start3A_665 : memref<1x256x32xf32, #tpu.memory_space<vmem>> -> memref<256x32xf32, #tpu.memory_space<vmem>>
    %dma_start3A_667 = arith.constant 0 : i32
    %dma_start3A_668 = tpu.memref_slice %arg9[%dma_start3A_661, %dma_start3A_667] : memref<10x256xi32, #tpu.memory_space<vmem>> -> memref<1x256xi32, #tpu.memory_space<vmem>>
    %dma_start3A_669 = tpu.memref_squeeze %dma_start3A_668 : memref<1x256xi32, #tpu.memory_space<vmem>> -> memref<256xi32, #tpu.memory_space<vmem>>
    %dma_start3A_670 = arith.constant 0 : i32
    %dma_start3A_671 = arith.constant 0 : i32
    %dma_start3A_672 = tpu.memref_slice %arg2[%dma_start3A_670, %dma_start3A_671] : memref<100000x32xf32, #tpu.memory_space<hbm>> -> memref<100000x32xf32, #tpu.memory_space<hbm>>
    tpu.enqueue_indirect_dma source(%dma_start3A_672 : memref<100000x32xf32, #tpu.memory_space<hbm>>) target(%dma_start3A_666 : memref<256x32xf32, #tpu.memory_space<vmem>>) offsets(%dma_start3A_669 : memref<256xi32, #tpu.memory_space<vmem>>) semaphore(%arg13 : memref<!tpu.dma_semaphore, #tpu.memory_space<semaphore_mem>>)
    %dma_wait3A_673 = arith.constant 5 : i32
    %dma_wait3A_674 = arith.constant 2 : i32
    %dma_wait3A_675 = arith.constant 0 : i32
    %dma_wait3A_676 = arith.constant 0 : i32
    %dma_wait3A_677 = tpu.memref_slice %arg11[%dma_wait3A_674, %dma_wait3A_675, %dma_wait3A_676] : memref<3x256x32xf32, #tpu.memory_space<vmem>> -> memref<1x256x32xf32, #tpu.memory_space<vmem>>
    %dma_wait3A_678 = tpu.memref_squeeze %dma_wait3A_677 : memref<1x256x32xf32, #tpu.memory_space<vmem>> -> memref<256x32xf32, #tpu.memory_space<vmem>>
    %dma_wait3A_679 = arith.constant 0 : i32
    %dma_wait3A_680 = tpu.memref_slice %arg9[%dma_wait3A_673, %dma_wait3A_679] : memref<10x256xi32, #tpu.memory_space<vmem>> -> memref<1x256xi32, #tpu.memory_space<vmem>>
    %dma_wait3A_681 = tpu.memref_squeeze %dma_wait3A_680 : memref<1x256xi32, #tpu.memory_space<vmem>> -> memref<256xi32, #tpu.memory_space<vmem>>
    %dma_wait3A_682 = arith.constant 0 : i32
    %dma_wait3A_683 = arith.constant 0 : i32
    %dma_wait3A_684 = tpu.memref_slice %arg2[%dma_wait3A_682, %dma_wait3A_683] : memref<100000x32xf32, #tpu.memory_space<hbm>> -> memref<100000x32xf32, #tpu.memory_space<hbm>>
    tpu.wait_indirect_dma semaphore(%arg13 : memref<!tpu.dma_semaphore, #tpu.memory_space<semaphore_mem>>) src(%dma_wait3A_684 : memref<100000x32xf32, #tpu.memory_space<hbm>>) dst(%dma_wait3A_678 : memref<256x32xf32, #tpu.memory_space<vmem>>)
    %dma_start3A_685 = arith.constant 2 : i32
    %dma_start3A_686 = arith.constant 1 : i32
    %dma_start3A_687 = arith.constant 0 : i32
    %dma_start3A_688 = arith.constant 0 : i32
    %dma_start3A_689 = tpu.memref_slice %arg11[%dma_start3A_685, %dma_start3A_687, %dma_start3A_688] : memref<3x256x32xf32, #tpu.memory_space<vmem>> -> memref<1x256x32xf32, #tpu.memory_space<vmem>>
    %dma_start3A_690 = tpu.memref_squeeze %dma_start3A_689 : memref<1x256x32xf32, #tpu.memory_space<vmem>> -> memref<256x32xf32, #tpu.memory_space<vmem>>
    %dma_start3A_691 = arith.constant 32 : i32
    %dma_start3A_692 = tpu.memref_slice %arg8[%dma_start3A_686, %mul3A_2, %dma_start3A_691] : memref<4x8192x128xf32, #tpu.memory_space<hbm>> -> memref<1x256x32xf32, #tpu.memory_space<hbm>>
    %dma_start3A_693 = tpu.memref_squeeze %dma_start3A_692 : memref<1x256x32xf32, #tpu.memory_space<hbm>> -> memref<256x32xf32, #tpu.memory_space<hbm>>
    %dma_start3A_694 = arith.constant 32 : i32
    %dma_start3A_695 = tpu.memref_slice %arg8[%dma_start3A_686, %mul3A_2, %dma_start3A_694] : memref<4x8192x128xf32, #tpu.memory_space<hbm>> -> memref<1x256x32xf32, #tpu.memory_space<hbm>>
    %dma_start3A_696 = tpu.memref_squeeze %dma_start3A_695 : memref<1x256x32xf32, #tpu.memory_space<hbm>> -> memref<256x32xf32, #tpu.memory_space<hbm>>
    %dma_start3A_697 = arith.constant 0 : i32
    %dma_start3A_698 = arith.constant 0 : i32
    %dma_start3A_699 = tpu.memref_slice %arg11[%dma_start3A_685, %dma_start3A_697, %dma_start3A_698] : memref<3x256x32xf32, #tpu.memory_space<vmem>> -> memref<1x256x32xf32, #tpu.memory_space<vmem>>
    %dma_start3A_700 = tpu.memref_squeeze %dma_start3A_699 : memref<1x256x32xf32, #tpu.memory_space<vmem>> -> memref<256x32xf32, #tpu.memory_space<vmem>>
    tpu.enqueue_dma source(%dma_start3A_700 : memref<256x32xf32, #tpu.memory_space<vmem>>) target(%dma_start3A_696 : memref<256x32xf32, #tpu.memory_space<hbm>>) target_semaphore(%arg14 : memref<!tpu.dma_semaphore, #tpu.memory_space<semaphore_mem>>)
    %dma_wait3A_701 = arith.constant 2 : i32
    %dma_wait3A_702 = arith.constant 1 : i32
    %dma_wait3A_703 = arith.constant 0 : i32
    %dma_wait3A_704 = arith.constant 0 : i32
    %dma_wait3A_705 = tpu.memref_slice %arg11[%dma_wait3A_701, %dma_wait3A_703, %dma_wait3A_704] : memref<3x256x32xf32, #tpu.memory_space<vmem>> -> memref<1x256x32xf32, #tpu.memory_space<vmem>>
    %dma_wait3A_706 = tpu.memref_squeeze %dma_wait3A_705 : memref<1x256x32xf32, #tpu.memory_space<vmem>> -> memref<256x32xf32, #tpu.memory_space<vmem>>
    %dma_wait3A_707 = arith.constant 32 : i32
    %dma_wait3A_708 = tpu.memref_slice %arg8[%dma_wait3A_702, %mul3A_2, %dma_wait3A_707] : memref<4x8192x128xf32, #tpu.memory_space<hbm>> -> memref<1x256x32xf32, #tpu.memory_space<hbm>>
    %dma_wait3A_709 = tpu.memref_squeeze %dma_wait3A_708 : memref<1x256x32xf32, #tpu.memory_space<hbm>> -> memref<256x32xf32, #tpu.memory_space<hbm>>
    %dma_wait3A_710 = arith.constant 32 : i32
    %dma_wait3A_711 = tpu.memref_slice %arg8[%dma_wait3A_702, %mul3A_2, %dma_wait3A_710] : memref<4x8192x128xf32, #tpu.memory_space<hbm>> -> memref<1x256x32xf32, #tpu.memory_space<hbm>>
    %dma_wait3A_712 = tpu.memref_squeeze %dma_wait3A_711 : memref<1x256x32xf32, #tpu.memory_space<hbm>> -> memref<256x32xf32, #tpu.memory_space<hbm>>
    %dma_wait3A_713 = arith.constant 0 : i32
    %dma_wait3A_714 = arith.constant 0 : i32
    %dma_wait3A_715 = tpu.memref_slice %arg11[%dma_wait3A_701, %dma_wait3A_713, %dma_wait3A_714] : memref<3x256x32xf32, #tpu.memory_space<vmem>> -> memref<1x256x32xf32, #tpu.memory_space<vmem>>
    %dma_wait3A_716 = tpu.memref_squeeze %dma_wait3A_715 : memref<1x256x32xf32, #tpu.memory_space<vmem>> -> memref<256x32xf32, #tpu.memory_space<vmem>>
    tpu.wait_dma2 semaphore(%arg14 : memref<!tpu.dma_semaphore, #tpu.memory_space<semaphore_mem>>) src(%dma_wait3A_716 : memref<256x32xf32, #tpu.memory_space<vmem>>) dst(%dma_wait3A_712 : memref<256x32xf32, #tpu.memory_space<hbm>>)
    %dma_start3A_717 = arith.constant 8 : i32
    %dma_start3A_718 = arith.constant 2 : i32
    %dma_start3A_719 = arith.constant 0 : i32
    %dma_start3A_720 = arith.constant 0 : i32
    %dma_start3A_721 = tpu.memref_slice %arg11[%dma_start3A_718, %dma_start3A_719, %dma_start3A_720] : memref<3x256x32xf32, #tpu.memory_space<vmem>> -> memref<1x256x32xf32, #tpu.memory_space<vmem>>
    %dma_start3A_722 = tpu.memref_squeeze %dma_start3A_721 : memref<1x256x32xf32, #tpu.memory_space<vmem>> -> memref<256x32xf32, #tpu.memory_space<vmem>>
    %dma_start3A_723 = arith.constant 0 : i32
    %dma_start3A_724 = tpu.memref_slice %arg9[%dma_start3A_717, %dma_start3A_723] : memref<10x256xi32, #tpu.memory_space<vmem>> -> memref<1x256xi32, #tpu.memory_space<vmem>>
    %dma_start3A_725 = tpu.memref_squeeze %dma_start3A_724 : memref<1x256xi32, #tpu.memory_space<vmem>> -> memref<256xi32, #tpu.memory_space<vmem>>
    %dma_start3A_726 = arith.constant 0 : i32
    %dma_start3A_727 = arith.constant 0 : i32
    %dma_start3A_728 = tpu.memref_slice %arg2[%dma_start3A_726, %dma_start3A_727] : memref<100000x32xf32, #tpu.memory_space<hbm>> -> memref<100000x32xf32, #tpu.memory_space<hbm>>
    tpu.enqueue_indirect_dma source(%dma_start3A_728 : memref<100000x32xf32, #tpu.memory_space<hbm>>) target(%dma_start3A_722 : memref<256x32xf32, #tpu.memory_space<vmem>>) offsets(%dma_start3A_725 : memref<256xi32, #tpu.memory_space<vmem>>) semaphore(%arg13 : memref<!tpu.dma_semaphore, #tpu.memory_space<semaphore_mem>>)
    %dma_wait3A_729 = arith.constant 6 : i32
    %dma_wait3A_730 = arith.constant 0 : i32
    %dma_wait3A_731 = arith.constant 0 : i32
    %dma_wait3A_732 = arith.constant 0 : i32
    %dma_wait3A_733 = tpu.memref_slice %arg11[%dma_wait3A_730, %dma_wait3A_731, %dma_wait3A_732] : memref<3x256x32xf32, #tpu.memory_space<vmem>> -> memref<1x256x32xf32, #tpu.memory_space<vmem>>
    %dma_wait3A_734 = tpu.memref_squeeze %dma_wait3A_733 : memref<1x256x32xf32, #tpu.memory_space<vmem>> -> memref<256x32xf32, #tpu.memory_space<vmem>>
    %dma_wait3A_735 = arith.constant 0 : i32
    %dma_wait3A_736 = tpu.memref_slice %arg9[%dma_wait3A_729, %dma_wait3A_735] : memref<10x256xi32, #tpu.memory_space<vmem>> -> memref<1x256xi32, #tpu.memory_space<vmem>>
    %dma_wait3A_737 = tpu.memref_squeeze %dma_wait3A_736 : memref<1x256xi32, #tpu.memory_space<vmem>> -> memref<256xi32, #tpu.memory_space<vmem>>
    %dma_wait3A_738 = arith.constant 0 : i32
    %dma_wait3A_739 = arith.constant 0 : i32
    %dma_wait3A_740 = tpu.memref_slice %arg2[%dma_wait3A_738, %dma_wait3A_739] : memref<100000x32xf32, #tpu.memory_space<hbm>> -> memref<100000x32xf32, #tpu.memory_space<hbm>>
    tpu.wait_indirect_dma semaphore(%arg13 : memref<!tpu.dma_semaphore, #tpu.memory_space<semaphore_mem>>) src(%dma_wait3A_740 : memref<100000x32xf32, #tpu.memory_space<hbm>>) dst(%dma_wait3A_734 : memref<256x32xf32, #tpu.memory_space<vmem>>)
    %dma_start3A_741 = arith.constant 0 : i32
    %dma_start3A_742 = arith.constant 1 : i32
    %dma_start3A_743 = arith.constant 0 : i32
    %dma_start3A_744 = arith.constant 0 : i32
    %dma_start3A_745 = tpu.memref_slice %arg11[%dma_start3A_741, %dma_start3A_743, %dma_start3A_744] : memref<3x256x32xf32, #tpu.memory_space<vmem>> -> memref<1x256x32xf32, #tpu.memory_space<vmem>>
    %dma_start3A_746 = tpu.memref_squeeze %dma_start3A_745 : memref<1x256x32xf32, #tpu.memory_space<vmem>> -> memref<256x32xf32, #tpu.memory_space<vmem>>
    %dma_start3A_747 = arith.constant 64 : i32
    %dma_start3A_748 = tpu.memref_slice %arg8[%dma_start3A_742, %mul3A_2, %dma_start3A_747] : memref<4x8192x128xf32, #tpu.memory_space<hbm>> -> memref<1x256x32xf32, #tpu.memory_space<hbm>>
    %dma_start3A_749 = tpu.memref_squeeze %dma_start3A_748 : memref<1x256x32xf32, #tpu.memory_space<hbm>> -> memref<256x32xf32, #tpu.memory_space<hbm>>
    %dma_start3A_750 = arith.constant 64 : i32
    %dma_start3A_751 = tpu.memref_slice %arg8[%dma_start3A_742, %mul3A_2, %dma_start3A_750] : memref<4x8192x128xf32, #tpu.memory_space<hbm>> -> memref<1x256x32xf32, #tpu.memory_space<hbm>>
    %dma_start3A_752 = tpu.memref_squeeze %dma_start3A_751 : memref<1x256x32xf32, #tpu.memory_space<hbm>> -> memref<256x32xf32, #tpu.memory_space<hbm>>
    %dma_start3A_753 = arith.constant 0 : i32
    %dma_start3A_754 = arith.constant 0 : i32
    %dma_start3A_755 = tpu.memref_slice %arg11[%dma_start3A_741, %dma_start3A_753, %dma_start3A_754] : memref<3x256x32xf32, #tpu.memory_space<vmem>> -> memref<1x256x32xf32, #tpu.memory_space<vmem>>
    %dma_start3A_756 = tpu.memref_squeeze %dma_start3A_755 : memref<1x256x32xf32, #tpu.memory_space<vmem>> -> memref<256x32xf32, #tpu.memory_space<vmem>>
    tpu.enqueue_dma source(%dma_start3A_756 : memref<256x32xf32, #tpu.memory_space<vmem>>) target(%dma_start3A_752 : memref<256x32xf32, #tpu.memory_space<hbm>>) target_semaphore(%arg14 : memref<!tpu.dma_semaphore, #tpu.memory_space<semaphore_mem>>)
    %dma_wait3A_757 = arith.constant 0 : i32
    %dma_wait3A_758 = arith.constant 1 : i32
    %dma_wait3A_759 = arith.constant 0 : i32
    %dma_wait3A_760 = arith.constant 0 : i32
    %dma_wait3A_761 = tpu.memref_slice %arg11[%dma_wait3A_757, %dma_wait3A_759, %dma_wait3A_760] : memref<3x256x32xf32, #tpu.memory_space<vmem>> -> memref<1x256x32xf32, #tpu.memory_space<vmem>>
    %dma_wait3A_762 = tpu.memref_squeeze %dma_wait3A_761 : memref<1x256x32xf32, #tpu.memory_space<vmem>> -> memref<256x32xf32, #tpu.memory_space<vmem>>
    %dma_wait3A_763 = arith.constant 64 : i32
    %dma_wait3A_764 = tpu.memref_slice %arg8[%dma_wait3A_758, %mul3A_2, %dma_wait3A_763] : memref<4x8192x128xf32, #tpu.memory_space<hbm>> -> memref<1x256x32xf32, #tpu.memory_space<hbm>>
    %dma_wait3A_765 = tpu.memref_squeeze %dma_wait3A_764 : memref<1x256x32xf32, #tpu.memory_space<hbm>> -> memref<256x32xf32, #tpu.memory_space<hbm>>
    %dma_wait3A_766 = arith.constant 64 : i32
    %dma_wait3A_767 = tpu.memref_slice %arg8[%dma_wait3A_758, %mul3A_2, %dma_wait3A_766] : memref<4x8192x128xf32, #tpu.memory_space<hbm>> -> memref<1x256x32xf32, #tpu.memory_space<hbm>>
    %dma_wait3A_768 = tpu.memref_squeeze %dma_wait3A_767 : memref<1x256x32xf32, #tpu.memory_space<hbm>> -> memref<256x32xf32, #tpu.memory_space<hbm>>
    %dma_wait3A_769 = arith.constant 0 : i32
    %dma_wait3A_770 = arith.constant 0 : i32
    %dma_wait3A_771 = tpu.memref_slice %arg11[%dma_wait3A_757, %dma_wait3A_769, %dma_wait3A_770] : memref<3x256x32xf32, #tpu.memory_space<vmem>> -> memref<1x256x32xf32, #tpu.memory_space<vmem>>
    %dma_wait3A_772 = tpu.memref_squeeze %dma_wait3A_771 : memref<1x256x32xf32, #tpu.memory_space<vmem>> -> memref<256x32xf32, #tpu.memory_space<vmem>>
    tpu.wait_dma2 semaphore(%arg14 : memref<!tpu.dma_semaphore, #tpu.memory_space<semaphore_mem>>) src(%dma_wait3A_772 : memref<256x32xf32, #tpu.memory_space<vmem>>) dst(%dma_wait3A_768 : memref<256x32xf32, #tpu.memory_space<hbm>>)
    %dma_start3A_773 = arith.constant 9 : i32
    %dma_start3A_774 = arith.constant 0 : i32
    %dma_start3A_775 = arith.constant 0 : i32
    %dma_start3A_776 = arith.constant 0 : i32
    %dma_start3A_777 = tpu.memref_slice %arg11[%dma_start3A_774, %dma_start3A_775, %dma_start3A_776] : memref<3x256x32xf32, #tpu.memory_space<vmem>> -> memref<1x256x32xf32, #tpu.memory_space<vmem>>
    %dma_start3A_778 = tpu.memref_squeeze %dma_start3A_777 : memref<1x256x32xf32, #tpu.memory_space<vmem>> -> memref<256x32xf32, #tpu.memory_space<vmem>>
    %dma_start3A_779 = arith.constant 0 : i32
    %dma_start3A_780 = tpu.memref_slice %arg9[%dma_start3A_773, %dma_start3A_779] : memref<10x256xi32, #tpu.memory_space<vmem>> -> memref<1x256xi32, #tpu.memory_space<vmem>>
    %dma_start3A_781 = tpu.memref_squeeze %dma_start3A_780 : memref<1x256xi32, #tpu.memory_space<vmem>> -> memref<256xi32, #tpu.memory_space<vmem>>
    %dma_start3A_782 = arith.constant 0 : i32
    %dma_start3A_783 = arith.constant 0 : i32
    %dma_start3A_784 = tpu.memref_slice %arg2[%dma_start3A_782, %dma_start3A_783] : memref<100000x32xf32, #tpu.memory_space<hbm>> -> memref<100000x32xf32, #tpu.memory_space<hbm>>
    tpu.enqueue_indirect_dma source(%dma_start3A_784 : memref<100000x32xf32, #tpu.memory_space<hbm>>) target(%dma_start3A_778 : memref<256x32xf32, #tpu.memory_space<vmem>>) offsets(%dma_start3A_781 : memref<256xi32, #tpu.memory_space<vmem>>) semaphore(%arg13 : memref<!tpu.dma_semaphore, #tpu.memory_space<semaphore_mem>>)
    %dma_wait3A_785 = arith.constant 7 : i32
    %dma_wait3A_786 = arith.constant 1 : i32
    %dma_wait3A_787 = arith.constant 0 : i32
    %dma_wait3A_788 = arith.constant 0 : i32
    %dma_wait3A_789 = tpu.memref_slice %arg11[%dma_wait3A_786, %dma_wait3A_787, %dma_wait3A_788] : memref<3x256x32xf32, #tpu.memory_space<vmem>> -> memref<1x256x32xf32, #tpu.memory_space<vmem>>
    %dma_wait3A_790 = tpu.memref_squeeze %dma_wait3A_789 : memref<1x256x32xf32, #tpu.memory_space<vmem>> -> memref<256x32xf32, #tpu.memory_space<vmem>>
    %dma_wait3A_791 = arith.constant 0 : i32
    %dma_wait3A_792 = tpu.memref_slice %arg9[%dma_wait3A_785, %dma_wait3A_791] : memref<10x256xi32, #tpu.memory_space<vmem>> -> memref<1x256xi32, #tpu.memory_space<vmem>>
    %dma_wait3A_793 = tpu.memref_squeeze %dma_wait3A_792 : memref<1x256xi32, #tpu.memory_space<vmem>> -> memref<256xi32, #tpu.memory_space<vmem>>
    %dma_wait3A_794 = arith.constant 0 : i32
    %dma_wait3A_795 = arith.constant 0 : i32
    %dma_wait3A_796 = tpu.memref_slice %arg2[%dma_wait3A_794, %dma_wait3A_795] : memref<100000x32xf32, #tpu.memory_space<hbm>> -> memref<100000x32xf32, #tpu.memory_space<hbm>>
    tpu.wait_indirect_dma semaphore(%arg13 : memref<!tpu.dma_semaphore, #tpu.memory_space<semaphore_mem>>) src(%dma_wait3A_796 : memref<100000x32xf32, #tpu.memory_space<hbm>>) dst(%dma_wait3A_790 : memref<256x32xf32, #tpu.memory_space<vmem>>)
    %dma_start3A_797 = arith.constant 1 : i32
    %dma_start3A_798 = arith.constant 1 : i32
    %dma_start3A_799 = arith.constant 0 : i32
    %dma_start3A_800 = arith.constant 0 : i32
    %dma_start3A_801 = tpu.memref_slice %arg11[%dma_start3A_797, %dma_start3A_799, %dma_start3A_800] : memref<3x256x32xf32, #tpu.memory_space<vmem>> -> memref<1x256x32xf32, #tpu.memory_space<vmem>>
    %dma_start3A_802 = tpu.memref_squeeze %dma_start3A_801 : memref<1x256x32xf32, #tpu.memory_space<vmem>> -> memref<256x32xf32, #tpu.memory_space<vmem>>
    %dma_start3A_803 = arith.constant 96 : i32
    %dma_start3A_804 = tpu.memref_slice %arg8[%dma_start3A_798, %mul3A_2, %dma_start3A_803] : memref<4x8192x128xf32, #tpu.memory_space<hbm>> -> memref<1x256x32xf32, #tpu.memory_space<hbm>>
    %dma_start3A_805 = tpu.memref_squeeze %dma_start3A_804 : memref<1x256x32xf32, #tpu.memory_space<hbm>> -> memref<256x32xf32, #tpu.memory_space<hbm>>
    %dma_start3A_806 = arith.constant 96 : i32
    %dma_start3A_807 = tpu.memref_slice %arg8[%dma_start3A_798, %mul3A_2, %dma_start3A_806] : memref<4x8192x128xf32, #tpu.memory_space<hbm>> -> memref<1x256x32xf32, #tpu.memory_space<hbm>>
    %dma_start3A_808 = tpu.memref_squeeze %dma_start3A_807 : memref<1x256x32xf32, #tpu.memory_space<hbm>> -> memref<256x32xf32, #tpu.memory_space<hbm>>
    %dma_start3A_809 = arith.constant 0 : i32
    %dma_start3A_810 = arith.constant 0 : i32
    %dma_start3A_811 = tpu.memref_slice %arg11[%dma_start3A_797, %dma_start3A_809, %dma_start3A_810] : memref<3x256x32xf32, #tpu.memory_space<vmem>> -> memref<1x256x32xf32, #tpu.memory_space<vmem>>
    %dma_start3A_812 = tpu.memref_squeeze %dma_start3A_811 : memref<1x256x32xf32, #tpu.memory_space<vmem>> -> memref<256x32xf32, #tpu.memory_space<vmem>>
    tpu.enqueue_dma source(%dma_start3A_812 : memref<256x32xf32, #tpu.memory_space<vmem>>) target(%dma_start3A_808 : memref<256x32xf32, #tpu.memory_space<hbm>>) target_semaphore(%arg14 : memref<!tpu.dma_semaphore, #tpu.memory_space<semaphore_mem>>)
    %dma_wait3A_813 = arith.constant 8 : i32
    %dma_wait3A_814 = arith.constant 2 : i32
    %dma_wait3A_815 = arith.constant 0 : i32
    %dma_wait3A_816 = arith.constant 0 : i32
    %dma_wait3A_817 = tpu.memref_slice %arg11[%dma_wait3A_814, %dma_wait3A_815, %dma_wait3A_816] : memref<3x256x32xf32, #tpu.memory_space<vmem>> -> memref<1x256x32xf32, #tpu.memory_space<vmem>>
    %dma_wait3A_818 = tpu.memref_squeeze %dma_wait3A_817 : memref<1x256x32xf32, #tpu.memory_space<vmem>> -> memref<256x32xf32, #tpu.memory_space<vmem>>
    %dma_wait3A_819 = arith.constant 0 : i32
    %dma_wait3A_820 = tpu.memref_slice %arg9[%dma_wait3A_813, %dma_wait3A_819] : memref<10x256xi32, #tpu.memory_space<vmem>> -> memref<1x256xi32, #tpu.memory_space<vmem>>
    %dma_wait3A_821 = tpu.memref_squeeze %dma_wait3A_820 : memref<1x256xi32, #tpu.memory_space<vmem>> -> memref<256xi32, #tpu.memory_space<vmem>>
    %dma_wait3A_822 = arith.constant 0 : i32
    %dma_wait3A_823 = arith.constant 0 : i32
    %dma_wait3A_824 = tpu.memref_slice %arg2[%dma_wait3A_822, %dma_wait3A_823] : memref<100000x32xf32, #tpu.memory_space<hbm>> -> memref<100000x32xf32, #tpu.memory_space<hbm>>
    tpu.wait_indirect_dma semaphore(%arg13 : memref<!tpu.dma_semaphore, #tpu.memory_space<semaphore_mem>>) src(%dma_wait3A_824 : memref<100000x32xf32, #tpu.memory_space<hbm>>) dst(%dma_wait3A_818 : memref<256x32xf32, #tpu.memory_space<vmem>>)
    %dma_start3A_825 = arith.constant 2 : i32
    %dma_start3A_826 = arith.constant 2 : i32
    %dma_start3A_827 = arith.constant 0 : i32
    %dma_start3A_828 = arith.constant 0 : i32
    %dma_start3A_829 = tpu.memref_slice %arg11[%dma_start3A_825, %dma_start3A_827, %dma_start3A_828] : memref<3x256x32xf32, #tpu.memory_space<vmem>> -> memref<1x256x32xf32, #tpu.memory_space<vmem>>
    %dma_start3A_830 = tpu.memref_squeeze %dma_start3A_829 : memref<1x256x32xf32, #tpu.memory_space<vmem>> -> memref<256x32xf32, #tpu.memory_space<vmem>>
    %dma_start3A_831 = arith.constant 0 : i32
    %dma_start3A_832 = tpu.memref_slice %arg8[%dma_start3A_826, %mul3A_2, %dma_start3A_831] : memref<4x8192x128xf32, #tpu.memory_space<hbm>> -> memref<1x256x32xf32, #tpu.memory_space<hbm>>
    %dma_start3A_833 = tpu.memref_squeeze %dma_start3A_832 : memref<1x256x32xf32, #tpu.memory_space<hbm>> -> memref<256x32xf32, #tpu.memory_space<hbm>>
    %dma_start3A_834 = arith.constant 0 : i32
    %dma_start3A_835 = tpu.memref_slice %arg8[%dma_start3A_826, %mul3A_2, %dma_start3A_834] : memref<4x8192x128xf32, #tpu.memory_space<hbm>> -> memref<1x256x32xf32, #tpu.memory_space<hbm>>
    %dma_start3A_836 = tpu.memref_squeeze %dma_start3A_835 : memref<1x256x32xf32, #tpu.memory_space<hbm>> -> memref<256x32xf32, #tpu.memory_space<hbm>>
    %dma_start3A_837 = arith.constant 0 : i32
    %dma_start3A_838 = arith.constant 0 : i32
    %dma_start3A_839 = tpu.memref_slice %arg11[%dma_start3A_825, %dma_start3A_837, %dma_start3A_838] : memref<3x256x32xf32, #tpu.memory_space<vmem>> -> memref<1x256x32xf32, #tpu.memory_space<vmem>>
    %dma_start3A_840 = tpu.memref_squeeze %dma_start3A_839 : memref<1x256x32xf32, #tpu.memory_space<vmem>> -> memref<256x32xf32, #tpu.memory_space<vmem>>
    tpu.enqueue_dma source(%dma_start3A_840 : memref<256x32xf32, #tpu.memory_space<vmem>>) target(%dma_start3A_836 : memref<256x32xf32, #tpu.memory_space<hbm>>) target_semaphore(%arg14 : memref<!tpu.dma_semaphore, #tpu.memory_space<semaphore_mem>>)
    %dma_wait3A_841 = arith.constant 9 : i32
    %dma_wait3A_842 = arith.constant 0 : i32
    %dma_wait3A_843 = arith.constant 0 : i32
    %dma_wait3A_844 = arith.constant 0 : i32
    %dma_wait3A_845 = tpu.memref_slice %arg11[%dma_wait3A_842, %dma_wait3A_843, %dma_wait3A_844] : memref<3x256x32xf32, #tpu.memory_space<vmem>> -> memref<1x256x32xf32, #tpu.memory_space<vmem>>
    %dma_wait3A_846 = tpu.memref_squeeze %dma_wait3A_845 : memref<1x256x32xf32, #tpu.memory_space<vmem>> -> memref<256x32xf32, #tpu.memory_space<vmem>>
    %dma_wait3A_847 = arith.constant 0 : i32
    %dma_wait3A_848 = tpu.memref_slice %arg9[%dma_wait3A_841, %dma_wait3A_847] : memref<10x256xi32, #tpu.memory_space<vmem>> -> memref<1x256xi32, #tpu.memory_space<vmem>>
    %dma_wait3A_849 = tpu.memref_squeeze %dma_wait3A_848 : memref<1x256xi32, #tpu.memory_space<vmem>> -> memref<256xi32, #tpu.memory_space<vmem>>
    %dma_wait3A_850 = arith.constant 0 : i32
    %dma_wait3A_851 = arith.constant 0 : i32
    %dma_wait3A_852 = tpu.memref_slice %arg2[%dma_wait3A_850, %dma_wait3A_851] : memref<100000x32xf32, #tpu.memory_space<hbm>> -> memref<100000x32xf32, #tpu.memory_space<hbm>>
    tpu.wait_indirect_dma semaphore(%arg13 : memref<!tpu.dma_semaphore, #tpu.memory_space<semaphore_mem>>) src(%dma_wait3A_852 : memref<100000x32xf32, #tpu.memory_space<hbm>>) dst(%dma_wait3A_846 : memref<256x32xf32, #tpu.memory_space<vmem>>)
    %dma_start3A_853 = arith.constant 0 : i32
    %dma_start3A_854 = arith.constant 2 : i32
    %dma_start3A_855 = arith.constant 0 : i32
    %dma_start3A_856 = arith.constant 0 : i32
    %dma_start3A_857 = tpu.memref_slice %arg11[%dma_start3A_853, %dma_start3A_855, %dma_start3A_856] : memref<3x256x32xf32, #tpu.memory_space<vmem>> -> memref<1x256x32xf32, #tpu.memory_space<vmem>>
    %dma_start3A_858 = tpu.memref_squeeze %dma_start3A_857 : memref<1x256x32xf32, #tpu.memory_space<vmem>> -> memref<256x32xf32, #tpu.memory_space<vmem>>
    %dma_start3A_859 = arith.constant 32 : i32
    %dma_start3A_860 = tpu.memref_slice %arg8[%dma_start3A_854, %mul3A_2, %dma_start3A_859] : memref<4x8192x128xf32, #tpu.memory_space<hbm>> -> memref<1x256x32xf32, #tpu.memory_space<hbm>>
    %dma_start3A_861 = tpu.memref_squeeze %dma_start3A_860 : memref<1x256x32xf32, #tpu.memory_space<hbm>> -> memref<256x32xf32, #tpu.memory_space<hbm>>
    %dma_start3A_862 = arith.constant 32 : i32
    %dma_start3A_863 = tpu.memref_slice %arg8[%dma_start3A_854, %mul3A_2, %dma_start3A_862] : memref<4x8192x128xf32, #tpu.memory_space<hbm>> -> memref<1x256x32xf32, #tpu.memory_space<hbm>>
    %dma_start3A_864 = tpu.memref_squeeze %dma_start3A_863 : memref<1x256x32xf32, #tpu.memory_space<hbm>> -> memref<256x32xf32, #tpu.memory_space<hbm>>
    %dma_start3A_865 = arith.constant 0 : i32
    %dma_start3A_866 = arith.constant 0 : i32
    %dma_start3A_867 = tpu.memref_slice %arg11[%dma_start3A_853, %dma_start3A_865, %dma_start3A_866] : memref<3x256x32xf32, #tpu.memory_space<vmem>> -> memref<1x256x32xf32, #tpu.memory_space<vmem>>
    %dma_start3A_868 = tpu.memref_squeeze %dma_start3A_867 : memref<1x256x32xf32, #tpu.memory_space<vmem>> -> memref<256x32xf32, #tpu.memory_space<vmem>>
    tpu.enqueue_dma source(%dma_start3A_868 : memref<256x32xf32, #tpu.memory_space<vmem>>) target(%dma_start3A_864 : memref<256x32xf32, #tpu.memory_space<hbm>>) target_semaphore(%arg14 : memref<!tpu.dma_semaphore, #tpu.memory_space<semaphore_mem>>)
    %dma_start3A_869 = arith.constant 0 : i32
    %dma_start3A_870 = arith.constant 0 : i32
    %dma_start3A_871 = arith.constant 0 : i32
    %dma_start3A_872 = arith.constant 0 : i32
    %dma_start3A_873 = tpu.memref_slice %arg12[%dma_start3A_870, %dma_start3A_871, %dma_start3A_872] : memref<3x256x16xf32, #tpu.memory_space<vmem>> -> memref<1x256x16xf32, #tpu.memory_space<vmem>>
    %dma_start3A_874 = tpu.memref_squeeze %dma_start3A_873 : memref<1x256x16xf32, #tpu.memory_space<vmem>> -> memref<256x16xf32, #tpu.memory_space<vmem>>
    %dma_start3A_875 = arith.constant 0 : i32
    %dma_start3A_876 = tpu.memref_slice %arg10[%dma_start3A_869, %dma_start3A_875] : memref<5x256xi32, #tpu.memory_space<vmem>> -> memref<1x256xi32, #tpu.memory_space<vmem>>
    %dma_start3A_877 = tpu.memref_squeeze %dma_start3A_876 : memref<1x256xi32, #tpu.memory_space<vmem>> -> memref<256xi32, #tpu.memory_space<vmem>>
    %dma_start3A_878 = arith.constant 0 : i32
    %dma_start3A_879 = arith.constant 0 : i32
    %dma_start3A_880 = tpu.memref_slice %arg6[%dma_start3A_878, %dma_start3A_879] : memref<5000x16xf32, #tpu.memory_space<hbm>> -> memref<5000x16xf32, #tpu.memory_space<hbm>>
    tpu.enqueue_indirect_dma source(%dma_start3A_880 : memref<5000x16xf32, #tpu.memory_space<hbm>>) target(%dma_start3A_874 : memref<256x16xf32, #tpu.memory_space<vmem>>) offsets(%dma_start3A_877 : memref<256xi32, #tpu.memory_space<vmem>>) semaphore(%arg13 : memref<!tpu.dma_semaphore, #tpu.memory_space<semaphore_mem>>)
    %dma_start3A_881 = arith.constant 1 : i32
    %dma_start3A_882 = arith.constant 1 : i32
    %dma_start3A_883 = arith.constant 0 : i32
    %dma_start3A_884 = arith.constant 0 : i32
    %dma_start3A_885 = tpu.memref_slice %arg12[%dma_start3A_882, %dma_start3A_883, %dma_start3A_884] : memref<3x256x16xf32, #tpu.memory_space<vmem>> -> memref<1x256x16xf32, #tpu.memory_space<vmem>>
    %dma_start3A_886 = tpu.memref_squeeze %dma_start3A_885 : memref<1x256x16xf32, #tpu.memory_space<vmem>> -> memref<256x16xf32, #tpu.memory_space<vmem>>
    %dma_start3A_887 = arith.constant 0 : i32
    %dma_start3A_888 = tpu.memref_slice %arg10[%dma_start3A_881, %dma_start3A_887] : memref<5x256xi32, #tpu.memory_space<vmem>> -> memref<1x256xi32, #tpu.memory_space<vmem>>
    %dma_start3A_889 = tpu.memref_squeeze %dma_start3A_888 : memref<1x256xi32, #tpu.memory_space<vmem>> -> memref<256xi32, #tpu.memory_space<vmem>>
    %dma_start3A_890 = arith.constant 0 : i32
    %dma_start3A_891 = arith.constant 0 : i32
    %dma_start3A_892 = tpu.memref_slice %arg6[%dma_start3A_890, %dma_start3A_891] : memref<5000x16xf32, #tpu.memory_space<hbm>> -> memref<5000x16xf32, #tpu.memory_space<hbm>>
    tpu.enqueue_indirect_dma source(%dma_start3A_892 : memref<5000x16xf32, #tpu.memory_space<hbm>>) target(%dma_start3A_886 : memref<256x16xf32, #tpu.memory_space<vmem>>) offsets(%dma_start3A_889 : memref<256xi32, #tpu.memory_space<vmem>>) semaphore(%arg13 : memref<!tpu.dma_semaphore, #tpu.memory_space<semaphore_mem>>)
    %dma_start3A_893 = arith.constant 2 : i32
    %dma_start3A_894 = arith.constant 2 : i32
    %dma_start3A_895 = arith.constant 0 : i32
    %dma_start3A_896 = arith.constant 0 : i32
    %dma_start3A_897 = tpu.memref_slice %arg12[%dma_start3A_894, %dma_start3A_895, %dma_start3A_896] : memref<3x256x16xf32, #tpu.memory_space<vmem>> -> memref<1x256x16xf32, #tpu.memory_space<vmem>>
    %dma_start3A_898 = tpu.memref_squeeze %dma_start3A_897 : memref<1x256x16xf32, #tpu.memory_space<vmem>> -> memref<256x16xf32, #tpu.memory_space<vmem>>
    %dma_start3A_899 = arith.constant 0 : i32
    %dma_start3A_900 = tpu.memref_slice %arg10[%dma_start3A_893, %dma_start3A_899] : memref<5x256xi32, #tpu.memory_space<vmem>> -> memref<1x256xi32, #tpu.memory_space<vmem>>
    %dma_start3A_901 = tpu.memref_squeeze %dma_start3A_900 : memref<1x256xi32, #tpu.memory_space<vmem>> -> memref<256xi32, #tpu.memory_space<vmem>>
    %dma_start3A_902 = arith.constant 0 : i32
    %dma_start3A_903 = arith.constant 0 : i32
    %dma_start3A_904 = tpu.memref_slice %arg6[%dma_start3A_902, %dma_start3A_903] : memref<5000x16xf32, #tpu.memory_space<hbm>> -> memref<5000x16xf32, #tpu.memory_space<hbm>>
    tpu.enqueue_indirect_dma source(%dma_start3A_904 : memref<5000x16xf32, #tpu.memory_space<hbm>>) target(%dma_start3A_898 : memref<256x16xf32, #tpu.memory_space<vmem>>) offsets(%dma_start3A_901 : memref<256xi32, #tpu.memory_space<vmem>>) semaphore(%arg13 : memref<!tpu.dma_semaphore, #tpu.memory_space<semaphore_mem>>)
    %dma_start3A_905 = arith.constant 2 : i32
    %dma_start3A_906 = arith.constant 2 : i32
    %dma_start3A_907 = arith.constant 0 : i32
    %dma_start3A_908 = arith.constant 0 : i32
    %dma_start3A_909 = tpu.memref_slice %arg11[%dma_start3A_905, %dma_start3A_907, %dma_start3A_908] : memref<3x256x32xf32, #tpu.memory_space<vmem>> -> memref<1x256x32xf32, #tpu.memory_space<vmem>>
    %dma_start3A_910 = tpu.memref_squeeze %dma_start3A_909 : memref<1x256x32xf32, #tpu.memory_space<vmem>> -> memref<256x32xf32, #tpu.memory_space<vmem>>
    %dma_start3A_911 = arith.constant 64 : i32
    %dma_start3A_912 = tpu.memref_slice %arg8[%dma_start3A_906, %mul3A_2, %dma_start3A_911] : memref<4x8192x128xf32, #tpu.memory_space<hbm>> -> memref<1x256x32xf32, #tpu.memory_space<hbm>>
    %dma_start3A_913 = tpu.memref_squeeze %dma_start3A_912 : memref<1x256x32xf32, #tpu.memory_space<hbm>> -> memref<256x32xf32, #tpu.memory_space<hbm>>
    %dma_start3A_914 = arith.constant 64 : i32
    %dma_start3A_915 = tpu.memref_slice %arg8[%dma_start3A_906, %mul3A_2, %dma_start3A_914] : memref<4x8192x128xf32, #tpu.memory_space<hbm>> -> memref<1x256x32xf32, #tpu.memory_space<hbm>>
    %dma_start3A_916 = tpu.memref_squeeze %dma_start3A_915 : memref<1x256x32xf32, #tpu.memory_space<hbm>> -> memref<256x32xf32, #tpu.memory_space<hbm>>
    %dma_start3A_917 = arith.constant 0 : i32
    %dma_start3A_918 = arith.constant 0 : i32
    %dma_start3A_919 = tpu.memref_slice %arg11[%dma_start3A_905, %dma_start3A_917, %dma_start3A_918] : memref<3x256x32xf32, #tpu.memory_space<vmem>> -> memref<1x256x32xf32, #tpu.memory_space<vmem>>
    %dma_start3A_920 = tpu.memref_squeeze %dma_start3A_919 : memref<1x256x32xf32, #tpu.memory_space<vmem>> -> memref<256x32xf32, #tpu.memory_space<vmem>>
    tpu.enqueue_dma source(%dma_start3A_920 : memref<256x32xf32, #tpu.memory_space<vmem>>) target(%dma_start3A_916 : memref<256x32xf32, #tpu.memory_space<hbm>>) target_semaphore(%arg14 : memref<!tpu.dma_semaphore, #tpu.memory_space<semaphore_mem>>)
    %dma_start3A_921 = arith.constant 2 : i32
    %dma_start3A_922 = arith.constant 2 : i32
    %dma_start3A_923 = arith.constant 0 : i32
    %dma_start3A_924 = arith.constant 0 : i32
    %dma_start3A_925 = tpu.memref_slice %arg11[%dma_start3A_921, %dma_start3A_923, %dma_start3A_924] : memref<3x256x32xf32, #tpu.memory_space<vmem>> -> memref<1x256x32xf32, #tpu.memory_space<vmem>>
    %dma_start3A_926 = tpu.memref_squeeze %dma_start3A_925 : memref<1x256x32xf32, #tpu.memory_space<vmem>> -> memref<256x32xf32, #tpu.memory_space<vmem>>
    %dma_start3A_927 = arith.constant 96 : i32
    %dma_start3A_928 = tpu.memref_slice %arg8[%dma_start3A_922, %mul3A_2, %dma_start3A_927] : memref<4x8192x128xf32, #tpu.memory_space<hbm>> -> memref<1x256x32xf32, #tpu.memory_space<hbm>>
    %dma_start3A_929 = tpu.memref_squeeze %dma_start3A_928 : memref<1x256x32xf32, #tpu.memory_space<hbm>> -> memref<256x32xf32, #tpu.memory_space<hbm>>
    %dma_start3A_930 = arith.constant 96 : i32
    %dma_start3A_931 = tpu.memref_slice %arg8[%dma_start3A_922, %mul3A_2, %dma_start3A_930] : memref<4x8192x128xf32, #tpu.memory_space<hbm>> -> memref<1x256x32xf32, #tpu.memory_space<hbm>>
    %dma_start3A_932 = tpu.memref_squeeze %dma_start3A_931 : memref<1x256x32xf32, #tpu.memory_space<hbm>> -> memref<256x32xf32, #tpu.memory_space<hbm>>
    %dma_start3A_933 = arith.constant 0 : i32
    %dma_start3A_934 = arith.constant 0 : i32
    %dma_start3A_935 = tpu.memref_slice %arg11[%dma_start3A_921, %dma_start3A_933, %dma_start3A_934] : memref<3x256x32xf32, #tpu.memory_space<vmem>> -> memref<1x256x32xf32, #tpu.memory_space<vmem>>
    %dma_start3A_936 = tpu.memref_squeeze %dma_start3A_935 : memref<1x256x32xf32, #tpu.memory_space<vmem>> -> memref<256x32xf32, #tpu.memory_space<vmem>>
    tpu.enqueue_dma source(%dma_start3A_936 : memref<256x32xf32, #tpu.memory_space<vmem>>) target(%dma_start3A_932 : memref<256x32xf32, #tpu.memory_space<hbm>>) target_semaphore(%arg14 : memref<!tpu.dma_semaphore, #tpu.memory_space<semaphore_mem>>)
    %dma_wait3A_937 = arith.constant 0 : i32
    %dma_wait3A_938 = arith.constant 0 : i32
    %dma_wait3A_939 = arith.constant 0 : i32
    %dma_wait3A_940 = arith.constant 0 : i32
    %dma_wait3A_941 = tpu.memref_slice %arg12[%dma_wait3A_938, %dma_wait3A_939, %dma_wait3A_940] : memref<3x256x16xf32, #tpu.memory_space<vmem>> -> memref<1x256x16xf32, #tpu.memory_space<vmem>>
    %dma_wait3A_942 = tpu.memref_squeeze %dma_wait3A_941 : memref<1x256x16xf32, #tpu.memory_space<vmem>> -> memref<256x16xf32, #tpu.memory_space<vmem>>
    %dma_wait3A_943 = arith.constant 0 : i32
    %dma_wait3A_944 = tpu.memref_slice %arg10[%dma_wait3A_937, %dma_wait3A_943] : memref<5x256xi32, #tpu.memory_space<vmem>> -> memref<1x256xi32, #tpu.memory_space<vmem>>
    %dma_wait3A_945 = tpu.memref_squeeze %dma_wait3A_944 : memref<1x256xi32, #tpu.memory_space<vmem>> -> memref<256xi32, #tpu.memory_space<vmem>>
    %dma_wait3A_946 = arith.constant 0 : i32
    %dma_wait3A_947 = arith.constant 0 : i32
    %dma_wait3A_948 = tpu.memref_slice %arg6[%dma_wait3A_946, %dma_wait3A_947] : memref<5000x16xf32, #tpu.memory_space<hbm>> -> memref<5000x16xf32, #tpu.memory_space<hbm>>
    tpu.wait_indirect_dma semaphore(%arg13 : memref<!tpu.dma_semaphore, #tpu.memory_space<semaphore_mem>>) src(%dma_wait3A_948 : memref<5000x16xf32, #tpu.memory_space<hbm>>) dst(%dma_wait3A_942 : memref<256x16xf32, #tpu.memory_space<vmem>>)
    %dma_start3A_949 = arith.constant 0 : i32
    %dma_start3A_950 = arith.constant 3 : i32
    %dma_start3A_951 = arith.constant 0 : i32
    %dma_start3A_952 = arith.constant 0 : i32
    %dma_start3A_953 = tpu.memref_slice %arg12[%dma_start3A_949, %dma_start3A_951, %dma_start3A_952] : memref<3x256x16xf32, #tpu.memory_space<vmem>> -> memref<1x256x16xf32, #tpu.memory_space<vmem>>
    %dma_start3A_954 = tpu.memref_squeeze %dma_start3A_953 : memref<1x256x16xf32, #tpu.memory_space<vmem>> -> memref<256x16xf32, #tpu.memory_space<vmem>>
    %dma_start3A_955 = arith.constant 0 : i32
    %dma_start3A_956 = tpu.memref_slice %arg8[%dma_start3A_950, %mul3A_2, %dma_start3A_955] : memref<4x8192x128xf32, #tpu.memory_space<hbm>> -> memref<1x256x16xf32, #tpu.memory_space<hbm>>
    %dma_start3A_957 = tpu.memref_squeeze %dma_start3A_956 : memref<1x256x16xf32, #tpu.memory_space<hbm>> -> memref<256x16xf32, #tpu.memory_space<hbm>>
    %dma_start3A_958 = arith.constant 0 : i32
    %dma_start3A_959 = tpu.memref_slice %arg8[%dma_start3A_950, %mul3A_2, %dma_start3A_958] : memref<4x8192x128xf32, #tpu.memory_space<hbm>> -> memref<1x256x16xf32, #tpu.memory_space<hbm>>
    %dma_start3A_960 = tpu.memref_squeeze %dma_start3A_959 : memref<1x256x16xf32, #tpu.memory_space<hbm>> -> memref<256x16xf32, #tpu.memory_space<hbm>>
    %dma_start3A_961 = arith.constant 0 : i32
    %dma_start3A_962 = arith.constant 0 : i32
    %dma_start3A_963 = tpu.memref_slice %arg12[%dma_start3A_949, %dma_start3A_961, %dma_start3A_962] : memref<3x256x16xf32, #tpu.memory_space<vmem>> -> memref<1x256x16xf32, #tpu.memory_space<vmem>>
    %dma_start3A_964 = tpu.memref_squeeze %dma_start3A_963 : memref<1x256x16xf32, #tpu.memory_space<vmem>> -> memref<256x16xf32, #tpu.memory_space<vmem>>
    tpu.enqueue_dma source(%dma_start3A_964 : memref<256x16xf32, #tpu.memory_space<vmem>>) target(%dma_start3A_960 : memref<256x16xf32, #tpu.memory_space<hbm>>) target_semaphore(%arg14 : memref<!tpu.dma_semaphore, #tpu.memory_space<semaphore_mem>>)
    %dma_wait3A_965 = arith.constant 0 : i32
    %dma_wait3A_966 = arith.constant 3 : i32
    %dma_wait3A_967 = arith.constant 0 : i32
    %dma_wait3A_968 = arith.constant 0 : i32
    %dma_wait3A_969 = tpu.memref_slice %arg12[%dma_wait3A_965, %dma_wait3A_967, %dma_wait3A_968] : memref<3x256x16xf32, #tpu.memory_space<vmem>> -> memref<1x256x16xf32, #tpu.memory_space<vmem>>
    %dma_wait3A_970 = tpu.memref_squeeze %dma_wait3A_969 : memref<1x256x16xf32, #tpu.memory_space<vmem>> -> memref<256x16xf32, #tpu.memory_space<vmem>>
    %dma_wait3A_971 = arith.constant 0 : i32
    %dma_wait3A_972 = tpu.memref_slice %arg8[%dma_wait3A_966, %mul3A_2, %dma_wait3A_971] : memref<4x8192x128xf32, #tpu.memory_space<hbm>> -> memref<1x256x16xf32, #tpu.memory_space<hbm>>
    %dma_wait3A_973 = tpu.memref_squeeze %dma_wait3A_972 : memref<1x256x16xf32, #tpu.memory_space<hbm>> -> memref<256x16xf32, #tpu.memory_space<hbm>>
    %dma_wait3A_974 = arith.constant 0 : i32
    %dma_wait3A_975 = tpu.memref_slice %arg8[%dma_wait3A_966, %mul3A_2, %dma_wait3A_974] : memref<4x8192x128xf32, #tpu.memory_space<hbm>> -> memref<1x256x16xf32, #tpu.memory_space<hbm>>
    %dma_wait3A_976 = tpu.memref_squeeze %dma_wait3A_975 : memref<1x256x16xf32, #tpu.memory_space<hbm>> -> memref<256x16xf32, #tpu.memory_space<hbm>>
    %dma_wait3A_977 = arith.constant 0 : i32
    %dma_wait3A_978 = arith.constant 0 : i32
    %dma_wait3A_979 = tpu.memref_slice %arg12[%dma_wait3A_965, %dma_wait3A_977, %dma_wait3A_978] : memref<3x256x16xf32, #tpu.memory_space<vmem>> -> memref<1x256x16xf32, #tpu.memory_space<vmem>>
    %dma_wait3A_980 = tpu.memref_squeeze %dma_wait3A_979 : memref<1x256x16xf32, #tpu.memory_space<vmem>> -> memref<256x16xf32, #tpu.memory_space<vmem>>
    tpu.wait_dma2 semaphore(%arg14 : memref<!tpu.dma_semaphore, #tpu.memory_space<semaphore_mem>>) src(%dma_wait3A_980 : memref<256x16xf32, #tpu.memory_space<vmem>>) dst(%dma_wait3A_976 : memref<256x16xf32, #tpu.memory_space<hbm>>)
    %dma_start3A_981 = arith.constant 3 : i32
    %dma_start3A_982 = arith.constant 0 : i32
    %dma_start3A_983 = arith.constant 0 : i32
    %dma_start3A_984 = arith.constant 0 : i32
    %dma_start3A_985 = tpu.memref_slice %arg12[%dma_start3A_982, %dma_start3A_983, %dma_start3A_984] : memref<3x256x16xf32, #tpu.memory_space<vmem>> -> memref<1x256x16xf32, #tpu.memory_space<vmem>>
    %dma_start3A_986 = tpu.memref_squeeze %dma_start3A_985 : memref<1x256x16xf32, #tpu.memory_space<vmem>> -> memref<256x16xf32, #tpu.memory_space<vmem>>
    %dma_start3A_987 = arith.constant 0 : i32
    %dma_start3A_988 = tpu.memref_slice %arg10[%dma_start3A_981, %dma_start3A_987] : memref<5x256xi32, #tpu.memory_space<vmem>> -> memref<1x256xi32, #tpu.memory_space<vmem>>
    %dma_start3A_989 = tpu.memref_squeeze %dma_start3A_988 : memref<1x256xi32, #tpu.memory_space<vmem>> -> memref<256xi32, #tpu.memory_space<vmem>>
    %dma_start3A_990 = arith.constant 0 : i32
    %dma_start3A_991 = arith.constant 0 : i32
    %dma_start3A_992 = tpu.memref_slice %arg6[%dma_start3A_990, %dma_start3A_991] : memref<5000x16xf32, #tpu.memory_space<hbm>> -> memref<5000x16xf32, #tpu.memory_space<hbm>>
    tpu.enqueue_indirect_dma source(%dma_start3A_992 : memref<5000x16xf32, #tpu.memory_space<hbm>>) target(%dma_start3A_986 : memref<256x16xf32, #tpu.memory_space<vmem>>) offsets(%dma_start3A_989 : memref<256xi32, #tpu.memory_space<vmem>>) semaphore(%arg13 : memref<!tpu.dma_semaphore, #tpu.memory_space<semaphore_mem>>)
    %dma_wait3A_993 = arith.constant 1 : i32
    %dma_wait3A_994 = arith.constant 1 : i32
    %dma_wait3A_995 = arith.constant 0 : i32
    %dma_wait3A_996 = arith.constant 0 : i32
    %dma_wait3A_997 = tpu.memref_slice %arg12[%dma_wait3A_994, %dma_wait3A_995, %dma_wait3A_996] : memref<3x256x16xf32, #tpu.memory_space<vmem>> -> memref<1x256x16xf32, #tpu.memory_space<vmem>>
    %dma_wait3A_998 = tpu.memref_squeeze %dma_wait3A_997 : memref<1x256x16xf32, #tpu.memory_space<vmem>> -> memref<256x16xf32, #tpu.memory_space<vmem>>
    %dma_wait3A_999 = arith.constant 0 : i32
    %dma_wait3A_1000 = tpu.memref_slice %arg10[%dma_wait3A_993, %dma_wait3A_999] : memref<5x256xi32, #tpu.memory_space<vmem>> -> memref<1x256xi32, #tpu.memory_space<vmem>>
    %dma_wait3A_1001 = tpu.memref_squeeze %dma_wait3A_1000 : memref<1x256xi32, #tpu.memory_space<vmem>> -> memref<256xi32, #tpu.memory_space<vmem>>
    %dma_wait3A_1002 = arith.constant 0 : i32
    %dma_wait3A_1003 = arith.constant 0 : i32
    %dma_wait3A_1004 = tpu.memref_slice %arg6[%dma_wait3A_1002, %dma_wait3A_1003] : memref<5000x16xf32, #tpu.memory_space<hbm>> -> memref<5000x16xf32, #tpu.memory_space<hbm>>
    tpu.wait_indirect_dma semaphore(%arg13 : memref<!tpu.dma_semaphore, #tpu.memory_space<semaphore_mem>>) src(%dma_wait3A_1004 : memref<5000x16xf32, #tpu.memory_space<hbm>>) dst(%dma_wait3A_998 : memref<256x16xf32, #tpu.memory_space<vmem>>)
    %dma_start3A_1005 = arith.constant 1 : i32
    %dma_start3A_1006 = arith.constant 3 : i32
    %dma_start3A_1007 = arith.constant 0 : i32
    %dma_start3A_1008 = arith.constant 0 : i32
    %dma_start3A_1009 = tpu.memref_slice %arg12[%dma_start3A_1005, %dma_start3A_1007, %dma_start3A_1008] : memref<3x256x16xf32, #tpu.memory_space<vmem>> -> memref<1x256x16xf32, #tpu.memory_space<vmem>>
    %dma_start3A_1010 = tpu.memref_squeeze %dma_start3A_1009 : memref<1x256x16xf32, #tpu.memory_space<vmem>> -> memref<256x16xf32, #tpu.memory_space<vmem>>
    %dma_start3A_1011 = arith.constant 16 : i32
    %dma_start3A_1012 = tpu.memref_slice %arg8[%dma_start3A_1006, %mul3A_2, %dma_start3A_1011] : memref<4x8192x128xf32, #tpu.memory_space<hbm>> -> memref<1x256x16xf32, #tpu.memory_space<hbm>>
    %dma_start3A_1013 = tpu.memref_squeeze %dma_start3A_1012 : memref<1x256x16xf32, #tpu.memory_space<hbm>> -> memref<256x16xf32, #tpu.memory_space<hbm>>
    %dma_start3A_1014 = arith.constant 16 : i32
    %dma_start3A_1015 = tpu.memref_slice %arg8[%dma_start3A_1006, %mul3A_2, %dma_start3A_1014] : memref<4x8192x128xf32, #tpu.memory_space<hbm>> -> memref<1x256x16xf32, #tpu.memory_space<hbm>>
    %dma_start3A_1016 = tpu.memref_squeeze %dma_start3A_1015 : memref<1x256x16xf32, #tpu.memory_space<hbm>> -> memref<256x16xf32, #tpu.memory_space<hbm>>
    %dma_start3A_1017 = arith.constant 0 : i32
    %dma_start3A_1018 = arith.constant 0 : i32
    %dma_start3A_1019 = tpu.memref_slice %arg12[%dma_start3A_1005, %dma_start3A_1017, %dma_start3A_1018] : memref<3x256x16xf32, #tpu.memory_space<vmem>> -> memref<1x256x16xf32, #tpu.memory_space<vmem>>
    %dma_start3A_1020 = tpu.memref_squeeze %dma_start3A_1019 : memref<1x256x16xf32, #tpu.memory_space<vmem>> -> memref<256x16xf32, #tpu.memory_space<vmem>>
    tpu.enqueue_dma source(%dma_start3A_1020 : memref<256x16xf32, #tpu.memory_space<vmem>>) target(%dma_start3A_1016 : memref<256x16xf32, #tpu.memory_space<hbm>>) target_semaphore(%arg14 : memref<!tpu.dma_semaphore, #tpu.memory_space<semaphore_mem>>)
    %dma_wait3A_1021 = arith.constant 1 : i32
    %dma_wait3A_1022 = arith.constant 3 : i32
    %dma_wait3A_1023 = arith.constant 0 : i32
    %dma_wait3A_1024 = arith.constant 0 : i32
    %dma_wait3A_1025 = tpu.memref_slice %arg12[%dma_wait3A_1021, %dma_wait3A_1023, %dma_wait3A_1024] : memref<3x256x16xf32, #tpu.memory_space<vmem>> -> memref<1x256x16xf32, #tpu.memory_space<vmem>>
    %dma_wait3A_1026 = tpu.memref_squeeze %dma_wait3A_1025 : memref<1x256x16xf32, #tpu.memory_space<vmem>> -> memref<256x16xf32, #tpu.memory_space<vmem>>
    %dma_wait3A_1027 = arith.constant 16 : i32
    %dma_wait3A_1028 = tpu.memref_slice %arg8[%dma_wait3A_1022, %mul3A_2, %dma_wait3A_1027] : memref<4x8192x128xf32, #tpu.memory_space<hbm>> -> memref<1x256x16xf32, #tpu.memory_space<hbm>>
    %dma_wait3A_1029 = tpu.memref_squeeze %dma_wait3A_1028 : memref<1x256x16xf32, #tpu.memory_space<hbm>> -> memref<256x16xf32, #tpu.memory_space<hbm>>
    %dma_wait3A_1030 = arith.constant 16 : i32
    %dma_wait3A_1031 = tpu.memref_slice %arg8[%dma_wait3A_1022, %mul3A_2, %dma_wait3A_1030] : memref<4x8192x128xf32, #tpu.memory_space<hbm>> -> memref<1x256x16xf32, #tpu.memory_space<hbm>>
    %dma_wait3A_1032 = tpu.memref_squeeze %dma_wait3A_1031 : memref<1x256x16xf32, #tpu.memory_space<hbm>> -> memref<256x16xf32, #tpu.memory_space<hbm>>
    %dma_wait3A_1033 = arith.constant 0 : i32
    %dma_wait3A_1034 = arith.constant 0 : i32
    %dma_wait3A_1035 = tpu.memref_slice %arg12[%dma_wait3A_1021, %dma_wait3A_1033, %dma_wait3A_1034] : memref<3x256x16xf32, #tpu.memory_space<vmem>> -> memref<1x256x16xf32, #tpu.memory_space<vmem>>
    %dma_wait3A_1036 = tpu.memref_squeeze %dma_wait3A_1035 : memref<1x256x16xf32, #tpu.memory_space<vmem>> -> memref<256x16xf32, #tpu.memory_space<vmem>>
    tpu.wait_dma2 semaphore(%arg14 : memref<!tpu.dma_semaphore, #tpu.memory_space<semaphore_mem>>) src(%dma_wait3A_1036 : memref<256x16xf32, #tpu.memory_space<vmem>>) dst(%dma_wait3A_1032 : memref<256x16xf32, #tpu.memory_space<hbm>>)
    %dma_start3A_1037 = arith.constant 4 : i32
    %dma_start3A_1038 = arith.constant 1 : i32
    %dma_start3A_1039 = arith.constant 0 : i32
    %dma_start3A_1040 = arith.constant 0 : i32
    %dma_start3A_1041 = tpu.memref_slice %arg12[%dma_start3A_1038, %dma_start3A_1039, %dma_start3A_1040] : memref<3x256x16xf32, #tpu.memory_space<vmem>> -> memref<1x256x16xf32, #tpu.memory_space<vmem>>
    %dma_start3A_1042 = tpu.memref_squeeze %dma_start3A_1041 : memref<1x256x16xf32, #tpu.memory_space<vmem>> -> memref<256x16xf32, #tpu.memory_space<vmem>>
    %dma_start3A_1043 = arith.constant 0 : i32
    %dma_start3A_1044 = tpu.memref_slice %arg10[%dma_start3A_1037, %dma_start3A_1043] : memref<5x256xi32, #tpu.memory_space<vmem>> -> memref<1x256xi32, #tpu.memory_space<vmem>>
    %dma_start3A_1045 = tpu.memref_squeeze %dma_start3A_1044 : memref<1x256xi32, #tpu.memory_space<vmem>> -> memref<256xi32, #tpu.memory_space<vmem>>
    %dma_start3A_1046 = arith.constant 0 : i32
    %dma_start3A_1047 = arith.constant 0 : i32
    %dma_start3A_1048 = tpu.memref_slice %arg6[%dma_start3A_1046, %dma_start3A_1047] : memref<5000x16xf32, #tpu.memory_space<hbm>> -> memref<5000x16xf32, #tpu.memory_space<hbm>>
    tpu.enqueue_indirect_dma source(%dma_start3A_1048 : memref<5000x16xf32, #tpu.memory_space<hbm>>) target(%dma_start3A_1042 : memref<256x16xf32, #tpu.memory_space<vmem>>) offsets(%dma_start3A_1045 : memref<256xi32, #tpu.memory_space<vmem>>) semaphore(%arg13 : memref<!tpu.dma_semaphore, #tpu.memory_space<semaphore_mem>>)
    %dma_wait3A_1049 = arith.constant 2 : i32
    %dma_wait3A_1050 = arith.constant 2 : i32
    %dma_wait3A_1051 = arith.constant 0 : i32
    %dma_wait3A_1052 = arith.constant 0 : i32
    %dma_wait3A_1053 = tpu.memref_slice %arg12[%dma_wait3A_1050, %dma_wait3A_1051, %dma_wait3A_1052] : memref<3x256x16xf32, #tpu.memory_space<vmem>> -> memref<1x256x16xf32, #tpu.memory_space<vmem>>
    %dma_wait3A_1054 = tpu.memref_squeeze %dma_wait3A_1053 : memref<1x256x16xf32, #tpu.memory_space<vmem>> -> memref<256x16xf32, #tpu.memory_space<vmem>>
    %dma_wait3A_1055 = arith.constant 0 : i32
    %dma_wait3A_1056 = tpu.memref_slice %arg10[%dma_wait3A_1049, %dma_wait3A_1055] : memref<5x256xi32, #tpu.memory_space<vmem>> -> memref<1x256xi32, #tpu.memory_space<vmem>>
    %dma_wait3A_1057 = tpu.memref_squeeze %dma_wait3A_1056 : memref<1x256xi32, #tpu.memory_space<vmem>> -> memref<256xi32, #tpu.memory_space<vmem>>
    %dma_wait3A_1058 = arith.constant 0 : i32
    %dma_wait3A_1059 = arith.constant 0 : i32
    %dma_wait3A_1060 = tpu.memref_slice %arg6[%dma_wait3A_1058, %dma_wait3A_1059] : memref<5000x16xf32, #tpu.memory_space<hbm>> -> memref<5000x16xf32, #tpu.memory_space<hbm>>
    tpu.wait_indirect_dma semaphore(%arg13 : memref<!tpu.dma_semaphore, #tpu.memory_space<semaphore_mem>>) src(%dma_wait3A_1060 : memref<5000x16xf32, #tpu.memory_space<hbm>>) dst(%dma_wait3A_1054 : memref<256x16xf32, #tpu.memory_space<vmem>>)
    %dma_start3A_1061 = arith.constant 2 : i32
    %dma_start3A_1062 = arith.constant 3 : i32
    %dma_start3A_1063 = arith.constant 0 : i32
    %dma_start3A_1064 = arith.constant 0 : i32
    %dma_start3A_1065 = tpu.memref_slice %arg12[%dma_start3A_1061, %dma_start3A_1063, %dma_start3A_1064] : memref<3x256x16xf32, #tpu.memory_space<vmem>> -> memref<1x256x16xf32, #tpu.memory_space<vmem>>
    %dma_start3A_1066 = tpu.memref_squeeze %dma_start3A_1065 : memref<1x256x16xf32, #tpu.memory_space<vmem>> -> memref<256x16xf32, #tpu.memory_space<vmem>>
    %dma_start3A_1067 = arith.constant 32 : i32
    %dma_start3A_1068 = tpu.memref_slice %arg8[%dma_start3A_1062, %mul3A_2, %dma_start3A_1067] : memref<4x8192x128xf32, #tpu.memory_space<hbm>> -> memref<1x256x16xf32, #tpu.memory_space<hbm>>
    %dma_start3A_1069 = tpu.memref_squeeze %dma_start3A_1068 : memref<1x256x16xf32, #tpu.memory_space<hbm>> -> memref<256x16xf32, #tpu.memory_space<hbm>>
    %dma_start3A_1070 = arith.constant 32 : i32
    %dma_start3A_1071 = tpu.memref_slice %arg8[%dma_start3A_1062, %mul3A_2, %dma_start3A_1070] : memref<4x8192x128xf32, #tpu.memory_space<hbm>> -> memref<1x256x16xf32, #tpu.memory_space<hbm>>
    %dma_start3A_1072 = tpu.memref_squeeze %dma_start3A_1071 : memref<1x256x16xf32, #tpu.memory_space<hbm>> -> memref<256x16xf32, #tpu.memory_space<hbm>>
    %dma_start3A_1073 = arith.constant 0 : i32
    %dma_start3A_1074 = arith.constant 0 : i32
    %dma_start3A_1075 = tpu.memref_slice %arg12[%dma_start3A_1061, %dma_start3A_1073, %dma_start3A_1074] : memref<3x256x16xf32, #tpu.memory_space<vmem>> -> memref<1x256x16xf32, #tpu.memory_space<vmem>>
    %dma_start3A_1076 = tpu.memref_squeeze %dma_start3A_1075 : memref<1x256x16xf32, #tpu.memory_space<vmem>> -> memref<256x16xf32, #tpu.memory_space<vmem>>
    tpu.enqueue_dma source(%dma_start3A_1076 : memref<256x16xf32, #tpu.memory_space<vmem>>) target(%dma_start3A_1072 : memref<256x16xf32, #tpu.memory_space<hbm>>) target_semaphore(%arg14 : memref<!tpu.dma_semaphore, #tpu.memory_space<semaphore_mem>>)
    %dma_wait3A_1077 = arith.constant 3 : i32
    %dma_wait3A_1078 = arith.constant 0 : i32
    %dma_wait3A_1079 = arith.constant 0 : i32
    %dma_wait3A_1080 = arith.constant 0 : i32
    %dma_wait3A_1081 = tpu.memref_slice %arg12[%dma_wait3A_1078, %dma_wait3A_1079, %dma_wait3A_1080] : memref<3x256x16xf32, #tpu.memory_space<vmem>> -> memref<1x256x16xf32, #tpu.memory_space<vmem>>
    %dma_wait3A_1082 = tpu.memref_squeeze %dma_wait3A_1081 : memref<1x256x16xf32, #tpu.memory_space<vmem>> -> memref<256x16xf32, #tpu.memory_space<vmem>>
    %dma_wait3A_1083 = arith.constant 0 : i32
    %dma_wait3A_1084 = tpu.memref_slice %arg10[%dma_wait3A_1077, %dma_wait3A_1083] : memref<5x256xi32, #tpu.memory_space<vmem>> -> memref<1x256xi32, #tpu.memory_space<vmem>>
    %dma_wait3A_1085 = tpu.memref_squeeze %dma_wait3A_1084 : memref<1x256xi32, #tpu.memory_space<vmem>> -> memref<256xi32, #tpu.memory_space<vmem>>
    %dma_wait3A_1086 = arith.constant 0 : i32
    %dma_wait3A_1087 = arith.constant 0 : i32
    %dma_wait3A_1088 = tpu.memref_slice %arg6[%dma_wait3A_1086, %dma_wait3A_1087] : memref<5000x16xf32, #tpu.memory_space<hbm>> -> memref<5000x16xf32, #tpu.memory_space<hbm>>
    tpu.wait_indirect_dma semaphore(%arg13 : memref<!tpu.dma_semaphore, #tpu.memory_space<semaphore_mem>>) src(%dma_wait3A_1088 : memref<5000x16xf32, #tpu.memory_space<hbm>>) dst(%dma_wait3A_1082 : memref<256x16xf32, #tpu.memory_space<vmem>>)
    %dma_start3A_1089 = arith.constant 0 : i32
    %dma_start3A_1090 = arith.constant 3 : i32
    %dma_start3A_1091 = arith.constant 0 : i32
    %dma_start3A_1092 = arith.constant 0 : i32
    %dma_start3A_1093 = tpu.memref_slice %arg12[%dma_start3A_1089, %dma_start3A_1091, %dma_start3A_1092] : memref<3x256x16xf32, #tpu.memory_space<vmem>> -> memref<1x256x16xf32, #tpu.memory_space<vmem>>
    %dma_start3A_1094 = tpu.memref_squeeze %dma_start3A_1093 : memref<1x256x16xf32, #tpu.memory_space<vmem>> -> memref<256x16xf32, #tpu.memory_space<vmem>>
    %dma_start3A_1095 = arith.constant 48 : i32
    %dma_start3A_1096 = tpu.memref_slice %arg8[%dma_start3A_1090, %mul3A_2, %dma_start3A_1095] : memref<4x8192x128xf32, #tpu.memory_space<hbm>> -> memref<1x256x16xf32, #tpu.memory_space<hbm>>
    %dma_start3A_1097 = tpu.memref_squeeze %dma_start3A_1096 : memref<1x256x16xf32, #tpu.memory_space<hbm>> -> memref<256x16xf32, #tpu.memory_space<hbm>>
    %dma_start3A_1098 = arith.constant 48 : i32
    %dma_start3A_1099 = tpu.memref_slice %arg8[%dma_start3A_1090, %mul3A_2, %dma_start3A_1098] : memref<4x8192x128xf32, #tpu.memory_space<hbm>> -> memref<1x256x16xf32, #tpu.memory_space<hbm>>
    %dma_start3A_1100 = tpu.memref_squeeze %dma_start3A_1099 : memref<1x256x16xf32, #tpu.memory_space<hbm>> -> memref<256x16xf32, #tpu.memory_space<hbm>>
    %dma_start3A_1101 = arith.constant 0 : i32
    %dma_start3A_1102 = arith.constant 0 : i32
    %dma_start3A_1103 = tpu.memref_slice %arg12[%dma_start3A_1089, %dma_start3A_1101, %dma_start3A_1102] : memref<3x256x16xf32, #tpu.memory_space<vmem>> -> memref<1x256x16xf32, #tpu.memory_space<vmem>>
    %dma_start3A_1104 = tpu.memref_squeeze %dma_start3A_1103 : memref<1x256x16xf32, #tpu.memory_space<vmem>> -> memref<256x16xf32, #tpu.memory_space<vmem>>
    tpu.enqueue_dma source(%dma_start3A_1104 : memref<256x16xf32, #tpu.memory_space<vmem>>) target(%dma_start3A_1100 : memref<256x16xf32, #tpu.memory_space<hbm>>) target_semaphore(%arg14 : memref<!tpu.dma_semaphore, #tpu.memory_space<semaphore_mem>>)
    %dma_wait3A_1105 = arith.constant 4 : i32
    %dma_wait3A_1106 = arith.constant 1 : i32
    %dma_wait3A_1107 = arith.constant 0 : i32
    %dma_wait3A_1108 = arith.constant 0 : i32
    %dma_wait3A_1109 = tpu.memref_slice %arg12[%dma_wait3A_1106, %dma_wait3A_1107, %dma_wait3A_1108] : memref<3x256x16xf32, #tpu.memory_space<vmem>> -> memref<1x256x16xf32, #tpu.memory_space<vmem>>
    %dma_wait3A_1110 = tpu.memref_squeeze %dma_wait3A_1109 : memref<1x256x16xf32, #tpu.memory_space<vmem>> -> memref<256x16xf32, #tpu.memory_space<vmem>>
    %dma_wait3A_1111 = arith.constant 0 : i32
    %dma_wait3A_1112 = tpu.memref_slice %arg10[%dma_wait3A_1105, %dma_wait3A_1111] : memref<5x256xi32, #tpu.memory_space<vmem>> -> memref<1x256xi32, #tpu.memory_space<vmem>>
    %dma_wait3A_1113 = tpu.memref_squeeze %dma_wait3A_1112 : memref<1x256xi32, #tpu.memory_space<vmem>> -> memref<256xi32, #tpu.memory_space<vmem>>
    %dma_wait3A_1114 = arith.constant 0 : i32
    %dma_wait3A_1115 = arith.constant 0 : i32
    %dma_wait3A_1116 = tpu.memref_slice %arg6[%dma_wait3A_1114, %dma_wait3A_1115] : memref<5000x16xf32, #tpu.memory_space<hbm>> -> memref<5000x16xf32, #tpu.memory_space<hbm>>
    tpu.wait_indirect_dma semaphore(%arg13 : memref<!tpu.dma_semaphore, #tpu.memory_space<semaphore_mem>>) src(%dma_wait3A_1116 : memref<5000x16xf32, #tpu.memory_space<hbm>>) dst(%dma_wait3A_1110 : memref<256x16xf32, #tpu.memory_space<vmem>>)
    %dma_start3A_1117 = arith.constant 1 : i32
    %dma_start3A_1118 = arith.constant 3 : i32
    %dma_start3A_1119 = arith.constant 0 : i32
    %dma_start3A_1120 = arith.constant 0 : i32
    %dma_start3A_1121 = tpu.memref_slice %arg12[%dma_start3A_1117, %dma_start3A_1119, %dma_start3A_1120] : memref<3x256x16xf32, #tpu.memory_space<vmem>> -> memref<1x256x16xf32, #tpu.memory_space<vmem>>
    %dma_start3A_1122 = tpu.memref_squeeze %dma_start3A_1121 : memref<1x256x16xf32, #tpu.memory_space<vmem>> -> memref<256x16xf32, #tpu.memory_space<vmem>>
    %dma_start3A_1123 = arith.constant 64 : i32
    %dma_start3A_1124 = tpu.memref_slice %arg8[%dma_start3A_1118, %mul3A_2, %dma_start3A_1123] : memref<4x8192x128xf32, #tpu.memory_space<hbm>> -> memref<1x256x16xf32, #tpu.memory_space<hbm>>
    %dma_start3A_1125 = tpu.memref_squeeze %dma_start3A_1124 : memref<1x256x16xf32, #tpu.memory_space<hbm>> -> memref<256x16xf32, #tpu.memory_space<hbm>>
    %dma_start3A_1126 = arith.constant 64 : i32
    %dma_start3A_1127 = tpu.memref_slice %arg8[%dma_start3A_1118, %mul3A_2, %dma_start3A_1126] : memref<4x8192x128xf32, #tpu.memory_space<hbm>> -> memref<1x256x16xf32, #tpu.memory_space<hbm>>
    %dma_start3A_1128 = tpu.memref_squeeze %dma_start3A_1127 : memref<1x256x16xf32, #tpu.memory_space<hbm>> -> memref<256x16xf32, #tpu.memory_space<hbm>>
    %dma_start3A_1129 = arith.constant 0 : i32
    %dma_start3A_1130 = arith.constant 0 : i32
    %dma_start3A_1131 = tpu.memref_slice %arg12[%dma_start3A_1117, %dma_start3A_1129, %dma_start3A_1130] : memref<3x256x16xf32, #tpu.memory_space<vmem>> -> memref<1x256x16xf32, #tpu.memory_space<vmem>>
    %dma_start3A_1132 = tpu.memref_squeeze %dma_start3A_1131 : memref<1x256x16xf32, #tpu.memory_space<vmem>> -> memref<256x16xf32, #tpu.memory_space<vmem>>
    tpu.enqueue_dma source(%dma_start3A_1132 : memref<256x16xf32, #tpu.memory_space<vmem>>) target(%dma_start3A_1128 : memref<256x16xf32, #tpu.memory_space<hbm>>) target_semaphore(%arg14 : memref<!tpu.dma_semaphore, #tpu.memory_space<semaphore_mem>>)
    %dma_start3A_1133 = arith.constant 1 : i32
    %dma_start3A_1134 = arith.constant 3 : i32
    %dma_start3A_1135 = arith.constant 0 : i32
    %dma_start3A_1136 = arith.constant 0 : i32
    %dma_start3A_1137 = tpu.memref_slice %arg12[%dma_start3A_1133, %dma_start3A_1135, %dma_start3A_1136] : memref<3x256x16xf32, #tpu.memory_space<vmem>> -> memref<1x256x16xf32, #tpu.memory_space<vmem>>
    %dma_start3A_1138 = tpu.memref_squeeze %dma_start3A_1137 : memref<1x256x16xf32, #tpu.memory_space<vmem>> -> memref<256x16xf32, #tpu.memory_space<vmem>>
    %dma_start3A_1139 = arith.constant 80 : i32
    %dma_start3A_1140 = tpu.memref_slice %arg8[%dma_start3A_1134, %mul3A_2, %dma_start3A_1139] : memref<4x8192x128xf32, #tpu.memory_space<hbm>> -> memref<1x256x16xf32, #tpu.memory_space<hbm>>
    %dma_start3A_1141 = tpu.memref_squeeze %dma_start3A_1140 : memref<1x256x16xf32, #tpu.memory_space<hbm>> -> memref<256x16xf32, #tpu.memory_space<hbm>>
    %dma_start3A_1142 = arith.constant 80 : i32
    %dma_start3A_1143 = tpu.memref_slice %arg8[%dma_start3A_1134, %mul3A_2, %dma_start3A_1142] : memref<4x8192x128xf32, #tpu.memory_space<hbm>> -> memref<1x256x16xf32, #tpu.memory_space<hbm>>
    %dma_start3A_1144 = tpu.memref_squeeze %dma_start3A_1143 : memref<1x256x16xf32, #tpu.memory_space<hbm>> -> memref<256x16xf32, #tpu.memory_space<hbm>>
    %dma_start3A_1145 = arith.constant 0 : i32
    %dma_start3A_1146 = arith.constant 0 : i32
    %dma_start3A_1147 = tpu.memref_slice %arg12[%dma_start3A_1133, %dma_start3A_1145, %dma_start3A_1146] : memref<3x256x16xf32, #tpu.memory_space<vmem>> -> memref<1x256x16xf32, #tpu.memory_space<vmem>>
    %dma_start3A_1148 = tpu.memref_squeeze %dma_start3A_1147 : memref<1x256x16xf32, #tpu.memory_space<vmem>> -> memref<256x16xf32, #tpu.memory_space<vmem>>
    tpu.enqueue_dma source(%dma_start3A_1148 : memref<256x16xf32, #tpu.memory_space<vmem>>) target(%dma_start3A_1144 : memref<256x16xf32, #tpu.memory_space<hbm>>) target_semaphore(%arg14 : memref<!tpu.dma_semaphore, #tpu.memory_space<semaphore_mem>>)
    %dma_start3A_1149 = arith.constant 1 : i32
    %dma_start3A_1150 = arith.constant 3 : i32
    %dma_start3A_1151 = arith.constant 0 : i32
    %dma_start3A_1152 = arith.constant 0 : i32
    %dma_start3A_1153 = tpu.memref_slice %arg12[%dma_start3A_1149, %dma_start3A_1151, %dma_start3A_1152] : memref<3x256x16xf32, #tpu.memory_space<vmem>> -> memref<1x256x16xf32, #tpu.memory_space<vmem>>
    %dma_start3A_1154 = tpu.memref_squeeze %dma_start3A_1153 : memref<1x256x16xf32, #tpu.memory_space<vmem>> -> memref<256x16xf32, #tpu.memory_space<vmem>>
    %dma_start3A_1155 = arith.constant 96 : i32
    %dma_start3A_1156 = tpu.memref_slice %arg8[%dma_start3A_1150, %mul3A_2, %dma_start3A_1155] : memref<4x8192x128xf32, #tpu.memory_space<hbm>> -> memref<1x256x16xf32, #tpu.memory_space<hbm>>
    %dma_start3A_1157 = tpu.memref_squeeze %dma_start3A_1156 : memref<1x256x16xf32, #tpu.memory_space<hbm>> -> memref<256x16xf32, #tpu.memory_space<hbm>>
    %dma_start3A_1158 = arith.constant 96 : i32
    %dma_start3A_1159 = tpu.memref_slice %arg8[%dma_start3A_1150, %mul3A_2, %dma_start3A_1158] : memref<4x8192x128xf32, #tpu.memory_space<hbm>> -> memref<1x256x16xf32, #tpu.memory_space<hbm>>
    %dma_start3A_1160 = tpu.memref_squeeze %dma_start3A_1159 : memref<1x256x16xf32, #tpu.memory_space<hbm>> -> memref<256x16xf32, #tpu.memory_space<hbm>>
    %dma_start3A_1161 = arith.constant 0 : i32
    %dma_start3A_1162 = arith.constant 0 : i32
    %dma_start3A_1163 = tpu.memref_slice %arg12[%dma_start3A_1149, %dma_start3A_1161, %dma_start3A_1162] : memref<3x256x16xf32, #tpu.memory_space<vmem>> -> memref<1x256x16xf32, #tpu.memory_space<vmem>>
    %dma_start3A_1164 = tpu.memref_squeeze %dma_start3A_1163 : memref<1x256x16xf32, #tpu.memory_space<vmem>> -> memref<256x16xf32, #tpu.memory_space<vmem>>
    tpu.enqueue_dma source(%dma_start3A_1164 : memref<256x16xf32, #tpu.memory_space<vmem>>) target(%dma_start3A_1160 : memref<256x16xf32, #tpu.memory_space<hbm>>) target_semaphore(%arg14 : memref<!tpu.dma_semaphore, #tpu.memory_space<semaphore_mem>>)
    %dma_start3A_1165 = arith.constant 1 : i32
    %dma_start3A_1166 = arith.constant 3 : i32
    %dma_start3A_1167 = arith.constant 0 : i32
    %dma_start3A_1168 = arith.constant 0 : i32
    %dma_start3A_1169 = tpu.memref_slice %arg12[%dma_start3A_1165, %dma_start3A_1167, %dma_start3A_1168] : memref<3x256x16xf32, #tpu.memory_space<vmem>> -> memref<1x256x16xf32, #tpu.memory_space<vmem>>
    %dma_start3A_1170 = tpu.memref_squeeze %dma_start3A_1169 : memref<1x256x16xf32, #tpu.memory_space<vmem>> -> memref<256x16xf32, #tpu.memory_space<vmem>>
    %dma_start3A_1171 = arith.constant 112 : i32
    %dma_start3A_1172 = tpu.memref_slice %arg8[%dma_start3A_1166, %mul3A_2, %dma_start3A_1171] : memref<4x8192x128xf32, #tpu.memory_space<hbm>> -> memref<1x256x16xf32, #tpu.memory_space<hbm>>
    %dma_start3A_1173 = tpu.memref_squeeze %dma_start3A_1172 : memref<1x256x16xf32, #tpu.memory_space<hbm>> -> memref<256x16xf32, #tpu.memory_space<hbm>>
    %dma_start3A_1174 = arith.constant 112 : i32
    %dma_start3A_1175 = tpu.memref_slice %arg8[%dma_start3A_1166, %mul3A_2, %dma_start3A_1174] : memref<4x8192x128xf32, #tpu.memory_space<hbm>> -> memref<1x256x16xf32, #tpu.memory_space<hbm>>
    %dma_start3A_1176 = tpu.memref_squeeze %dma_start3A_1175 : memref<1x256x16xf32, #tpu.memory_space<hbm>> -> memref<256x16xf32, #tpu.memory_space<hbm>>
    %dma_start3A_1177 = arith.constant 0 : i32
    %dma_start3A_1178 = arith.constant 0 : i32
    %dma_start3A_1179 = tpu.memref_slice %arg12[%dma_start3A_1165, %dma_start3A_1177, %dma_start3A_1178] : memref<3x256x16xf32, #tpu.memory_space<vmem>> -> memref<1x256x16xf32, #tpu.memory_space<vmem>>
    %dma_start3A_1180 = tpu.memref_squeeze %dma_start3A_1179 : memref<1x256x16xf32, #tpu.memory_space<vmem>> -> memref<256x16xf32, #tpu.memory_space<vmem>>
    tpu.enqueue_dma source(%dma_start3A_1180 : memref<256x16xf32, #tpu.memory_space<vmem>>) target(%dma_start3A_1176 : memref<256x16xf32, #tpu.memory_space<hbm>>) target_semaphore(%arg14 : memref<!tpu.dma_semaphore, #tpu.memory_space<semaphore_mem>>)
    %dma_wait3A_1181 = arith.constant 1 : i32
    %dma_wait3A_1182 = arith.constant 1 : i32
    %dma_wait3A_1183 = arith.constant 0 : i32
    %dma_wait3A_1184 = arith.constant 0 : i32
    %dma_wait3A_1185 = tpu.memref_slice %arg11[%dma_wait3A_1181, %dma_wait3A_1183, %dma_wait3A_1184] : memref<3x256x32xf32, #tpu.memory_space<vmem>> -> memref<1x256x32xf32, #tpu.memory_space<vmem>>
    %dma_wait3A_1186 = tpu.memref_squeeze %dma_wait3A_1185 : memref<1x256x32xf32, #tpu.memory_space<vmem>> -> memref<256x32xf32, #tpu.memory_space<vmem>>
    %dma_wait3A_1187 = arith.constant 96 : i32
    %dma_wait3A_1188 = tpu.memref_slice %arg8[%dma_wait3A_1182, %mul3A_2, %dma_wait3A_1187] : memref<4x8192x128xf32, #tpu.memory_space<hbm>> -> memref<1x256x32xf32, #tpu.memory_space<hbm>>
    %dma_wait3A_1189 = tpu.memref_squeeze %dma_wait3A_1188 : memref<1x256x32xf32, #tpu.memory_space<hbm>> -> memref<256x32xf32, #tpu.memory_space<hbm>>
    %dma_wait3A_1190 = arith.constant 96 : i32
    %dma_wait3A_1191 = tpu.memref_slice %arg8[%dma_wait3A_1182, %mul3A_2, %dma_wait3A_1190] : memref<4x8192x128xf32, #tpu.memory_space<hbm>> -> memref<1x256x32xf32, #tpu.memory_space<hbm>>
    %dma_wait3A_1192 = tpu.memref_squeeze %dma_wait3A_1191 : memref<1x256x32xf32, #tpu.memory_space<hbm>> -> memref<256x32xf32, #tpu.memory_space<hbm>>
    %dma_wait3A_1193 = arith.constant 0 : i32
    %dma_wait3A_1194 = arith.constant 0 : i32
    %dma_wait3A_1195 = tpu.memref_slice %arg11[%dma_wait3A_1181, %dma_wait3A_1193, %dma_wait3A_1194] : memref<3x256x32xf32, #tpu.memory_space<vmem>> -> memref<1x256x32xf32, #tpu.memory_space<vmem>>
    %dma_wait3A_1196 = tpu.memref_squeeze %dma_wait3A_1195 : memref<1x256x32xf32, #tpu.memory_space<vmem>> -> memref<256x32xf32, #tpu.memory_space<vmem>>
    tpu.wait_dma2 semaphore(%arg14 : memref<!tpu.dma_semaphore, #tpu.memory_space<semaphore_mem>>) src(%dma_wait3A_1196 : memref<256x32xf32, #tpu.memory_space<vmem>>) dst(%dma_wait3A_1192 : memref<256x32xf32, #tpu.memory_space<hbm>>)
    %dma_wait3A_1197 = arith.constant 2 : i32
    %dma_wait3A_1198 = arith.constant 2 : i32
    %dma_wait3A_1199 = arith.constant 0 : i32
    %dma_wait3A_1200 = arith.constant 0 : i32
    %dma_wait3A_1201 = tpu.memref_slice %arg11[%dma_wait3A_1197, %dma_wait3A_1199, %dma_wait3A_1200] : memref<3x256x32xf32, #tpu.memory_space<vmem>> -> memref<1x256x32xf32, #tpu.memory_space<vmem>>
    %dma_wait3A_1202 = tpu.memref_squeeze %dma_wait3A_1201 : memref<1x256x32xf32, #tpu.memory_space<vmem>> -> memref<256x32xf32, #tpu.memory_space<vmem>>
    %dma_wait3A_1203 = arith.constant 0 : i32
    %dma_wait3A_1204 = tpu.memref_slice %arg8[%dma_wait3A_1198, %mul3A_2, %dma_wait3A_1203] : memref<4x8192x128xf32, #tpu.memory_space<hbm>> -> memref<1x256x32xf32, #tpu.memory_space<hbm>>
    %dma_wait3A_1205 = tpu.memref_squeeze %dma_wait3A_1204 : memref<1x256x32xf32, #tpu.memory_space<hbm>> -> memref<256x32xf32, #tpu.memory_space<hbm>>
    %dma_wait3A_1206 = arith.constant 0 : i32
    %dma_wait3A_1207 = tpu.memref_slice %arg8[%dma_wait3A_1198, %mul3A_2, %dma_wait3A_1206] : memref<4x8192x128xf32, #tpu.memory_space<hbm>> -> memref<1x256x32xf32, #tpu.memory_space<hbm>>
    %dma_wait3A_1208 = tpu.memref_squeeze %dma_wait3A_1207 : memref<1x256x32xf32, #tpu.memory_space<hbm>> -> memref<256x32xf32, #tpu.memory_space<hbm>>
    %dma_wait3A_1209 = arith.constant 0 : i32
    %dma_wait3A_1210 = arith.constant 0 : i32
    %dma_wait3A_1211 = tpu.memref_slice %arg11[%dma_wait3A_1197, %dma_wait3A_1209, %dma_wait3A_1210] : memref<3x256x32xf32, #tpu.memory_space<vmem>> -> memref<1x256x32xf32, #tpu.memory_space<vmem>>
    %dma_wait3A_1212 = tpu.memref_squeeze %dma_wait3A_1211 : memref<1x256x32xf32, #tpu.memory_space<vmem>> -> memref<256x32xf32, #tpu.memory_space<vmem>>
    tpu.wait_dma2 semaphore(%arg14 : memref<!tpu.dma_semaphore, #tpu.memory_space<semaphore_mem>>) src(%dma_wait3A_1212 : memref<256x32xf32, #tpu.memory_space<vmem>>) dst(%dma_wait3A_1208 : memref<256x32xf32, #tpu.memory_space<hbm>>)
    %dma_wait3A_1213 = arith.constant 0 : i32
    %dma_wait3A_1214 = arith.constant 2 : i32
    %dma_wait3A_1215 = arith.constant 0 : i32
    %dma_wait3A_1216 = arith.constant 0 : i32
    %dma_wait3A_1217 = tpu.memref_slice %arg11[%dma_wait3A_1213, %dma_wait3A_1215, %dma_wait3A_1216] : memref<3x256x32xf32, #tpu.memory_space<vmem>> -> memref<1x256x32xf32, #tpu.memory_space<vmem>>
    %dma_wait3A_1218 = tpu.memref_squeeze %dma_wait3A_1217 : memref<1x256x32xf32, #tpu.memory_space<vmem>> -> memref<256x32xf32, #tpu.memory_space<vmem>>
    %dma_wait3A_1219 = arith.constant 32 : i32
    %dma_wait3A_1220 = tpu.memref_slice %arg8[%dma_wait3A_1214, %mul3A_2, %dma_wait3A_1219] : memref<4x8192x128xf32, #tpu.memory_space<hbm>> -> memref<1x256x32xf32, #tpu.memory_space<hbm>>
    %dma_wait3A_1221 = tpu.memref_squeeze %dma_wait3A_1220 : memref<1x256x32xf32, #tpu.memory_space<hbm>> -> memref<256x32xf32, #tpu.memory_space<hbm>>
    %dma_wait3A_1222 = arith.constant 32 : i32
    %dma_wait3A_1223 = tpu.memref_slice %arg8[%dma_wait3A_1214, %mul3A_2, %dma_wait3A_1222] : memref<4x8192x128xf32, #tpu.memory_space<hbm>> -> memref<1x256x32xf32, #tpu.memory_space<hbm>>
    %dma_wait3A_1224 = tpu.memref_squeeze %dma_wait3A_1223 : memref<1x256x32xf32, #tpu.memory_space<hbm>> -> memref<256x32xf32, #tpu.memory_space<hbm>>
    %dma_wait3A_1225 = arith.constant 0 : i32
    %dma_wait3A_1226 = arith.constant 0 : i32
    %dma_wait3A_1227 = tpu.memref_slice %arg11[%dma_wait3A_1213, %dma_wait3A_1225, %dma_wait3A_1226] : memref<3x256x32xf32, #tpu.memory_space<vmem>> -> memref<1x256x32xf32, #tpu.memory_space<vmem>>
    %dma_wait3A_1228 = tpu.memref_squeeze %dma_wait3A_1227 : memref<1x256x32xf32, #tpu.memory_space<vmem>> -> memref<256x32xf32, #tpu.memory_space<vmem>>
    tpu.wait_dma2 semaphore(%arg14 : memref<!tpu.dma_semaphore, #tpu.memory_space<semaphore_mem>>) src(%dma_wait3A_1228 : memref<256x32xf32, #tpu.memory_space<vmem>>) dst(%dma_wait3A_1224 : memref<256x32xf32, #tpu.memory_space<hbm>>)
    %dma_wait3A_1229 = arith.constant 2 : i32
    %dma_wait3A_1230 = arith.constant 2 : i32
    %dma_wait3A_1231 = arith.constant 0 : i32
    %dma_wait3A_1232 = arith.constant 0 : i32
    %dma_wait3A_1233 = tpu.memref_slice %arg11[%dma_wait3A_1229, %dma_wait3A_1231, %dma_wait3A_1232] : memref<3x256x32xf32, #tpu.memory_space<vmem>> -> memref<1x256x32xf32, #tpu.memory_space<vmem>>
    %dma_wait3A_1234 = tpu.memref_squeeze %dma_wait3A_1233 : memref<1x256x32xf32, #tpu.memory_space<vmem>> -> memref<256x32xf32, #tpu.memory_space<vmem>>
    %dma_wait3A_1235 = arith.constant 64 : i32
    %dma_wait3A_1236 = tpu.memref_slice %arg8[%dma_wait3A_1230, %mul3A_2, %dma_wait3A_1235] : memref<4x8192x128xf32, #tpu.memory_space<hbm>> -> memref<1x256x32xf32, #tpu.memory_space<hbm>>
    %dma_wait3A_1237 = tpu.memref_squeeze %dma_wait3A_1236 : memref<1x256x32xf32, #tpu.memory_space<hbm>> -> memref<256x32xf32, #tpu.memory_space<hbm>>
    %dma_wait3A_1238 = arith.constant 64 : i32
    %dma_wait3A_1239 = tpu.memref_slice %arg8[%dma_wait3A_1230, %mul3A_2, %dma_wait3A_1238] : memref<4x8192x128xf32, #tpu.memory_space<hbm>> -> memref<1x256x32xf32, #tpu.memory_space<hbm>>
    %dma_wait3A_1240 = tpu.memref_squeeze %dma_wait3A_1239 : memref<1x256x32xf32, #tpu.memory_space<hbm>> -> memref<256x32xf32, #tpu.memory_space<hbm>>
    %dma_wait3A_1241 = arith.constant 0 : i32
    %dma_wait3A_1242 = arith.constant 0 : i32
    %dma_wait3A_1243 = tpu.memref_slice %arg11[%dma_wait3A_1229, %dma_wait3A_1241, %dma_wait3A_1242] : memref<3x256x32xf32, #tpu.memory_space<vmem>> -> memref<1x256x32xf32, #tpu.memory_space<vmem>>
    %dma_wait3A_1244 = tpu.memref_squeeze %dma_wait3A_1243 : memref<1x256x32xf32, #tpu.memory_space<vmem>> -> memref<256x32xf32, #tpu.memory_space<vmem>>
    tpu.wait_dma2 semaphore(%arg14 : memref<!tpu.dma_semaphore, #tpu.memory_space<semaphore_mem>>) src(%dma_wait3A_1244 : memref<256x32xf32, #tpu.memory_space<vmem>>) dst(%dma_wait3A_1240 : memref<256x32xf32, #tpu.memory_space<hbm>>)
    %dma_wait3A_1245 = arith.constant 2 : i32
    %dma_wait3A_1246 = arith.constant 2 : i32
    %dma_wait3A_1247 = arith.constant 0 : i32
    %dma_wait3A_1248 = arith.constant 0 : i32
    %dma_wait3A_1249 = tpu.memref_slice %arg11[%dma_wait3A_1245, %dma_wait3A_1247, %dma_wait3A_1248] : memref<3x256x32xf32, #tpu.memory_space<vmem>> -> memref<1x256x32xf32, #tpu.memory_space<vmem>>
    %dma_wait3A_1250 = tpu.memref_squeeze %dma_wait3A_1249 : memref<1x256x32xf32, #tpu.memory_space<vmem>> -> memref<256x32xf32, #tpu.memory_space<vmem>>
    %dma_wait3A_1251 = arith.constant 96 : i32
    %dma_wait3A_1252 = tpu.memref_slice %arg8[%dma_wait3A_1246, %mul3A_2, %dma_wait3A_1251] : memref<4x8192x128xf32, #tpu.memory_space<hbm>> -> memref<1x256x32xf32, #tpu.memory_space<hbm>>
    %dma_wait3A_1253 = tpu.memref_squeeze %dma_wait3A_1252 : memref<1x256x32xf32, #tpu.memory_space<hbm>> -> memref<256x32xf32, #tpu.memory_space<hbm>>
    %dma_wait3A_1254 = arith.constant 96 : i32
    %dma_wait3A_1255 = tpu.memref_slice %arg8[%dma_wait3A_1246, %mul3A_2, %dma_wait3A_1254] : memref<4x8192x128xf32, #tpu.memory_space<hbm>> -> memref<1x256x32xf32, #tpu.memory_space<hbm>>
    %dma_wait3A_1256 = tpu.memref_squeeze %dma_wait3A_1255 : memref<1x256x32xf32, #tpu.memory_space<hbm>> -> memref<256x32xf32, #tpu.memory_space<hbm>>
    %dma_wait3A_1257 = arith.constant 0 : i32
    %dma_wait3A_1258 = arith.constant 0 : i32
    %dma_wait3A_1259 = tpu.memref_slice %arg11[%dma_wait3A_1245, %dma_wait3A_1257, %dma_wait3A_1258] : memref<3x256x32xf32, #tpu.memory_space<vmem>> -> memref<1x256x32xf32, #tpu.memory_space<vmem>>
    %dma_wait3A_1260 = tpu.memref_squeeze %dma_wait3A_1259 : memref<1x256x32xf32, #tpu.memory_space<vmem>> -> memref<256x32xf32, #tpu.memory_space<vmem>>
    tpu.wait_dma2 semaphore(%arg14 : memref<!tpu.dma_semaphore, #tpu.memory_space<semaphore_mem>>) src(%dma_wait3A_1260 : memref<256x32xf32, #tpu.memory_space<vmem>>) dst(%dma_wait3A_1256 : memref<256x32xf32, #tpu.memory_space<hbm>>)
    %dma_wait3A_1261 = arith.constant 2 : i32
    %dma_wait3A_1262 = arith.constant 3 : i32
    %dma_wait3A_1263 = arith.constant 0 : i32
    %dma_wait3A_1264 = arith.constant 0 : i32
    %dma_wait3A_1265 = tpu.memref_slice %arg12[%dma_wait3A_1261, %dma_wait3A_1263, %dma_wait3A_1264] : memref<3x256x16xf32, #tpu.memory_space<vmem>> -> memref<1x256x16xf32, #tpu.memory_space<vmem>>
    %dma_wait3A_1266 = tpu.memref_squeeze %dma_wait3A_1265 : memref<1x256x16xf32, #tpu.memory_space<vmem>> -> memref<256x16xf32, #tpu.memory_space<vmem>>
    %dma_wait3A_1267 = arith.constant 32 : i32
    %dma_wait3A_1268 = tpu.memref_slice %arg8[%dma_wait3A_1262, %mul3A_2, %dma_wait3A_1267] : memref<4x8192x128xf32, #tpu.memory_space<hbm>> -> memref<1x256x16xf32, #tpu.memory_space<hbm>>
    %dma_wait3A_1269 = tpu.memref_squeeze %dma_wait3A_1268 : memref<1x256x16xf32, #tpu.memory_space<hbm>> -> memref<256x16xf32, #tpu.memory_space<hbm>>
    %dma_wait3A_1270 = arith.constant 32 : i32
    %dma_wait3A_1271 = tpu.memref_slice %arg8[%dma_wait3A_1262, %mul3A_2, %dma_wait3A_1270] : memref<4x8192x128xf32, #tpu.memory_space<hbm>> -> memref<1x256x16xf32, #tpu.memory_space<hbm>>
    %dma_wait3A_1272 = tpu.memref_squeeze %dma_wait3A_1271 : memref<1x256x16xf32, #tpu.memory_space<hbm>> -> memref<256x16xf32, #tpu.memory_space<hbm>>
    %dma_wait3A_1273 = arith.constant 0 : i32
    %dma_wait3A_1274 = arith.constant 0 : i32
    %dma_wait3A_1275 = tpu.memref_slice %arg12[%dma_wait3A_1261, %dma_wait3A_1273, %dma_wait3A_1274] : memref<3x256x16xf32, #tpu.memory_space<vmem>> -> memref<1x256x16xf32, #tpu.memory_space<vmem>>
    %dma_wait3A_1276 = tpu.memref_squeeze %dma_wait3A_1275 : memref<1x256x16xf32, #tpu.memory_space<vmem>> -> memref<256x16xf32, #tpu.memory_space<vmem>>
    tpu.wait_dma2 semaphore(%arg14 : memref<!tpu.dma_semaphore, #tpu.memory_space<semaphore_mem>>) src(%dma_wait3A_1276 : memref<256x16xf32, #tpu.memory_space<vmem>>) dst(%dma_wait3A_1272 : memref<256x16xf32, #tpu.memory_space<hbm>>)
    %dma_wait3A_1277 = arith.constant 0 : i32
    %dma_wait3A_1278 = arith.constant 3 : i32
    %dma_wait3A_1279 = arith.constant 0 : i32
    %dma_wait3A_1280 = arith.constant 0 : i32
    %dma_wait3A_1281 = tpu.memref_slice %arg12[%dma_wait3A_1277, %dma_wait3A_1279, %dma_wait3A_1280] : memref<3x256x16xf32, #tpu.memory_space<vmem>> -> memref<1x256x16xf32, #tpu.memory_space<vmem>>
    %dma_wait3A_1282 = tpu.memref_squeeze %dma_wait3A_1281 : memref<1x256x16xf32, #tpu.memory_space<vmem>> -> memref<256x16xf32, #tpu.memory_space<vmem>>
    %dma_wait3A_1283 = arith.constant 48 : i32
    %dma_wait3A_1284 = tpu.memref_slice %arg8[%dma_wait3A_1278, %mul3A_2, %dma_wait3A_1283] : memref<4x8192x128xf32, #tpu.memory_space<hbm>> -> memref<1x256x16xf32, #tpu.memory_space<hbm>>
    %dma_wait3A_1285 = tpu.memref_squeeze %dma_wait3A_1284 : memref<1x256x16xf32, #tpu.memory_space<hbm>> -> memref<256x16xf32, #tpu.memory_space<hbm>>
    %dma_wait3A_1286 = arith.constant 48 : i32
    %dma_wait3A_1287 = tpu.memref_slice %arg8[%dma_wait3A_1278, %mul3A_2, %dma_wait3A_1286] : memref<4x8192x128xf32, #tpu.memory_space<hbm>> -> memref<1x256x16xf32, #tpu.memory_space<hbm>>
    %dma_wait3A_1288 = tpu.memref_squeeze %dma_wait3A_1287 : memref<1x256x16xf32, #tpu.memory_space<hbm>> -> memref<256x16xf32, #tpu.memory_space<hbm>>
    %dma_wait3A_1289 = arith.constant 0 : i32
    %dma_wait3A_1290 = arith.constant 0 : i32
    %dma_wait3A_1291 = tpu.memref_slice %arg12[%dma_wait3A_1277, %dma_wait3A_1289, %dma_wait3A_1290] : memref<3x256x16xf32, #tpu.memory_space<vmem>> -> memref<1x256x16xf32, #tpu.memory_space<vmem>>
    %dma_wait3A_1292 = tpu.memref_squeeze %dma_wait3A_1291 : memref<1x256x16xf32, #tpu.memory_space<vmem>> -> memref<256x16xf32, #tpu.memory_space<vmem>>
    tpu.wait_dma2 semaphore(%arg14 : memref<!tpu.dma_semaphore, #tpu.memory_space<semaphore_mem>>) src(%dma_wait3A_1292 : memref<256x16xf32, #tpu.memory_space<vmem>>) dst(%dma_wait3A_1288 : memref<256x16xf32, #tpu.memory_space<hbm>>)
    %dma_wait3A_1293 = arith.constant 1 : i32
    %dma_wait3A_1294 = arith.constant 3 : i32
    %dma_wait3A_1295 = arith.constant 0 : i32
    %dma_wait3A_1296 = arith.constant 0 : i32
    %dma_wait3A_1297 = tpu.memref_slice %arg12[%dma_wait3A_1293, %dma_wait3A_1295, %dma_wait3A_1296] : memref<3x256x16xf32, #tpu.memory_space<vmem>> -> memref<1x256x16xf32, #tpu.memory_space<vmem>>
    %dma_wait3A_1298 = tpu.memref_squeeze %dma_wait3A_1297 : memref<1x256x16xf32, #tpu.memory_space<vmem>> -> memref<256x16xf32, #tpu.memory_space<vmem>>
    %dma_wait3A_1299 = arith.constant 64 : i32
    %dma_wait3A_1300 = tpu.memref_slice %arg8[%dma_wait3A_1294, %mul3A_2, %dma_wait3A_1299] : memref<4x8192x128xf32, #tpu.memory_space<hbm>> -> memref<1x256x16xf32, #tpu.memory_space<hbm>>
    %dma_wait3A_1301 = tpu.memref_squeeze %dma_wait3A_1300 : memref<1x256x16xf32, #tpu.memory_space<hbm>> -> memref<256x16xf32, #tpu.memory_space<hbm>>
    %dma_wait3A_1302 = arith.constant 64 : i32
    %dma_wait3A_1303 = tpu.memref_slice %arg8[%dma_wait3A_1294, %mul3A_2, %dma_wait3A_1302] : memref<4x8192x128xf32, #tpu.memory_space<hbm>> -> memref<1x256x16xf32, #tpu.memory_space<hbm>>
    %dma_wait3A_1304 = tpu.memref_squeeze %dma_wait3A_1303 : memref<1x256x16xf32, #tpu.memory_space<hbm>> -> memref<256x16xf32, #tpu.memory_space<hbm>>
    %dma_wait3A_1305 = arith.constant 0 : i32
    %dma_wait3A_1306 = arith.constant 0 : i32
    %dma_wait3A_1307 = tpu.memref_slice %arg12[%dma_wait3A_1293, %dma_wait3A_1305, %dma_wait3A_1306] : memref<3x256x16xf32, #tpu.memory_space<vmem>> -> memref<1x256x16xf32, #tpu.memory_space<vmem>>
    %dma_wait3A_1308 = tpu.memref_squeeze %dma_wait3A_1307 : memref<1x256x16xf32, #tpu.memory_space<vmem>> -> memref<256x16xf32, #tpu.memory_space<vmem>>
    tpu.wait_dma2 semaphore(%arg14 : memref<!tpu.dma_semaphore, #tpu.memory_space<semaphore_mem>>) src(%dma_wait3A_1308 : memref<256x16xf32, #tpu.memory_space<vmem>>) dst(%dma_wait3A_1304 : memref<256x16xf32, #tpu.memory_space<hbm>>)
    %dma_wait3A_1309 = arith.constant 1 : i32
    %dma_wait3A_1310 = arith.constant 3 : i32
    %dma_wait3A_1311 = arith.constant 0 : i32
    %dma_wait3A_1312 = arith.constant 0 : i32
    %dma_wait3A_1313 = tpu.memref_slice %arg12[%dma_wait3A_1309, %dma_wait3A_1311, %dma_wait3A_1312] : memref<3x256x16xf32, #tpu.memory_space<vmem>> -> memref<1x256x16xf32, #tpu.memory_space<vmem>>
    %dma_wait3A_1314 = tpu.memref_squeeze %dma_wait3A_1313 : memref<1x256x16xf32, #tpu.memory_space<vmem>> -> memref<256x16xf32, #tpu.memory_space<vmem>>
    %dma_wait3A_1315 = arith.constant 80 : i32
    %dma_wait3A_1316 = tpu.memref_slice %arg8[%dma_wait3A_1310, %mul3A_2, %dma_wait3A_1315] : memref<4x8192x128xf32, #tpu.memory_space<hbm>> -> memref<1x256x16xf32, #tpu.memory_space<hbm>>
    %dma_wait3A_1317 = tpu.memref_squeeze %dma_wait3A_1316 : memref<1x256x16xf32, #tpu.memory_space<hbm>> -> memref<256x16xf32, #tpu.memory_space<hbm>>
    %dma_wait3A_1318 = arith.constant 80 : i32
    %dma_wait3A_1319 = tpu.memref_slice %arg8[%dma_wait3A_1310, %mul3A_2, %dma_wait3A_1318] : memref<4x8192x128xf32, #tpu.memory_space<hbm>> -> memref<1x256x16xf32, #tpu.memory_space<hbm>>
    %dma_wait3A_1320 = tpu.memref_squeeze %dma_wait3A_1319 : memref<1x256x16xf32, #tpu.memory_space<hbm>> -> memref<256x16xf32, #tpu.memory_space<hbm>>
    %dma_wait3A_1321 = arith.constant 0 : i32
    %dma_wait3A_1322 = arith.constant 0 : i32
    %dma_wait3A_1323 = tpu.memref_slice %arg12[%dma_wait3A_1309, %dma_wait3A_1321, %dma_wait3A_1322] : memref<3x256x16xf32, #tpu.memory_space<vmem>> -> memref<1x256x16xf32, #tpu.memory_space<vmem>>
    %dma_wait3A_1324 = tpu.memref_squeeze %dma_wait3A_1323 : memref<1x256x16xf32, #tpu.memory_space<vmem>> -> memref<256x16xf32, #tpu.memory_space<vmem>>
    tpu.wait_dma2 semaphore(%arg14 : memref<!tpu.dma_semaphore, #tpu.memory_space<semaphore_mem>>) src(%dma_wait3A_1324 : memref<256x16xf32, #tpu.memory_space<vmem>>) dst(%dma_wait3A_1320 : memref<256x16xf32, #tpu.memory_space<hbm>>)
    %dma_wait3A_1325 = arith.constant 1 : i32
    %dma_wait3A_1326 = arith.constant 3 : i32
    %dma_wait3A_1327 = arith.constant 0 : i32
    %dma_wait3A_1328 = arith.constant 0 : i32
    %dma_wait3A_1329 = tpu.memref_slice %arg12[%dma_wait3A_1325, %dma_wait3A_1327, %dma_wait3A_1328] : memref<3x256x16xf32, #tpu.memory_space<vmem>> -> memref<1x256x16xf32, #tpu.memory_space<vmem>>
    %dma_wait3A_1330 = tpu.memref_squeeze %dma_wait3A_1329 : memref<1x256x16xf32, #tpu.memory_space<vmem>> -> memref<256x16xf32, #tpu.memory_space<vmem>>
    %dma_wait3A_1331 = arith.constant 96 : i32
    %dma_wait3A_1332 = tpu.memref_slice %arg8[%dma_wait3A_1326, %mul3A_2, %dma_wait3A_1331] : memref<4x8192x128xf32, #tpu.memory_space<hbm>> -> memref<1x256x16xf32, #tpu.memory_space<hbm>>
    %dma_wait3A_1333 = tpu.memref_squeeze %dma_wait3A_1332 : memref<1x256x16xf32, #tpu.memory_space<hbm>> -> memref<256x16xf32, #tpu.memory_space<hbm>>
    %dma_wait3A_1334 = arith.constant 96 : i32
    %dma_wait3A_1335 = tpu.memref_slice %arg8[%dma_wait3A_1326, %mul3A_2, %dma_wait3A_1334] : memref<4x8192x128xf32, #tpu.memory_space<hbm>> -> memref<1x256x16xf32, #tpu.memory_space<hbm>>
    %dma_wait3A_1336 = tpu.memref_squeeze %dma_wait3A_1335 : memref<1x256x16xf32, #tpu.memory_space<hbm>> -> memref<256x16xf32, #tpu.memory_space<hbm>>
    %dma_wait3A_1337 = arith.constant 0 : i32
    %dma_wait3A_1338 = arith.constant 0 : i32
    %dma_wait3A_1339 = tpu.memref_slice %arg12[%dma_wait3A_1325, %dma_wait3A_1337, %dma_wait3A_1338] : memref<3x256x16xf32, #tpu.memory_space<vmem>> -> memref<1x256x16xf32, #tpu.memory_space<vmem>>
    %dma_wait3A_1340 = tpu.memref_squeeze %dma_wait3A_1339 : memref<1x256x16xf32, #tpu.memory_space<vmem>> -> memref<256x16xf32, #tpu.memory_space<vmem>>
    tpu.wait_dma2 semaphore(%arg14 : memref<!tpu.dma_semaphore, #tpu.memory_space<semaphore_mem>>) src(%dma_wait3A_1340 : memref<256x16xf32, #tpu.memory_space<vmem>>) dst(%dma_wait3A_1336 : memref<256x16xf32, #tpu.memory_space<hbm>>)
    %dma_wait3A_1341 = arith.constant 1 : i32
    %dma_wait3A_1342 = arith.constant 3 : i32
    %dma_wait3A_1343 = arith.constant 0 : i32
    %dma_wait3A_1344 = arith.constant 0 : i32
    %dma_wait3A_1345 = tpu.memref_slice %arg12[%dma_wait3A_1341, %dma_wait3A_1343, %dma_wait3A_1344] : memref<3x256x16xf32, #tpu.memory_space<vmem>> -> memref<1x256x16xf32, #tpu.memory_space<vmem>>
    %dma_wait3A_1346 = tpu.memref_squeeze %dma_wait3A_1345 : memref<1x256x16xf32, #tpu.memory_space<vmem>> -> memref<256x16xf32, #tpu.memory_space<vmem>>
    %dma_wait3A_1347 = arith.constant 112 : i32
    %dma_wait3A_1348 = tpu.memref_slice %arg8[%dma_wait3A_1342, %mul3A_2, %dma_wait3A_1347] : memref<4x8192x128xf32, #tpu.memory_space<hbm>> -> memref<1x256x16xf32, #tpu.memory_space<hbm>>
    %dma_wait3A_1349 = tpu.memref_squeeze %dma_wait3A_1348 : memref<1x256x16xf32, #tpu.memory_space<hbm>> -> memref<256x16xf32, #tpu.memory_space<hbm>>
    %dma_wait3A_1350 = arith.constant 112 : i32
    %dma_wait3A_1351 = tpu.memref_slice %arg8[%dma_wait3A_1342, %mul3A_2, %dma_wait3A_1350] : memref<4x8192x128xf32, #tpu.memory_space<hbm>> -> memref<1x256x16xf32, #tpu.memory_space<hbm>>
    %dma_wait3A_1352 = tpu.memref_squeeze %dma_wait3A_1351 : memref<1x256x16xf32, #tpu.memory_space<hbm>> -> memref<256x16xf32, #tpu.memory_space<hbm>>
    %dma_wait3A_1353 = arith.constant 0 : i32
    %dma_wait3A_1354 = arith.constant 0 : i32
    %dma_wait3A_1355 = tpu.memref_slice %arg12[%dma_wait3A_1341, %dma_wait3A_1353, %dma_wait3A_1354] : memref<3x256x16xf32, #tpu.memory_space<vmem>> -> memref<1x256x16xf32, #tpu.memory_space<vmem>>
    %dma_wait3A_1356 = tpu.memref_squeeze %dma_wait3A_1355 : memref<1x256x16xf32, #tpu.memory_space<vmem>> -> memref<256x16xf32, #tpu.memory_space<vmem>>
    tpu.wait_dma2 semaphore(%arg14 : memref<!tpu.dma_semaphore, #tpu.memory_space<semaphore_mem>>) src(%dma_wait3A_1356 : memref<256x16xf32, #tpu.memory_space<vmem>>) dst(%dma_wait3A_1352 : memref<256x16xf32, #tpu.memory_space<hbm>>)
    return
  }
}

#map = affine_map<(d0, d1) -> (0, 0)>
#map1 = affine_map<(d0, d1) -> (0)>
#map2 = affine_map<(d0, d1) -> (0, 0, 0)>
module attributes {stable_mosaic.version = 14 : i64} {
  func.func @k(%arg0: i32, %arg1: i32, %arg2: memref<100000x32xf32, #tpu.memory_space<hbm>>, %arg3: memref<16384xi32, #tpu.memory_space<hbm>>, %arg4: memref<4x16384xi32, #tpu.memory_space<hbm>>, %arg5: memref<5x16384xi32, #tpu.memory_space<hbm>>, %arg6: memref<5000x16xf32, #tpu.memory_space<hbm>>, %arg7: memref<5x16384xi32, #tpu.memory_space<hbm>>, %arg8: memref<4x8192x128xf32, #tpu.memory_space<hbm>>, %arg9: memref<10x256xi32, #tpu.memory_space<vmem>>, %arg10: memref<5x256xi32, #tpu.memory_space<vmem>>, %arg11: memref<3x256x32xf32, #tpu.memory_space<vmem>>, %arg12: memref<3x256x16xf32, #tpu.memory_space<vmem>>, %arg13: memref<!tpu.dma_semaphore, #tpu.memory_space<semaphore_mem>>, %arg14: memref<!tpu.dma_semaphore, #tpu.memory_space<semaphore_mem>>, %arg15: memref<!tpu.dma_semaphore, #tpu.memory_space<semaphore_mem>>) attributes {dimension_semantics = [#tpu.dimension_semantics<core_parallel>, #tpu.dimension_semantics<subcore_parallel>], iteration_bounds = array<i64: 2, 16>, scalar_prefetch = 0 : i64, scratch_operands = 7 : i64, tpu.core_type = #tpu.core_type<sc_vector_subcore>, window_params = [{transform_indices = #map}, {transform_indices = #map1}, {transform_indices = #map}, {transform_indices = #map}, {transform_indices = #map}, {transform_indices = #map}, {transform_indices = #map2}]} {
    %mul3A = arith.constant 2 : i32
    %mul3A_0 = arith.muli %arg1, %mul3A : i32
    %add3A = arith.addi %mul3A_0, %arg0 : i32
    %mul3A_1 = arith.constant 256 : i32
    %mul3A_2 = arith.muli %add3A, %mul3A_1 : i32
    %add3A_3 = arith.constant 8192 : i32
    %add3A_4 = arith.addi %add3A_3, %mul3A_2 : i32
    %dma_start3A = arith.constant 0 : i32
    %dma_start3A_5 = arith.constant 0 : i32
    %dma_start3A_6 = tpu.memref_slice %arg9[%dma_start3A, %dma_start3A_5] : memref<10x256xi32, #tpu.memory_space<vmem>> -> memref<1x256xi32, #tpu.memory_space<vmem>>
    %dma_start3A_7 = tpu.memref_squeeze %dma_start3A_6 : memref<1x256xi32, #tpu.memory_space<vmem>> -> memref<256xi32, #tpu.memory_space<vmem>>
    %dma_start3A_8 = tpu.memref_slice %arg3[%add3A_4] : memref<16384xi32, #tpu.memory_space<hbm>> -> memref<256xi32, #tpu.memory_space<hbm>>
    %dma_start3A_9 = arith.constant 0 : i32
    %dma_start3A_10 = tpu.memref_slice %arg9[%dma_start3A, %dma_start3A_9] : memref<10x256xi32, #tpu.memory_space<vmem>> -> memref<1x256xi32, #tpu.memory_space<vmem>>
    %dma_start3A_11 = tpu.memref_squeeze %dma_start3A_10 : memref<1x256xi32, #tpu.memory_space<vmem>> -> memref<256xi32, #tpu.memory_space<vmem>>
    %dma_start3A_12 = tpu.memref_slice %arg3[%add3A_4] : memref<16384xi32, #tpu.memory_space<hbm>> -> memref<256xi32, #tpu.memory_space<hbm>>
    tpu.enqueue_dma source(%dma_start3A_12 : memref<256xi32, #tpu.memory_space<hbm>>) target(%dma_start3A_11 : memref<256xi32, #tpu.memory_space<vmem>>) target_semaphore(%arg15 : memref<!tpu.dma_semaphore, #tpu.memory_space<semaphore_mem>>)
    %dma_start3A_13 = arith.constant 0 : i32
    %dma_start3A_14 = arith.constant 1 : i32
    %dma_start3A_15 = arith.constant 0 : i32
    %dma_start3A_16 = tpu.memref_slice %arg9[%dma_start3A_14, %dma_start3A_15] : memref<10x256xi32, #tpu.memory_space<vmem>> -> memref<1x256xi32, #tpu.memory_space<vmem>>
    %dma_start3A_17 = tpu.memref_squeeze %dma_start3A_16 : memref<1x256xi32, #tpu.memory_space<vmem>> -> memref<256xi32, #tpu.memory_space<vmem>>
    %dma_start3A_18 = tpu.memref_slice %arg4[%dma_start3A_13, %add3A_4] : memref<4x16384xi32, #tpu.memory_space<hbm>> -> memref<1x256xi32, #tpu.memory_space<hbm>>
    %dma_start3A_19 = tpu.memref_squeeze %dma_start3A_18 : memref<1x256xi32, #tpu.memory_space<hbm>> -> memref<256xi32, #tpu.memory_space<hbm>>
    %dma_start3A_20 = arith.constant 0 : i32
    %dma_start3A_21 = tpu.memref_slice %arg9[%dma_start3A_14, %dma_start3A_20] : memref<10x256xi32, #tpu.memory_space<vmem>> -> memref<1x256xi32, #tpu.memory_space<vmem>>
    %dma_start3A_22 = tpu.memref_squeeze %dma_start3A_21 : memref<1x256xi32, #tpu.memory_space<vmem>> -> memref<256xi32, #tpu.memory_space<vmem>>
    %dma_start3A_23 = tpu.memref_slice %arg4[%dma_start3A_13, %add3A_4] : memref<4x16384xi32, #tpu.memory_space<hbm>> -> memref<1x256xi32, #tpu.memory_space<hbm>>
    %dma_start3A_24 = tpu.memref_squeeze %dma_start3A_23 : memref<1x256xi32, #tpu.memory_space<hbm>> -> memref<256xi32, #tpu.memory_space<hbm>>
    tpu.enqueue_dma source(%dma_start3A_24 : memref<256xi32, #tpu.memory_space<hbm>>) target(%dma_start3A_22 : memref<256xi32, #tpu.memory_space<vmem>>) target_semaphore(%arg15 : memref<!tpu.dma_semaphore, #tpu.memory_space<semaphore_mem>>)
    %dma_start3A_25 = arith.constant 1 : i32
    %dma_start3A_26 = arith.constant 2 : i32
    %dma_start3A_27 = arith.constant 0 : i32
    %dma_start3A_28 = tpu.memref_slice %arg9[%dma_start3A_26, %dma_start3A_27] : memref<10x256xi32, #tpu.memory_space<vmem>> -> memref<1x256xi32, #tpu.memory_space<vmem>>
    %dma_start3A_29 = tpu.memref_squeeze %dma_start3A_28 : memref<1x256xi32, #tpu.memory_space<vmem>> -> memref<256xi32, #tpu.memory_space<vmem>>
    %dma_start3A_30 = tpu.memref_slice %arg4[%dma_start3A_25, %add3A_4] : memref<4x16384xi32, #tpu.memory_space<hbm>> -> memref<1x256xi32, #tpu.memory_space<hbm>>
    %dma_start3A_31 = tpu.memref_squeeze %dma_start3A_30 : memref<1x256xi32, #tpu.memory_space<hbm>> -> memref<256xi32, #tpu.memory_space<hbm>>
    %dma_start3A_32 = arith.constant 0 : i32
    %dma_start3A_33 = tpu.memref_slice %arg9[%dma_start3A_26, %dma_start3A_32] : memref<10x256xi32, #tpu.memory_space<vmem>> -> memref<1x256xi32, #tpu.memory_space<vmem>>
    %dma_start3A_34 = tpu.memref_squeeze %dma_start3A_33 : memref<1x256xi32, #tpu.memory_space<vmem>> -> memref<256xi32, #tpu.memory_space<vmem>>
    %dma_start3A_35 = tpu.memref_slice %arg4[%dma_start3A_25, %add3A_4] : memref<4x16384xi32, #tpu.memory_space<hbm>> -> memref<1x256xi32, #tpu.memory_space<hbm>>
    %dma_start3A_36 = tpu.memref_squeeze %dma_start3A_35 : memref<1x256xi32, #tpu.memory_space<hbm>> -> memref<256xi32, #tpu.memory_space<hbm>>
    tpu.enqueue_dma source(%dma_start3A_36 : memref<256xi32, #tpu.memory_space<hbm>>) target(%dma_start3A_34 : memref<256xi32, #tpu.memory_space<vmem>>) target_semaphore(%arg15 : memref<!tpu.dma_semaphore, #tpu.memory_space<semaphore_mem>>)
    %dma_start3A_37 = arith.constant 2 : i32
    %dma_start3A_38 = arith.constant 3 : i32
    %dma_start3A_39 = arith.constant 0 : i32
    %dma_start3A_40 = tpu.memref_slice %arg9[%dma_start3A_38, %dma_start3A_39] : memref<10x256xi32, #tpu.memory_space<vmem>> -> memref<1x256xi32, #tpu.memory_space<vmem>>
    %dma_start3A_41 = tpu.memref_squeeze %dma_start3A_40 : memref<1x256xi32, #tpu.memory_space<vmem>> -> memref<256xi32, #tpu.memory_space<vmem>>
    %dma_start3A_42 = tpu.memref_slice %arg4[%dma_start3A_37, %add3A_4] : memref<4x16384xi32, #tpu.memory_space<hbm>> -> memref<1x256xi32, #tpu.memory_space<hbm>>
    %dma_start3A_43 = tpu.memref_squeeze %dma_start3A_42 : memref<1x256xi32, #tpu.memory_space<hbm>> -> memref<256xi32, #tpu.memory_space<hbm>>
    %dma_start3A_44 = arith.constant 0 : i32
    %dma_start3A_45 = tpu.memref_slice %arg9[%dma_start3A_38, %dma_start3A_44] : memref<10x256xi32, #tpu.memory_space<vmem>> -> memref<1x256xi32, #tpu.memory_space<vmem>>
    %dma_start3A_46 = tpu.memref_squeeze %dma_start3A_45 : memref<1x256xi32, #tpu.memory_space<vmem>> -> memref<256xi32, #tpu.memory_space<vmem>>
    %dma_start3A_47 = tpu.memref_slice %arg4[%dma_start3A_37, %add3A_4] : memref<4x16384xi32, #tpu.memory_space<hbm>> -> memref<1x256xi32, #tpu.memory_space<hbm>>
    %dma_start3A_48 = tpu.memref_squeeze %dma_start3A_47 : memref<1x256xi32, #tpu.memory_space<hbm>> -> memref<256xi32, #tpu.memory_space<hbm>>
    tpu.enqueue_dma source(%dma_start3A_48 : memref<256xi32, #tpu.memory_space<hbm>>) target(%dma_start3A_46 : memref<256xi32, #tpu.memory_space<vmem>>) target_semaphore(%arg15 : memref<!tpu.dma_semaphore, #tpu.memory_space<semaphore_mem>>)
    %dma_start3A_49 = arith.constant 3 : i32
    %dma_start3A_50 = arith.constant 4 : i32
    %dma_start3A_51 = arith.constant 0 : i32
    %dma_start3A_52 = tpu.memref_slice %arg9[%dma_start3A_50, %dma_start3A_51] : memref<10x256xi32, #tpu.memory_space<vmem>> -> memref<1x256xi32, #tpu.memory_space<vmem>>
    %dma_start3A_53 = tpu.memref_squeeze %dma_start3A_52 : memref<1x256xi32, #tpu.memory_space<vmem>> -> memref<256xi32, #tpu.memory_space<vmem>>
    %dma_start3A_54 = tpu.memref_slice %arg4[%dma_start3A_49, %add3A_4] : memref<4x16384xi32, #tpu.memory_space<hbm>> -> memref<1x256xi32, #tpu.memory_space<hbm>>
    %dma_start3A_55 = tpu.memref_squeeze %dma_start3A_54 : memref<1x256xi32, #tpu.memory_space<hbm>> -> memref<256xi32, #tpu.memory_space<hbm>>
    %dma_start3A_56 = arith.constant 0 : i32
    %dma_start3A_57 = tpu.memref_slice %arg9[%dma_start3A_50, %dma_start3A_56] : memref<10x256xi32, #tpu.memory_space<vmem>> -> memref<1x256xi32, #tpu.memory_space<vmem>>
    %dma_start3A_58 = tpu.memref_squeeze %dma_start3A_57 : memref<1x256xi32, #tpu.memory_space<vmem>> -> memref<256xi32, #tpu.memory_space<vmem>>
    %dma_start3A_59 = tpu.memref_slice %arg4[%dma_start3A_49, %add3A_4] : memref<4x16384xi32, #tpu.memory_space<hbm>> -> memref<1x256xi32, #tpu.memory_space<hbm>>
    %dma_start3A_60 = tpu.memref_squeeze %dma_start3A_59 : memref<1x256xi32, #tpu.memory_space<hbm>> -> memref<256xi32, #tpu.memory_space<hbm>>
    tpu.enqueue_dma source(%dma_start3A_60 : memref<256xi32, #tpu.memory_space<hbm>>) target(%dma_start3A_58 : memref<256xi32, #tpu.memory_space<vmem>>) target_semaphore(%arg15 : memref<!tpu.dma_semaphore, #tpu.memory_space<semaphore_mem>>)
    %dma_start3A_61 = arith.constant 0 : i32
    %dma_start3A_62 = arith.constant 5 : i32
    %dma_start3A_63 = arith.constant 0 : i32
    %dma_start3A_64 = tpu.memref_slice %arg9[%dma_start3A_62, %dma_start3A_63] : memref<10x256xi32, #tpu.memory_space<vmem>> -> memref<1x256xi32, #tpu.memory_space<vmem>>
    %dma_start3A_65 = tpu.memref_squeeze %dma_start3A_64 : memref<1x256xi32, #tpu.memory_space<vmem>> -> memref<256xi32, #tpu.memory_space<vmem>>
    %dma_start3A_66 = tpu.memref_slice %arg5[%dma_start3A_61, %add3A_4] : memref<5x16384xi32, #tpu.memory_space<hbm>> -> memref<1x256xi32, #tpu.memory_space<hbm>>
    %dma_start3A_67 = tpu.memref_squeeze %dma_start3A_66 : memref<1x256xi32, #tpu.memory_space<hbm>> -> memref<256xi32, #tpu.memory_space<hbm>>
    %dma_start3A_68 = arith.constant 0 : i32
    %dma_start3A_69 = tpu.memref_slice %arg9[%dma_start3A_62, %dma_start3A_68] : memref<10x256xi32, #tpu.memory_space<vmem>> -> memref<1x256xi32, #tpu.memory_space<vmem>>
    %dma_start3A_70 = tpu.memref_squeeze %dma_start3A_69 : memref<1x256xi32, #tpu.memory_space<vmem>> -> memref<256xi32, #tpu.memory_space<vmem>>
    %dma_start3A_71 = tpu.memref_slice %arg5[%dma_start3A_61, %add3A_4] : memref<5x16384xi32, #tpu.memory_space<hbm>> -> memref<1x256xi32, #tpu.memory_space<hbm>>
    %dma_start3A_72 = tpu.memref_squeeze %dma_start3A_71 : memref<1x256xi32, #tpu.memory_space<hbm>> -> memref<256xi32, #tpu.memory_space<hbm>>
    tpu.enqueue_dma source(%dma_start3A_72 : memref<256xi32, #tpu.memory_space<hbm>>) target(%dma_start3A_70 : memref<256xi32, #tpu.memory_space<vmem>>) target_semaphore(%arg15 : memref<!tpu.dma_semaphore, #tpu.memory_space<semaphore_mem>>)
    %dma_start3A_73 = arith.constant 1 : i32
    %dma_start3A_74 = arith.constant 6 : i32
    %dma_start3A_75 = arith.constant 0 : i32
    %dma_start3A_76 = tpu.memref_slice %arg9[%dma_start3A_74, %dma_start3A_75] : memref<10x256xi32, #tpu.memory_space<vmem>> -> memref<1x256xi32, #tpu.memory_space<vmem>>
    %dma_start3A_77 = tpu.memref_squeeze %dma_start3A_76 : memref<1x256xi32, #tpu.memory_space<vmem>> -> memref<256xi32, #tpu.memory_space<vmem>>
    %dma_start3A_78 = tpu.memref_slice %arg5[%dma_start3A_73, %add3A_4] : memref<5x16384xi32, #tpu.memory_space<hbm>> -> memref<1x256xi32, #tpu.memory_space<hbm>>
    %dma_start3A_79 = tpu.memref_squeeze %dma_start3A_78 : memref<1x256xi32, #tpu.memory_space<hbm>> -> memref<256xi32, #tpu.memory_space<hbm>>
    %dma_start3A_80 = arith.constant 0 : i32
    %dma_start3A_81 = tpu.memref_slice %arg9[%dma_start3A_74, %dma_start3A_80] : memref<10x256xi32, #tpu.memory_space<vmem>> -> memref<1x256xi32, #tpu.memory_space<vmem>>
    %dma_start3A_82 = tpu.memref_squeeze %dma_start3A_81 : memref<1x256xi32, #tpu.memory_space<vmem>> -> memref<256xi32, #tpu.memory_space<vmem>>
    %dma_start3A_83 = tpu.memref_slice %arg5[%dma_start3A_73, %add3A_4] : memref<5x16384xi32, #tpu.memory_space<hbm>> -> memref<1x256xi32, #tpu.memory_space<hbm>>
    %dma_start3A_84 = tpu.memref_squeeze %dma_start3A_83 : memref<1x256xi32, #tpu.memory_space<hbm>> -> memref<256xi32, #tpu.memory_space<hbm>>
    tpu.enqueue_dma source(%dma_start3A_84 : memref<256xi32, #tpu.memory_space<hbm>>) target(%dma_start3A_82 : memref<256xi32, #tpu.memory_space<vmem>>) target_semaphore(%arg15 : memref<!tpu.dma_semaphore, #tpu.memory_space<semaphore_mem>>)
    %dma_start3A_85 = arith.constant 2 : i32
    %dma_start3A_86 = arith.constant 7 : i32
    %dma_start3A_87 = arith.constant 0 : i32
    %dma_start3A_88 = tpu.memref_slice %arg9[%dma_start3A_86, %dma_start3A_87] : memref<10x256xi32, #tpu.memory_space<vmem>> -> memref<1x256xi32, #tpu.memory_space<vmem>>
    %dma_start3A_89 = tpu.memref_squeeze %dma_start3A_88 : memref<1x256xi32, #tpu.memory_space<vmem>> -> memref<256xi32, #tpu.memory_space<vmem>>
    %dma_start3A_90 = tpu.memref_slice %arg5[%dma_start3A_85, %add3A_4] : memref<5x16384xi32, #tpu.memory_space<hbm>> -> memref<1x256xi32, #tpu.memory_space<hbm>>
    %dma_start3A_91 = tpu.memref_squeeze %dma_start3A_90 : memref<1x256xi32, #tpu.memory_space<hbm>> -> memref<256xi32, #tpu.memory_space<hbm>>
    %dma_start3A_92 = arith.constant 0 : i32
    %dma_start3A_93 = tpu.memref_slice %arg9[%dma_start3A_86, %dma_start3A_92] : memref<10x256xi32, #tpu.memory_space<vmem>> -> memref<1x256xi32, #tpu.memory_space<vmem>>
    %dma_start3A_94 = tpu.memref_squeeze %dma_start3A_93 : memref<1x256xi32, #tpu.memory_space<vmem>> -> memref<256xi32, #tpu.memory_space<vmem>>
    %dma_start3A_95 = tpu.memref_slice %arg5[%dma_start3A_85, %add3A_4] : memref<5x16384xi32, #tpu.memory_space<hbm>> -> memref<1x256xi32, #tpu.memory_space<hbm>>
    %dma_start3A_96 = tpu.memref_squeeze %dma_start3A_95 : memref<1x256xi32, #tpu.memory_space<hbm>> -> memref<256xi32, #tpu.memory_space<hbm>>
    tpu.enqueue_dma source(%dma_start3A_96 : memref<256xi32, #tpu.memory_space<hbm>>) target(%dma_start3A_94 : memref<256xi32, #tpu.memory_space<vmem>>) target_semaphore(%arg15 : memref<!tpu.dma_semaphore, #tpu.memory_space<semaphore_mem>>)
    %dma_start3A_97 = arith.constant 3 : i32
    %dma_start3A_98 = arith.constant 8 : i32
    %dma_start3A_99 = arith.constant 0 : i32
    %dma_start3A_100 = tpu.memref_slice %arg9[%dma_start3A_98, %dma_start3A_99] : memref<10x256xi32, #tpu.memory_space<vmem>> -> memref<1x256xi32, #tpu.memory_space<vmem>>
    %dma_start3A_101 = tpu.memref_squeeze %dma_start3A_100 : memref<1x256xi32, #tpu.memory_space<vmem>> -> memref<256xi32, #tpu.memory_space<vmem>>
    %dma_start3A_102 = tpu.memref_slice %arg5[%dma_start3A_97, %add3A_4] : memref<5x16384xi32, #tpu.memory_space<hbm>> -> memref<1x256xi32, #tpu.memory_space<hbm>>
    %dma_start3A_103 = tpu.memref_squeeze %dma_start3A_102 : memref<1x256xi32, #tpu.memory_space<hbm>> -> memref<256xi32, #tpu.memory_space<hbm>>
    %dma_start3A_104 = arith.constant 0 : i32
    %dma_start3A_105 = tpu.memref_slice %arg9[%dma_start3A_98, %dma_start3A_104] : memref<10x256xi32, #tpu.memory_space<vmem>> -> memref<1x256xi32, #tpu.memory_space<vmem>>
    %dma_start3A_106 = tpu.memref_squeeze %dma_start3A_105 : memref<1x256xi32, #tpu.memory_space<vmem>> -> memref<256xi32, #tpu.memory_space<vmem>>
    %dma_start3A_107 = tpu.memref_slice %arg5[%dma_start3A_97, %add3A_4] : memref<5x16384xi32, #tpu.memory_space<hbm>> -> memref<1x256xi32, #tpu.memory_space<hbm>>
    %dma_start3A_108 = tpu.memref_squeeze %dma_start3A_107 : memref<1x256xi32, #tpu.memory_space<hbm>> -> memref<256xi32, #tpu.memory_space<hbm>>
    tpu.enqueue_dma source(%dma_start3A_108 : memref<256xi32, #tpu.memory_space<hbm>>) target(%dma_start3A_106 : memref<256xi32, #tpu.memory_space<vmem>>) target_semaphore(%arg15 : memref<!tpu.dma_semaphore, #tpu.memory_space<semaphore_mem>>)
    %dma_start3A_109 = arith.constant 4 : i32
    %dma_start3A_110 = arith.constant 9 : i32
    %dma_start3A_111 = arith.constant 0 : i32
    %dma_start3A_112 = tpu.memref_slice %arg9[%dma_start3A_110, %dma_start3A_111] : memref<10x256xi32, #tpu.memory_space<vmem>> -> memref<1x256xi32, #tpu.memory_space<vmem>>
    %dma_start3A_113 = tpu.memref_squeeze %dma_start3A_112 : memref<1x256xi32, #tpu.memory_space<vmem>> -> memref<256xi32, #tpu.memory_space<vmem>>
    %dma_start3A_114 = tpu.memref_slice %arg5[%dma_start3A_109, %add3A_4] : memref<5x16384xi32, #tpu.memory_space<hbm>> -> memref<1x256xi32, #tpu.memory_space<hbm>>
    %dma_start3A_115 = tpu.memref_squeeze %dma_start3A_114 : memref<1x256xi32, #tpu.memory_space<hbm>> -> memref<256xi32, #tpu.memory_space<hbm>>
    %dma_start3A_116 = arith.constant 0 : i32
    %dma_start3A_117 = tpu.memref_slice %arg9[%dma_start3A_110, %dma_start3A_116] : memref<10x256xi32, #tpu.memory_space<vmem>> -> memref<1x256xi32, #tpu.memory_space<vmem>>
    %dma_start3A_118 = tpu.memref_squeeze %dma_start3A_117 : memref<1x256xi32, #tpu.memory_space<vmem>> -> memref<256xi32, #tpu.memory_space<vmem>>
    %dma_start3A_119 = tpu.memref_slice %arg5[%dma_start3A_109, %add3A_4] : memref<5x16384xi32, #tpu.memory_space<hbm>> -> memref<1x256xi32, #tpu.memory_space<hbm>>
    %dma_start3A_120 = tpu.memref_squeeze %dma_start3A_119 : memref<1x256xi32, #tpu.memory_space<hbm>> -> memref<256xi32, #tpu.memory_space<hbm>>
    tpu.enqueue_dma source(%dma_start3A_120 : memref<256xi32, #tpu.memory_space<hbm>>) target(%dma_start3A_118 : memref<256xi32, #tpu.memory_space<vmem>>) target_semaphore(%arg15 : memref<!tpu.dma_semaphore, #tpu.memory_space<semaphore_mem>>)
    %dma_start3A_121 = arith.constant 0 : i32
    %dma_start3A_122 = arith.constant 0 : i32
    %dma_start3A_123 = arith.constant 0 : i32
    %dma_start3A_124 = tpu.memref_slice %arg10[%dma_start3A_122, %dma_start3A_123] : memref<5x256xi32, #tpu.memory_space<vmem>> -> memref<1x256xi32, #tpu.memory_space<vmem>>
    %dma_start3A_125 = tpu.memref_squeeze %dma_start3A_124 : memref<1x256xi32, #tpu.memory_space<vmem>> -> memref<256xi32, #tpu.memory_space<vmem>>
    %dma_start3A_126 = tpu.memref_slice %arg7[%dma_start3A_121, %add3A_4] : memref<5x16384xi32, #tpu.memory_space<hbm>> -> memref<1x256xi32, #tpu.memory_space<hbm>>
    %dma_start3A_127 = tpu.memref_squeeze %dma_start3A_126 : memref<1x256xi32, #tpu.memory_space<hbm>> -> memref<256xi32, #tpu.memory_space<hbm>>
    %dma_start3A_128 = arith.constant 0 : i32
    %dma_start3A_129 = tpu.memref_slice %arg10[%dma_start3A_122, %dma_start3A_128] : memref<5x256xi32, #tpu.memory_space<vmem>> -> memref<1x256xi32, #tpu.memory_space<vmem>>
    %dma_start3A_130 = tpu.memref_squeeze %dma_start3A_129 : memref<1x256xi32, #tpu.memory_space<vmem>> -> memref<256xi32, #tpu.memory_space<vmem>>
    %dma_start3A_131 = tpu.memref_slice %arg7[%dma_start3A_121, %add3A_4] : memref<5x16384xi32, #tpu.memory_space<hbm>> -> memref<1x256xi32, #tpu.memory_space<hbm>>
    %dma_start3A_132 = tpu.memref_squeeze %dma_start3A_131 : memref<1x256xi32, #tpu.memory_space<hbm>> -> memref<256xi32, #tpu.memory_space<hbm>>
    tpu.enqueue_dma source(%dma_start3A_132 : memref<256xi32, #tpu.memory_space<hbm>>) target(%dma_start3A_130 : memref<256xi32, #tpu.memory_space<vmem>>) target_semaphore(%arg15 : memref<!tpu.dma_semaphore, #tpu.memory_space<semaphore_mem>>)
    %dma_start3A_133 = arith.constant 1 : i32
    %dma_start3A_134 = arith.constant 1 : i32
    %dma_start3A_135 = arith.constant 0 : i32
    %dma_start3A_136 = tpu.memref_slice %arg10[%dma_start3A_134, %dma_start3A_135] : memref<5x256xi32, #tpu.memory_space<vmem>> -> memref<1x256xi32, #tpu.memory_space<vmem>>
    %dma_start3A_137 = tpu.memref_squeeze %dma_start3A_136 : memref<1x256xi32, #tpu.memory_space<vmem>> -> memref<256xi32, #tpu.memory_space<vmem>>
    %dma_start3A_138 = tpu.memref_slice %arg7[%dma_start3A_133, %add3A_4] : memref<5x16384xi32, #tpu.memory_space<hbm>> -> memref<1x256xi32, #tpu.memory_space<hbm>>
    %dma_start3A_139 = tpu.memref_squeeze %dma_start3A_138 : memref<1x256xi32, #tpu.memory_space<hbm>> -> memref<256xi32, #tpu.memory_space<hbm>>
    %dma_start3A_140 = arith.constant 0 : i32
    %dma_start3A_141 = tpu.memref_slice %arg10[%dma_start3A_134, %dma_start3A_140] : memref<5x256xi32, #tpu.memory_space<vmem>> -> memref<1x256xi32, #tpu.memory_space<vmem>>
    %dma_start3A_142 = tpu.memref_squeeze %dma_start3A_141 : memref<1x256xi32, #tpu.memory_space<vmem>> -> memref<256xi32, #tpu.memory_space<vmem>>
    %dma_start3A_143 = tpu.memref_slice %arg7[%dma_start3A_133, %add3A_4] : memref<5x16384xi32, #tpu.memory_space<hbm>> -> memref<1x256xi32, #tpu.memory_space<hbm>>
    %dma_start3A_144 = tpu.memref_squeeze %dma_start3A_143 : memref<1x256xi32, #tpu.memory_space<hbm>> -> memref<256xi32, #tpu.memory_space<hbm>>
    tpu.enqueue_dma source(%dma_start3A_144 : memref<256xi32, #tpu.memory_space<hbm>>) target(%dma_start3A_142 : memref<256xi32, #tpu.memory_space<vmem>>) target_semaphore(%arg15 : memref<!tpu.dma_semaphore, #tpu.memory_space<semaphore_mem>>)
    %dma_start3A_145 = arith.constant 2 : i32
    %dma_start3A_146 = arith.constant 2 : i32
    %dma_start3A_147 = arith.constant 0 : i32
    %dma_start3A_148 = tpu.memref_slice %arg10[%dma_start3A_146, %dma_start3A_147] : memref<5x256xi32, #tpu.memory_space<vmem>> -> memref<1x256xi32, #tpu.memory_space<vmem>>
    %dma_start3A_149 = tpu.memref_squeeze %dma_start3A_148 : memref<1x256xi32, #tpu.memory_space<vmem>> -> memref<256xi32, #tpu.memory_space<vmem>>
    %dma_start3A_150 = tpu.memref_slice %arg7[%dma_start3A_145, %add3A_4] : memref<5x16384xi32, #tpu.memory_space<hbm>> -> memref<1x256xi32, #tpu.memory_space<hbm>>
    %dma_start3A_151 = tpu.memref_squeeze %dma_start3A_150 : memref<1x256xi32, #tpu.memory_space<hbm>> -> memref<256xi32, #tpu.memory_space<hbm>>
    %dma_start3A_152 = arith.constant 0 : i32
    %dma_start3A_153 = tpu.memref_slice %arg10[%dma_start3A_146, %dma_start3A_152] : memref<5x256xi32, #tpu.memory_space<vmem>> -> memref<1x256xi32, #tpu.memory_space<vmem>>
    %dma_start3A_154 = tpu.memref_squeeze %dma_start3A_153 : memref<1x256xi32, #tpu.memory_space<vmem>> -> memref<256xi32, #tpu.memory_space<vmem>>
    %dma_start3A_155 = tpu.memref_slice %arg7[%dma_start3A_145, %add3A_4] : memref<5x16384xi32, #tpu.memory_space<hbm>> -> memref<1x256xi32, #tpu.memory_space<hbm>>
    %dma_start3A_156 = tpu.memref_squeeze %dma_start3A_155 : memref<1x256xi32, #tpu.memory_space<hbm>> -> memref<256xi32, #tpu.memory_space<hbm>>
    tpu.enqueue_dma source(%dma_start3A_156 : memref<256xi32, #tpu.memory_space<hbm>>) target(%dma_start3A_154 : memref<256xi32, #tpu.memory_space<vmem>>) target_semaphore(%arg15 : memref<!tpu.dma_semaphore, #tpu.memory_space<semaphore_mem>>)
    %dma_start3A_157 = arith.constant 3 : i32
    %dma_start3A_158 = arith.constant 3 : i32
    %dma_start3A_159 = arith.constant 0 : i32
    %dma_start3A_160 = tpu.memref_slice %arg10[%dma_start3A_158, %dma_start3A_159] : memref<5x256xi32, #tpu.memory_space<vmem>> -> memref<1x256xi32, #tpu.memory_space<vmem>>
    %dma_start3A_161 = tpu.memref_squeeze %dma_start3A_160 : memref<1x256xi32, #tpu.memory_space<vmem>> -> memref<256xi32, #tpu.memory_space<vmem>>
    %dma_start3A_162 = tpu.memref_slice %arg7[%dma_start3A_157, %add3A_4] : memref<5x16384xi32, #tpu.memory_space<hbm>> -> memref<1x256xi32, #tpu.memory_space<hbm>>
    %dma_start3A_163 = tpu.memref_squeeze %dma_start3A_162 : memref<1x256xi32, #tpu.memory_space<hbm>> -> memref<256xi32, #tpu.memory_space<hbm>>
    %dma_start3A_164 = arith.constant 0 : i32
    %dma_start3A_165 = tpu.memref_slice %arg10[%dma_start3A_158, %dma_start3A_164] : memref<5x256xi32, #tpu.memory_space<vmem>> -> memref<1x256xi32, #tpu.memory_space<vmem>>
    %dma_start3A_166 = tpu.memref_squeeze %dma_start3A_165 : memref<1x256xi32, #tpu.memory_space<vmem>> -> memref<256xi32, #tpu.memory_space<vmem>>
    %dma_start3A_167 = tpu.memref_slice %arg7[%dma_start3A_157, %add3A_4] : memref<5x16384xi32, #tpu.memory_space<hbm>> -> memref<1x256xi32, #tpu.memory_space<hbm>>
    %dma_start3A_168 = tpu.memref_squeeze %dma_start3A_167 : memref<1x256xi32, #tpu.memory_space<hbm>> -> memref<256xi32, #tpu.memory_space<hbm>>
    tpu.enqueue_dma source(%dma_start3A_168 : memref<256xi32, #tpu.memory_space<hbm>>) target(%dma_start3A_166 : memref<256xi32, #tpu.memory_space<vmem>>) target_semaphore(%arg15 : memref<!tpu.dma_semaphore, #tpu.memory_space<semaphore_mem>>)
    %dma_start3A_169 = arith.constant 4 : i32
    %dma_start3A_170 = arith.constant 4 : i32
    %dma_start3A_171 = arith.constant 0 : i32
    %dma_start3A_172 = tpu.memref_slice %arg10[%dma_start3A_170, %dma_start3A_171] : memref<5x256xi32, #tpu.memory_space<vmem>> -> memref<1x256xi32, #tpu.memory_space<vmem>>
    %dma_start3A_173 = tpu.memref_squeeze %dma_start3A_172 : memref<1x256xi32, #tpu.memory_space<vmem>> -> memref<256xi32, #tpu.memory_space<vmem>>
    %dma_start3A_174 = tpu.memref_slice %arg7[%dma_start3A_169, %add3A_4] : memref<5x16384xi32, #tpu.memory_space<hbm>> -> memref<1x256xi32, #tpu.memory_space<hbm>>
    %dma_start3A_175 = tpu.memref_squeeze %dma_start3A_174 : memref<1x256xi32, #tpu.memory_space<hbm>> -> memref<256xi32, #tpu.memory_space<hbm>>
    %dma_start3A_176 = arith.constant 0 : i32
    %dma_start3A_177 = tpu.memref_slice %arg10[%dma_start3A_170, %dma_start3A_176] : memref<5x256xi32, #tpu.memory_space<vmem>> -> memref<1x256xi32, #tpu.memory_space<vmem>>
    %dma_start3A_178 = tpu.memref_squeeze %dma_start3A_177 : memref<1x256xi32, #tpu.memory_space<vmem>> -> memref<256xi32, #tpu.memory_space<vmem>>
    %dma_start3A_179 = tpu.memref_slice %arg7[%dma_start3A_169, %add3A_4] : memref<5x16384xi32, #tpu.memory_space<hbm>> -> memref<1x256xi32, #tpu.memory_space<hbm>>
    %dma_start3A_180 = tpu.memref_squeeze %dma_start3A_179 : memref<1x256xi32, #tpu.memory_space<hbm>> -> memref<256xi32, #tpu.memory_space<hbm>>
    tpu.enqueue_dma source(%dma_start3A_180 : memref<256xi32, #tpu.memory_space<hbm>>) target(%dma_start3A_178 : memref<256xi32, #tpu.memory_space<vmem>>) target_semaphore(%arg15 : memref<!tpu.dma_semaphore, #tpu.memory_space<semaphore_mem>>)
    %dma_wait3A = arith.constant 0 : i32
    %dma_wait3A_181 = arith.constant 0 : i32
    %dma_wait3A_182 = tpu.memref_slice %arg9[%dma_wait3A, %dma_wait3A_181] : memref<10x256xi32, #tpu.memory_space<vmem>> -> memref<1x256xi32, #tpu.memory_space<vmem>>
    %dma_wait3A_183 = tpu.memref_squeeze %dma_wait3A_182 : memref<1x256xi32, #tpu.memory_space<vmem>> -> memref<256xi32, #tpu.memory_space<vmem>>
    %dma_wait3A_184 = tpu.memref_slice %arg3[%add3A_4] : memref<16384xi32, #tpu.memory_space<hbm>> -> memref<256xi32, #tpu.memory_space<hbm>>
    %dma_wait3A_185 = arith.constant 0 : i32
    %dma_wait3A_186 = tpu.memref_slice %arg9[%dma_wait3A, %dma_wait3A_185] : memref<10x256xi32, #tpu.memory_space<vmem>> -> memref<1x256xi32, #tpu.memory_space<vmem>>
    %dma_wait3A_187 = tpu.memref_squeeze %dma_wait3A_186 : memref<1x256xi32, #tpu.memory_space<vmem>> -> memref<256xi32, #tpu.memory_space<vmem>>
    %dma_wait3A_188 = tpu.memref_slice %arg3[%add3A_4] : memref<16384xi32, #tpu.memory_space<hbm>> -> memref<256xi32, #tpu.memory_space<hbm>>
    tpu.wait_dma2 semaphore(%arg15 : memref<!tpu.dma_semaphore, #tpu.memory_space<semaphore_mem>>) src(%dma_wait3A_188 : memref<256xi32, #tpu.memory_space<hbm>>) dst(%dma_wait3A_187 : memref<256xi32, #tpu.memory_space<vmem>>)
    %dma_start3A_189 = arith.constant 0 : i32
    %dma_start3A_190 = arith.constant 0 : i32
    %dma_start3A_191 = arith.constant 0 : i32
    %dma_start3A_192 = arith.constant 0 : i32
    %dma_start3A_193 = tpu.memref_slice %arg11[%dma_start3A_190, %dma_start3A_191, %dma_start3A_192] : memref<3x256x32xf32, #tpu.memory_space<vmem>> -> memref<1x256x32xf32, #tpu.memory_space<vmem>>
    %dma_start3A_194 = tpu.memref_squeeze %dma_start3A_193 : memref<1x256x32xf32, #tpu.memory_space<vmem>> -> memref<256x32xf32, #tpu.memory_space<vmem>>
    %dma_start3A_195 = arith.constant 0 : i32
    %dma_start3A_196 = tpu.memref_slice %arg9[%dma_start3A_189, %dma_start3A_195] : memref<10x256xi32, #tpu.memory_space<vmem>> -> memref<1x256xi32, #tpu.memory_space<vmem>>
    %dma_start3A_197 = tpu.memref_squeeze %dma_start3A_196 : memref<1x256xi32, #tpu.memory_space<vmem>> -> memref<256xi32, #tpu.memory_space<vmem>>
    %dma_start3A_198 = arith.constant 0 : i32
    %dma_start3A_199 = arith.constant 0 : i32
    %dma_start3A_200 = tpu.memref_slice %arg2[%dma_start3A_198, %dma_start3A_199] : memref<100000x32xf32, #tpu.memory_space<hbm>> -> memref<100000x32xf32, #tpu.memory_space<hbm>>
    tpu.enqueue_indirect_dma source(%dma_start3A_200 : memref<100000x32xf32, #tpu.memory_space<hbm>>) target(%dma_start3A_194 : memref<256x32xf32, #tpu.memory_space<vmem>>) offsets(%dma_start3A_197 : memref<256xi32, #tpu.memory_space<vmem>>) semaphore(%arg13 : memref<!tpu.dma_semaphore, #tpu.memory_space<semaphore_mem>>)
    %dma_wait3A_201 = arith.constant 0 : i32
    %dma_wait3A_202 = arith.constant 1 : i32
    %dma_wait3A_203 = arith.constant 0 : i32
    %dma_wait3A_204 = tpu.memref_slice %arg9[%dma_wait3A_202, %dma_wait3A_203] : memref<10x256xi32, #tpu.memory_space<vmem>> -> memref<1x256xi32, #tpu.memory_space<vmem>>
    %dma_wait3A_205 = tpu.memref_squeeze %dma_wait3A_204 : memref<1x256xi32, #tpu.memory_space<vmem>> -> memref<256xi32, #tpu.memory_space<vmem>>
    %dma_wait3A_206 = tpu.memref_slice %arg4[%dma_wait3A_201, %add3A_4] : memref<4x16384xi32, #tpu.memory_space<hbm>> -> memref<1x256xi32, #tpu.memory_space<hbm>>
    %dma_wait3A_207 = tpu.memref_squeeze %dma_wait3A_206 : memref<1x256xi32, #tpu.memory_space<hbm>> -> memref<256xi32, #tpu.memory_space<hbm>>
    %dma_wait3A_208 = arith.constant 0 : i32
    %dma_wait3A_209 = tpu.memref_slice %arg9[%dma_wait3A_202, %dma_wait3A_208] : memref<10x256xi32, #tpu.memory_space<vmem>> -> memref<1x256xi32, #tpu.memory_space<vmem>>
    %dma_wait3A_210 = tpu.memref_squeeze %dma_wait3A_209 : memref<1x256xi32, #tpu.memory_space<vmem>> -> memref<256xi32, #tpu.memory_space<vmem>>
    %dma_wait3A_211 = tpu.memref_slice %arg4[%dma_wait3A_201, %add3A_4] : memref<4x16384xi32, #tpu.memory_space<hbm>> -> memref<1x256xi32, #tpu.memory_space<hbm>>
    %dma_wait3A_212 = tpu.memref_squeeze %dma_wait3A_211 : memref<1x256xi32, #tpu.memory_space<hbm>> -> memref<256xi32, #tpu.memory_space<hbm>>
    tpu.wait_dma2 semaphore(%arg15 : memref<!tpu.dma_semaphore, #tpu.memory_space<semaphore_mem>>) src(%dma_wait3A_212 : memref<256xi32, #tpu.memory_space<hbm>>) dst(%dma_wait3A_210 : memref<256xi32, #tpu.memory_space<vmem>>)
    %dma_start3A_213 = arith.constant 1 : i32
    %dma_start3A_214 = arith.constant 1 : i32
    %dma_start3A_215 = arith.constant 0 : i32
    %dma_start3A_216 = arith.constant 0 : i32
    %dma_start3A_217 = tpu.memref_slice %arg11[%dma_start3A_214, %dma_start3A_215, %dma_start3A_216] : memref<3x256x32xf32, #tpu.memory_space<vmem>> -> memref<1x256x32xf32, #tpu.memory_space<vmem>>
    %dma_start3A_218 = tpu.memref_squeeze %dma_start3A_217 : memref<1x256x32xf32, #tpu.memory_space<vmem>> -> memref<256x32xf32, #tpu.memory_space<vmem>>
    %dma_start3A_219 = arith.constant 0 : i32
    %dma_start3A_220 = tpu.memref_slice %arg9[%dma_start3A_213, %dma_start3A_219] : memref<10x256xi32, #tpu.memory_space<vmem>> -> memref<1x256xi32, #tpu.memory_space<vmem>>
    %dma_start3A_221 = tpu.memref_squeeze %dma_start3A_220 : memref<1x256xi32, #tpu.memory_space<vmem>> -> memref<256xi32, #tpu.memory_space<vmem>>
    %dma_start3A_222 = arith.constant 0 : i32
    %dma_start3A_223 = arith.constant 0 : i32
    %dma_start3A_224 = tpu.memref_slice %arg2[%dma_start3A_222, %dma_start3A_223] : memref<100000x32xf32, #tpu.memory_space<hbm>> -> memref<100000x32xf32, #tpu.memory_space<hbm>>
    tpu.enqueue_indirect_dma source(%dma_start3A_224 : memref<100000x32xf32, #tpu.memory_space<hbm>>) target(%dma_start3A_218 : memref<256x32xf32, #tpu.memory_space<vmem>>) offsets(%dma_start3A_221 : memref<256xi32, #tpu.memory_space<vmem>>) semaphore(%arg13 : memref<!tpu.dma_semaphore, #tpu.memory_space<semaphore_mem>>)
    %dma_wait3A_225 = arith.constant 1 : i32
    %dma_wait3A_226 = arith.constant 2 : i32
    %dma_wait3A_227 = arith.constant 0 : i32
    %dma_wait3A_228 = tpu.memref_slice %arg9[%dma_wait3A_226, %dma_wait3A_227] : memref<10x256xi32, #tpu.memory_space<vmem>> -> memref<1x256xi32, #tpu.memory_space<vmem>>
    %dma_wait3A_229 = tpu.memref_squeeze %dma_wait3A_228 : memref<1x256xi32, #tpu.memory_space<vmem>> -> memref<256xi32, #tpu.memory_space<vmem>>
    %dma_wait3A_230 = tpu.memref_slice %arg4[%dma_wait3A_225, %add3A_4] : memref<4x16384xi32, #tpu.memory_space<hbm>> -> memref<1x256xi32, #tpu.memory_space<hbm>>
    %dma_wait3A_231 = tpu.memref_squeeze %dma_wait3A_230 : memref<1x256xi32, #tpu.memory_space<hbm>> -> memref<256xi32, #tpu.memory_space<hbm>>
    %dma_wait3A_232 = arith.constant 0 : i32
    %dma_wait3A_233 = tpu.memref_slice %arg9[%dma_wait3A_226, %dma_wait3A_232] : memref<10x256xi32, #tpu.memory_space<vmem>> -> memref<1x256xi32, #tpu.memory_space<vmem>>
    %dma_wait3A_234 = tpu.memref_squeeze %dma_wait3A_233 : memref<1x256xi32, #tpu.memory_space<vmem>> -> memref<256xi32, #tpu.memory_space<vmem>>
    %dma_wait3A_235 = tpu.memref_slice %arg4[%dma_wait3A_225, %add3A_4] : memref<4x16384xi32, #tpu.memory_space<hbm>> -> memref<1x256xi32, #tpu.memory_space<hbm>>
    %dma_wait3A_236 = tpu.memref_squeeze %dma_wait3A_235 : memref<1x256xi32, #tpu.memory_space<hbm>> -> memref<256xi32, #tpu.memory_space<hbm>>
    tpu.wait_dma2 semaphore(%arg15 : memref<!tpu.dma_semaphore, #tpu.memory_space<semaphore_mem>>) src(%dma_wait3A_236 : memref<256xi32, #tpu.memory_space<hbm>>) dst(%dma_wait3A_234 : memref<256xi32, #tpu.memory_space<vmem>>)
    %dma_start3A_237 = arith.constant 2 : i32
    %dma_start3A_238 = arith.constant 2 : i32
    %dma_start3A_239 = arith.constant 0 : i32
    %dma_start3A_240 = arith.constant 0 : i32
    %dma_start3A_241 = tpu.memref_slice %arg11[%dma_start3A_238, %dma_start3A_239, %dma_start3A_240] : memref<3x256x32xf32, #tpu.memory_space<vmem>> -> memref<1x256x32xf32, #tpu.memory_space<vmem>>
    %dma_start3A_242 = tpu.memref_squeeze %dma_start3A_241 : memref<1x256x32xf32, #tpu.memory_space<vmem>> -> memref<256x32xf32, #tpu.memory_space<vmem>>
    %dma_start3A_243 = arith.constant 0 : i32
    %dma_start3A_244 = tpu.memref_slice %arg9[%dma_start3A_237, %dma_start3A_243] : memref<10x256xi32, #tpu.memory_space<vmem>> -> memref<1x256xi32, #tpu.memory_space<vmem>>
    %dma_start3A_245 = tpu.memref_squeeze %dma_start3A_244 : memref<1x256xi32, #tpu.memory_space<vmem>> -> memref<256xi32, #tpu.memory_space<vmem>>
    %dma_start3A_246 = arith.constant 0 : i32
    %dma_start3A_247 = arith.constant 0 : i32
    %dma_start3A_248 = tpu.memref_slice %arg2[%dma_start3A_246, %dma_start3A_247] : memref<100000x32xf32, #tpu.memory_space<hbm>> -> memref<100000x32xf32, #tpu.memory_space<hbm>>
    tpu.enqueue_indirect_dma source(%dma_start3A_248 : memref<100000x32xf32, #tpu.memory_space<hbm>>) target(%dma_start3A_242 : memref<256x32xf32, #tpu.memory_space<vmem>>) offsets(%dma_start3A_245 : memref<256xi32, #tpu.memory_space<vmem>>) semaphore(%arg13 : memref<!tpu.dma_semaphore, #tpu.memory_space<semaphore_mem>>)
    %dma_wait3A_249 = arith.constant 2 : i32
    %dma_wait3A_250 = arith.constant 3 : i32
    %dma_wait3A_251 = arith.constant 0 : i32
    %dma_wait3A_252 = tpu.memref_slice %arg9[%dma_wait3A_250, %dma_wait3A_251] : memref<10x256xi32, #tpu.memory_space<vmem>> -> memref<1x256xi32, #tpu.memory_space<vmem>>
    %dma_wait3A_253 = tpu.memref_squeeze %dma_wait3A_252 : memref<1x256xi32, #tpu.memory_space<vmem>> -> memref<256xi32, #tpu.memory_space<vmem>>
    %dma_wait3A_254 = tpu.memref_slice %arg4[%dma_wait3A_249, %add3A_4] : memref<4x16384xi32, #tpu.memory_space<hbm>> -> memref<1x256xi32, #tpu.memory_space<hbm>>
    %dma_wait3A_255 = tpu.memref_squeeze %dma_wait3A_254 : memref<1x256xi32, #tpu.memory_space<hbm>> -> memref<256xi32, #tpu.memory_space<hbm>>
    %dma_wait3A_256 = arith.constant 0 : i32
    %dma_wait3A_257 = tpu.memref_slice %arg9[%dma_wait3A_250, %dma_wait3A_256] : memref<10x256xi32, #tpu.memory_space<vmem>> -> memref<1x256xi32, #tpu.memory_space<vmem>>
    %dma_wait3A_258 = tpu.memref_squeeze %dma_wait3A_257 : memref<1x256xi32, #tpu.memory_space<vmem>> -> memref<256xi32, #tpu.memory_space<vmem>>
    %dma_wait3A_259 = tpu.memref_slice %arg4[%dma_wait3A_249, %add3A_4] : memref<4x16384xi32, #tpu.memory_space<hbm>> -> memref<1x256xi32, #tpu.memory_space<hbm>>
    %dma_wait3A_260 = tpu.memref_squeeze %dma_wait3A_259 : memref<1x256xi32, #tpu.memory_space<hbm>> -> memref<256xi32, #tpu.memory_space<hbm>>
    tpu.wait_dma2 semaphore(%arg15 : memref<!tpu.dma_semaphore, #tpu.memory_space<semaphore_mem>>) src(%dma_wait3A_260 : memref<256xi32, #tpu.memory_space<hbm>>) dst(%dma_wait3A_258 : memref<256xi32, #tpu.memory_space<vmem>>)
    %dma_wait3A_261 = arith.constant 3 : i32
    %dma_wait3A_262 = arith.constant 4 : i32
    %dma_wait3A_263 = arith.constant 0 : i32
    %dma_wait3A_264 = tpu.memref_slice %arg9[%dma_wait3A_262, %dma_wait3A_263] : memref<10x256xi32, #tpu.memory_space<vmem>> -> memref<1x256xi32, #tpu.memory_space<vmem>>
    %dma_wait3A_265 = tpu.memref_squeeze %dma_wait3A_264 : memref<1x256xi32, #tpu.memory_space<vmem>> -> memref<256xi32, #tpu.memory_space<vmem>>
    %dma_wait3A_266 = tpu.memref_slice %arg4[%dma_wait3A_261, %add3A_4] : memref<4x16384xi32, #tpu.memory_space<hbm>> -> memref<1x256xi32, #tpu.memory_space<hbm>>
    %dma_wait3A_267 = tpu.memref_squeeze %dma_wait3A_266 : memref<1x256xi32, #tpu.memory_space<hbm>> -> memref<256xi32, #tpu.memory_space<hbm>>
    %dma_wait3A_268 = arith.constant 0 : i32
    %dma_wait3A_269 = tpu.memref_slice %arg9[%dma_wait3A_262, %dma_wait3A_268] : memref<10x256xi32, #tpu.memory_space<vmem>> -> memref<1x256xi32, #tpu.memory_space<vmem>>
    %dma_wait3A_270 = tpu.memref_squeeze %dma_wait3A_269 : memref<1x256xi32, #tpu.memory_space<vmem>> -> memref<256xi32, #tpu.memory_space<vmem>>
    %dma_wait3A_271 = tpu.memref_slice %arg4[%dma_wait3A_261, %add3A_4] : memref<4x16384xi32, #tpu.memory_space<hbm>> -> memref<1x256xi32, #tpu.memory_space<hbm>>
    %dma_wait3A_272 = tpu.memref_squeeze %dma_wait3A_271 : memref<1x256xi32, #tpu.memory_space<hbm>> -> memref<256xi32, #tpu.memory_space<hbm>>
    tpu.wait_dma2 semaphore(%arg15 : memref<!tpu.dma_semaphore, #tpu.memory_space<semaphore_mem>>) src(%dma_wait3A_272 : memref<256xi32, #tpu.memory_space<hbm>>) dst(%dma_wait3A_270 : memref<256xi32, #tpu.memory_space<vmem>>)
    %dma_wait3A_273 = arith.constant 0 : i32
    %dma_wait3A_274 = arith.constant 5 : i32
    %dma_wait3A_275 = arith.constant 0 : i32
    %dma_wait3A_276 = tpu.memref_slice %arg9[%dma_wait3A_274, %dma_wait3A_275] : memref<10x256xi32, #tpu.memory_space<vmem>> -> memref<1x256xi32, #tpu.memory_space<vmem>>
    %dma_wait3A_277 = tpu.memref_squeeze %dma_wait3A_276 : memref<1x256xi32, #tpu.memory_space<vmem>> -> memref<256xi32, #tpu.memory_space<vmem>>
    %dma_wait3A_278 = tpu.memref_slice %arg5[%dma_wait3A_273, %add3A_4] : memref<5x16384xi32, #tpu.memory_space<hbm>> -> memref<1x256xi32, #tpu.memory_space<hbm>>
    %dma_wait3A_279 = tpu.memref_squeeze %dma_wait3A_278 : memref<1x256xi32, #tpu.memory_space<hbm>> -> memref<256xi32, #tpu.memory_space<hbm>>
    %dma_wait3A_280 = arith.constant 0 : i32
    %dma_wait3A_281 = tpu.memref_slice %arg9[%dma_wait3A_274, %dma_wait3A_280] : memref<10x256xi32, #tpu.memory_space<vmem>> -> memref<1x256xi32, #tpu.memory_space<vmem>>
    %dma_wait3A_282 = tpu.memref_squeeze %dma_wait3A_281 : memref<1x256xi32, #tpu.memory_space<vmem>> -> memref<256xi32, #tpu.memory_space<vmem>>
    %dma_wait3A_283 = tpu.memref_slice %arg5[%dma_wait3A_273, %add3A_4] : memref<5x16384xi32, #tpu.memory_space<hbm>> -> memref<1x256xi32, #tpu.memory_space<hbm>>
    %dma_wait3A_284 = tpu.memref_squeeze %dma_wait3A_283 : memref<1x256xi32, #tpu.memory_space<hbm>> -> memref<256xi32, #tpu.memory_space<hbm>>
    tpu.wait_dma2 semaphore(%arg15 : memref<!tpu.dma_semaphore, #tpu.memory_space<semaphore_mem>>) src(%dma_wait3A_284 : memref<256xi32, #tpu.memory_space<hbm>>) dst(%dma_wait3A_282 : memref<256xi32, #tpu.memory_space<vmem>>)
    %dma_wait3A_285 = arith.constant 1 : i32
    %dma_wait3A_286 = arith.constant 6 : i32
    %dma_wait3A_287 = arith.constant 0 : i32
    %dma_wait3A_288 = tpu.memref_slice %arg9[%dma_wait3A_286, %dma_wait3A_287] : memref<10x256xi32, #tpu.memory_space<vmem>> -> memref<1x256xi32, #tpu.memory_space<vmem>>
    %dma_wait3A_289 = tpu.memref_squeeze %dma_wait3A_288 : memref<1x256xi32, #tpu.memory_space<vmem>> -> memref<256xi32, #tpu.memory_space<vmem>>
    %dma_wait3A_290 = tpu.memref_slice %arg5[%dma_wait3A_285, %add3A_4] : memref<5x16384xi32, #tpu.memory_space<hbm>> -> memref<1x256xi32, #tpu.memory_space<hbm>>
    %dma_wait3A_291 = tpu.memref_squeeze %dma_wait3A_290 : memref<1x256xi32, #tpu.memory_space<hbm>> -> memref<256xi32, #tpu.memory_space<hbm>>
    %dma_wait3A_292 = arith.constant 0 : i32
    %dma_wait3A_293 = tpu.memref_slice %arg9[%dma_wait3A_286, %dma_wait3A_292] : memref<10x256xi32, #tpu.memory_space<vmem>> -> memref<1x256xi32, #tpu.memory_space<vmem>>
    %dma_wait3A_294 = tpu.memref_squeeze %dma_wait3A_293 : memref<1x256xi32, #tpu.memory_space<vmem>> -> memref<256xi32, #tpu.memory_space<vmem>>
    %dma_wait3A_295 = tpu.memref_slice %arg5[%dma_wait3A_285, %add3A_4] : memref<5x16384xi32, #tpu.memory_space<hbm>> -> memref<1x256xi32, #tpu.memory_space<hbm>>
    %dma_wait3A_296 = tpu.memref_squeeze %dma_wait3A_295 : memref<1x256xi32, #tpu.memory_space<hbm>> -> memref<256xi32, #tpu.memory_space<hbm>>
    tpu.wait_dma2 semaphore(%arg15 : memref<!tpu.dma_semaphore, #tpu.memory_space<semaphore_mem>>) src(%dma_wait3A_296 : memref<256xi32, #tpu.memory_space<hbm>>) dst(%dma_wait3A_294 : memref<256xi32, #tpu.memory_space<vmem>>)
    %dma_wait3A_297 = arith.constant 2 : i32
    %dma_wait3A_298 = arith.constant 7 : i32
    %dma_wait3A_299 = arith.constant 0 : i32
    %dma_wait3A_300 = tpu.memref_slice %arg9[%dma_wait3A_298, %dma_wait3A_299] : memref<10x256xi32, #tpu.memory_space<vmem>> -> memref<1x256xi32, #tpu.memory_space<vmem>>
    %dma_wait3A_301 = tpu.memref_squeeze %dma_wait3A_300 : memref<1x256xi32, #tpu.memory_space<vmem>> -> memref<256xi32, #tpu.memory_space<vmem>>
    %dma_wait3A_302 = tpu.memref_slice %arg5[%dma_wait3A_297, %add3A_4] : memref<5x16384xi32, #tpu.memory_space<hbm>> -> memref<1x256xi32, #tpu.memory_space<hbm>>
    %dma_wait3A_303 = tpu.memref_squeeze %dma_wait3A_302 : memref<1x256xi32, #tpu.memory_space<hbm>> -> memref<256xi32, #tpu.memory_space<hbm>>
    %dma_wait3A_304 = arith.constant 0 : i32
    %dma_wait3A_305 = tpu.memref_slice %arg9[%dma_wait3A_298, %dma_wait3A_304] : memref<10x256xi32, #tpu.memory_space<vmem>> -> memref<1x256xi32, #tpu.memory_space<vmem>>
    %dma_wait3A_306 = tpu.memref_squeeze %dma_wait3A_305 : memref<1x256xi32, #tpu.memory_space<vmem>> -> memref<256xi32, #tpu.memory_space<vmem>>
    %dma_wait3A_307 = tpu.memref_slice %arg5[%dma_wait3A_297, %add3A_4] : memref<5x16384xi32, #tpu.memory_space<hbm>> -> memref<1x256xi32, #tpu.memory_space<hbm>>
    %dma_wait3A_308 = tpu.memref_squeeze %dma_wait3A_307 : memref<1x256xi32, #tpu.memory_space<hbm>> -> memref<256xi32, #tpu.memory_space<hbm>>
    tpu.wait_dma2 semaphore(%arg15 : memref<!tpu.dma_semaphore, #tpu.memory_space<semaphore_mem>>) src(%dma_wait3A_308 : memref<256xi32, #tpu.memory_space<hbm>>) dst(%dma_wait3A_306 : memref<256xi32, #tpu.memory_space<vmem>>)
    %dma_wait3A_309 = arith.constant 3 : i32
    %dma_wait3A_310 = arith.constant 8 : i32
    %dma_wait3A_311 = arith.constant 0 : i32
    %dma_wait3A_312 = tpu.memref_slice %arg9[%dma_wait3A_310, %dma_wait3A_311] : memref<10x256xi32, #tpu.memory_space<vmem>> -> memref<1x256xi32, #tpu.memory_space<vmem>>
    %dma_wait3A_313 = tpu.memref_squeeze %dma_wait3A_312 : memref<1x256xi32, #tpu.memory_space<vmem>> -> memref<256xi32, #tpu.memory_space<vmem>>
    %dma_wait3A_314 = tpu.memref_slice %arg5[%dma_wait3A_309, %add3A_4] : memref<5x16384xi32, #tpu.memory_space<hbm>> -> memref<1x256xi32, #tpu.memory_space<hbm>>
    %dma_wait3A_315 = tpu.memref_squeeze %dma_wait3A_314 : memref<1x256xi32, #tpu.memory_space<hbm>> -> memref<256xi32, #tpu.memory_space<hbm>>
    %dma_wait3A_316 = arith.constant 0 : i32
    %dma_wait3A_317 = tpu.memref_slice %arg9[%dma_wait3A_310, %dma_wait3A_316] : memref<10x256xi32, #tpu.memory_space<vmem>> -> memref<1x256xi32, #tpu.memory_space<vmem>>
    %dma_wait3A_318 = tpu.memref_squeeze %dma_wait3A_317 : memref<1x256xi32, #tpu.memory_space<vmem>> -> memref<256xi32, #tpu.memory_space<vmem>>
    %dma_wait3A_319 = tpu.memref_slice %arg5[%dma_wait3A_309, %add3A_4] : memref<5x16384xi32, #tpu.memory_space<hbm>> -> memref<1x256xi32, #tpu.memory_space<hbm>>
    %dma_wait3A_320 = tpu.memref_squeeze %dma_wait3A_319 : memref<1x256xi32, #tpu.memory_space<hbm>> -> memref<256xi32, #tpu.memory_space<hbm>>
    tpu.wait_dma2 semaphore(%arg15 : memref<!tpu.dma_semaphore, #tpu.memory_space<semaphore_mem>>) src(%dma_wait3A_320 : memref<256xi32, #tpu.memory_space<hbm>>) dst(%dma_wait3A_318 : memref<256xi32, #tpu.memory_space<vmem>>)
    %dma_wait3A_321 = arith.constant 4 : i32
    %dma_wait3A_322 = arith.constant 9 : i32
    %dma_wait3A_323 = arith.constant 0 : i32
    %dma_wait3A_324 = tpu.memref_slice %arg9[%dma_wait3A_322, %dma_wait3A_323] : memref<10x256xi32, #tpu.memory_space<vmem>> -> memref<1x256xi32, #tpu.memory_space<vmem>>
    %dma_wait3A_325 = tpu.memref_squeeze %dma_wait3A_324 : memref<1x256xi32, #tpu.memory_space<vmem>> -> memref<256xi32, #tpu.memory_space<vmem>>
    %dma_wait3A_326 = tpu.memref_slice %arg5[%dma_wait3A_321, %add3A_4] : memref<5x16384xi32, #tpu.memory_space<hbm>> -> memref<1x256xi32, #tpu.memory_space<hbm>>
    %dma_wait3A_327 = tpu.memref_squeeze %dma_wait3A_326 : memref<1x256xi32, #tpu.memory_space<hbm>> -> memref<256xi32, #tpu.memory_space<hbm>>
    %dma_wait3A_328 = arith.constant 0 : i32
    %dma_wait3A_329 = tpu.memref_slice %arg9[%dma_wait3A_322, %dma_wait3A_328] : memref<10x256xi32, #tpu.memory_space<vmem>> -> memref<1x256xi32, #tpu.memory_space<vmem>>
    %dma_wait3A_330 = tpu.memref_squeeze %dma_wait3A_329 : memref<1x256xi32, #tpu.memory_space<vmem>> -> memref<256xi32, #tpu.memory_space<vmem>>
    %dma_wait3A_331 = tpu.memref_slice %arg5[%dma_wait3A_321, %add3A_4] : memref<5x16384xi32, #tpu.memory_space<hbm>> -> memref<1x256xi32, #tpu.memory_space<hbm>>
    %dma_wait3A_332 = tpu.memref_squeeze %dma_wait3A_331 : memref<1x256xi32, #tpu.memory_space<hbm>> -> memref<256xi32, #tpu.memory_space<hbm>>
    tpu.wait_dma2 semaphore(%arg15 : memref<!tpu.dma_semaphore, #tpu.memory_space<semaphore_mem>>) src(%dma_wait3A_332 : memref<256xi32, #tpu.memory_space<hbm>>) dst(%dma_wait3A_330 : memref<256xi32, #tpu.memory_space<vmem>>)
    %dma_wait3A_333 = arith.constant 0 : i32
    %dma_wait3A_334 = arith.constant 0 : i32
    %dma_wait3A_335 = arith.constant 0 : i32
    %dma_wait3A_336 = tpu.memref_slice %arg10[%dma_wait3A_334, %dma_wait3A_335] : memref<5x256xi32, #tpu.memory_space<vmem>> -> memref<1x256xi32, #tpu.memory_space<vmem>>
    %dma_wait3A_337 = tpu.memref_squeeze %dma_wait3A_336 : memref<1x256xi32, #tpu.memory_space<vmem>> -> memref<256xi32, #tpu.memory_space<vmem>>
    %dma_wait3A_338 = tpu.memref_slice %arg7[%dma_wait3A_333, %add3A_4] : memref<5x16384xi32, #tpu.memory_space<hbm>> -> memref<1x256xi32, #tpu.memory_space<hbm>>
    %dma_wait3A_339 = tpu.memref_squeeze %dma_wait3A_338 : memref<1x256xi32, #tpu.memory_space<hbm>> -> memref<256xi32, #tpu.memory_space<hbm>>
    %dma_wait3A_340 = arith.constant 0 : i32
    %dma_wait3A_341 = tpu.memref_slice %arg10[%dma_wait3A_334, %dma_wait3A_340] : memref<5x256xi32, #tpu.memory_space<vmem>> -> memref<1x256xi32, #tpu.memory_space<vmem>>
    %dma_wait3A_342 = tpu.memref_squeeze %dma_wait3A_341 : memref<1x256xi32, #tpu.memory_space<vmem>> -> memref<256xi32, #tpu.memory_space<vmem>>
    %dma_wait3A_343 = tpu.memref_slice %arg7[%dma_wait3A_333, %add3A_4] : memref<5x16384xi32, #tpu.memory_space<hbm>> -> memref<1x256xi32, #tpu.memory_space<hbm>>
    %dma_wait3A_344 = tpu.memref_squeeze %dma_wait3A_343 : memref<1x256xi32, #tpu.memory_space<hbm>> -> memref<256xi32, #tpu.memory_space<hbm>>
    tpu.wait_dma2 semaphore(%arg15 : memref<!tpu.dma_semaphore, #tpu.memory_space<semaphore_mem>>) src(%dma_wait3A_344 : memref<256xi32, #tpu.memory_space<hbm>>) dst(%dma_wait3A_342 : memref<256xi32, #tpu.memory_space<vmem>>)
    %dma_wait3A_345 = arith.constant 1 : i32
    %dma_wait3A_346 = arith.constant 1 : i32
    %dma_wait3A_347 = arith.constant 0 : i32
    %dma_wait3A_348 = tpu.memref_slice %arg10[%dma_wait3A_346, %dma_wait3A_347] : memref<5x256xi32, #tpu.memory_space<vmem>> -> memref<1x256xi32, #tpu.memory_space<vmem>>
    %dma_wait3A_349 = tpu.memref_squeeze %dma_wait3A_348 : memref<1x256xi32, #tpu.memory_space<vmem>> -> memref<256xi32, #tpu.memory_space<vmem>>
    %dma_wait3A_350 = tpu.memref_slice %arg7[%dma_wait3A_345, %add3A_4] : memref<5x16384xi32, #tpu.memory_space<hbm>> -> memref<1x256xi32, #tpu.memory_space<hbm>>
    %dma_wait3A_351 = tpu.memref_squeeze %dma_wait3A_350 : memref<1x256xi32, #tpu.memory_space<hbm>> -> memref<256xi32, #tpu.memory_space<hbm>>
    %dma_wait3A_352 = arith.constant 0 : i32
    %dma_wait3A_353 = tpu.memref_slice %arg10[%dma_wait3A_346, %dma_wait3A_352] : memref<5x256xi32, #tpu.memory_space<vmem>> -> memref<1x256xi32, #tpu.memory_space<vmem>>
    %dma_wait3A_354 = tpu.memref_squeeze %dma_wait3A_353 : memref<1x256xi32, #tpu.memory_space<vmem>> -> memref<256xi32, #tpu.memory_space<vmem>>
    %dma_wait3A_355 = tpu.memref_slice %arg7[%dma_wait3A_345, %add3A_4] : memref<5x16384xi32, #tpu.memory_space<hbm>> -> memref<1x256xi32, #tpu.memory_space<hbm>>
    %dma_wait3A_356 = tpu.memref_squeeze %dma_wait3A_355 : memref<1x256xi32, #tpu.memory_space<hbm>> -> memref<256xi32, #tpu.memory_space<hbm>>
    tpu.wait_dma2 semaphore(%arg15 : memref<!tpu.dma_semaphore, #tpu.memory_space<semaphore_mem>>) src(%dma_wait3A_356 : memref<256xi32, #tpu.memory_space<hbm>>) dst(%dma_wait3A_354 : memref<256xi32, #tpu.memory_space<vmem>>)
    %dma_wait3A_357 = arith.constant 2 : i32
    %dma_wait3A_358 = arith.constant 2 : i32
    %dma_wait3A_359 = arith.constant 0 : i32
    %dma_wait3A_360 = tpu.memref_slice %arg10[%dma_wait3A_358, %dma_wait3A_359] : memref<5x256xi32, #tpu.memory_space<vmem>> -> memref<1x256xi32, #tpu.memory_space<vmem>>
    %dma_wait3A_361 = tpu.memref_squeeze %dma_wait3A_360 : memref<1x256xi32, #tpu.memory_space<vmem>> -> memref<256xi32, #tpu.memory_space<vmem>>
    %dma_wait3A_362 = tpu.memref_slice %arg7[%dma_wait3A_357, %add3A_4] : memref<5x16384xi32, #tpu.memory_space<hbm>> -> memref<1x256xi32, #tpu.memory_space<hbm>>
    %dma_wait3A_363 = tpu.memref_squeeze %dma_wait3A_362 : memref<1x256xi32, #tpu.memory_space<hbm>> -> memref<256xi32, #tpu.memory_space<hbm>>
    %dma_wait3A_364 = arith.constant 0 : i32
    %dma_wait3A_365 = tpu.memref_slice %arg10[%dma_wait3A_358, %dma_wait3A_364] : memref<5x256xi32, #tpu.memory_space<vmem>> -> memref<1x256xi32, #tpu.memory_space<vmem>>
    %dma_wait3A_366 = tpu.memref_squeeze %dma_wait3A_365 : memref<1x256xi32, #tpu.memory_space<vmem>> -> memref<256xi32, #tpu.memory_space<vmem>>
    %dma_wait3A_367 = tpu.memref_slice %arg7[%dma_wait3A_357, %add3A_4] : memref<5x16384xi32, #tpu.memory_space<hbm>> -> memref<1x256xi32, #tpu.memory_space<hbm>>
    %dma_wait3A_368 = tpu.memref_squeeze %dma_wait3A_367 : memref<1x256xi32, #tpu.memory_space<hbm>> -> memref<256xi32, #tpu.memory_space<hbm>>
    tpu.wait_dma2 semaphore(%arg15 : memref<!tpu.dma_semaphore, #tpu.memory_space<semaphore_mem>>) src(%dma_wait3A_368 : memref<256xi32, #tpu.memory_space<hbm>>) dst(%dma_wait3A_366 : memref<256xi32, #tpu.memory_space<vmem>>)
    %dma_wait3A_369 = arith.constant 3 : i32
    %dma_wait3A_370 = arith.constant 3 : i32
    %dma_wait3A_371 = arith.constant 0 : i32
    %dma_wait3A_372 = tpu.memref_slice %arg10[%dma_wait3A_370, %dma_wait3A_371] : memref<5x256xi32, #tpu.memory_space<vmem>> -> memref<1x256xi32, #tpu.memory_space<vmem>>
    %dma_wait3A_373 = tpu.memref_squeeze %dma_wait3A_372 : memref<1x256xi32, #tpu.memory_space<vmem>> -> memref<256xi32, #tpu.memory_space<vmem>>
    %dma_wait3A_374 = tpu.memref_slice %arg7[%dma_wait3A_369, %add3A_4] : memref<5x16384xi32, #tpu.memory_space<hbm>> -> memref<1x256xi32, #tpu.memory_space<hbm>>
    %dma_wait3A_375 = tpu.memref_squeeze %dma_wait3A_374 : memref<1x256xi32, #tpu.memory_space<hbm>> -> memref<256xi32, #tpu.memory_space<hbm>>
    %dma_wait3A_376 = arith.constant 0 : i32
    %dma_wait3A_377 = tpu.memref_slice %arg10[%dma_wait3A_370, %dma_wait3A_376] : memref<5x256xi32, #tpu.memory_space<vmem>> -> memref<1x256xi32, #tpu.memory_space<vmem>>
    %dma_wait3A_378 = tpu.memref_squeeze %dma_wait3A_377 : memref<1x256xi32, #tpu.memory_space<vmem>> -> memref<256xi32, #tpu.memory_space<vmem>>
    %dma_wait3A_379 = tpu.memref_slice %arg7[%dma_wait3A_369, %add3A_4] : memref<5x16384xi32, #tpu.memory_space<hbm>> -> memref<1x256xi32, #tpu.memory_space<hbm>>
    %dma_wait3A_380 = tpu.memref_squeeze %dma_wait3A_379 : memref<1x256xi32, #tpu.memory_space<hbm>> -> memref<256xi32, #tpu.memory_space<hbm>>
    tpu.wait_dma2 semaphore(%arg15 : memref<!tpu.dma_semaphore, #tpu.memory_space<semaphore_mem>>) src(%dma_wait3A_380 : memref<256xi32, #tpu.memory_space<hbm>>) dst(%dma_wait3A_378 : memref<256xi32, #tpu.memory_space<vmem>>)
    %dma_wait3A_381 = arith.constant 4 : i32
    %dma_wait3A_382 = arith.constant 4 : i32
    %dma_wait3A_383 = arith.constant 0 : i32
    %dma_wait3A_384 = tpu.memref_slice %arg10[%dma_wait3A_382, %dma_wait3A_383] : memref<5x256xi32, #tpu.memory_space<vmem>> -> memref<1x256xi32, #tpu.memory_space<vmem>>
    %dma_wait3A_385 = tpu.memref_squeeze %dma_wait3A_384 : memref<1x256xi32, #tpu.memory_space<vmem>> -> memref<256xi32, #tpu.memory_space<vmem>>
    %dma_wait3A_386 = tpu.memref_slice %arg7[%dma_wait3A_381, %add3A_4] : memref<5x16384xi32, #tpu.memory_space<hbm>> -> memref<1x256xi32, #tpu.memory_space<hbm>>
    %dma_wait3A_387 = tpu.memref_squeeze %dma_wait3A_386 : memref<1x256xi32, #tpu.memory_space<hbm>> -> memref<256xi32, #tpu.memory_space<hbm>>
    %dma_wait3A_388 = arith.constant 0 : i32
    %dma_wait3A_389 = tpu.memref_slice %arg10[%dma_wait3A_382, %dma_wait3A_388] : memref<5x256xi32, #tpu.memory_space<vmem>> -> memref<1x256xi32, #tpu.memory_space<vmem>>
    %dma_wait3A_390 = tpu.memref_squeeze %dma_wait3A_389 : memref<1x256xi32, #tpu.memory_space<vmem>> -> memref<256xi32, #tpu.memory_space<vmem>>
    %dma_wait3A_391 = tpu.memref_slice %arg7[%dma_wait3A_381, %add3A_4] : memref<5x16384xi32, #tpu.memory_space<hbm>> -> memref<1x256xi32, #tpu.memory_space<hbm>>
    %dma_wait3A_392 = tpu.memref_squeeze %dma_wait3A_391 : memref<1x256xi32, #tpu.memory_space<hbm>> -> memref<256xi32, #tpu.memory_space<hbm>>
    tpu.wait_dma2 semaphore(%arg15 : memref<!tpu.dma_semaphore, #tpu.memory_space<semaphore_mem>>) src(%dma_wait3A_392 : memref<256xi32, #tpu.memory_space<hbm>>) dst(%dma_wait3A_390 : memref<256xi32, #tpu.memory_space<vmem>>)
    %dma_wait3A_393 = arith.constant 0 : i32
    %dma_wait3A_394 = arith.constant 0 : i32
    %dma_wait3A_395 = arith.constant 0 : i32
    %dma_wait3A_396 = arith.constant 0 : i32
    %dma_wait3A_397 = tpu.memref_slice %arg11[%dma_wait3A_394, %dma_wait3A_395, %dma_wait3A_396] : memref<3x256x32xf32, #tpu.memory_space<vmem>> -> memref<1x256x32xf32, #tpu.memory_space<vmem>>
    %dma_wait3A_398 = tpu.memref_squeeze %dma_wait3A_397 : memref<1x256x32xf32, #tpu.memory_space<vmem>> -> memref<256x32xf32, #tpu.memory_space<vmem>>
    %dma_wait3A_399 = arith.constant 0 : i32
    %dma_wait3A_400 = tpu.memref_slice %arg9[%dma_wait3A_393, %dma_wait3A_399] : memref<10x256xi32, #tpu.memory_space<vmem>> -> memref<1x256xi32, #tpu.memory_space<vmem>>
    %dma_wait3A_401 = tpu.memref_squeeze %dma_wait3A_400 : memref<1x256xi32, #tpu.memory_space<vmem>> -> memref<256xi32, #tpu.memory_space<vmem>>
    %dma_wait3A_402 = arith.constant 0 : i32
    %dma_wait3A_403 = arith.constant 0 : i32
    %dma_wait3A_404 = tpu.memref_slice %arg2[%dma_wait3A_402, %dma_wait3A_403] : memref<100000x32xf32, #tpu.memory_space<hbm>> -> memref<100000x32xf32, #tpu.memory_space<hbm>>
    tpu.wait_indirect_dma semaphore(%arg13 : memref<!tpu.dma_semaphore, #tpu.memory_space<semaphore_mem>>) src(%dma_wait3A_404 : memref<100000x32xf32, #tpu.memory_space<hbm>>) dst(%dma_wait3A_398 : memref<256x32xf32, #tpu.memory_space<vmem>>)
    %dma_start3A_405 = arith.constant 0 : i32
    %dma_start3A_406 = arith.constant 0 : i32
    %dma_start3A_407 = arith.constant 0 : i32
    %dma_start3A_408 = arith.constant 0 : i32
    %dma_start3A_409 = tpu.memref_slice %arg11[%dma_start3A_405, %dma_start3A_407, %dma_start3A_408] : memref<3x256x32xf32, #tpu.memory_space<vmem>> -> memref<1x256x32xf32, #tpu.memory_space<vmem>>
    %dma_start3A_410 = tpu.memref_squeeze %dma_start3A_409 : memref<1x256x32xf32, #tpu.memory_space<vmem>> -> memref<256x32xf32, #tpu.memory_space<vmem>>
    %dma_start3A_411 = arith.constant 0 : i32
    %dma_start3A_412 = tpu.memref_slice %arg8[%dma_start3A_406, %mul3A_2, %dma_start3A_411] : memref<4x8192x128xf32, #tpu.memory_space<hbm>> -> memref<1x256x32xf32, #tpu.memory_space<hbm>>
    %dma_start3A_413 = tpu.memref_squeeze %dma_start3A_412 : memref<1x256x32xf32, #tpu.memory_space<hbm>> -> memref<256x32xf32, #tpu.memory_space<hbm>>
    %dma_start3A_414 = arith.constant 0 : i32
    %dma_start3A_415 = tpu.memref_slice %arg8[%dma_start3A_406, %mul3A_2, %dma_start3A_414] : memref<4x8192x128xf32, #tpu.memory_space<hbm>> -> memref<1x256x32xf32, #tpu.memory_space<hbm>>
    %dma_start3A_416 = tpu.memref_squeeze %dma_start3A_415 : memref<1x256x32xf32, #tpu.memory_space<hbm>> -> memref<256x32xf32, #tpu.memory_space<hbm>>
    %dma_start3A_417 = arith.constant 0 : i32
    %dma_start3A_418 = arith.constant 0 : i32
    %dma_start3A_419 = tpu.memref_slice %arg11[%dma_start3A_405, %dma_start3A_417, %dma_start3A_418] : memref<3x256x32xf32, #tpu.memory_space<vmem>> -> memref<1x256x32xf32, #tpu.memory_space<vmem>>
    %dma_start3A_420 = tpu.memref_squeeze %dma_start3A_419 : memref<1x256x32xf32, #tpu.memory_space<vmem>> -> memref<256x32xf32, #tpu.memory_space<vmem>>
    tpu.enqueue_dma source(%dma_start3A_420 : memref<256x32xf32, #tpu.memory_space<vmem>>) target(%dma_start3A_416 : memref<256x32xf32, #tpu.memory_space<hbm>>) target_semaphore(%arg14 : memref<!tpu.dma_semaphore, #tpu.memory_space<semaphore_mem>>)
    %dma_wait3A_421 = arith.constant 0 : i32
    %dma_wait3A_422 = arith.constant 0 : i32
    %dma_wait3A_423 = arith.constant 0 : i32
    %dma_wait3A_424 = arith.constant 0 : i32
    %dma_wait3A_425 = tpu.memref_slice %arg11[%dma_wait3A_421, %dma_wait3A_423, %dma_wait3A_424] : memref<3x256x32xf32, #tpu.memory_space<vmem>> -> memref<1x256x32xf32, #tpu.memory_space<vmem>>
    %dma_wait3A_426 = tpu.memref_squeeze %dma_wait3A_425 : memref<1x256x32xf32, #tpu.memory_space<vmem>> -> memref<256x32xf32, #tpu.memory_space<vmem>>
    %dma_wait3A_427 = arith.constant 0 : i32
    %dma_wait3A_428 = tpu.memref_slice %arg8[%dma_wait3A_422, %mul3A_2, %dma_wait3A_427] : memref<4x8192x128xf32, #tpu.memory_space<hbm>> -> memref<1x256x32xf32, #tpu.memory_space<hbm>>
    %dma_wait3A_429 = tpu.memref_squeeze %dma_wait3A_428 : memref<1x256x32xf32, #tpu.memory_space<hbm>> -> memref<256x32xf32, #tpu.memory_space<hbm>>
    %dma_wait3A_430 = arith.constant 0 : i32
    %dma_wait3A_431 = tpu.memref_slice %arg8[%dma_wait3A_422, %mul3A_2, %dma_wait3A_430] : memref<4x8192x128xf32, #tpu.memory_space<hbm>> -> memref<1x256x32xf32, #tpu.memory_space<hbm>>
    %dma_wait3A_432 = tpu.memref_squeeze %dma_wait3A_431 : memref<1x256x32xf32, #tpu.memory_space<hbm>> -> memref<256x32xf32, #tpu.memory_space<hbm>>
    %dma_wait3A_433 = arith.constant 0 : i32
    %dma_wait3A_434 = arith.constant 0 : i32
    %dma_wait3A_435 = tpu.memref_slice %arg11[%dma_wait3A_421, %dma_wait3A_433, %dma_wait3A_434] : memref<3x256x32xf32, #tpu.memory_space<vmem>> -> memref<1x256x32xf32, #tpu.memory_space<vmem>>
    %dma_wait3A_436 = tpu.memref_squeeze %dma_wait3A_435 : memref<1x256x32xf32, #tpu.memory_space<vmem>> -> memref<256x32xf32, #tpu.memory_space<vmem>>
    tpu.wait_dma2 semaphore(%arg14 : memref<!tpu.dma_semaphore, #tpu.memory_space<semaphore_mem>>) src(%dma_wait3A_436 : memref<256x32xf32, #tpu.memory_space<vmem>>) dst(%dma_wait3A_432 : memref<256x32xf32, #tpu.memory_space<hbm>>)
    %dma_start3A_437 = arith.constant 3 : i32
    %dma_start3A_438 = arith.constant 0 : i32
    %dma_start3A_439 = arith.constant 0 : i32
    %dma_start3A_440 = arith.constant 0 : i32
    %dma_start3A_441 = tpu.memref_slice %arg11[%dma_start3A_438, %dma_start3A_439, %dma_start3A_440] : memref<3x256x32xf32, #tpu.memory_space<vmem>> -> memref<1x256x32xf32, #tpu.memory_space<vmem>>
    %dma_start3A_442 = tpu.memref_squeeze %dma_start3A_441 : memref<1x256x32xf32, #tpu.memory_space<vmem>> -> memref<256x32xf32, #tpu.memory_space<vmem>>
    %dma_start3A_443 = arith.constant 0 : i32
    %dma_start3A_444 = tpu.memref_slice %arg9[%dma_start3A_437, %dma_start3A_443] : memref<10x256xi32, #tpu.memory_space<vmem>> -> memref<1x256xi32, #tpu.memory_space<vmem>>
    %dma_start3A_445 = tpu.memref_squeeze %dma_start3A_444 : memref<1x256xi32, #tpu.memory_space<vmem>> -> memref<256xi32, #tpu.memory_space<vmem>>
    %dma_start3A_446 = arith.constant 0 : i32
    %dma_start3A_447 = arith.constant 0 : i32
    %dma_start3A_448 = tpu.memref_slice %arg2[%dma_start3A_446, %dma_start3A_447] : memref<100000x32xf32, #tpu.memory_space<hbm>> -> memref<100000x32xf32, #tpu.memory_space<hbm>>
    tpu.enqueue_indirect_dma source(%dma_start3A_448 : memref<100000x32xf32, #tpu.memory_space<hbm>>) target(%dma_start3A_442 : memref<256x32xf32, #tpu.memory_space<vmem>>) offsets(%dma_start3A_445 : memref<256xi32, #tpu.memory_space<vmem>>) semaphore(%arg13 : memref<!tpu.dma_semaphore, #tpu.memory_space<semaphore_mem>>)
    %dma_wait3A_449 = arith.constant 1 : i32
    %dma_wait3A_450 = arith.constant 1 : i32
    %dma_wait3A_451 = arith.constant 0 : i32
    %dma_wait3A_452 = arith.constant 0 : i32
    %dma_wait3A_453 = tpu.memref_slice %arg11[%dma_wait3A_450, %dma_wait3A_451, %dma_wait3A_452] : memref<3x256x32xf32, #tpu.memory_space<vmem>> -> memref<1x256x32xf32, #tpu.memory_space<vmem>>
    %dma_wait3A_454 = tpu.memref_squeeze %dma_wait3A_453 : memref<1x256x32xf32, #tpu.memory_space<vmem>> -> memref<256x32xf32, #tpu.memory_space<vmem>>
    %dma_wait3A_455 = arith.constant 0 : i32
    %dma_wait3A_456 = tpu.memref_slice %arg9[%dma_wait3A_449, %dma_wait3A_455] : memref<10x256xi32, #tpu.memory_space<vmem>> -> memref<1x256xi32, #tpu.memory_space<vmem>>
    %dma_wait3A_457 = tpu.memref_squeeze %dma_wait3A_456 : memref<1x256xi32, #tpu.memory_space<vmem>> -> memref<256xi32, #tpu.memory_space<vmem>>
    %dma_wait3A_458 = arith.constant 0 : i32
    %dma_wait3A_459 = arith.constant 0 : i32
    %dma_wait3A_460 = tpu.memref_slice %arg2[%dma_wait3A_458, %dma_wait3A_459] : memref<100000x32xf32, #tpu.memory_space<hbm>> -> memref<100000x32xf32, #tpu.memory_space<hbm>>
    tpu.wait_indirect_dma semaphore(%arg13 : memref<!tpu.dma_semaphore, #tpu.memory_space<semaphore_mem>>) src(%dma_wait3A_460 : memref<100000x32xf32, #tpu.memory_space<hbm>>) dst(%dma_wait3A_454 : memref<256x32xf32, #tpu.memory_space<vmem>>)
    %dma_start3A_461 = arith.constant 1 : i32
    %dma_start3A_462 = arith.constant 0 : i32
    %dma_start3A_463 = arith.constant 0 : i32
    %dma_start3A_464 = arith.constant 0 : i32
    %dma_start3A_465 = tpu.memref_slice %arg11[%dma_start3A_461, %dma_start3A_463, %dma_start3A_464] : memref<3x256x32xf32, #tpu.memory_space<vmem>> -> memref<1x256x32xf32, #tpu.memory_space<vmem>>
    %dma_start3A_466 = tpu.memref_squeeze %dma_start3A_465 : memref<1x256x32xf32, #tpu.memory_space<vmem>> -> memref<256x32xf32, #tpu.memory_space<vmem>>
    %dma_start3A_467 = arith.constant 32 : i32
    %dma_start3A_468 = tpu.memref_slice %arg8[%dma_start3A_462, %mul3A_2, %dma_start3A_467] : memref<4x8192x128xf32, #tpu.memory_space<hbm>> -> memref<1x256x32xf32, #tpu.memory_space<hbm>>
    %dma_start3A_469 = tpu.memref_squeeze %dma_start3A_468 : memref<1x256x32xf32, #tpu.memory_space<hbm>> -> memref<256x32xf32, #tpu.memory_space<hbm>>
    %dma_start3A_470 = arith.constant 32 : i32
    %dma_start3A_471 = tpu.memref_slice %arg8[%dma_start3A_462, %mul3A_2, %dma_start3A_470] : memref<4x8192x128xf32, #tpu.memory_space<hbm>> -> memref<1x256x32xf32, #tpu.memory_space<hbm>>
    %dma_start3A_472 = tpu.memref_squeeze %dma_start3A_471 : memref<1x256x32xf32, #tpu.memory_space<hbm>> -> memref<256x32xf32, #tpu.memory_space<hbm>>
    %dma_start3A_473 = arith.constant 0 : i32
    %dma_start3A_474 = arith.constant 0 : i32
    %dma_start3A_475 = tpu.memref_slice %arg11[%dma_start3A_461, %dma_start3A_473, %dma_start3A_474] : memref<3x256x32xf32, #tpu.memory_space<vmem>> -> memref<1x256x32xf32, #tpu.memory_space<vmem>>
    %dma_start3A_476 = tpu.memref_squeeze %dma_start3A_475 : memref<1x256x32xf32, #tpu.memory_space<vmem>> -> memref<256x32xf32, #tpu.memory_space<vmem>>
    tpu.enqueue_dma source(%dma_start3A_476 : memref<256x32xf32, #tpu.memory_space<vmem>>) target(%dma_start3A_472 : memref<256x32xf32, #tpu.memory_space<hbm>>) target_semaphore(%arg14 : memref<!tpu.dma_semaphore, #tpu.memory_space<semaphore_mem>>)
    %dma_wait3A_477 = arith.constant 1 : i32
    %dma_wait3A_478 = arith.constant 0 : i32
    %dma_wait3A_479 = arith.constant 0 : i32
    %dma_wait3A_480 = arith.constant 0 : i32
    %dma_wait3A_481 = tpu.memref_slice %arg11[%dma_wait3A_477, %dma_wait3A_479, %dma_wait3A_480] : memref<3x256x32xf32, #tpu.memory_space<vmem>> -> memref<1x256x32xf32, #tpu.memory_space<vmem>>
    %dma_wait3A_482 = tpu.memref_squeeze %dma_wait3A_481 : memref<1x256x32xf32, #tpu.memory_space<vmem>> -> memref<256x32xf32, #tpu.memory_space<vmem>>
    %dma_wait3A_483 = arith.constant 32 : i32
    %dma_wait3A_484 = tpu.memref_slice %arg8[%dma_wait3A_478, %mul3A_2, %dma_wait3A_483] : memref<4x8192x128xf32, #tpu.memory_space<hbm>> -> memref<1x256x32xf32, #tpu.memory_space<hbm>>
    %dma_wait3A_485 = tpu.memref_squeeze %dma_wait3A_484 : memref<1x256x32xf32, #tpu.memory_space<hbm>> -> memref<256x32xf32, #tpu.memory_space<hbm>>
    %dma_wait3A_486 = arith.constant 32 : i32
    %dma_wait3A_487 = tpu.memref_slice %arg8[%dma_wait3A_478, %mul3A_2, %dma_wait3A_486] : memref<4x8192x128xf32, #tpu.memory_space<hbm>> -> memref<1x256x32xf32, #tpu.memory_space<hbm>>
    %dma_wait3A_488 = tpu.memref_squeeze %dma_wait3A_487 : memref<1x256x32xf32, #tpu.memory_space<hbm>> -> memref<256x32xf32, #tpu.memory_space<hbm>>
    %dma_wait3A_489 = arith.constant 0 : i32
    %dma_wait3A_490 = arith.constant 0 : i32
    %dma_wait3A_491 = tpu.memref_slice %arg11[%dma_wait3A_477, %dma_wait3A_489, %dma_wait3A_490] : memref<3x256x32xf32, #tpu.memory_space<vmem>> -> memref<1x256x32xf32, #tpu.memory_space<vmem>>
    %dma_wait3A_492 = tpu.memref_squeeze %dma_wait3A_491 : memref<1x256x32xf32, #tpu.memory_space<vmem>> -> memref<256x32xf32, #tpu.memory_space<vmem>>
    tpu.wait_dma2 semaphore(%arg14 : memref<!tpu.dma_semaphore, #tpu.memory_space<semaphore_mem>>) src(%dma_wait3A_492 : memref<256x32xf32, #tpu.memory_space<vmem>>) dst(%dma_wait3A_488 : memref<256x32xf32, #tpu.memory_space<hbm>>)
    %dma_start3A_493 = arith.constant 4 : i32
    %dma_start3A_494 = arith.constant 1 : i32
    %dma_start3A_495 = arith.constant 0 : i32
    %dma_start3A_496 = arith.constant 0 : i32
    %dma_start3A_497 = tpu.memref_slice %arg11[%dma_start3A_494, %dma_start3A_495, %dma_start3A_496] : memref<3x256x32xf32, #tpu.memory_space<vmem>> -> memref<1x256x32xf32, #tpu.memory_space<vmem>>
    %dma_start3A_498 = tpu.memref_squeeze %dma_start3A_497 : memref<1x256x32xf32, #tpu.memory_space<vmem>> -> memref<256x32xf32, #tpu.memory_space<vmem>>
    %dma_start3A_499 = arith.constant 0 : i32
    %dma_start3A_500 = tpu.memref_slice %arg9[%dma_start3A_493, %dma_start3A_499] : memref<10x256xi32, #tpu.memory_space<vmem>> -> memref<1x256xi32, #tpu.memory_space<vmem>>
    %dma_start3A_501 = tpu.memref_squeeze %dma_start3A_500 : memref<1x256xi32, #tpu.memory_space<vmem>> -> memref<256xi32, #tpu.memory_space<vmem>>
    %dma_start3A_502 = arith.constant 0 : i32
    %dma_start3A_503 = arith.constant 0 : i32
    %dma_start3A_504 = tpu.memref_slice %arg2[%dma_start3A_502, %dma_start3A_503] : memref<100000x32xf32, #tpu.memory_space<hbm>> -> memref<100000x32xf32, #tpu.memory_space<hbm>>
    tpu.enqueue_indirect_dma source(%dma_start3A_504 : memref<100000x32xf32, #tpu.memory_space<hbm>>) target(%dma_start3A_498 : memref<256x32xf32, #tpu.memory_space<vmem>>) offsets(%dma_start3A_501 : memref<256xi32, #tpu.memory_space<vmem>>) semaphore(%arg13 : memref<!tpu.dma_semaphore, #tpu.memory_space<semaphore_mem>>)
    %dma_wait3A_505 = arith.constant 2 : i32
    %dma_wait3A_506 = arith.constant 2 : i32
    %dma_wait3A_507 = arith.constant 0 : i32
    %dma_wait3A_508 = arith.constant 0 : i32
    %dma_wait3A_509 = tpu.memref_slice %arg11[%dma_wait3A_506, %dma_wait3A_507, %dma_wait3A_508] : memref<3x256x32xf32, #tpu.memory_space<vmem>> -> memref<1x256x32xf32, #tpu.memory_space<vmem>>
    %dma_wait3A_510 = tpu.memref_squeeze %dma_wait3A_509 : memref<1x256x32xf32, #tpu.memory_space<vmem>> -> memref<256x32xf32, #tpu.memory_space<vmem>>
    %dma_wait3A_511 = arith.constant 0 : i32
    %dma_wait3A_512 = tpu.memref_slice %arg9[%dma_wait3A_505, %dma_wait3A_511] : memref<10x256xi32, #tpu.memory_space<vmem>> -> memref<1x256xi32, #tpu.memory_space<vmem>>
    %dma_wait3A_513 = tpu.memref_squeeze %dma_wait3A_512 : memref<1x256xi32, #tpu.memory_space<vmem>> -> memref<256xi32, #tpu.memory_space<vmem>>
    %dma_wait3A_514 = arith.constant 0 : i32
    %dma_wait3A_515 = arith.constant 0 : i32
    %dma_wait3A_516 = tpu.memref_slice %arg2[%dma_wait3A_514, %dma_wait3A_515] : memref<100000x32xf32, #tpu.memory_space<hbm>> -> memref<100000x32xf32, #tpu.memory_space<hbm>>
    tpu.wait_indirect_dma semaphore(%arg13 : memref<!tpu.dma_semaphore, #tpu.memory_space<semaphore_mem>>) src(%dma_wait3A_516 : memref<100000x32xf32, #tpu.memory_space<hbm>>) dst(%dma_wait3A_510 : memref<256x32xf32, #tpu.memory_space<vmem>>)
    %dma_start3A_517 = arith.constant 2 : i32
    %dma_start3A_518 = arith.constant 0 : i32
    %dma_start3A_519 = arith.constant 0 : i32
    %dma_start3A_520 = arith.constant 0 : i32
    %dma_start3A_521 = tpu.memref_slice %arg11[%dma_start3A_517, %dma_start3A_519, %dma_start3A_520] : memref<3x256x32xf32, #tpu.memory_space<vmem>> -> memref<1x256x32xf32, #tpu.memory_space<vmem>>
    %dma_start3A_522 = tpu.memref_squeeze %dma_start3A_521 : memref<1x256x32xf32, #tpu.memory_space<vmem>> -> memref<256x32xf32, #tpu.memory_space<vmem>>
    %dma_start3A_523 = arith.constant 64 : i32
    %dma_start3A_524 = tpu.memref_slice %arg8[%dma_start3A_518, %mul3A_2, %dma_start3A_523] : memref<4x8192x128xf32, #tpu.memory_space<hbm>> -> memref<1x256x32xf32, #tpu.memory_space<hbm>>
    %dma_start3A_525 = tpu.memref_squeeze %dma_start3A_524 : memref<1x256x32xf32, #tpu.memory_space<hbm>> -> memref<256x32xf32, #tpu.memory_space<hbm>>
    %dma_start3A_526 = arith.constant 64 : i32
    %dma_start3A_527 = tpu.memref_slice %arg8[%dma_start3A_518, %mul3A_2, %dma_start3A_526] : memref<4x8192x128xf32, #tpu.memory_space<hbm>> -> memref<1x256x32xf32, #tpu.memory_space<hbm>>
    %dma_start3A_528 = tpu.memref_squeeze %dma_start3A_527 : memref<1x256x32xf32, #tpu.memory_space<hbm>> -> memref<256x32xf32, #tpu.memory_space<hbm>>
    %dma_start3A_529 = arith.constant 0 : i32
    %dma_start3A_530 = arith.constant 0 : i32
    %dma_start3A_531 = tpu.memref_slice %arg11[%dma_start3A_517, %dma_start3A_529, %dma_start3A_530] : memref<3x256x32xf32, #tpu.memory_space<vmem>> -> memref<1x256x32xf32, #tpu.memory_space<vmem>>
    %dma_start3A_532 = tpu.memref_squeeze %dma_start3A_531 : memref<1x256x32xf32, #tpu.memory_space<vmem>> -> memref<256x32xf32, #tpu.memory_space<vmem>>
    tpu.enqueue_dma source(%dma_start3A_532 : memref<256x32xf32, #tpu.memory_space<vmem>>) target(%dma_start3A_528 : memref<256x32xf32, #tpu.memory_space<hbm>>) target_semaphore(%arg14 : memref<!tpu.dma_semaphore, #tpu.memory_space<semaphore_mem>>)
    %dma_wait3A_533 = arith.constant 2 : i32
    %dma_wait3A_534 = arith.constant 0 : i32
    %dma_wait3A_535 = arith.constant 0 : i32
    %dma_wait3A_536 = arith.constant 0 : i32
    %dma_wait3A_537 = tpu.memref_slice %arg11[%dma_wait3A_533, %dma_wait3A_535, %dma_wait3A_536] : memref<3x256x32xf32, #tpu.memory_space<vmem>> -> memref<1x256x32xf32, #tpu.memory_space<vmem>>
    %dma_wait3A_538 = tpu.memref_squeeze %dma_wait3A_537 : memref<1x256x32xf32, #tpu.memory_space<vmem>> -> memref<256x32xf32, #tpu.memory_space<vmem>>
    %dma_wait3A_539 = arith.constant 64 : i32
    %dma_wait3A_540 = tpu.memref_slice %arg8[%dma_wait3A_534, %mul3A_2, %dma_wait3A_539] : memref<4x8192x128xf32, #tpu.memory_space<hbm>> -> memref<1x256x32xf32, #tpu.memory_space<hbm>>
    %dma_wait3A_541 = tpu.memref_squeeze %dma_wait3A_540 : memref<1x256x32xf32, #tpu.memory_space<hbm>> -> memref<256x32xf32, #tpu.memory_space<hbm>>
    %dma_wait3A_542 = arith.constant 64 : i32
    %dma_wait3A_543 = tpu.memref_slice %arg8[%dma_wait3A_534, %mul3A_2, %dma_wait3A_542] : memref<4x8192x128xf32, #tpu.memory_space<hbm>> -> memref<1x256x32xf32, #tpu.memory_space<hbm>>
    %dma_wait3A_544 = tpu.memref_squeeze %dma_wait3A_543 : memref<1x256x32xf32, #tpu.memory_space<hbm>> -> memref<256x32xf32, #tpu.memory_space<hbm>>
    %dma_wait3A_545 = arith.constant 0 : i32
    %dma_wait3A_546 = arith.constant 0 : i32
    %dma_wait3A_547 = tpu.memref_slice %arg11[%dma_wait3A_533, %dma_wait3A_545, %dma_wait3A_546] : memref<3x256x32xf32, #tpu.memory_space<vmem>> -> memref<1x256x32xf32, #tpu.memory_space<vmem>>
    %dma_wait3A_548 = tpu.memref_squeeze %dma_wait3A_547 : memref<1x256x32xf32, #tpu.memory_space<vmem>> -> memref<256x32xf32, #tpu.memory_space<vmem>>
    tpu.wait_dma2 semaphore(%arg14 : memref<!tpu.dma_semaphore, #tpu.memory_space<semaphore_mem>>) src(%dma_wait3A_548 : memref<256x32xf32, #tpu.memory_space<vmem>>) dst(%dma_wait3A_544 : memref<256x32xf32, #tpu.memory_space<hbm>>)
    %dma_start3A_549 = arith.constant 5 : i32
    %dma_start3A_550 = arith.constant 2 : i32
    %dma_start3A_551 = arith.constant 0 : i32
    %dma_start3A_552 = arith.constant 0 : i32
    %dma_start3A_553 = tpu.memref_slice %arg11[%dma_start3A_550, %dma_start3A_551, %dma_start3A_552] : memref<3x256x32xf32, #tpu.memory_space<vmem>> -> memref<1x256x32xf32, #tpu.memory_space<vmem>>
    %dma_start3A_554 = tpu.memref_squeeze %dma_start3A_553 : memref<1x256x32xf32, #tpu.memory_space<vmem>> -> memref<256x32xf32, #tpu.memory_space<vmem>>
    %dma_start3A_555 = arith.constant 0 : i32
    %dma_start3A_556 = tpu.memref_slice %arg9[%dma_start3A_549, %dma_start3A_555] : memref<10x256xi32, #tpu.memory_space<vmem>> -> memref<1x256xi32, #tpu.memory_space<vmem>>
    %dma_start3A_557 = tpu.memref_squeeze %dma_start3A_556 : memref<1x256xi32, #tpu.memory_space<vmem>> -> memref<256xi32, #tpu.memory_space<vmem>>
    %dma_start3A_558 = arith.constant 0 : i32
    %dma_start3A_559 = arith.constant 0 : i32
    %dma_start3A_560 = tpu.memref_slice %arg2[%dma_start3A_558, %dma_start3A_559] : memref<100000x32xf32, #tpu.memory_space<hbm>> -> memref<100000x32xf32, #tpu.memory_space<hbm>>
    tpu.enqueue_indirect_dma source(%dma_start3A_560 : memref<100000x32xf32, #tpu.memory_space<hbm>>) target(%dma_start3A_554 : memref<256x32xf32, #tpu.memory_space<vmem>>) offsets(%dma_start3A_557 : memref<256xi32, #tpu.memory_space<vmem>>) semaphore(%arg13 : memref<!tpu.dma_semaphore, #tpu.memory_space<semaphore_mem>>)
    %dma_wait3A_561 = arith.constant 3 : i32
    %dma_wait3A_562 = arith.constant 0 : i32
    %dma_wait3A_563 = arith.constant 0 : i32
    %dma_wait3A_564 = arith.constant 0 : i32
    %dma_wait3A_565 = tpu.memref_slice %arg11[%dma_wait3A_562, %dma_wait3A_563, %dma_wait3A_564] : memref<3x256x32xf32, #tpu.memory_space<vmem>> -> memref<1x256x32xf32, #tpu.memory_space<vmem>>
    %dma_wait3A_566 = tpu.memref_squeeze %dma_wait3A_565 : memref<1x256x32xf32, #tpu.memory_space<vmem>> -> memref<256x32xf32, #tpu.memory_space<vmem>>
    %dma_wait3A_567 = arith.constant 0 : i32
    %dma_wait3A_568 = tpu.memref_slice %arg9[%dma_wait3A_561, %dma_wait3A_567] : memref<10x256xi32, #tpu.memory_space<vmem>> -> memref<1x256xi32, #tpu.memory_space<vmem>>
    %dma_wait3A_569 = tpu.memref_squeeze %dma_wait3A_568 : memref<1x256xi32, #tpu.memory_space<vmem>> -> memref<256xi32, #tpu.memory_space<vmem>>
    %dma_wait3A_570 = arith.constant 0 : i32
    %dma_wait3A_571 = arith.constant 0 : i32
    %dma_wait3A_572 = tpu.memref_slice %arg2[%dma_wait3A_570, %dma_wait3A_571] : memref<100000x32xf32, #tpu.memory_space<hbm>> -> memref<100000x32xf32, #tpu.memory_space<hbm>>
    tpu.wait_indirect_dma semaphore(%arg13 : memref<!tpu.dma_semaphore, #tpu.memory_space<semaphore_mem>>) src(%dma_wait3A_572 : memref<100000x32xf32, #tpu.memory_space<hbm>>) dst(%dma_wait3A_566 : memref<256x32xf32, #tpu.memory_space<vmem>>)
    %dma_start3A_573 = arith.constant 0 : i32
    %dma_start3A_574 = arith.constant 0 : i32
    %dma_start3A_575 = arith.constant 0 : i32
    %dma_start3A_576 = arith.constant 0 : i32
    %dma_start3A_577 = tpu.memref_slice %arg11[%dma_start3A_573, %dma_start3A_575, %dma_start3A_576] : memref<3x256x32xf32, #tpu.memory_space<vmem>> -> memref<1x256x32xf32, #tpu.memory_space<vmem>>
    %dma_start3A_578 = tpu.memref_squeeze %dma_start3A_577 : memref<1x256x32xf32, #tpu.memory_space<vmem>> -> memref<256x32xf32, #tpu.memory_space<vmem>>
    %dma_start3A_579 = arith.constant 96 : i32
    %dma_start3A_580 = tpu.memref_slice %arg8[%dma_start3A_574, %mul3A_2, %dma_start3A_579] : memref<4x8192x128xf32, #tpu.memory_space<hbm>> -> memref<1x256x32xf32, #tpu.memory_space<hbm>>
    %dma_start3A_581 = tpu.memref_squeeze %dma_start3A_580 : memref<1x256x32xf32, #tpu.memory_space<hbm>> -> memref<256x32xf32, #tpu.memory_space<hbm>>
    %dma_start3A_582 = arith.constant 96 : i32
    %dma_start3A_583 = tpu.memref_slice %arg8[%dma_start3A_574, %mul3A_2, %dma_start3A_582] : memref<4x8192x128xf32, #tpu.memory_space<hbm>> -> memref<1x256x32xf32, #tpu.memory_space<hbm>>
    %dma_start3A_584 = tpu.memref_squeeze %dma_start3A_583 : memref<1x256x32xf32, #tpu.memory_space<hbm>> -> memref<256x32xf32, #tpu.memory_space<hbm>>
    %dma_start3A_585 = arith.constant 0 : i32
    %dma_start3A_586 = arith.constant 0 : i32
    %dma_start3A_587 = tpu.memref_slice %arg11[%dma_start3A_573, %dma_start3A_585, %dma_start3A_586] : memref<3x256x32xf32, #tpu.memory_space<vmem>> -> memref<1x256x32xf32, #tpu.memory_space<vmem>>
    %dma_start3A_588 = tpu.memref_squeeze %dma_start3A_587 : memref<1x256x32xf32, #tpu.memory_space<vmem>> -> memref<256x32xf32, #tpu.memory_space<vmem>>
    tpu.enqueue_dma source(%dma_start3A_588 : memref<256x32xf32, #tpu.memory_space<vmem>>) target(%dma_start3A_584 : memref<256x32xf32, #tpu.memory_space<hbm>>) target_semaphore(%arg14 : memref<!tpu.dma_semaphore, #tpu.memory_space<semaphore_mem>>)
    %dma_wait3A_589 = arith.constant 0 : i32
    %dma_wait3A_590 = arith.constant 0 : i32
    %dma_wait3A_591 = arith.constant 0 : i32
    %dma_wait3A_592 = arith.constant 0 : i32
    %dma_wait3A_593 = tpu.memref_slice %arg11[%dma_wait3A_589, %dma_wait3A_591, %dma_wait3A_592] : memref<3x256x32xf32, #tpu.memory_space<vmem>> -> memref<1x256x32xf32, #tpu.memory_space<vmem>>
    %dma_wait3A_594 = tpu.memref_squeeze %dma_wait3A_593 : memref<1x256x32xf32, #tpu.memory_space<vmem>> -> memref<256x32xf32, #tpu.memory_space<vmem>>
    %dma_wait3A_595 = arith.constant 96 : i32
    %dma_wait3A_596 = tpu.memref_slice %arg8[%dma_wait3A_590, %mul3A_2, %dma_wait3A_595] : memref<4x8192x128xf32, #tpu.memory_space<hbm>> -> memref<1x256x32xf32, #tpu.memory_space<hbm>>
    %dma_wait3A_597 = tpu.memref_squeeze %dma_wait3A_596 : memref<1x256x32xf32, #tpu.memory_space<hbm>> -> memref<256x32xf32, #tpu.memory_space<hbm>>
    %dma_wait3A_598 = arith.constant 96 : i32
    %dma_wait3A_599 = tpu.memref_slice %arg8[%dma_wait3A_590, %mul3A_2, %dma_wait3A_598] : memref<4x8192x128xf32, #tpu.memory_space<hbm>> -> memref<1x256x32xf32, #tpu.memory_space<hbm>>
    %dma_wait3A_600 = tpu.memref_squeeze %dma_wait3A_599 : memref<1x256x32xf32, #tpu.memory_space<hbm>> -> memref<256x32xf32, #tpu.memory_space<hbm>>
    %dma_wait3A_601 = arith.constant 0 : i32
    %dma_wait3A_602 = arith.constant 0 : i32
    %dma_wait3A_603 = tpu.memref_slice %arg11[%dma_wait3A_589, %dma_wait3A_601, %dma_wait3A_602] : memref<3x256x32xf32, #tpu.memory_space<vmem>> -> memref<1x256x32xf32, #tpu.memory_space<vmem>>
    %dma_wait3A_604 = tpu.memref_squeeze %dma_wait3A_603 : memref<1x256x32xf32, #tpu.memory_space<vmem>> -> memref<256x32xf32, #tpu.memory_space<vmem>>
    tpu.wait_dma2 semaphore(%arg14 : memref<!tpu.dma_semaphore, #tpu.memory_space<semaphore_mem>>) src(%dma_wait3A_604 : memref<256x32xf32, #tpu.memory_space<vmem>>) dst(%dma_wait3A_600 : memref<256x32xf32, #tpu.memory_space<hbm>>)
    %dma_start3A_605 = arith.constant 6 : i32
    %dma_start3A_606 = arith.constant 0 : i32
    %dma_start3A_607 = arith.constant 0 : i32
    %dma_start3A_608 = arith.constant 0 : i32
    %dma_start3A_609 = tpu.memref_slice %arg11[%dma_start3A_606, %dma_start3A_607, %dma_start3A_608] : memref<3x256x32xf32, #tpu.memory_space<vmem>> -> memref<1x256x32xf32, #tpu.memory_space<vmem>>
    %dma_start3A_610 = tpu.memref_squeeze %dma_start3A_609 : memref<1x256x32xf32, #tpu.memory_space<vmem>> -> memref<256x32xf32, #tpu.memory_space<vmem>>
    %dma_start3A_611 = arith.constant 0 : i32
    %dma_start3A_612 = tpu.memref_slice %arg9[%dma_start3A_605, %dma_start3A_611] : memref<10x256xi32, #tpu.memory_space<vmem>> -> memref<1x256xi32, #tpu.memory_space<vmem>>
    %dma_start3A_613 = tpu.memref_squeeze %dma_start3A_612 : memref<1x256xi32, #tpu.memory_space<vmem>> -> memref<256xi32, #tpu.memory_space<vmem>>
    %dma_start3A_614 = arith.constant 0 : i32
    %dma_start3A_615 = arith.constant 0 : i32
    %dma_start3A_616 = tpu.memref_slice %arg2[%dma_start3A_614, %dma_start3A_615] : memref<100000x32xf32, #tpu.memory_space<hbm>> -> memref<100000x32xf32, #tpu.memory_space<hbm>>
    tpu.enqueue_indirect_dma source(%dma_start3A_616 : memref<100000x32xf32, #tpu.memory_space<hbm>>) target(%dma_start3A_610 : memref<256x32xf32, #tpu.memory_space<vmem>>) offsets(%dma_start3A_613 : memref<256xi32, #tpu.memory_space<vmem>>) semaphore(%arg13 : memref<!tpu.dma_semaphore, #tpu.memory_space<semaphore_mem>>)
    %dma_wait3A_617 = arith.constant 4 : i32
    %dma_wait3A_618 = arith.constant 1 : i32
    %dma_wait3A_619 = arith.constant 0 : i32
    %dma_wait3A_620 = arith.constant 0 : i32
    %dma_wait3A_621 = tpu.memref_slice %arg11[%dma_wait3A_618, %dma_wait3A_619, %dma_wait3A_620] : memref<3x256x32xf32, #tpu.memory_space<vmem>> -> memref<1x256x32xf32, #tpu.memory_space<vmem>>
    %dma_wait3A_622 = tpu.memref_squeeze %dma_wait3A_621 : memref<1x256x32xf32, #tpu.memory_space<vmem>> -> memref<256x32xf32, #tpu.memory_space<vmem>>
    %dma_wait3A_623 = arith.constant 0 : i32
    %dma_wait3A_624 = tpu.memref_slice %arg9[%dma_wait3A_617, %dma_wait3A_623] : memref<10x256xi32, #tpu.memory_space<vmem>> -> memref<1x256xi32, #tpu.memory_space<vmem>>
    %dma_wait3A_625 = tpu.memref_squeeze %dma_wait3A_624 : memref<1x256xi32, #tpu.memory_space<vmem>> -> memref<256xi32, #tpu.memory_space<vmem>>
    %dma_wait3A_626 = arith.constant 0 : i32
    %dma_wait3A_627 = arith.constant 0 : i32
    %dma_wait3A_628 = tpu.memref_slice %arg2[%dma_wait3A_626, %dma_wait3A_627] : memref<100000x32xf32, #tpu.memory_space<hbm>> -> memref<100000x32xf32, #tpu.memory_space<hbm>>
    tpu.wait_indirect_dma semaphore(%arg13 : memref<!tpu.dma_semaphore, #tpu.memory_space<semaphore_mem>>) src(%dma_wait3A_628 : memref<100000x32xf32, #tpu.memory_space<hbm>>) dst(%dma_wait3A_622 : memref<256x32xf32, #tpu.memory_space<vmem>>)
    %dma_start3A_629 = arith.constant 1 : i32
    %dma_start3A_630 = arith.constant 1 : i32
    %dma_start3A_631 = arith.constant 0 : i32
    %dma_start3A_632 = arith.constant 0 : i32
    %dma_start3A_633 = tpu.memref_slice %arg11[%dma_start3A_629, %dma_start3A_631, %dma_start3A_632] : memref<3x256x32xf32, #tpu.memory_space<vmem>> -> memref<1x256x32xf32, #tpu.memory_space<vmem>>
    %dma_start3A_634 = tpu.memref_squeeze %dma_start3A_633 : memref<1x256x32xf32, #tpu.memory_space<vmem>> -> memref<256x32xf32, #tpu.memory_space<vmem>>
    %dma_start3A_635 = arith.constant 0 : i32
    %dma_start3A_636 = tpu.memref_slice %arg8[%dma_start3A_630, %mul3A_2, %dma_start3A_635] : memref<4x8192x128xf32, #tpu.memory_space<hbm>> -> memref<1x256x32xf32, #tpu.memory_space<hbm>>
    %dma_start3A_637 = tpu.memref_squeeze %dma_start3A_636 : memref<1x256x32xf32, #tpu.memory_space<hbm>> -> memref<256x32xf32, #tpu.memory_space<hbm>>
    %dma_start3A_638 = arith.constant 0 : i32
    %dma_start3A_639 = tpu.memref_slice %arg8[%dma_start3A_630, %mul3A_2, %dma_start3A_638] : memref<4x8192x128xf32, #tpu.memory_space<hbm>> -> memref<1x256x32xf32, #tpu.memory_space<hbm>>
    %dma_start3A_640 = tpu.memref_squeeze %dma_start3A_639 : memref<1x256x32xf32, #tpu.memory_space<hbm>> -> memref<256x32xf32, #tpu.memory_space<hbm>>
    %dma_start3A_641 = arith.constant 0 : i32
    %dma_start3A_642 = arith.constant 0 : i32
    %dma_start3A_643 = tpu.memref_slice %arg11[%dma_start3A_629, %dma_start3A_641, %dma_start3A_642] : memref<3x256x32xf32, #tpu.memory_space<vmem>> -> memref<1x256x32xf32, #tpu.memory_space<vmem>>
    %dma_start3A_644 = tpu.memref_squeeze %dma_start3A_643 : memref<1x256x32xf32, #tpu.memory_space<vmem>> -> memref<256x32xf32, #tpu.memory_space<vmem>>
    tpu.enqueue_dma source(%dma_start3A_644 : memref<256x32xf32, #tpu.memory_space<vmem>>) target(%dma_start3A_640 : memref<256x32xf32, #tpu.memory_space<hbm>>) target_semaphore(%arg14 : memref<!tpu.dma_semaphore, #tpu.memory_space<semaphore_mem>>)
    %dma_wait3A_645 = arith.constant 1 : i32
    %dma_wait3A_646 = arith.constant 1 : i32
    %dma_wait3A_647 = arith.constant 0 : i32
    %dma_wait3A_648 = arith.constant 0 : i32
    %dma_wait3A_649 = tpu.memref_slice %arg11[%dma_wait3A_645, %dma_wait3A_647, %dma_wait3A_648] : memref<3x256x32xf32, #tpu.memory_space<vmem>> -> memref<1x256x32xf32, #tpu.memory_space<vmem>>
    %dma_wait3A_650 = tpu.memref_squeeze %dma_wait3A_649 : memref<1x256x32xf32, #tpu.memory_space<vmem>> -> memref<256x32xf32, #tpu.memory_space<vmem>>
    %dma_wait3A_651 = arith.constant 0 : i32
    %dma_wait3A_652 = tpu.memref_slice %arg8[%dma_wait3A_646, %mul3A_2, %dma_wait3A_651] : memref<4x8192x128xf32, #tpu.memory_space<hbm>> -> memref<1x256x32xf32, #tpu.memory_space<hbm>>
    %dma_wait3A_653 = tpu.memref_squeeze %dma_wait3A_652 : memref<1x256x32xf32, #tpu.memory_space<hbm>> -> memref<256x32xf32, #tpu.memory_space<hbm>>
    %dma_wait3A_654 = arith.constant 0 : i32
    %dma_wait3A_655 = tpu.memref_slice %arg8[%dma_wait3A_646, %mul3A_2, %dma_wait3A_654] : memref<4x8192x128xf32, #tpu.memory_space<hbm>> -> memref<1x256x32xf32, #tpu.memory_space<hbm>>
    %dma_wait3A_656 = tpu.memref_squeeze %dma_wait3A_655 : memref<1x256x32xf32, #tpu.memory_space<hbm>> -> memref<256x32xf32, #tpu.memory_space<hbm>>
    %dma_wait3A_657 = arith.constant 0 : i32
    %dma_wait3A_658 = arith.constant 0 : i32
    %dma_wait3A_659 = tpu.memref_slice %arg11[%dma_wait3A_645, %dma_wait3A_657, %dma_wait3A_658] : memref<3x256x32xf32, #tpu.memory_space<vmem>> -> memref<1x256x32xf32, #tpu.memory_space<vmem>>
    %dma_wait3A_660 = tpu.memref_squeeze %dma_wait3A_659 : memref<1x256x32xf32, #tpu.memory_space<vmem>> -> memref<256x32xf32, #tpu.memory_space<vmem>>
    tpu.wait_dma2 semaphore(%arg14 : memref<!tpu.dma_semaphore, #tpu.memory_space<semaphore_mem>>) src(%dma_wait3A_660 : memref<256x32xf32, #tpu.memory_space<vmem>>) dst(%dma_wait3A_656 : memref<256x32xf32, #tpu.memory_space<hbm>>)
    %dma_start3A_661 = arith.constant 7 : i32
    %dma_start3A_662 = arith.constant 1 : i32
    %dma_start3A_663 = arith.constant 0 : i32
    %dma_start3A_664 = arith.constant 0 : i32
    %dma_start3A_665 = tpu.memref_slice %arg11[%dma_start3A_662, %dma_start3A_663, %dma_start3A_664] : memref<3x256x32xf32, #tpu.memory_space<vmem>> -> memref<1x256x32xf32, #tpu.memory_space<vmem>>
    %dma_start3A_666 = tpu.memref_squeeze %dma_start3A_665 : memref<1x256x32xf32, #tpu.memory_space<vmem>> -> memref<256x32xf32, #tpu.memory_space<vmem>>
    %dma_start3A_667 = arith.constant 0 : i32
    %dma_start3A_668 = tpu.memref_slice %arg9[%dma_start3A_661, %dma_start3A_667] : memref<10x256xi32, #tpu.memory_space<vmem>> -> memref<1x256xi32, #tpu.memory_space<vmem>>
    %dma_start3A_669 = tpu.memref_squeeze %dma_start3A_668 : memref<1x256xi32, #tpu.memory_space<vmem>> -> memref<256xi32, #tpu.memory_space<vmem>>
    %dma_start3A_670 = arith.constant 0 : i32
    %dma_start3A_671 = arith.constant 0 : i32
    %dma_start3A_672 = tpu.memref_slice %arg2[%dma_start3A_670, %dma_start3A_671] : memref<100000x32xf32, #tpu.memory_space<hbm>> -> memref<100000x32xf32, #tpu.memory_space<hbm>>
    tpu.enqueue_indirect_dma source(%dma_start3A_672 : memref<100000x32xf32, #tpu.memory_space<hbm>>) target(%dma_start3A_666 : memref<256x32xf32, #tpu.memory_space<vmem>>) offsets(%dma_start3A_669 : memref<256xi32, #tpu.memory_space<vmem>>) semaphore(%arg13 : memref<!tpu.dma_semaphore, #tpu.memory_space<semaphore_mem>>)
    %dma_wait3A_673 = arith.constant 5 : i32
    %dma_wait3A_674 = arith.constant 2 : i32
    %dma_wait3A_675 = arith.constant 0 : i32
    %dma_wait3A_676 = arith.constant 0 : i32
    %dma_wait3A_677 = tpu.memref_slice %arg11[%dma_wait3A_674, %dma_wait3A_675, %dma_wait3A_676] : memref<3x256x32xf32, #tpu.memory_space<vmem>> -> memref<1x256x32xf32, #tpu.memory_space<vmem>>
    %dma_wait3A_678 = tpu.memref_squeeze %dma_wait3A_677 : memref<1x256x32xf32, #tpu.memory_space<vmem>> -> memref<256x32xf32, #tpu.memory_space<vmem>>
    %dma_wait3A_679 = arith.constant 0 : i32
    %dma_wait3A_680 = tpu.memref_slice %arg9[%dma_wait3A_673, %dma_wait3A_679] : memref<10x256xi32, #tpu.memory_space<vmem>> -> memref<1x256xi32, #tpu.memory_space<vmem>>
    %dma_wait3A_681 = tpu.memref_squeeze %dma_wait3A_680 : memref<1x256xi32, #tpu.memory_space<vmem>> -> memref<256xi32, #tpu.memory_space<vmem>>
    %dma_wait3A_682 = arith.constant 0 : i32
    %dma_wait3A_683 = arith.constant 0 : i32
    %dma_wait3A_684 = tpu.memref_slice %arg2[%dma_wait3A_682, %dma_wait3A_683] : memref<100000x32xf32, #tpu.memory_space<hbm>> -> memref<100000x32xf32, #tpu.memory_space<hbm>>
    tpu.wait_indirect_dma semaphore(%arg13 : memref<!tpu.dma_semaphore, #tpu.memory_space<semaphore_mem>>) src(%dma_wait3A_684 : memref<100000x32xf32, #tpu.memory_space<hbm>>) dst(%dma_wait3A_678 : memref<256x32xf32, #tpu.memory_space<vmem>>)
    %dma_start3A_685 = arith.constant 2 : i32
    %dma_start3A_686 = arith.constant 1 : i32
    %dma_start3A_687 = arith.constant 0 : i32
    %dma_start3A_688 = arith.constant 0 : i32
    %dma_start3A_689 = tpu.memref_slice %arg11[%dma_start3A_685, %dma_start3A_687, %dma_start3A_688] : memref<3x256x32xf32, #tpu.memory_space<vmem>> -> memref<1x256x32xf32, #tpu.memory_space<vmem>>
    %dma_start3A_690 = tpu.memref_squeeze %dma_start3A_689 : memref<1x256x32xf32, #tpu.memory_space<vmem>> -> memref<256x32xf32, #tpu.memory_space<vmem>>
    %dma_start3A_691 = arith.constant 32 : i32
    %dma_start3A_692 = tpu.memref_slice %arg8[%dma_start3A_686, %mul3A_2, %dma_start3A_691] : memref<4x8192x128xf32, #tpu.memory_space<hbm>> -> memref<1x256x32xf32, #tpu.memory_space<hbm>>
    %dma_start3A_693 = tpu.memref_squeeze %dma_start3A_692 : memref<1x256x32xf32, #tpu.memory_space<hbm>> -> memref<256x32xf32, #tpu.memory_space<hbm>>
    %dma_start3A_694 = arith.constant 32 : i32
    %dma_start3A_695 = tpu.memref_slice %arg8[%dma_start3A_686, %mul3A_2, %dma_start3A_694] : memref<4x8192x128xf32, #tpu.memory_space<hbm>> -> memref<1x256x32xf32, #tpu.memory_space<hbm>>
    %dma_start3A_696 = tpu.memref_squeeze %dma_start3A_695 : memref<1x256x32xf32, #tpu.memory_space<hbm>> -> memref<256x32xf32, #tpu.memory_space<hbm>>
    %dma_start3A_697 = arith.constant 0 : i32
    %dma_start3A_698 = arith.constant 0 : i32
    %dma_start3A_699 = tpu.memref_slice %arg11[%dma_start3A_685, %dma_start3A_697, %dma_start3A_698] : memref<3x256x32xf32, #tpu.memory_space<vmem>> -> memref<1x256x32xf32, #tpu.memory_space<vmem>>
    %dma_start3A_700 = tpu.memref_squeeze %dma_start3A_699 : memref<1x256x32xf32, #tpu.memory_space<vmem>> -> memref<256x32xf32, #tpu.memory_space<vmem>>
    tpu.enqueue_dma source(%dma_start3A_700 : memref<256x32xf32, #tpu.memory_space<vmem>>) target(%dma_start3A_696 : memref<256x32xf32, #tpu.memory_space<hbm>>) target_semaphore(%arg14 : memref<!tpu.dma_semaphore, #tpu.memory_space<semaphore_mem>>)
    %dma_wait3A_701 = arith.constant 2 : i32
    %dma_wait3A_702 = arith.constant 1 : i32
    %dma_wait3A_703 = arith.constant 0 : i32
    %dma_wait3A_704 = arith.constant 0 : i32
    %dma_wait3A_705 = tpu.memref_slice %arg11[%dma_wait3A_701, %dma_wait3A_703, %dma_wait3A_704] : memref<3x256x32xf32, #tpu.memory_space<vmem>> -> memref<1x256x32xf32, #tpu.memory_space<vmem>>
    %dma_wait3A_706 = tpu.memref_squeeze %dma_wait3A_705 : memref<1x256x32xf32, #tpu.memory_space<vmem>> -> memref<256x32xf32, #tpu.memory_space<vmem>>
    %dma_wait3A_707 = arith.constant 32 : i32
    %dma_wait3A_708 = tpu.memref_slice %arg8[%dma_wait3A_702, %mul3A_2, %dma_wait3A_707] : memref<4x8192x128xf32, #tpu.memory_space<hbm>> -> memref<1x256x32xf32, #tpu.memory_space<hbm>>
    %dma_wait3A_709 = tpu.memref_squeeze %dma_wait3A_708 : memref<1x256x32xf32, #tpu.memory_space<hbm>> -> memref<256x32xf32, #tpu.memory_space<hbm>>
    %dma_wait3A_710 = arith.constant 32 : i32
    %dma_wait3A_711 = tpu.memref_slice %arg8[%dma_wait3A_702, %mul3A_2, %dma_wait3A_710] : memref<4x8192x128xf32, #tpu.memory_space<hbm>> -> memref<1x256x32xf32, #tpu.memory_space<hbm>>
    %dma_wait3A_712 = tpu.memref_squeeze %dma_wait3A_711 : memref<1x256x32xf32, #tpu.memory_space<hbm>> -> memref<256x32xf32, #tpu.memory_space<hbm>>
    %dma_wait3A_713 = arith.constant 0 : i32
    %dma_wait3A_714 = arith.constant 0 : i32
    %dma_wait3A_715 = tpu.memref_slice %arg11[%dma_wait3A_701, %dma_wait3A_713, %dma_wait3A_714] : memref<3x256x32xf32, #tpu.memory_space<vmem>> -> memref<1x256x32xf32, #tpu.memory_space<vmem>>
    %dma_wait3A_716 = tpu.memref_squeeze %dma_wait3A_715 : memref<1x256x32xf32, #tpu.memory_space<vmem>> -> memref<256x32xf32, #tpu.memory_space<vmem>>
    tpu.wait_dma2 semaphore(%arg14 : memref<!tpu.dma_semaphore, #tpu.memory_space<semaphore_mem>>) src(%dma_wait3A_716 : memref<256x32xf32, #tpu.memory_space<vmem>>) dst(%dma_wait3A_712 : memref<256x32xf32, #tpu.memory_space<hbm>>)
    %dma_start3A_717 = arith.constant 8 : i32
    %dma_start3A_718 = arith.constant 2 : i32
    %dma_start3A_719 = arith.constant 0 : i32
    %dma_start3A_720 = arith.constant 0 : i32
    %dma_start3A_721 = tpu.memref_slice %arg11[%dma_start3A_718, %dma_start3A_719, %dma_start3A_720] : memref<3x256x32xf32, #tpu.memory_space<vmem>> -> memref<1x256x32xf32, #tpu.memory_space<vmem>>
    %dma_start3A_722 = tpu.memref_squeeze %dma_start3A_721 : memref<1x256x32xf32, #tpu.memory_space<vmem>> -> memref<256x32xf32, #tpu.memory_space<vmem>>
    %dma_start3A_723 = arith.constant 0 : i32
    %dma_start3A_724 = tpu.memref_slice %arg9[%dma_start3A_717, %dma_start3A_723] : memref<10x256xi32, #tpu.memory_space<vmem>> -> memref<1x256xi32, #tpu.memory_space<vmem>>
    %dma_start3A_725 = tpu.memref_squeeze %dma_start3A_724 : memref<1x256xi32, #tpu.memory_space<vmem>> -> memref<256xi32, #tpu.memory_space<vmem>>
    %dma_start3A_726 = arith.constant 0 : i32
    %dma_start3A_727 = arith.constant 0 : i32
    %dma_start3A_728 = tpu.memref_slice %arg2[%dma_start3A_726, %dma_start3A_727] : memref<100000x32xf32, #tpu.memory_space<hbm>> -> memref<100000x32xf32, #tpu.memory_space<hbm>>
    tpu.enqueue_indirect_dma source(%dma_start3A_728 : memref<100000x32xf32, #tpu.memory_space<hbm>>) target(%dma_start3A_722 : memref<256x32xf32, #tpu.memory_space<vmem>>) offsets(%dma_start3A_725 : memref<256xi32, #tpu.memory_space<vmem>>) semaphore(%arg13 : memref<!tpu.dma_semaphore, #tpu.memory_space<semaphore_mem>>)
    %dma_wait3A_729 = arith.constant 6 : i32
    %dma_wait3A_730 = arith.constant 0 : i32
    %dma_wait3A_731 = arith.constant 0 : i32
    %dma_wait3A_732 = arith.constant 0 : i32
    %dma_wait3A_733 = tpu.memref_slice %arg11[%dma_wait3A_730, %dma_wait3A_731, %dma_wait3A_732] : memref<3x256x32xf32, #tpu.memory_space<vmem>> -> memref<1x256x32xf32, #tpu.memory_space<vmem>>
    %dma_wait3A_734 = tpu.memref_squeeze %dma_wait3A_733 : memref<1x256x32xf32, #tpu.memory_space<vmem>> -> memref<256x32xf32, #tpu.memory_space<vmem>>
    %dma_wait3A_735 = arith.constant 0 : i32
    %dma_wait3A_736 = tpu.memref_slice %arg9[%dma_wait3A_729, %dma_wait3A_735] : memref<10x256xi32, #tpu.memory_space<vmem>> -> memref<1x256xi32, #tpu.memory_space<vmem>>
    %dma_wait3A_737 = tpu.memref_squeeze %dma_wait3A_736 : memref<1x256xi32, #tpu.memory_space<vmem>> -> memref<256xi32, #tpu.memory_space<vmem>>
    %dma_wait3A_738 = arith.constant 0 : i32
    %dma_wait3A_739 = arith.constant 0 : i32
    %dma_wait3A_740 = tpu.memref_slice %arg2[%dma_wait3A_738, %dma_wait3A_739] : memref<100000x32xf32, #tpu.memory_space<hbm>> -> memref<100000x32xf32, #tpu.memory_space<hbm>>
    tpu.wait_indirect_dma semaphore(%arg13 : memref<!tpu.dma_semaphore, #tpu.memory_space<semaphore_mem>>) src(%dma_wait3A_740 : memref<100000x32xf32, #tpu.memory_space<hbm>>) dst(%dma_wait3A_734 : memref<256x32xf32, #tpu.memory_space<vmem>>)
    %dma_start3A_741 = arith.constant 0 : i32
    %dma_start3A_742 = arith.constant 1 : i32
    %dma_start3A_743 = arith.constant 0 : i32
    %dma_start3A_744 = arith.constant 0 : i32
    %dma_start3A_745 = tpu.memref_slice %arg11[%dma_start3A_741, %dma_start3A_743, %dma_start3A_744] : memref<3x256x32xf32, #tpu.memory_space<vmem>> -> memref<1x256x32xf32, #tpu.memory_space<vmem>>
    %dma_start3A_746 = tpu.memref_squeeze %dma_start3A_745 : memref<1x256x32xf32, #tpu.memory_space<vmem>> -> memref<256x32xf32, #tpu.memory_space<vmem>>
    %dma_start3A_747 = arith.constant 64 : i32
    %dma_start3A_748 = tpu.memref_slice %arg8[%dma_start3A_742, %mul3A_2, %dma_start3A_747] : memref<4x8192x128xf32, #tpu.memory_space<hbm>> -> memref<1x256x32xf32, #tpu.memory_space<hbm>>
    %dma_start3A_749 = tpu.memref_squeeze %dma_start3A_748 : memref<1x256x32xf32, #tpu.memory_space<hbm>> -> memref<256x32xf32, #tpu.memory_space<hbm>>
    %dma_start3A_750 = arith.constant 64 : i32
    %dma_start3A_751 = tpu.memref_slice %arg8[%dma_start3A_742, %mul3A_2, %dma_start3A_750] : memref<4x8192x128xf32, #tpu.memory_space<hbm>> -> memref<1x256x32xf32, #tpu.memory_space<hbm>>
    %dma_start3A_752 = tpu.memref_squeeze %dma_start3A_751 : memref<1x256x32xf32, #tpu.memory_space<hbm>> -> memref<256x32xf32, #tpu.memory_space<hbm>>
    %dma_start3A_753 = arith.constant 0 : i32
    %dma_start3A_754 = arith.constant 0 : i32
    %dma_start3A_755 = tpu.memref_slice %arg11[%dma_start3A_741, %dma_start3A_753, %dma_start3A_754] : memref<3x256x32xf32, #tpu.memory_space<vmem>> -> memref<1x256x32xf32, #tpu.memory_space<vmem>>
    %dma_start3A_756 = tpu.memref_squeeze %dma_start3A_755 : memref<1x256x32xf32, #tpu.memory_space<vmem>> -> memref<256x32xf32, #tpu.memory_space<vmem>>
    tpu.enqueue_dma source(%dma_start3A_756 : memref<256x32xf32, #tpu.memory_space<vmem>>) target(%dma_start3A_752 : memref<256x32xf32, #tpu.memory_space<hbm>>) target_semaphore(%arg14 : memref<!tpu.dma_semaphore, #tpu.memory_space<semaphore_mem>>)
    %dma_wait3A_757 = arith.constant 0 : i32
    %dma_wait3A_758 = arith.constant 1 : i32
    %dma_wait3A_759 = arith.constant 0 : i32
    %dma_wait3A_760 = arith.constant 0 : i32
    %dma_wait3A_761 = tpu.memref_slice %arg11[%dma_wait3A_757, %dma_wait3A_759, %dma_wait3A_760] : memref<3x256x32xf32, #tpu.memory_space<vmem>> -> memref<1x256x32xf32, #tpu.memory_space<vmem>>
    %dma_wait3A_762 = tpu.memref_squeeze %dma_wait3A_761 : memref<1x256x32xf32, #tpu.memory_space<vmem>> -> memref<256x32xf32, #tpu.memory_space<vmem>>
    %dma_wait3A_763 = arith.constant 64 : i32
    %dma_wait3A_764 = tpu.memref_slice %arg8[%dma_wait3A_758, %mul3A_2, %dma_wait3A_763] : memref<4x8192x128xf32, #tpu.memory_space<hbm>> -> memref<1x256x32xf32, #tpu.memory_space<hbm>>
    %dma_wait3A_765 = tpu.memref_squeeze %dma_wait3A_764 : memref<1x256x32xf32, #tpu.memory_space<hbm>> -> memref<256x32xf32, #tpu.memory_space<hbm>>
    %dma_wait3A_766 = arith.constant 64 : i32
    %dma_wait3A_767 = tpu.memref_slice %arg8[%dma_wait3A_758, %mul3A_2, %dma_wait3A_766] : memref<4x8192x128xf32, #tpu.memory_space<hbm>> -> memref<1x256x32xf32, #tpu.memory_space<hbm>>
    %dma_wait3A_768 = tpu.memref_squeeze %dma_wait3A_767 : memref<1x256x32xf32, #tpu.memory_space<hbm>> -> memref<256x32xf32, #tpu.memory_space<hbm>>
    %dma_wait3A_769 = arith.constant 0 : i32
    %dma_wait3A_770 = arith.constant 0 : i32
    %dma_wait3A_771 = tpu.memref_slice %arg11[%dma_wait3A_757, %dma_wait3A_769, %dma_wait3A_770] : memref<3x256x32xf32, #tpu.memory_space<vmem>> -> memref<1x256x32xf32, #tpu.memory_space<vmem>>
    %dma_wait3A_772 = tpu.memref_squeeze %dma_wait3A_771 : memref<1x256x32xf32, #tpu.memory_space<vmem>> -> memref<256x32xf32, #tpu.memory_space<vmem>>
    tpu.wait_dma2 semaphore(%arg14 : memref<!tpu.dma_semaphore, #tpu.memory_space<semaphore_mem>>) src(%dma_wait3A_772 : memref<256x32xf32, #tpu.memory_space<vmem>>) dst(%dma_wait3A_768 : memref<256x32xf32, #tpu.memory_space<hbm>>)
    %dma_start3A_773 = arith.constant 9 : i32
    %dma_start3A_774 = arith.constant 0 : i32
    %dma_start3A_775 = arith.constant 0 : i32
    %dma_start3A_776 = arith.constant 0 : i32
    %dma_start3A_777 = tpu.memref_slice %arg11[%dma_start3A_774, %dma_start3A_775, %dma_start3A_776] : memref<3x256x32xf32, #tpu.memory_space<vmem>> -> memref<1x256x32xf32, #tpu.memory_space<vmem>>
    %dma_start3A_778 = tpu.memref_squeeze %dma_start3A_777 : memref<1x256x32xf32, #tpu.memory_space<vmem>> -> memref<256x32xf32, #tpu.memory_space<vmem>>
    %dma_start3A_779 = arith.constant 0 : i32
    %dma_start3A_780 = tpu.memref_slice %arg9[%dma_start3A_773, %dma_start3A_779] : memref<10x256xi32, #tpu.memory_space<vmem>> -> memref<1x256xi32, #tpu.memory_space<vmem>>
    %dma_start3A_781 = tpu.memref_squeeze %dma_start3A_780 : memref<1x256xi32, #tpu.memory_space<vmem>> -> memref<256xi32, #tpu.memory_space<vmem>>
    %dma_start3A_782 = arith.constant 0 : i32
    %dma_start3A_783 = arith.constant 0 : i32
    %dma_start3A_784 = tpu.memref_slice %arg2[%dma_start3A_782, %dma_start3A_783] : memref<100000x32xf32, #tpu.memory_space<hbm>> -> memref<100000x32xf32, #tpu.memory_space<hbm>>
    tpu.enqueue_indirect_dma source(%dma_start3A_784 : memref<100000x32xf32, #tpu.memory_space<hbm>>) target(%dma_start3A_778 : memref<256x32xf32, #tpu.memory_space<vmem>>) offsets(%dma_start3A_781 : memref<256xi32, #tpu.memory_space<vmem>>) semaphore(%arg13 : memref<!tpu.dma_semaphore, #tpu.memory_space<semaphore_mem>>)
    %dma_wait3A_785 = arith.constant 7 : i32
    %dma_wait3A_786 = arith.constant 1 : i32
    %dma_wait3A_787 = arith.constant 0 : i32
    %dma_wait3A_788 = arith.constant 0 : i32
    %dma_wait3A_789 = tpu.memref_slice %arg11[%dma_wait3A_786, %dma_wait3A_787, %dma_wait3A_788] : memref<3x256x32xf32, #tpu.memory_space<vmem>> -> memref<1x256x32xf32, #tpu.memory_space<vmem>>
    %dma_wait3A_790 = tpu.memref_squeeze %dma_wait3A_789 : memref<1x256x32xf32, #tpu.memory_space<vmem>> -> memref<256x32xf32, #tpu.memory_space<vmem>>
    %dma_wait3A_791 = arith.constant 0 : i32
    %dma_wait3A_792 = tpu.memref_slice %arg9[%dma_wait3A_785, %dma_wait3A_791] : memref<10x256xi32, #tpu.memory_space<vmem>> -> memref<1x256xi32, #tpu.memory_space<vmem>>
    %dma_wait3A_793 = tpu.memref_squeeze %dma_wait3A_792 : memref<1x256xi32, #tpu.memory_space<vmem>> -> memref<256xi32, #tpu.memory_space<vmem>>
    %dma_wait3A_794 = arith.constant 0 : i32
    %dma_wait3A_795 = arith.constant 0 : i32
    %dma_wait3A_796 = tpu.memref_slice %arg2[%dma_wait3A_794, %dma_wait3A_795] : memref<100000x32xf32, #tpu.memory_space<hbm>> -> memref<100000x32xf32, #tpu.memory_space<hbm>>
    tpu.wait_indirect_dma semaphore(%arg13 : memref<!tpu.dma_semaphore, #tpu.memory_space<semaphore_mem>>) src(%dma_wait3A_796 : memref<100000x32xf32, #tpu.memory_space<hbm>>) dst(%dma_wait3A_790 : memref<256x32xf32, #tpu.memory_space<vmem>>)
    %dma_start3A_797 = arith.constant 1 : i32
    %dma_start3A_798 = arith.constant 1 : i32
    %dma_start3A_799 = arith.constant 0 : i32
    %dma_start3A_800 = arith.constant 0 : i32
    %dma_start3A_801 = tpu.memref_slice %arg11[%dma_start3A_797, %dma_start3A_799, %dma_start3A_800] : memref<3x256x32xf32, #tpu.memory_space<vmem>> -> memref<1x256x32xf32, #tpu.memory_space<vmem>>
    %dma_start3A_802 = tpu.memref_squeeze %dma_start3A_801 : memref<1x256x32xf32, #tpu.memory_space<vmem>> -> memref<256x32xf32, #tpu.memory_space<vmem>>
    %dma_start3A_803 = arith.constant 96 : i32
    %dma_start3A_804 = tpu.memref_slice %arg8[%dma_start3A_798, %mul3A_2, %dma_start3A_803] : memref<4x8192x128xf32, #tpu.memory_space<hbm>> -> memref<1x256x32xf32, #tpu.memory_space<hbm>>
    %dma_start3A_805 = tpu.memref_squeeze %dma_start3A_804 : memref<1x256x32xf32, #tpu.memory_space<hbm>> -> memref<256x32xf32, #tpu.memory_space<hbm>>
    %dma_start3A_806 = arith.constant 96 : i32
    %dma_start3A_807 = tpu.memref_slice %arg8[%dma_start3A_798, %mul3A_2, %dma_start3A_806] : memref<4x8192x128xf32, #tpu.memory_space<hbm>> -> memref<1x256x32xf32, #tpu.memory_space<hbm>>
    %dma_start3A_808 = tpu.memref_squeeze %dma_start3A_807 : memref<1x256x32xf32, #tpu.memory_space<hbm>> -> memref<256x32xf32, #tpu.memory_space<hbm>>
    %dma_start3A_809 = arith.constant 0 : i32
    %dma_start3A_810 = arith.constant 0 : i32
    %dma_start3A_811 = tpu.memref_slice %arg11[%dma_start3A_797, %dma_start3A_809, %dma_start3A_810] : memref<3x256x32xf32, #tpu.memory_space<vmem>> -> memref<1x256x32xf32, #tpu.memory_space<vmem>>
    %dma_start3A_812 = tpu.memref_squeeze %dma_start3A_811 : memref<1x256x32xf32, #tpu.memory_space<vmem>> -> memref<256x32xf32, #tpu.memory_space<vmem>>
    tpu.enqueue_dma source(%dma_start3A_812 : memref<256x32xf32, #tpu.memory_space<vmem>>) target(%dma_start3A_808 : memref<256x32xf32, #tpu.memory_space<hbm>>) target_semaphore(%arg14 : memref<!tpu.dma_semaphore, #tpu.memory_space<semaphore_mem>>)
    %dma_wait3A_813 = arith.constant 8 : i32
    %dma_wait3A_814 = arith.constant 2 : i32
    %dma_wait3A_815 = arith.constant 0 : i32
    %dma_wait3A_816 = arith.constant 0 : i32
    %dma_wait3A_817 = tpu.memref_slice %arg11[%dma_wait3A_814, %dma_wait3A_815, %dma_wait3A_816] : memref<3x256x32xf32, #tpu.memory_space<vmem>> -> memref<1x256x32xf32, #tpu.memory_space<vmem>>
    %dma_wait3A_818 = tpu.memref_squeeze %dma_wait3A_817 : memref<1x256x32xf32, #tpu.memory_space<vmem>> -> memref<256x32xf32, #tpu.memory_space<vmem>>
    %dma_wait3A_819 = arith.constant 0 : i32
    %dma_wait3A_820 = tpu.memref_slice %arg9[%dma_wait3A_813, %dma_wait3A_819] : memref<10x256xi32, #tpu.memory_space<vmem>> -> memref<1x256xi32, #tpu.memory_space<vmem>>
    %dma_wait3A_821 = tpu.memref_squeeze %dma_wait3A_820 : memref<1x256xi32, #tpu.memory_space<vmem>> -> memref<256xi32, #tpu.memory_space<vmem>>
    %dma_wait3A_822 = arith.constant 0 : i32
    %dma_wait3A_823 = arith.constant 0 : i32
    %dma_wait3A_824 = tpu.memref_slice %arg2[%dma_wait3A_822, %dma_wait3A_823] : memref<100000x32xf32, #tpu.memory_space<hbm>> -> memref<100000x32xf32, #tpu.memory_space<hbm>>
    tpu.wait_indirect_dma semaphore(%arg13 : memref<!tpu.dma_semaphore, #tpu.memory_space<semaphore_mem>>) src(%dma_wait3A_824 : memref<100000x32xf32, #tpu.memory_space<hbm>>) dst(%dma_wait3A_818 : memref<256x32xf32, #tpu.memory_space<vmem>>)
    %dma_start3A_825 = arith.constant 2 : i32
    %dma_start3A_826 = arith.constant 2 : i32
    %dma_start3A_827 = arith.constant 0 : i32
    %dma_start3A_828 = arith.constant 0 : i32
    %dma_start3A_829 = tpu.memref_slice %arg11[%dma_start3A_825, %dma_start3A_827, %dma_start3A_828] : memref<3x256x32xf32, #tpu.memory_space<vmem>> -> memref<1x256x32xf32, #tpu.memory_space<vmem>>
    %dma_start3A_830 = tpu.memref_squeeze %dma_start3A_829 : memref<1x256x32xf32, #tpu.memory_space<vmem>> -> memref<256x32xf32, #tpu.memory_space<vmem>>
    %dma_start3A_831 = arith.constant 0 : i32
    %dma_start3A_832 = tpu.memref_slice %arg8[%dma_start3A_826, %mul3A_2, %dma_start3A_831] : memref<4x8192x128xf32, #tpu.memory_space<hbm>> -> memref<1x256x32xf32, #tpu.memory_space<hbm>>
    %dma_start3A_833 = tpu.memref_squeeze %dma_start3A_832 : memref<1x256x32xf32, #tpu.memory_space<hbm>> -> memref<256x32xf32, #tpu.memory_space<hbm>>
    %dma_start3A_834 = arith.constant 0 : i32
    %dma_start3A_835 = tpu.memref_slice %arg8[%dma_start3A_826, %mul3A_2, %dma_start3A_834] : memref<4x8192x128xf32, #tpu.memory_space<hbm>> -> memref<1x256x32xf32, #tpu.memory_space<hbm>>
    %dma_start3A_836 = tpu.memref_squeeze %dma_start3A_835 : memref<1x256x32xf32, #tpu.memory_space<hbm>> -> memref<256x32xf32, #tpu.memory_space<hbm>>
    %dma_start3A_837 = arith.constant 0 : i32
    %dma_start3A_838 = arith.constant 0 : i32
    %dma_start3A_839 = tpu.memref_slice %arg11[%dma_start3A_825, %dma_start3A_837, %dma_start3A_838] : memref<3x256x32xf32, #tpu.memory_space<vmem>> -> memref<1x256x32xf32, #tpu.memory_space<vmem>>
    %dma_start3A_840 = tpu.memref_squeeze %dma_start3A_839 : memref<1x256x32xf32, #tpu.memory_space<vmem>> -> memref<256x32xf32, #tpu.memory_space<vmem>>
    tpu.enqueue_dma source(%dma_start3A_840 : memref<256x32xf32, #tpu.memory_space<vmem>>) target(%dma_start3A_836 : memref<256x32xf32, #tpu.memory_space<hbm>>) target_semaphore(%arg14 : memref<!tpu.dma_semaphore, #tpu.memory_space<semaphore_mem>>)
    %dma_wait3A_841 = arith.constant 9 : i32
    %dma_wait3A_842 = arith.constant 0 : i32
    %dma_wait3A_843 = arith.constant 0 : i32
    %dma_wait3A_844 = arith.constant 0 : i32
    %dma_wait3A_845 = tpu.memref_slice %arg11[%dma_wait3A_842, %dma_wait3A_843, %dma_wait3A_844] : memref<3x256x32xf32, #tpu.memory_space<vmem>> -> memref<1x256x32xf32, #tpu.memory_space<vmem>>
    %dma_wait3A_846 = tpu.memref_squeeze %dma_wait3A_845 : memref<1x256x32xf32, #tpu.memory_space<vmem>> -> memref<256x32xf32, #tpu.memory_space<vmem>>
    %dma_wait3A_847 = arith.constant 0 : i32
    %dma_wait3A_848 = tpu.memref_slice %arg9[%dma_wait3A_841, %dma_wait3A_847] : memref<10x256xi32, #tpu.memory_space<vmem>> -> memref<1x256xi32, #tpu.memory_space<vmem>>
    %dma_wait3A_849 = tpu.memref_squeeze %dma_wait3A_848 : memref<1x256xi32, #tpu.memory_space<vmem>> -> memref<256xi32, #tpu.memory_space<vmem>>
    %dma_wait3A_850 = arith.constant 0 : i32
    %dma_wait3A_851 = arith.constant 0 : i32
    %dma_wait3A_852 = tpu.memref_slice %arg2[%dma_wait3A_850, %dma_wait3A_851] : memref<100000x32xf32, #tpu.memory_space<hbm>> -> memref<100000x32xf32, #tpu.memory_space<hbm>>
    tpu.wait_indirect_dma semaphore(%arg13 : memref<!tpu.dma_semaphore, #tpu.memory_space<semaphore_mem>>) src(%dma_wait3A_852 : memref<100000x32xf32, #tpu.memory_space<hbm>>) dst(%dma_wait3A_846 : memref<256x32xf32, #tpu.memory_space<vmem>>)
    %dma_start3A_853 = arith.constant 0 : i32
    %dma_start3A_854 = arith.constant 2 : i32
    %dma_start3A_855 = arith.constant 0 : i32
    %dma_start3A_856 = arith.constant 0 : i32
    %dma_start3A_857 = tpu.memref_slice %arg11[%dma_start3A_853, %dma_start3A_855, %dma_start3A_856] : memref<3x256x32xf32, #tpu.memory_space<vmem>> -> memref<1x256x32xf32, #tpu.memory_space<vmem>>
    %dma_start3A_858 = tpu.memref_squeeze %dma_start3A_857 : memref<1x256x32xf32, #tpu.memory_space<vmem>> -> memref<256x32xf32, #tpu.memory_space<vmem>>
    %dma_start3A_859 = arith.constant 32 : i32
    %dma_start3A_860 = tpu.memref_slice %arg8[%dma_start3A_854, %mul3A_2, %dma_start3A_859] : memref<4x8192x128xf32, #tpu.memory_space<hbm>> -> memref<1x256x32xf32, #tpu.memory_space<hbm>>
    %dma_start3A_861 = tpu.memref_squeeze %dma_start3A_860 : memref<1x256x32xf32, #tpu.memory_space<hbm>> -> memref<256x32xf32, #tpu.memory_space<hbm>>
    %dma_start3A_862 = arith.constant 32 : i32
    %dma_start3A_863 = tpu.memref_slice %arg8[%dma_start3A_854, %mul3A_2, %dma_start3A_862] : memref<4x8192x128xf32, #tpu.memory_space<hbm>> -> memref<1x256x32xf32, #tpu.memory_space<hbm>>
    %dma_start3A_864 = tpu.memref_squeeze %dma_start3A_863 : memref<1x256x32xf32, #tpu.memory_space<hbm>> -> memref<256x32xf32, #tpu.memory_space<hbm>>
    %dma_start3A_865 = arith.constant 0 : i32
    %dma_start3A_866 = arith.constant 0 : i32
    %dma_start3A_867 = tpu.memref_slice %arg11[%dma_start3A_853, %dma_start3A_865, %dma_start3A_866] : memref<3x256x32xf32, #tpu.memory_space<vmem>> -> memref<1x256x32xf32, #tpu.memory_space<vmem>>
    %dma_start3A_868 = tpu.memref_squeeze %dma_start3A_867 : memref<1x256x32xf32, #tpu.memory_space<vmem>> -> memref<256x32xf32, #tpu.memory_space<vmem>>
    tpu.enqueue_dma source(%dma_start3A_868 : memref<256x32xf32, #tpu.memory_space<vmem>>) target(%dma_start3A_864 : memref<256x32xf32, #tpu.memory_space<hbm>>) target_semaphore(%arg14 : memref<!tpu.dma_semaphore, #tpu.memory_space<semaphore_mem>>)
    %dma_start3A_869 = arith.constant 0 : i32
    %dma_start3A_870 = arith.constant 0 : i32
    %dma_start3A_871 = arith.constant 0 : i32
    %dma_start3A_872 = arith.constant 0 : i32
    %dma_start3A_873 = tpu.memref_slice %arg12[%dma_start3A_870, %dma_start3A_871, %dma_start3A_872] : memref<3x256x16xf32, #tpu.memory_space<vmem>> -> memref<1x256x16xf32, #tpu.memory_space<vmem>>
    %dma_start3A_874 = tpu.memref_squeeze %dma_start3A_873 : memref<1x256x16xf32, #tpu.memory_space<vmem>> -> memref<256x16xf32, #tpu.memory_space<vmem>>
    %dma_start3A_875 = arith.constant 0 : i32
    %dma_start3A_876 = tpu.memref_slice %arg10[%dma_start3A_869, %dma_start3A_875] : memref<5x256xi32, #tpu.memory_space<vmem>> -> memref<1x256xi32, #tpu.memory_space<vmem>>
    %dma_start3A_877 = tpu.memref_squeeze %dma_start3A_876 : memref<1x256xi32, #tpu.memory_space<vmem>> -> memref<256xi32, #tpu.memory_space<vmem>>
    %dma_start3A_878 = arith.constant 0 : i32
    %dma_start3A_879 = arith.constant 0 : i32
    %dma_start3A_880 = tpu.memref_slice %arg6[%dma_start3A_878, %dma_start3A_879] : memref<5000x16xf32, #tpu.memory_space<hbm>> -> memref<5000x16xf32, #tpu.memory_space<hbm>>
    tpu.enqueue_indirect_dma source(%dma_start3A_880 : memref<5000x16xf32, #tpu.memory_space<hbm>>) target(%dma_start3A_874 : memref<256x16xf32, #tpu.memory_space<vmem>>) offsets(%dma_start3A_877 : memref<256xi32, #tpu.memory_space<vmem>>) semaphore(%arg13 : memref<!tpu.dma_semaphore, #tpu.memory_space<semaphore_mem>>)
    %dma_start3A_881 = arith.constant 1 : i32
    %dma_start3A_882 = arith.constant 1 : i32
    %dma_start3A_883 = arith.constant 0 : i32
    %dma_start3A_884 = arith.constant 0 : i32
    %dma_start3A_885 = tpu.memref_slice %arg12[%dma_start3A_882, %dma_start3A_883, %dma_start3A_884] : memref<3x256x16xf32, #tpu.memory_space<vmem>> -> memref<1x256x16xf32, #tpu.memory_space<vmem>>
    %dma_start3A_886 = tpu.memref_squeeze %dma_start3A_885 : memref<1x256x16xf32, #tpu.memory_space<vmem>> -> memref<256x16xf32, #tpu.memory_space<vmem>>
    %dma_start3A_887 = arith.constant 0 : i32
    %dma_start3A_888 = tpu.memref_slice %arg10[%dma_start3A_881, %dma_start3A_887] : memref<5x256xi32, #tpu.memory_space<vmem>> -> memref<1x256xi32, #tpu.memory_space<vmem>>
    %dma_start3A_889 = tpu.memref_squeeze %dma_start3A_888 : memref<1x256xi32, #tpu.memory_space<vmem>> -> memref<256xi32, #tpu.memory_space<vmem>>
    %dma_start3A_890 = arith.constant 0 : i32
    %dma_start3A_891 = arith.constant 0 : i32
    %dma_start3A_892 = tpu.memref_slice %arg6[%dma_start3A_890, %dma_start3A_891] : memref<5000x16xf32, #tpu.memory_space<hbm>> -> memref<5000x16xf32, #tpu.memory_space<hbm>>
    tpu.enqueue_indirect_dma source(%dma_start3A_892 : memref<5000x16xf32, #tpu.memory_space<hbm>>) target(%dma_start3A_886 : memref<256x16xf32, #tpu.memory_space<vmem>>) offsets(%dma_start3A_889 : memref<256xi32, #tpu.memory_space<vmem>>) semaphore(%arg13 : memref<!tpu.dma_semaphore, #tpu.memory_space<semaphore_mem>>)
    %dma_start3A_893 = arith.constant 2 : i32
    %dma_start3A_894 = arith.constant 2 : i32
    %dma_start3A_895 = arith.constant 0 : i32
    %dma_start3A_896 = arith.constant 0 : i32
    %dma_start3A_897 = tpu.memref_slice %arg12[%dma_start3A_894, %dma_start3A_895, %dma_start3A_896] : memref<3x256x16xf32, #tpu.memory_space<vmem>> -> memref<1x256x16xf32, #tpu.memory_space<vmem>>
    %dma_start3A_898 = tpu.memref_squeeze %dma_start3A_897 : memref<1x256x16xf32, #tpu.memory_space<vmem>> -> memref<256x16xf32, #tpu.memory_space<vmem>>
    %dma_start3A_899 = arith.constant 0 : i32
    %dma_start3A_900 = tpu.memref_slice %arg10[%dma_start3A_893, %dma_start3A_899] : memref<5x256xi32, #tpu.memory_space<vmem>> -> memref<1x256xi32, #tpu.memory_space<vmem>>
    %dma_start3A_901 = tpu.memref_squeeze %dma_start3A_900 : memref<1x256xi32, #tpu.memory_space<vmem>> -> memref<256xi32, #tpu.memory_space<vmem>>
    %dma_start3A_902 = arith.constant 0 : i32
    %dma_start3A_903 = arith.constant 0 : i32
    %dma_start3A_904 = tpu.memref_slice %arg6[%dma_start3A_902, %dma_start3A_903] : memref<5000x16xf32, #tpu.memory_space<hbm>> -> memref<5000x16xf32, #tpu.memory_space<hbm>>
    tpu.enqueue_indirect_dma source(%dma_start3A_904 : memref<5000x16xf32, #tpu.memory_space<hbm>>) target(%dma_start3A_898 : memref<256x16xf32, #tpu.memory_space<vmem>>) offsets(%dma_start3A_901 : memref<256xi32, #tpu.memory_space<vmem>>) semaphore(%arg13 : memref<!tpu.dma_semaphore, #tpu.memory_space<semaphore_mem>>)
    %dma_start3A_905 = arith.constant 2 : i32
    %dma_start3A_906 = arith.constant 2 : i32
    %dma_start3A_907 = arith.constant 0 : i32
    %dma_start3A_908 = arith.constant 0 : i32
    %dma_start3A_909 = tpu.memref_slice %arg11[%dma_start3A_905, %dma_start3A_907, %dma_start3A_908] : memref<3x256x32xf32, #tpu.memory_space<vmem>> -> memref<1x256x32xf32, #tpu.memory_space<vmem>>
    %dma_start3A_910 = tpu.memref_squeeze %dma_start3A_909 : memref<1x256x32xf32, #tpu.memory_space<vmem>> -> memref<256x32xf32, #tpu.memory_space<vmem>>
    %dma_start3A_911 = arith.constant 64 : i32
    %dma_start3A_912 = tpu.memref_slice %arg8[%dma_start3A_906, %mul3A_2, %dma_start3A_911] : memref<4x8192x128xf32, #tpu.memory_space<hbm>> -> memref<1x256x32xf32, #tpu.memory_space<hbm>>
    %dma_start3A_913 = tpu.memref_squeeze %dma_start3A_912 : memref<1x256x32xf32, #tpu.memory_space<hbm>> -> memref<256x32xf32, #tpu.memory_space<hbm>>
    %dma_start3A_914 = arith.constant 64 : i32
    %dma_start3A_915 = tpu.memref_slice %arg8[%dma_start3A_906, %mul3A_2, %dma_start3A_914] : memref<4x8192x128xf32, #tpu.memory_space<hbm>> -> memref<1x256x32xf32, #tpu.memory_space<hbm>>
    %dma_start3A_916 = tpu.memref_squeeze %dma_start3A_915 : memref<1x256x32xf32, #tpu.memory_space<hbm>> -> memref<256x32xf32, #tpu.memory_space<hbm>>
    %dma_start3A_917 = arith.constant 0 : i32
    %dma_start3A_918 = arith.constant 0 : i32
    %dma_start3A_919 = tpu.memref_slice %arg11[%dma_start3A_905, %dma_start3A_917, %dma_start3A_918] : memref<3x256x32xf32, #tpu.memory_space<vmem>> -> memref<1x256x32xf32, #tpu.memory_space<vmem>>
    %dma_start3A_920 = tpu.memref_squeeze %dma_start3A_919 : memref<1x256x32xf32, #tpu.memory_space<vmem>> -> memref<256x32xf32, #tpu.memory_space<vmem>>
    tpu.enqueue_dma source(%dma_start3A_920 : memref<256x32xf32, #tpu.memory_space<vmem>>) target(%dma_start3A_916 : memref<256x32xf32, #tpu.memory_space<hbm>>) target_semaphore(%arg14 : memref<!tpu.dma_semaphore, #tpu.memory_space<semaphore_mem>>)
    %dma_start3A_921 = arith.constant 2 : i32
    %dma_start3A_922 = arith.constant 2 : i32
    %dma_start3A_923 = arith.constant 0 : i32
    %dma_start3A_924 = arith.constant 0 : i32
    %dma_start3A_925 = tpu.memref_slice %arg11[%dma_start3A_921, %dma_start3A_923, %dma_start3A_924] : memref<3x256x32xf32, #tpu.memory_space<vmem>> -> memref<1x256x32xf32, #tpu.memory_space<vmem>>
    %dma_start3A_926 = tpu.memref_squeeze %dma_start3A_925 : memref<1x256x32xf32, #tpu.memory_space<vmem>> -> memref<256x32xf32, #tpu.memory_space<vmem>>
    %dma_start3A_927 = arith.constant 96 : i32
    %dma_start3A_928 = tpu.memref_slice %arg8[%dma_start3A_922, %mul3A_2, %dma_start3A_927] : memref<4x8192x128xf32, #tpu.memory_space<hbm>> -> memref<1x256x32xf32, #tpu.memory_space<hbm>>
    %dma_start3A_929 = tpu.memref_squeeze %dma_start3A_928 : memref<1x256x32xf32, #tpu.memory_space<hbm>> -> memref<256x32xf32, #tpu.memory_space<hbm>>
    %dma_start3A_930 = arith.constant 96 : i32
    %dma_start3A_931 = tpu.memref_slice %arg8[%dma_start3A_922, %mul3A_2, %dma_start3A_930] : memref<4x8192x128xf32, #tpu.memory_space<hbm>> -> memref<1x256x32xf32, #tpu.memory_space<hbm>>
    %dma_start3A_932 = tpu.memref_squeeze %dma_start3A_931 : memref<1x256x32xf32, #tpu.memory_space<hbm>> -> memref<256x32xf32, #tpu.memory_space<hbm>>
    %dma_start3A_933 = arith.constant 0 : i32
    %dma_start3A_934 = arith.constant 0 : i32
    %dma_start3A_935 = tpu.memref_slice %arg11[%dma_start3A_921, %dma_start3A_933, %dma_start3A_934] : memref<3x256x32xf32, #tpu.memory_space<vmem>> -> memref<1x256x32xf32, #tpu.memory_space<vmem>>
    %dma_start3A_936 = tpu.memref_squeeze %dma_start3A_935 : memref<1x256x32xf32, #tpu.memory_space<vmem>> -> memref<256x32xf32, #tpu.memory_space<vmem>>
    tpu.enqueue_dma source(%dma_start3A_936 : memref<256x32xf32, #tpu.memory_space<vmem>>) target(%dma_start3A_932 : memref<256x32xf32, #tpu.memory_space<hbm>>) target_semaphore(%arg14 : memref<!tpu.dma_semaphore, #tpu.memory_space<semaphore_mem>>)
    %dma_wait3A_937 = arith.constant 0 : i32
    %dma_wait3A_938 = arith.constant 0 : i32
    %dma_wait3A_939 = arith.constant 0 : i32
    %dma_wait3A_940 = arith.constant 0 : i32
    %dma_wait3A_941 = tpu.memref_slice %arg12[%dma_wait3A_938, %dma_wait3A_939, %dma_wait3A_940] : memref<3x256x16xf32, #tpu.memory_space<vmem>> -> memref<1x256x16xf32, #tpu.memory_space<vmem>>
    %dma_wait3A_942 = tpu.memref_squeeze %dma_wait3A_941 : memref<1x256x16xf32, #tpu.memory_space<vmem>> -> memref<256x16xf32, #tpu.memory_space<vmem>>
    %dma_wait3A_943 = arith.constant 0 : i32
    %dma_wait3A_944 = tpu.memref_slice %arg10[%dma_wait3A_937, %dma_wait3A_943] : memref<5x256xi32, #tpu.memory_space<vmem>> -> memref<1x256xi32, #tpu.memory_space<vmem>>
    %dma_wait3A_945 = tpu.memref_squeeze %dma_wait3A_944 : memref<1x256xi32, #tpu.memory_space<vmem>> -> memref<256xi32, #tpu.memory_space<vmem>>
    %dma_wait3A_946 = arith.constant 0 : i32
    %dma_wait3A_947 = arith.constant 0 : i32
    %dma_wait3A_948 = tpu.memref_slice %arg6[%dma_wait3A_946, %dma_wait3A_947] : memref<5000x16xf32, #tpu.memory_space<hbm>> -> memref<5000x16xf32, #tpu.memory_space<hbm>>
    tpu.wait_indirect_dma semaphore(%arg13 : memref<!tpu.dma_semaphore, #tpu.memory_space<semaphore_mem>>) src(%dma_wait3A_948 : memref<5000x16xf32, #tpu.memory_space<hbm>>) dst(%dma_wait3A_942 : memref<256x16xf32, #tpu.memory_space<vmem>>)
    %dma_start3A_949 = arith.constant 0 : i32
    %dma_start3A_950 = arith.constant 3 : i32
    %dma_start3A_951 = arith.constant 0 : i32
    %dma_start3A_952 = arith.constant 0 : i32
    %dma_start3A_953 = tpu.memref_slice %arg12[%dma_start3A_949, %dma_start3A_951, %dma_start3A_952] : memref<3x256x16xf32, #tpu.memory_space<vmem>> -> memref<1x256x16xf32, #tpu.memory_space<vmem>>
    %dma_start3A_954 = tpu.memref_squeeze %dma_start3A_953 : memref<1x256x16xf32, #tpu.memory_space<vmem>> -> memref<256x16xf32, #tpu.memory_space<vmem>>
    %dma_start3A_955 = arith.constant 0 : i32
    %dma_start3A_956 = tpu.memref_slice %arg8[%dma_start3A_950, %mul3A_2, %dma_start3A_955] : memref<4x8192x128xf32, #tpu.memory_space<hbm>> -> memref<1x256x16xf32, #tpu.memory_space<hbm>>
    %dma_start3A_957 = tpu.memref_squeeze %dma_start3A_956 : memref<1x256x16xf32, #tpu.memory_space<hbm>> -> memref<256x16xf32, #tpu.memory_space<hbm>>
    %dma_start3A_958 = arith.constant 0 : i32
    %dma_start3A_959 = tpu.memref_slice %arg8[%dma_start3A_950, %mul3A_2, %dma_start3A_958] : memref<4x8192x128xf32, #tpu.memory_space<hbm>> -> memref<1x256x16xf32, #tpu.memory_space<hbm>>
    %dma_start3A_960 = tpu.memref_squeeze %dma_start3A_959 : memref<1x256x16xf32, #tpu.memory_space<hbm>> -> memref<256x16xf32, #tpu.memory_space<hbm>>
    %dma_start3A_961 = arith.constant 0 : i32
    %dma_start3A_962 = arith.constant 0 : i32
    %dma_start3A_963 = tpu.memref_slice %arg12[%dma_start3A_949, %dma_start3A_961, %dma_start3A_962] : memref<3x256x16xf32, #tpu.memory_space<vmem>> -> memref<1x256x16xf32, #tpu.memory_space<vmem>>
    %dma_start3A_964 = tpu.memref_squeeze %dma_start3A_963 : memref<1x256x16xf32, #tpu.memory_space<vmem>> -> memref<256x16xf32, #tpu.memory_space<vmem>>
    tpu.enqueue_dma source(%dma_start3A_964 : memref<256x16xf32, #tpu.memory_space<vmem>>) target(%dma_start3A_960 : memref<256x16xf32, #tpu.memory_space<hbm>>) target_semaphore(%arg14 : memref<!tpu.dma_semaphore, #tpu.memory_space<semaphore_mem>>)
    %dma_wait3A_965 = arith.constant 0 : i32
    %dma_wait3A_966 = arith.constant 3 : i32
    %dma_wait3A_967 = arith.constant 0 : i32
    %dma_wait3A_968 = arith.constant 0 : i32
    %dma_wait3A_969 = tpu.memref_slice %arg12[%dma_wait3A_965, %dma_wait3A_967, %dma_wait3A_968] : memref<3x256x16xf32, #tpu.memory_space<vmem>> -> memref<1x256x16xf32, #tpu.memory_space<vmem>>
    %dma_wait3A_970 = tpu.memref_squeeze %dma_wait3A_969 : memref<1x256x16xf32, #tpu.memory_space<vmem>> -> memref<256x16xf32, #tpu.memory_space<vmem>>
    %dma_wait3A_971 = arith.constant 0 : i32
    %dma_wait3A_972 = tpu.memref_slice %arg8[%dma_wait3A_966, %mul3A_2, %dma_wait3A_971] : memref<4x8192x128xf32, #tpu.memory_space<hbm>> -> memref<1x256x16xf32, #tpu.memory_space<hbm>>
    %dma_wait3A_973 = tpu.memref_squeeze %dma_wait3A_972 : memref<1x256x16xf32, #tpu.memory_space<hbm>> -> memref<256x16xf32, #tpu.memory_space<hbm>>
    %dma_wait3A_974 = arith.constant 0 : i32
    %dma_wait3A_975 = tpu.memref_slice %arg8[%dma_wait3A_966, %mul3A_2, %dma_wait3A_974] : memref<4x8192x128xf32, #tpu.memory_space<hbm>> -> memref<1x256x16xf32, #tpu.memory_space<hbm>>
    %dma_wait3A_976 = tpu.memref_squeeze %dma_wait3A_975 : memref<1x256x16xf32, #tpu.memory_space<hbm>> -> memref<256x16xf32, #tpu.memory_space<hbm>>
    %dma_wait3A_977 = arith.constant 0 : i32
    %dma_wait3A_978 = arith.constant 0 : i32
    %dma_wait3A_979 = tpu.memref_slice %arg12[%dma_wait3A_965, %dma_wait3A_977, %dma_wait3A_978] : memref<3x256x16xf32, #tpu.memory_space<vmem>> -> memref<1x256x16xf32, #tpu.memory_space<vmem>>
    %dma_wait3A_980 = tpu.memref_squeeze %dma_wait3A_979 : memref<1x256x16xf32, #tpu.memory_space<vmem>> -> memref<256x16xf32, #tpu.memory_space<vmem>>
    tpu.wait_dma2 semaphore(%arg14 : memref<!tpu.dma_semaphore, #tpu.memory_space<semaphore_mem>>) src(%dma_wait3A_980 : memref<256x16xf32, #tpu.memory_space<vmem>>) dst(%dma_wait3A_976 : memref<256x16xf32, #tpu.memory_space<hbm>>)
    %dma_start3A_981 = arith.constant 3 : i32
    %dma_start3A_982 = arith.constant 0 : i32
    %dma_start3A_983 = arith.constant 0 : i32
    %dma_start3A_984 = arith.constant 0 : i32
    %dma_start3A_985 = tpu.memref_slice %arg12[%dma_start3A_982, %dma_start3A_983, %dma_start3A_984] : memref<3x256x16xf32, #tpu.memory_space<vmem>> -> memref<1x256x16xf32, #tpu.memory_space<vmem>>
    %dma_start3A_986 = tpu.memref_squeeze %dma_start3A_985 : memref<1x256x16xf32, #tpu.memory_space<vmem>> -> memref<256x16xf32, #tpu.memory_space<vmem>>
    %dma_start3A_987 = arith.constant 0 : i32
    %dma_start3A_988 = tpu.memref_slice %arg10[%dma_start3A_981, %dma_start3A_987] : memref<5x256xi32, #tpu.memory_space<vmem>> -> memref<1x256xi32, #tpu.memory_space<vmem>>
    %dma_start3A_989 = tpu.memref_squeeze %dma_start3A_988 : memref<1x256xi32, #tpu.memory_space<vmem>> -> memref<256xi32, #tpu.memory_space<vmem>>
    %dma_start3A_990 = arith.constant 0 : i32
    %dma_start3A_991 = arith.constant 0 : i32
    %dma_start3A_992 = tpu.memref_slice %arg6[%dma_start3A_990, %dma_start3A_991] : memref<5000x16xf32, #tpu.memory_space<hbm>> -> memref<5000x16xf32, #tpu.memory_space<hbm>>
    tpu.enqueue_indirect_dma source(%dma_start3A_992 : memref<5000x16xf32, #tpu.memory_space<hbm>>) target(%dma_start3A_986 : memref<256x16xf32, #tpu.memory_space<vmem>>) offsets(%dma_start3A_989 : memref<256xi32, #tpu.memory_space<vmem>>) semaphore(%arg13 : memref<!tpu.dma_semaphore, #tpu.memory_space<semaphore_mem>>)
    %dma_wait3A_993 = arith.constant 1 : i32
    %dma_wait3A_994 = arith.constant 1 : i32
    %dma_wait3A_995 = arith.constant 0 : i32
    %dma_wait3A_996 = arith.constant 0 : i32
    %dma_wait3A_997 = tpu.memref_slice %arg12[%dma_wait3A_994, %dma_wait3A_995, %dma_wait3A_996] : memref<3x256x16xf32, #tpu.memory_space<vmem>> -> memref<1x256x16xf32, #tpu.memory_space<vmem>>
    %dma_wait3A_998 = tpu.memref_squeeze %dma_wait3A_997 : memref<1x256x16xf32, #tpu.memory_space<vmem>> -> memref<256x16xf32, #tpu.memory_space<vmem>>
    %dma_wait3A_999 = arith.constant 0 : i32
    %dma_wait3A_1000 = tpu.memref_slice %arg10[%dma_wait3A_993, %dma_wait3A_999] : memref<5x256xi32, #tpu.memory_space<vmem>> -> memref<1x256xi32, #tpu.memory_space<vmem>>
    %dma_wait3A_1001 = tpu.memref_squeeze %dma_wait3A_1000 : memref<1x256xi32, #tpu.memory_space<vmem>> -> memref<256xi32, #tpu.memory_space<vmem>>
    %dma_wait3A_1002 = arith.constant 0 : i32
    %dma_wait3A_1003 = arith.constant 0 : i32
    %dma_wait3A_1004 = tpu.memref_slice %arg6[%dma_wait3A_1002, %dma_wait3A_1003] : memref<5000x16xf32, #tpu.memory_space<hbm>> -> memref<5000x16xf32, #tpu.memory_space<hbm>>
    tpu.wait_indirect_dma semaphore(%arg13 : memref<!tpu.dma_semaphore, #tpu.memory_space<semaphore_mem>>) src(%dma_wait3A_1004 : memref<5000x16xf32, #tpu.memory_space<hbm>>) dst(%dma_wait3A_998 : memref<256x16xf32, #tpu.memory_space<vmem>>)
    %dma_start3A_1005 = arith.constant 1 : i32
    %dma_start3A_1006 = arith.constant 3 : i32
    %dma_start3A_1007 = arith.constant 0 : i32
    %dma_start3A_1008 = arith.constant 0 : i32
    %dma_start3A_1009 = tpu.memref_slice %arg12[%dma_start3A_1005, %dma_start3A_1007, %dma_start3A_1008] : memref<3x256x16xf32, #tpu.memory_space<vmem>> -> memref<1x256x16xf32, #tpu.memory_space<vmem>>
    %dma_start3A_1010 = tpu.memref_squeeze %dma_start3A_1009 : memref<1x256x16xf32, #tpu.memory_space<vmem>> -> memref<256x16xf32, #tpu.memory_space<vmem>>
    %dma_start3A_1011 = arith.constant 16 : i32
    %dma_start3A_1012 = tpu.memref_slice %arg8[%dma_start3A_1006, %mul3A_2, %dma_start3A_1011] : memref<4x8192x128xf32, #tpu.memory_space<hbm>> -> memref<1x256x16xf32, #tpu.memory_space<hbm>>
    %dma_start3A_1013 = tpu.memref_squeeze %dma_start3A_1012 : memref<1x256x16xf32, #tpu.memory_space<hbm>> -> memref<256x16xf32, #tpu.memory_space<hbm>>
    %dma_start3A_1014 = arith.constant 16 : i32
    %dma_start3A_1015 = tpu.memref_slice %arg8[%dma_start3A_1006, %mul3A_2, %dma_start3A_1014] : memref<4x8192x128xf32, #tpu.memory_space<hbm>> -> memref<1x256x16xf32, #tpu.memory_space<hbm>>
    %dma_start3A_1016 = tpu.memref_squeeze %dma_start3A_1015 : memref<1x256x16xf32, #tpu.memory_space<hbm>> -> memref<256x16xf32, #tpu.memory_space<hbm>>
    %dma_start3A_1017 = arith.constant 0 : i32
    %dma_start3A_1018 = arith.constant 0 : i32
    %dma_start3A_1019 = tpu.memref_slice %arg12[%dma_start3A_1005, %dma_start3A_1017, %dma_start3A_1018] : memref<3x256x16xf32, #tpu.memory_space<vmem>> -> memref<1x256x16xf32, #tpu.memory_space<vmem>>
    %dma_start3A_1020 = tpu.memref_squeeze %dma_start3A_1019 : memref<1x256x16xf32, #tpu.memory_space<vmem>> -> memref<256x16xf32, #tpu.memory_space<vmem>>
    tpu.enqueue_dma source(%dma_start3A_1020 : memref<256x16xf32, #tpu.memory_space<vmem>>) target(%dma_start3A_1016 : memref<256x16xf32, #tpu.memory_space<hbm>>) target_semaphore(%arg14 : memref<!tpu.dma_semaphore, #tpu.memory_space<semaphore_mem>>)
    %dma_wait3A_1021 = arith.constant 1 : i32
    %dma_wait3A_1022 = arith.constant 3 : i32
    %dma_wait3A_1023 = arith.constant 0 : i32
    %dma_wait3A_1024 = arith.constant 0 : i32
    %dma_wait3A_1025 = tpu.memref_slice %arg12[%dma_wait3A_1021, %dma_wait3A_1023, %dma_wait3A_1024] : memref<3x256x16xf32, #tpu.memory_space<vmem>> -> memref<1x256x16xf32, #tpu.memory_space<vmem>>
    %dma_wait3A_1026 = tpu.memref_squeeze %dma_wait3A_1025 : memref<1x256x16xf32, #tpu.memory_space<vmem>> -> memref<256x16xf32, #tpu.memory_space<vmem>>
    %dma_wait3A_1027 = arith.constant 16 : i32
    %dma_wait3A_1028 = tpu.memref_slice %arg8[%dma_wait3A_1022, %mul3A_2, %dma_wait3A_1027] : memref<4x8192x128xf32, #tpu.memory_space<hbm>> -> memref<1x256x16xf32, #tpu.memory_space<hbm>>
    %dma_wait3A_1029 = tpu.memref_squeeze %dma_wait3A_1028 : memref<1x256x16xf32, #tpu.memory_space<hbm>> -> memref<256x16xf32, #tpu.memory_space<hbm>>
    %dma_wait3A_1030 = arith.constant 16 : i32
    %dma_wait3A_1031 = tpu.memref_slice %arg8[%dma_wait3A_1022, %mul3A_2, %dma_wait3A_1030] : memref<4x8192x128xf32, #tpu.memory_space<hbm>> -> memref<1x256x16xf32, #tpu.memory_space<hbm>>
    %dma_wait3A_1032 = tpu.memref_squeeze %dma_wait3A_1031 : memref<1x256x16xf32, #tpu.memory_space<hbm>> -> memref<256x16xf32, #tpu.memory_space<hbm>>
    %dma_wait3A_1033 = arith.constant 0 : i32
    %dma_wait3A_1034 = arith.constant 0 : i32
    %dma_wait3A_1035 = tpu.memref_slice %arg12[%dma_wait3A_1021, %dma_wait3A_1033, %dma_wait3A_1034] : memref<3x256x16xf32, #tpu.memory_space<vmem>> -> memref<1x256x16xf32, #tpu.memory_space<vmem>>
    %dma_wait3A_1036 = tpu.memref_squeeze %dma_wait3A_1035 : memref<1x256x16xf32, #tpu.memory_space<vmem>> -> memref<256x16xf32, #tpu.memory_space<vmem>>
    tpu.wait_dma2 semaphore(%arg14 : memref<!tpu.dma_semaphore, #tpu.memory_space<semaphore_mem>>) src(%dma_wait3A_1036 : memref<256x16xf32, #tpu.memory_space<vmem>>) dst(%dma_wait3A_1032 : memref<256x16xf32, #tpu.memory_space<hbm>>)
    %dma_start3A_1037 = arith.constant 4 : i32
    %dma_start3A_1038 = arith.constant 1 : i32
    %dma_start3A_1039 = arith.constant 0 : i32
    %dma_start3A_1040 = arith.constant 0 : i32
    %dma_start3A_1041 = tpu.memref_slice %arg12[%dma_start3A_1038, %dma_start3A_1039, %dma_start3A_1040] : memref<3x256x16xf32, #tpu.memory_space<vmem>> -> memref<1x256x16xf32, #tpu.memory_space<vmem>>
    %dma_start3A_1042 = tpu.memref_squeeze %dma_start3A_1041 : memref<1x256x16xf32, #tpu.memory_space<vmem>> -> memref<256x16xf32, #tpu.memory_space<vmem>>
    %dma_start3A_1043 = arith.constant 0 : i32
    %dma_start3A_1044 = tpu.memref_slice %arg10[%dma_start3A_1037, %dma_start3A_1043] : memref<5x256xi32, #tpu.memory_space<vmem>> -> memref<1x256xi32, #tpu.memory_space<vmem>>
    %dma_start3A_1045 = tpu.memref_squeeze %dma_start3A_1044 : memref<1x256xi32, #tpu.memory_space<vmem>> -> memref<256xi32, #tpu.memory_space<vmem>>
    %dma_start3A_1046 = arith.constant 0 : i32
    %dma_start3A_1047 = arith.constant 0 : i32
    %dma_start3A_1048 = tpu.memref_slice %arg6[%dma_start3A_1046, %dma_start3A_1047] : memref<5000x16xf32, #tpu.memory_space<hbm>> -> memref<5000x16xf32, #tpu.memory_space<hbm>>
    tpu.enqueue_indirect_dma source(%dma_start3A_1048 : memref<5000x16xf32, #tpu.memory_space<hbm>>) target(%dma_start3A_1042 : memref<256x16xf32, #tpu.memory_space<vmem>>) offsets(%dma_start3A_1045 : memref<256xi32, #tpu.memory_space<vmem>>) semaphore(%arg13 : memref<!tpu.dma_semaphore, #tpu.memory_space<semaphore_mem>>)
    %dma_wait3A_1049 = arith.constant 2 : i32
    %dma_wait3A_1050 = arith.constant 2 : i32
    %dma_wait3A_1051 = arith.constant 0 : i32
    %dma_wait3A_1052 = arith.constant 0 : i32
    %dma_wait3A_1053 = tpu.memref_slice %arg12[%dma_wait3A_1050, %dma_wait3A_1051, %dma_wait3A_1052] : memref<3x256x16xf32, #tpu.memory_space<vmem>> -> memref<1x256x16xf32, #tpu.memory_space<vmem>>
    %dma_wait3A_1054 = tpu.memref_squeeze %dma_wait3A_1053 : memref<1x256x16xf32, #tpu.memory_space<vmem>> -> memref<256x16xf32, #tpu.memory_space<vmem>>
    %dma_wait3A_1055 = arith.constant 0 : i32
    %dma_wait3A_1056 = tpu.memref_slice %arg10[%dma_wait3A_1049, %dma_wait3A_1055] : memref<5x256xi32, #tpu.memory_space<vmem>> -> memref<1x256xi32, #tpu.memory_space<vmem>>
    %dma_wait3A_1057 = tpu.memref_squeeze %dma_wait3A_1056 : memref<1x256xi32, #tpu.memory_space<vmem>> -> memref<256xi32, #tpu.memory_space<vmem>>
    %dma_wait3A_1058 = arith.constant 0 : i32
    %dma_wait3A_1059 = arith.constant 0 : i32
    %dma_wait3A_1060 = tpu.memref_slice %arg6[%dma_wait3A_1058, %dma_wait3A_1059] : memref<5000x16xf32, #tpu.memory_space<hbm>> -> memref<5000x16xf32, #tpu.memory_space<hbm>>
    tpu.wait_indirect_dma semaphore(%arg13 : memref<!tpu.dma_semaphore, #tpu.memory_space<semaphore_mem>>) src(%dma_wait3A_1060 : memref<5000x16xf32, #tpu.memory_space<hbm>>) dst(%dma_wait3A_1054 : memref<256x16xf32, #tpu.memory_space<vmem>>)
    %dma_start3A_1061 = arith.constant 2 : i32
    %dma_start3A_1062 = arith.constant 3 : i32
    %dma_start3A_1063 = arith.constant 0 : i32
    %dma_start3A_1064 = arith.constant 0 : i32
    %dma_start3A_1065 = tpu.memref_slice %arg12[%dma_start3A_1061, %dma_start3A_1063, %dma_start3A_1064] : memref<3x256x16xf32, #tpu.memory_space<vmem>> -> memref<1x256x16xf32, #tpu.memory_space<vmem>>
    %dma_start3A_1066 = tpu.memref_squeeze %dma_start3A_1065 : memref<1x256x16xf32, #tpu.memory_space<vmem>> -> memref<256x16xf32, #tpu.memory_space<vmem>>
    %dma_start3A_1067 = arith.constant 32 : i32
    %dma_start3A_1068 = tpu.memref_slice %arg8[%dma_start3A_1062, %mul3A_2, %dma_start3A_1067] : memref<4x8192x128xf32, #tpu.memory_space<hbm>> -> memref<1x256x16xf32, #tpu.memory_space<hbm>>
    %dma_start3A_1069 = tpu.memref_squeeze %dma_start3A_1068 : memref<1x256x16xf32, #tpu.memory_space<hbm>> -> memref<256x16xf32, #tpu.memory_space<hbm>>
    %dma_start3A_1070 = arith.constant 32 : i32
    %dma_start3A_1071 = tpu.memref_slice %arg8[%dma_start3A_1062, %mul3A_2, %dma_start3A_1070] : memref<4x8192x128xf32, #tpu.memory_space<hbm>> -> memref<1x256x16xf32, #tpu.memory_space<hbm>>
    %dma_start3A_1072 = tpu.memref_squeeze %dma_start3A_1071 : memref<1x256x16xf32, #tpu.memory_space<hbm>> -> memref<256x16xf32, #tpu.memory_space<hbm>>
    %dma_start3A_1073 = arith.constant 0 : i32
    %dma_start3A_1074 = arith.constant 0 : i32
    %dma_start3A_1075 = tpu.memref_slice %arg12[%dma_start3A_1061, %dma_start3A_1073, %dma_start3A_1074] : memref<3x256x16xf32, #tpu.memory_space<vmem>> -> memref<1x256x16xf32, #tpu.memory_space<vmem>>
    %dma_start3A_1076 = tpu.memref_squeeze %dma_start3A_1075 : memref<1x256x16xf32, #tpu.memory_space<vmem>> -> memref<256x16xf32, #tpu.memory_space<vmem>>
    tpu.enqueue_dma source(%dma_start3A_1076 : memref<256x16xf32, #tpu.memory_space<vmem>>) target(%dma_start3A_1072 : memref<256x16xf32, #tpu.memory_space<hbm>>) target_semaphore(%arg14 : memref<!tpu.dma_semaphore, #tpu.memory_space<semaphore_mem>>)
    %dma_wait3A_1077 = arith.constant 3 : i32
    %dma_wait3A_1078 = arith.constant 0 : i32
    %dma_wait3A_1079 = arith.constant 0 : i32
    %dma_wait3A_1080 = arith.constant 0 : i32
    %dma_wait3A_1081 = tpu.memref_slice %arg12[%dma_wait3A_1078, %dma_wait3A_1079, %dma_wait3A_1080] : memref<3x256x16xf32, #tpu.memory_space<vmem>> -> memref<1x256x16xf32, #tpu.memory_space<vmem>>
    %dma_wait3A_1082 = tpu.memref_squeeze %dma_wait3A_1081 : memref<1x256x16xf32, #tpu.memory_space<vmem>> -> memref<256x16xf32, #tpu.memory_space<vmem>>
    %dma_wait3A_1083 = arith.constant 0 : i32
    %dma_wait3A_1084 = tpu.memref_slice %arg10[%dma_wait3A_1077, %dma_wait3A_1083] : memref<5x256xi32, #tpu.memory_space<vmem>> -> memref<1x256xi32, #tpu.memory_space<vmem>>
    %dma_wait3A_1085 = tpu.memref_squeeze %dma_wait3A_1084 : memref<1x256xi32, #tpu.memory_space<vmem>> -> memref<256xi32, #tpu.memory_space<vmem>>
    %dma_wait3A_1086 = arith.constant 0 : i32
    %dma_wait3A_1087 = arith.constant 0 : i32
    %dma_wait3A_1088 = tpu.memref_slice %arg6[%dma_wait3A_1086, %dma_wait3A_1087] : memref<5000x16xf32, #tpu.memory_space<hbm>> -> memref<5000x16xf32, #tpu.memory_space<hbm>>
    tpu.wait_indirect_dma semaphore(%arg13 : memref<!tpu.dma_semaphore, #tpu.memory_space<semaphore_mem>>) src(%dma_wait3A_1088 : memref<5000x16xf32, #tpu.memory_space<hbm>>) dst(%dma_wait3A_1082 : memref<256x16xf32, #tpu.memory_space<vmem>>)
    %dma_start3A_1089 = arith.constant 0 : i32
    %dma_start3A_1090 = arith.constant 3 : i32
    %dma_start3A_1091 = arith.constant 0 : i32
    %dma_start3A_1092 = arith.constant 0 : i32
    %dma_start3A_1093 = tpu.memref_slice %arg12[%dma_start3A_1089, %dma_start3A_1091, %dma_start3A_1092] : memref<3x256x16xf32, #tpu.memory_space<vmem>> -> memref<1x256x16xf32, #tpu.memory_space<vmem>>
    %dma_start3A_1094 = tpu.memref_squeeze %dma_start3A_1093 : memref<1x256x16xf32, #tpu.memory_space<vmem>> -> memref<256x16xf32, #tpu.memory_space<vmem>>
    %dma_start3A_1095 = arith.constant 48 : i32
    %dma_start3A_1096 = tpu.memref_slice %arg8[%dma_start3A_1090, %mul3A_2, %dma_start3A_1095] : memref<4x8192x128xf32, #tpu.memory_space<hbm>> -> memref<1x256x16xf32, #tpu.memory_space<hbm>>
    %dma_start3A_1097 = tpu.memref_squeeze %dma_start3A_1096 : memref<1x256x16xf32, #tpu.memory_space<hbm>> -> memref<256x16xf32, #tpu.memory_space<hbm>>
    %dma_start3A_1098 = arith.constant 48 : i32
    %dma_start3A_1099 = tpu.memref_slice %arg8[%dma_start3A_1090, %mul3A_2, %dma_start3A_1098] : memref<4x8192x128xf32, #tpu.memory_space<hbm>> -> memref<1x256x16xf32, #tpu.memory_space<hbm>>
    %dma_start3A_1100 = tpu.memref_squeeze %dma_start3A_1099 : memref<1x256x16xf32, #tpu.memory_space<hbm>> -> memref<256x16xf32, #tpu.memory_space<hbm>>
    %dma_start3A_1101 = arith.constant 0 : i32
    %dma_start3A_1102 = arith.constant 0 : i32
    %dma_start3A_1103 = tpu.memref_slice %arg12[%dma_start3A_1089, %dma_start3A_1101, %dma_start3A_1102] : memref<3x256x16xf32, #tpu.memory_space<vmem>> -> memref<1x256x16xf32, #tpu.memory_space<vmem>>
    %dma_start3A_1104 = tpu.memref_squeeze %dma_start3A_1103 : memref<1x256x16xf32, #tpu.memory_space<vmem>> -> memref<256x16xf32, #tpu.memory_space<vmem>>
    tpu.enqueue_dma source(%dma_start3A_1104 : memref<256x16xf32, #tpu.memory_space<vmem>>) target(%dma_start3A_1100 : memref<256x16xf32, #tpu.memory_space<hbm>>) target_semaphore(%arg14 : memref<!tpu.dma_semaphore, #tpu.memory_space<semaphore_mem>>)
    %dma_wait3A_1105 = arith.constant 4 : i32
    %dma_wait3A_1106 = arith.constant 1 : i32
    %dma_wait3A_1107 = arith.constant 0 : i32
    %dma_wait3A_1108 = arith.constant 0 : i32
    %dma_wait3A_1109 = tpu.memref_slice %arg12[%dma_wait3A_1106, %dma_wait3A_1107, %dma_wait3A_1108] : memref<3x256x16xf32, #tpu.memory_space<vmem>> -> memref<1x256x16xf32, #tpu.memory_space<vmem>>
    %dma_wait3A_1110 = tpu.memref_squeeze %dma_wait3A_1109 : memref<1x256x16xf32, #tpu.memory_space<vmem>> -> memref<256x16xf32, #tpu.memory_space<vmem>>
    %dma_wait3A_1111 = arith.constant 0 : i32
    %dma_wait3A_1112 = tpu.memref_slice %arg10[%dma_wait3A_1105, %dma_wait3A_1111] : memref<5x256xi32, #tpu.memory_space<vmem>> -> memref<1x256xi32, #tpu.memory_space<vmem>>
    %dma_wait3A_1113 = tpu.memref_squeeze %dma_wait3A_1112 : memref<1x256xi32, #tpu.memory_space<vmem>> -> memref<256xi32, #tpu.memory_space<vmem>>
    %dma_wait3A_1114 = arith.constant 0 : i32
    %dma_wait3A_1115 = arith.constant 0 : i32
    %dma_wait3A_1116 = tpu.memref_slice %arg6[%dma_wait3A_1114, %dma_wait3A_1115] : memref<5000x16xf32, #tpu.memory_space<hbm>> -> memref<5000x16xf32, #tpu.memory_space<hbm>>
    tpu.wait_indirect_dma semaphore(%arg13 : memref<!tpu.dma_semaphore, #tpu.memory_space<semaphore_mem>>) src(%dma_wait3A_1116 : memref<5000x16xf32, #tpu.memory_space<hbm>>) dst(%dma_wait3A_1110 : memref<256x16xf32, #tpu.memory_space<vmem>>)
    %dma_start3A_1117 = arith.constant 1 : i32
    %dma_start3A_1118 = arith.constant 3 : i32
    %dma_start3A_1119 = arith.constant 0 : i32
    %dma_start3A_1120 = arith.constant 0 : i32
    %dma_start3A_1121 = tpu.memref_slice %arg12[%dma_start3A_1117, %dma_start3A_1119, %dma_start3A_1120] : memref<3x256x16xf32, #tpu.memory_space<vmem>> -> memref<1x256x16xf32, #tpu.memory_space<vmem>>
    %dma_start3A_1122 = tpu.memref_squeeze %dma_start3A_1121 : memref<1x256x16xf32, #tpu.memory_space<vmem>> -> memref<256x16xf32, #tpu.memory_space<vmem>>
    %dma_start3A_1123 = arith.constant 64 : i32
    %dma_start3A_1124 = tpu.memref_slice %arg8[%dma_start3A_1118, %mul3A_2, %dma_start3A_1123] : memref<4x8192x128xf32, #tpu.memory_space<hbm>> -> memref<1x256x16xf32, #tpu.memory_space<hbm>>
    %dma_start3A_1125 = tpu.memref_squeeze %dma_start3A_1124 : memref<1x256x16xf32, #tpu.memory_space<hbm>> -> memref<256x16xf32, #tpu.memory_space<hbm>>
    %dma_start3A_1126 = arith.constant 64 : i32
    %dma_start3A_1127 = tpu.memref_slice %arg8[%dma_start3A_1118, %mul3A_2, %dma_start3A_1126] : memref<4x8192x128xf32, #tpu.memory_space<hbm>> -> memref<1x256x16xf32, #tpu.memory_space<hbm>>
    %dma_start3A_1128 = tpu.memref_squeeze %dma_start3A_1127 : memref<1x256x16xf32, #tpu.memory_space<hbm>> -> memref<256x16xf32, #tpu.memory_space<hbm>>
    %dma_start3A_1129 = arith.constant 0 : i32
    %dma_start3A_1130 = arith.constant 0 : i32
    %dma_start3A_1131 = tpu.memref_slice %arg12[%dma_start3A_1117, %dma_start3A_1129, %dma_start3A_1130] : memref<3x256x16xf32, #tpu.memory_space<vmem>> -> memref<1x256x16xf32, #tpu.memory_space<vmem>>
    %dma_start3A_1132 = tpu.memref_squeeze %dma_start3A_1131 : memref<1x256x16xf32, #tpu.memory_space<vmem>> -> memref<256x16xf32, #tpu.memory_space<vmem>>
    tpu.enqueue_dma source(%dma_start3A_1132 : memref<256x16xf32, #tpu.memory_space<vmem>>) target(%dma_start3A_1128 : memref<256x16xf32, #tpu.memory_space<hbm>>) target_semaphore(%arg14 : memref<!tpu.dma_semaphore, #tpu.memory_space<semaphore_mem>>)
    %dma_start3A_1133 = arith.constant 1 : i32
    %dma_start3A_1134 = arith.constant 3 : i32
    %dma_start3A_1135 = arith.constant 0 : i32
    %dma_start3A_1136 = arith.constant 0 : i32
    %dma_start3A_1137 = tpu.memref_slice %arg12[%dma_start3A_1133, %dma_start3A_1135, %dma_start3A_1136] : memref<3x256x16xf32, #tpu.memory_space<vmem>> -> memref<1x256x16xf32, #tpu.memory_space<vmem>>
    %dma_start3A_1138 = tpu.memref_squeeze %dma_start3A_1137 : memref<1x256x16xf32, #tpu.memory_space<vmem>> -> memref<256x16xf32, #tpu.memory_space<vmem>>
    %dma_start3A_1139 = arith.constant 80 : i32
    %dma_start3A_1140 = tpu.memref_slice %arg8[%dma_start3A_1134, %mul3A_2, %dma_start3A_1139] : memref<4x8192x128xf32, #tpu.memory_space<hbm>> -> memref<1x256x16xf32, #tpu.memory_space<hbm>>
    %dma_start3A_1141 = tpu.memref_squeeze %dma_start3A_1140 : memref<1x256x16xf32, #tpu.memory_space<hbm>> -> memref<256x16xf32, #tpu.memory_space<hbm>>
    %dma_start3A_1142 = arith.constant 80 : i32
    %dma_start3A_1143 = tpu.memref_slice %arg8[%dma_start3A_1134, %mul3A_2, %dma_start3A_1142] : memref<4x8192x128xf32, #tpu.memory_space<hbm>> -> memref<1x256x16xf32, #tpu.memory_space<hbm>>
    %dma_start3A_1144 = tpu.memref_squeeze %dma_start3A_1143 : memref<1x256x16xf32, #tpu.memory_space<hbm>> -> memref<256x16xf32, #tpu.memory_space<hbm>>
    %dma_start3A_1145 = arith.constant 0 : i32
    %dma_start3A_1146 = arith.constant 0 : i32
    %dma_start3A_1147 = tpu.memref_slice %arg12[%dma_start3A_1133, %dma_start3A_1145, %dma_start3A_1146] : memref<3x256x16xf32, #tpu.memory_space<vmem>> -> memref<1x256x16xf32, #tpu.memory_space<vmem>>
    %dma_start3A_1148 = tpu.memref_squeeze %dma_start3A_1147 : memref<1x256x16xf32, #tpu.memory_space<vmem>> -> memref<256x16xf32, #tpu.memory_space<vmem>>
    tpu.enqueue_dma source(%dma_start3A_1148 : memref<256x16xf32, #tpu.memory_space<vmem>>) target(%dma_start3A_1144 : memref<256x16xf32, #tpu.memory_space<hbm>>) target_semaphore(%arg14 : memref<!tpu.dma_semaphore, #tpu.memory_space<semaphore_mem>>)
    %dma_start3A_1149 = arith.constant 1 : i32
    %dma_start3A_1150 = arith.constant 3 : i32
    %dma_start3A_1151 = arith.constant 0 : i32
    %dma_start3A_1152 = arith.constant 0 : i32
    %dma_start3A_1153 = tpu.memref_slice %arg12[%dma_start3A_1149, %dma_start3A_1151, %dma_start3A_1152] : memref<3x256x16xf32, #tpu.memory_space<vmem>> -> memref<1x256x16xf32, #tpu.memory_space<vmem>>
    %dma_start3A_1154 = tpu.memref_squeeze %dma_start3A_1153 : memref<1x256x16xf32, #tpu.memory_space<vmem>> -> memref<256x16xf32, #tpu.memory_space<vmem>>
    %dma_start3A_1155 = arith.constant 96 : i32
    %dma_start3A_1156 = tpu.memref_slice %arg8[%dma_start3A_1150, %mul3A_2, %dma_start3A_1155] : memref<4x8192x128xf32, #tpu.memory_space<hbm>> -> memref<1x256x16xf32, #tpu.memory_space<hbm>>
    %dma_start3A_1157 = tpu.memref_squeeze %dma_start3A_1156 : memref<1x256x16xf32, #tpu.memory_space<hbm>> -> memref<256x16xf32, #tpu.memory_space<hbm>>
    %dma_start3A_1158 = arith.constant 96 : i32
    %dma_start3A_1159 = tpu.memref_slice %arg8[%dma_start3A_1150, %mul3A_2, %dma_start3A_1158] : memref<4x8192x128xf32, #tpu.memory_space<hbm>> -> memref<1x256x16xf32, #tpu.memory_space<hbm>>
    %dma_start3A_1160 = tpu.memref_squeeze %dma_start3A_1159 : memref<1x256x16xf32, #tpu.memory_space<hbm>> -> memref<256x16xf32, #tpu.memory_space<hbm>>
    %dma_start3A_1161 = arith.constant 0 : i32
    %dma_start3A_1162 = arith.constant 0 : i32
    %dma_start3A_1163 = tpu.memref_slice %arg12[%dma_start3A_1149, %dma_start3A_1161, %dma_start3A_1162] : memref<3x256x16xf32, #tpu.memory_space<vmem>> -> memref<1x256x16xf32, #tpu.memory_space<vmem>>
    %dma_start3A_1164 = tpu.memref_squeeze %dma_start3A_1163 : memref<1x256x16xf32, #tpu.memory_space<vmem>> -> memref<256x16xf32, #tpu.memory_space<vmem>>
    tpu.enqueue_dma source(%dma_start3A_1164 : memref<256x16xf32, #tpu.memory_space<vmem>>) target(%dma_start3A_1160 : memref<256x16xf32, #tpu.memory_space<hbm>>) target_semaphore(%arg14 : memref<!tpu.dma_semaphore, #tpu.memory_space<semaphore_mem>>)
    %dma_start3A_1165 = arith.constant 1 : i32
    %dma_start3A_1166 = arith.constant 3 : i32
    %dma_start3A_1167 = arith.constant 0 : i32
    %dma_start3A_1168 = arith.constant 0 : i32
    %dma_start3A_1169 = tpu.memref_slice %arg12[%dma_start3A_1165, %dma_start3A_1167, %dma_start3A_1168] : memref<3x256x16xf32, #tpu.memory_space<vmem>> -> memref<1x256x16xf32, #tpu.memory_space<vmem>>
    %dma_start3A_1170 = tpu.memref_squeeze %dma_start3A_1169 : memref<1x256x16xf32, #tpu.memory_space<vmem>> -> memref<256x16xf32, #tpu.memory_space<vmem>>
    %dma_start3A_1171 = arith.constant 112 : i32
    %dma_start3A_1172 = tpu.memref_slice %arg8[%dma_start3A_1166, %mul3A_2, %dma_start3A_1171] : memref<4x8192x128xf32, #tpu.memory_space<hbm>> -> memref<1x256x16xf32, #tpu.memory_space<hbm>>
    %dma_start3A_1173 = tpu.memref_squeeze %dma_start3A_1172 : memref<1x256x16xf32, #tpu.memory_space<hbm>> -> memref<256x16xf32, #tpu.memory_space<hbm>>
    %dma_start3A_1174 = arith.constant 112 : i32
    %dma_start3A_1175 = tpu.memref_slice %arg8[%dma_start3A_1166, %mul3A_2, %dma_start3A_1174] : memref<4x8192x128xf32, #tpu.memory_space<hbm>> -> memref<1x256x16xf32, #tpu.memory_space<hbm>>
    %dma_start3A_1176 = tpu.memref_squeeze %dma_start3A_1175 : memref<1x256x16xf32, #tpu.memory_space<hbm>> -> memref<256x16xf32, #tpu.memory_space<hbm>>
    %dma_start3A_1177 = arith.constant 0 : i32
    %dma_start3A_1178 = arith.constant 0 : i32
    %dma_start3A_1179 = tpu.memref_slice %arg12[%dma_start3A_1165, %dma_start3A_1177, %dma_start3A_1178] : memref<3x256x16xf32, #tpu.memory_space<vmem>> -> memref<1x256x16xf32, #tpu.memory_space<vmem>>
    %dma_start3A_1180 = tpu.memref_squeeze %dma_start3A_1179 : memref<1x256x16xf32, #tpu.memory_space<vmem>> -> memref<256x16xf32, #tpu.memory_space<vmem>>
    tpu.enqueue_dma source(%dma_start3A_1180 : memref<256x16xf32, #tpu.memory_space<vmem>>) target(%dma_start3A_1176 : memref<256x16xf32, #tpu.memory_space<hbm>>) target_semaphore(%arg14 : memref<!tpu.dma_semaphore, #tpu.memory_space<semaphore_mem>>)
    %dma_wait3A_1181 = arith.constant 1 : i32
    %dma_wait3A_1182 = arith.constant 1 : i32
    %dma_wait3A_1183 = arith.constant 0 : i32
    %dma_wait3A_1184 = arith.constant 0 : i32
    %dma_wait3A_1185 = tpu.memref_slice %arg11[%dma_wait3A_1181, %dma_wait3A_1183, %dma_wait3A_1184] : memref<3x256x32xf32, #tpu.memory_space<vmem>> -> memref<1x256x32xf32, #tpu.memory_space<vmem>>
    %dma_wait3A_1186 = tpu.memref_squeeze %dma_wait3A_1185 : memref<1x256x32xf32, #tpu.memory_space<vmem>> -> memref<256x32xf32, #tpu.memory_space<vmem>>
    %dma_wait3A_1187 = arith.constant 96 : i32
    %dma_wait3A_1188 = tpu.memref_slice %arg8[%dma_wait3A_1182, %mul3A_2, %dma_wait3A_1187] : memref<4x8192x128xf32, #tpu.memory_space<hbm>> -> memref<1x256x32xf32, #tpu.memory_space<hbm>>
    %dma_wait3A_1189 = tpu.memref_squeeze %dma_wait3A_1188 : memref<1x256x32xf32, #tpu.memory_space<hbm>> -> memref<256x32xf32, #tpu.memory_space<hbm>>
    %dma_wait3A_1190 = arith.constant 96 : i32
    %dma_wait3A_1191 = tpu.memref_slice %arg8[%dma_wait3A_1182, %mul3A_2, %dma_wait3A_1190] : memref<4x8192x128xf32, #tpu.memory_space<hbm>> -> memref<1x256x32xf32, #tpu.memory_space<hbm>>
    %dma_wait3A_1192 = tpu.memref_squeeze %dma_wait3A_1191 : memref<1x256x32xf32, #tpu.memory_space<hbm>> -> memref<256x32xf32, #tpu.memory_space<hbm>>
    %dma_wait3A_1193 = arith.constant 0 : i32
    %dma_wait3A_1194 = arith.constant 0 : i32
    %dma_wait3A_1195 = tpu.memref_slice %arg11[%dma_wait3A_1181, %dma_wait3A_1193, %dma_wait3A_1194] : memref<3x256x32xf32, #tpu.memory_space<vmem>> -> memref<1x256x32xf32, #tpu.memory_space<vmem>>
    %dma_wait3A_1196 = tpu.memref_squeeze %dma_wait3A_1195 : memref<1x256x32xf32, #tpu.memory_space<vmem>> -> memref<256x32xf32, #tpu.memory_space<vmem>>
    tpu.wait_dma2 semaphore(%arg14 : memref<!tpu.dma_semaphore, #tpu.memory_space<semaphore_mem>>) src(%dma_wait3A_1196 : memref<256x32xf32, #tpu.memory_space<vmem>>) dst(%dma_wait3A_1192 : memref<256x32xf32, #tpu.memory_space<hbm>>)
    %dma_wait3A_1197 = arith.constant 2 : i32
    %dma_wait3A_1198 = arith.constant 2 : i32
    %dma_wait3A_1199 = arith.constant 0 : i32
    %dma_wait3A_1200 = arith.constant 0 : i32
    %dma_wait3A_1201 = tpu.memref_slice %arg11[%dma_wait3A_1197, %dma_wait3A_1199, %dma_wait3A_1200] : memref<3x256x32xf32, #tpu.memory_space<vmem>> -> memref<1x256x32xf32, #tpu.memory_space<vmem>>
    %dma_wait3A_1202 = tpu.memref_squeeze %dma_wait3A_1201 : memref<1x256x32xf32, #tpu.memory_space<vmem>> -> memref<256x32xf32, #tpu.memory_space<vmem>>
    %dma_wait3A_1203 = arith.constant 0 : i32
    %dma_wait3A_1204 = tpu.memref_slice %arg8[%dma_wait3A_1198, %mul3A_2, %dma_wait3A_1203] : memref<4x8192x128xf32, #tpu.memory_space<hbm>> -> memref<1x256x32xf32, #tpu.memory_space<hbm>>
    %dma_wait3A_1205 = tpu.memref_squeeze %dma_wait3A_1204 : memref<1x256x32xf32, #tpu.memory_space<hbm>> -> memref<256x32xf32, #tpu.memory_space<hbm>>
    %dma_wait3A_1206 = arith.constant 0 : i32
    %dma_wait3A_1207 = tpu.memref_slice %arg8[%dma_wait3A_1198, %mul3A_2, %dma_wait3A_1206] : memref<4x8192x128xf32, #tpu.memory_space<hbm>> -> memref<1x256x32xf32, #tpu.memory_space<hbm>>
    %dma_wait3A_1208 = tpu.memref_squeeze %dma_wait3A_1207 : memref<1x256x32xf32, #tpu.memory_space<hbm>> -> memref<256x32xf32, #tpu.memory_space<hbm>>
    %dma_wait3A_1209 = arith.constant 0 : i32
    %dma_wait3A_1210 = arith.constant 0 : i32
    %dma_wait3A_1211 = tpu.memref_slice %arg11[%dma_wait3A_1197, %dma_wait3A_1209, %dma_wait3A_1210] : memref<3x256x32xf32, #tpu.memory_space<vmem>> -> memref<1x256x32xf32, #tpu.memory_space<vmem>>
    %dma_wait3A_1212 = tpu.memref_squeeze %dma_wait3A_1211 : memref<1x256x32xf32, #tpu.memory_space<vmem>> -> memref<256x32xf32, #tpu.memory_space<vmem>>
    tpu.wait_dma2 semaphore(%arg14 : memref<!tpu.dma_semaphore, #tpu.memory_space<semaphore_mem>>) src(%dma_wait3A_1212 : memref<256x32xf32, #tpu.memory_space<vmem>>) dst(%dma_wait3A_1208 : memref<256x32xf32, #tpu.memory_space<hbm>>)
    %dma_wait3A_1213 = arith.constant 0 : i32
    %dma_wait3A_1214 = arith.constant 2 : i32
    %dma_wait3A_1215 = arith.constant 0 : i32
    %dma_wait3A_1216 = arith.constant 0 : i32
    %dma_wait3A_1217 = tpu.memref_slice %arg11[%dma_wait3A_1213, %dma_wait3A_1215, %dma_wait3A_1216] : memref<3x256x32xf32, #tpu.memory_space<vmem>> -> memref<1x256x32xf32, #tpu.memory_space<vmem>>
    %dma_wait3A_1218 = tpu.memref_squeeze %dma_wait3A_1217 : memref<1x256x32xf32, #tpu.memory_space<vmem>> -> memref<256x32xf32, #tpu.memory_space<vmem>>
    %dma_wait3A_1219 = arith.constant 32 : i32
    %dma_wait3A_1220 = tpu.memref_slice %arg8[%dma_wait3A_1214, %mul3A_2, %dma_wait3A_1219] : memref<4x8192x128xf32, #tpu.memory_space<hbm>> -> memref<1x256x32xf32, #tpu.memory_space<hbm>>
    %dma_wait3A_1221 = tpu.memref_squeeze %dma_wait3A_1220 : memref<1x256x32xf32, #tpu.memory_space<hbm>> -> memref<256x32xf32, #tpu.memory_space<hbm>>
    %dma_wait3A_1222 = arith.constant 32 : i32
    %dma_wait3A_1223 = tpu.memref_slice %arg8[%dma_wait3A_1214, %mul3A_2, %dma_wait3A_1222] : memref<4x8192x128xf32, #tpu.memory_space<hbm>> -> memref<1x256x32xf32, #tpu.memory_space<hbm>>
    %dma_wait3A_1224 = tpu.memref_squeeze %dma_wait3A_1223 : memref<1x256x32xf32, #tpu.memory_space<hbm>> -> memref<256x32xf32, #tpu.memory_space<hbm>>
    %dma_wait3A_1225 = arith.constant 0 : i32
    %dma_wait3A_1226 = arith.constant 0 : i32
    %dma_wait3A_1227 = tpu.memref_slice %arg11[%dma_wait3A_1213, %dma_wait3A_1225, %dma_wait3A_1226] : memref<3x256x32xf32, #tpu.memory_space<vmem>> -> memref<1x256x32xf32, #tpu.memory_space<vmem>>
    %dma_wait3A_1228 = tpu.memref_squeeze %dma_wait3A_1227 : memref<1x256x32xf32, #tpu.memory_space<vmem>> -> memref<256x32xf32, #tpu.memory_space<vmem>>
    tpu.wait_dma2 semaphore(%arg14 : memref<!tpu.dma_semaphore, #tpu.memory_space<semaphore_mem>>) src(%dma_wait3A_1228 : memref<256x32xf32, #tpu.memory_space<vmem>>) dst(%dma_wait3A_1224 : memref<256x32xf32, #tpu.memory_space<hbm>>)
    %dma_wait3A_1229 = arith.constant 2 : i32
    %dma_wait3A_1230 = arith.constant 2 : i32
    %dma_wait3A_1231 = arith.constant 0 : i32
    %dma_wait3A_1232 = arith.constant 0 : i32
    %dma_wait3A_1233 = tpu.memref_slice %arg11[%dma_wait3A_1229, %dma_wait3A_1231, %dma_wait3A_1232] : memref<3x256x32xf32, #tpu.memory_space<vmem>> -> memref<1x256x32xf32, #tpu.memory_space<vmem>>
    %dma_wait3A_1234 = tpu.memref_squeeze %dma_wait3A_1233 : memref<1x256x32xf32, #tpu.memory_space<vmem>> -> memref<256x32xf32, #tpu.memory_space<vmem>>
    %dma_wait3A_1235 = arith.constant 64 : i32
    %dma_wait3A_1236 = tpu.memref_slice %arg8[%dma_wait3A_1230, %mul3A_2, %dma_wait3A_1235] : memref<4x8192x128xf32, #tpu.memory_space<hbm>> -> memref<1x256x32xf32, #tpu.memory_space<hbm>>
    %dma_wait3A_1237 = tpu.memref_squeeze %dma_wait3A_1236 : memref<1x256x32xf32, #tpu.memory_space<hbm>> -> memref<256x32xf32, #tpu.memory_space<hbm>>
    %dma_wait3A_1238 = arith.constant 64 : i32
    %dma_wait3A_1239 = tpu.memref_slice %arg8[%dma_wait3A_1230, %mul3A_2, %dma_wait3A_1238] : memref<4x8192x128xf32, #tpu.memory_space<hbm>> -> memref<1x256x32xf32, #tpu.memory_space<hbm>>
    %dma_wait3A_1240 = tpu.memref_squeeze %dma_wait3A_1239 : memref<1x256x32xf32, #tpu.memory_space<hbm>> -> memref<256x32xf32, #tpu.memory_space<hbm>>
    %dma_wait3A_1241 = arith.constant 0 : i32
    %dma_wait3A_1242 = arith.constant 0 : i32
    %dma_wait3A_1243 = tpu.memref_slice %arg11[%dma_wait3A_1229, %dma_wait3A_1241, %dma_wait3A_1242] : memref<3x256x32xf32, #tpu.memory_space<vmem>> -> memref<1x256x32xf32, #tpu.memory_space<vmem>>
    %dma_wait3A_1244 = tpu.memref_squeeze %dma_wait3A_1243 : memref<1x256x32xf32, #tpu.memory_space<vmem>> -> memref<256x32xf32, #tpu.memory_space<vmem>>
    tpu.wait_dma2 semaphore(%arg14 : memref<!tpu.dma_semaphore, #tpu.memory_space<semaphore_mem>>) src(%dma_wait3A_1244 : memref<256x32xf32, #tpu.memory_space<vmem>>) dst(%dma_wait3A_1240 : memref<256x32xf32, #tpu.memory_space<hbm>>)
    %dma_wait3A_1245 = arith.constant 2 : i32
    %dma_wait3A_1246 = arith.constant 2 : i32
    %dma_wait3A_1247 = arith.constant 0 : i32
    %dma_wait3A_1248 = arith.constant 0 : i32
    %dma_wait3A_1249 = tpu.memref_slice %arg11[%dma_wait3A_1245, %dma_wait3A_1247, %dma_wait3A_1248] : memref<3x256x32xf32, #tpu.memory_space<vmem>> -> memref<1x256x32xf32, #tpu.memory_space<vmem>>
    %dma_wait3A_1250 = tpu.memref_squeeze %dma_wait3A_1249 : memref<1x256x32xf32, #tpu.memory_space<vmem>> -> memref<256x32xf32, #tpu.memory_space<vmem>>
    %dma_wait3A_1251 = arith.constant 96 : i32
    %dma_wait3A_1252 = tpu.memref_slice %arg8[%dma_wait3A_1246, %mul3A_2, %dma_wait3A_1251] : memref<4x8192x128xf32, #tpu.memory_space<hbm>> -> memref<1x256x32xf32, #tpu.memory_space<hbm>>
    %dma_wait3A_1253 = tpu.memref_squeeze %dma_wait3A_1252 : memref<1x256x32xf32, #tpu.memory_space<hbm>> -> memref<256x32xf32, #tpu.memory_space<hbm>>
    %dma_wait3A_1254 = arith.constant 96 : i32
    %dma_wait3A_1255 = tpu.memref_slice %arg8[%dma_wait3A_1246, %mul3A_2, %dma_wait3A_1254] : memref<4x8192x128xf32, #tpu.memory_space<hbm>> -> memref<1x256x32xf32, #tpu.memory_space<hbm>>
    %dma_wait3A_1256 = tpu.memref_squeeze %dma_wait3A_1255 : memref<1x256x32xf32, #tpu.memory_space<hbm>> -> memref<256x32xf32, #tpu.memory_space<hbm>>
    %dma_wait3A_1257 = arith.constant 0 : i32
    %dma_wait3A_1258 = arith.constant 0 : i32
    %dma_wait3A_1259 = tpu.memref_slice %arg11[%dma_wait3A_1245, %dma_wait3A_1257, %dma_wait3A_1258] : memref<3x256x32xf32, #tpu.memory_space<vmem>> -> memref<1x256x32xf32, #tpu.memory_space<vmem>>
    %dma_wait3A_1260 = tpu.memref_squeeze %dma_wait3A_1259 : memref<1x256x32xf32, #tpu.memory_space<vmem>> -> memref<256x32xf32, #tpu.memory_space<vmem>>
    tpu.wait_dma2 semaphore(%arg14 : memref<!tpu.dma_semaphore, #tpu.memory_space<semaphore_mem>>) src(%dma_wait3A_1260 : memref<256x32xf32, #tpu.memory_space<vmem>>) dst(%dma_wait3A_1256 : memref<256x32xf32, #tpu.memory_space<hbm>>)
    %dma_wait3A_1261 = arith.constant 2 : i32
    %dma_wait3A_1262 = arith.constant 3 : i32
    %dma_wait3A_1263 = arith.constant 0 : i32
    %dma_wait3A_1264 = arith.constant 0 : i32
    %dma_wait3A_1265 = tpu.memref_slice %arg12[%dma_wait3A_1261, %dma_wait3A_1263, %dma_wait3A_1264] : memref<3x256x16xf32, #tpu.memory_space<vmem>> -> memref<1x256x16xf32, #tpu.memory_space<vmem>>
    %dma_wait3A_1266 = tpu.memref_squeeze %dma_wait3A_1265 : memref<1x256x16xf32, #tpu.memory_space<vmem>> -> memref<256x16xf32, #tpu.memory_space<vmem>>
    %dma_wait3A_1267 = arith.constant 32 : i32
    %dma_wait3A_1268 = tpu.memref_slice %arg8[%dma_wait3A_1262, %mul3A_2, %dma_wait3A_1267] : memref<4x8192x128xf32, #tpu.memory_space<hbm>> -> memref<1x256x16xf32, #tpu.memory_space<hbm>>
    %dma_wait3A_1269 = tpu.memref_squeeze %dma_wait3A_1268 : memref<1x256x16xf32, #tpu.memory_space<hbm>> -> memref<256x16xf32, #tpu.memory_space<hbm>>
    %dma_wait3A_1270 = arith.constant 32 : i32
    %dma_wait3A_1271 = tpu.memref_slice %arg8[%dma_wait3A_1262, %mul3A_2, %dma_wait3A_1270] : memref<4x8192x128xf32, #tpu.memory_space<hbm>> -> memref<1x256x16xf32, #tpu.memory_space<hbm>>
    %dma_wait3A_1272 = tpu.memref_squeeze %dma_wait3A_1271 : memref<1x256x16xf32, #tpu.memory_space<hbm>> -> memref<256x16xf32, #tpu.memory_space<hbm>>
    %dma_wait3A_1273 = arith.constant 0 : i32
    %dma_wait3A_1274 = arith.constant 0 : i32
    %dma_wait3A_1275 = tpu.memref_slice %arg12[%dma_wait3A_1261, %dma_wait3A_1273, %dma_wait3A_1274] : memref<3x256x16xf32, #tpu.memory_space<vmem>> -> memref<1x256x16xf32, #tpu.memory_space<vmem>>
    %dma_wait3A_1276 = tpu.memref_squeeze %dma_wait3A_1275 : memref<1x256x16xf32, #tpu.memory_space<vmem>> -> memref<256x16xf32, #tpu.memory_space<vmem>>
    tpu.wait_dma2 semaphore(%arg14 : memref<!tpu.dma_semaphore, #tpu.memory_space<semaphore_mem>>) src(%dma_wait3A_1276 : memref<256x16xf32, #tpu.memory_space<vmem>>) dst(%dma_wait3A_1272 : memref<256x16xf32, #tpu.memory_space<hbm>>)
    %dma_wait3A_1277 = arith.constant 0 : i32
    %dma_wait3A_1278 = arith.constant 3 : i32
    %dma_wait3A_1279 = arith.constant 0 : i32
    %dma_wait3A_1280 = arith.constant 0 : i32
    %dma_wait3A_1281 = tpu.memref_slice %arg12[%dma_wait3A_1277, %dma_wait3A_1279, %dma_wait3A_1280] : memref<3x256x16xf32, #tpu.memory_space<vmem>> -> memref<1x256x16xf32, #tpu.memory_space<vmem>>
    %dma_wait3A_1282 = tpu.memref_squeeze %dma_wait3A_1281 : memref<1x256x16xf32, #tpu.memory_space<vmem>> -> memref<256x16xf32, #tpu.memory_space<vmem>>
    %dma_wait3A_1283 = arith.constant 48 : i32
    %dma_wait3A_1284 = tpu.memref_slice %arg8[%dma_wait3A_1278, %mul3A_2, %dma_wait3A_1283] : memref<4x8192x128xf32, #tpu.memory_space<hbm>> -> memref<1x256x16xf32, #tpu.memory_space<hbm>>
    %dma_wait3A_1285 = tpu.memref_squeeze %dma_wait3A_1284 : memref<1x256x16xf32, #tpu.memory_space<hbm>> -> memref<256x16xf32, #tpu.memory_space<hbm>>
    %dma_wait3A_1286 = arith.constant 48 : i32
    %dma_wait3A_1287 = tpu.memref_slice %arg8[%dma_wait3A_1278, %mul3A_2, %dma_wait3A_1286] : memref<4x8192x128xf32, #tpu.memory_space<hbm>> -> memref<1x256x16xf32, #tpu.memory_space<hbm>>
    %dma_wait3A_1288 = tpu.memref_squeeze %dma_wait3A_1287 : memref<1x256x16xf32, #tpu.memory_space<hbm>> -> memref<256x16xf32, #tpu.memory_space<hbm>>
    %dma_wait3A_1289 = arith.constant 0 : i32
    %dma_wait3A_1290 = arith.constant 0 : i32
    %dma_wait3A_1291 = tpu.memref_slice %arg12[%dma_wait3A_1277, %dma_wait3A_1289, %dma_wait3A_1290] : memref<3x256x16xf32, #tpu.memory_space<vmem>> -> memref<1x256x16xf32, #tpu.memory_space<vmem>>
    %dma_wait3A_1292 = tpu.memref_squeeze %dma_wait3A_1291 : memref<1x256x16xf32, #tpu.memory_space<vmem>> -> memref<256x16xf32, #tpu.memory_space<vmem>>
    tpu.wait_dma2 semaphore(%arg14 : memref<!tpu.dma_semaphore, #tpu.memory_space<semaphore_mem>>) src(%dma_wait3A_1292 : memref<256x16xf32, #tpu.memory_space<vmem>>) dst(%dma_wait3A_1288 : memref<256x16xf32, #tpu.memory_space<hbm>>)
    %dma_wait3A_1293 = arith.constant 1 : i32
    %dma_wait3A_1294 = arith.constant 3 : i32
    %dma_wait3A_1295 = arith.constant 0 : i32
    %dma_wait3A_1296 = arith.constant 0 : i32
    %dma_wait3A_1297 = tpu.memref_slice %arg12[%dma_wait3A_1293, %dma_wait3A_1295, %dma_wait3A_1296] : memref<3x256x16xf32, #tpu.memory_space<vmem>> -> memref<1x256x16xf32, #tpu.memory_space<vmem>>
    %dma_wait3A_1298 = tpu.memref_squeeze %dma_wait3A_1297 : memref<1x256x16xf32, #tpu.memory_space<vmem>> -> memref<256x16xf32, #tpu.memory_space<vmem>>
    %dma_wait3A_1299 = arith.constant 64 : i32
    %dma_wait3A_1300 = tpu.memref_slice %arg8[%dma_wait3A_1294, %mul3A_2, %dma_wait3A_1299] : memref<4x8192x128xf32, #tpu.memory_space<hbm>> -> memref<1x256x16xf32, #tpu.memory_space<hbm>>
    %dma_wait3A_1301 = tpu.memref_squeeze %dma_wait3A_1300 : memref<1x256x16xf32, #tpu.memory_space<hbm>> -> memref<256x16xf32, #tpu.memory_space<hbm>>
    %dma_wait3A_1302 = arith.constant 64 : i32
    %dma_wait3A_1303 = tpu.memref_slice %arg8[%dma_wait3A_1294, %mul3A_2, %dma_wait3A_1302] : memref<4x8192x128xf32, #tpu.memory_space<hbm>> -> memref<1x256x16xf32, #tpu.memory_space<hbm>>
    %dma_wait3A_1304 = tpu.memref_squeeze %dma_wait3A_1303 : memref<1x256x16xf32, #tpu.memory_space<hbm>> -> memref<256x16xf32, #tpu.memory_space<hbm>>
    %dma_wait3A_1305 = arith.constant 0 : i32
    %dma_wait3A_1306 = arith.constant 0 : i32
    %dma_wait3A_1307 = tpu.memref_slice %arg12[%dma_wait3A_1293, %dma_wait3A_1305, %dma_wait3A_1306] : memref<3x256x16xf32, #tpu.memory_space<vmem>> -> memref<1x256x16xf32, #tpu.memory_space<vmem>>
    %dma_wait3A_1308 = tpu.memref_squeeze %dma_wait3A_1307 : memref<1x256x16xf32, #tpu.memory_space<vmem>> -> memref<256x16xf32, #tpu.memory_space<vmem>>
    tpu.wait_dma2 semaphore(%arg14 : memref<!tpu.dma_semaphore, #tpu.memory_space<semaphore_mem>>) src(%dma_wait3A_1308 : memref<256x16xf32, #tpu.memory_space<vmem>>) dst(%dma_wait3A_1304 : memref<256x16xf32, #tpu.memory_space<hbm>>)
    %dma_wait3A_1309 = arith.constant 1 : i32
    %dma_wait3A_1310 = arith.constant 3 : i32
    %dma_wait3A_1311 = arith.constant 0 : i32
    %dma_wait3A_1312 = arith.constant 0 : i32
    %dma_wait3A_1313 = tpu.memref_slice %arg12[%dma_wait3A_1309, %dma_wait3A_1311, %dma_wait3A_1312] : memref<3x256x16xf32, #tpu.memory_space<vmem>> -> memref<1x256x16xf32, #tpu.memory_space<vmem>>
    %dma_wait3A_1314 = tpu.memref_squeeze %dma_wait3A_1313 : memref<1x256x16xf32, #tpu.memory_space<vmem>> -> memref<256x16xf32, #tpu.memory_space<vmem>>
    %dma_wait3A_1315 = arith.constant 80 : i32
    %dma_wait3A_1316 = tpu.memref_slice %arg8[%dma_wait3A_1310, %mul3A_2, %dma_wait3A_1315] : memref<4x8192x128xf32, #tpu.memory_space<hbm>> -> memref<1x256x16xf32, #tpu.memory_space<hbm>>
    %dma_wait3A_1317 = tpu.memref_squeeze %dma_wait3A_1316 : memref<1x256x16xf32, #tpu.memory_space<hbm>> -> memref<256x16xf32, #tpu.memory_space<hbm>>
    %dma_wait3A_1318 = arith.constant 80 : i32
    %dma_wait3A_1319 = tpu.memref_slice %arg8[%dma_wait3A_1310, %mul3A_2, %dma_wait3A_1318] : memref<4x8192x128xf32, #tpu.memory_space<hbm>> -> memref<1x256x16xf32, #tpu.memory_space<hbm>>
    %dma_wait3A_1320 = tpu.memref_squeeze %dma_wait3A_1319 : memref<1x256x16xf32, #tpu.memory_space<hbm>> -> memref<256x16xf32, #tpu.memory_space<hbm>>
    %dma_wait3A_1321 = arith.constant 0 : i32
    %dma_wait3A_1322 = arith.constant 0 : i32
    %dma_wait3A_1323 = tpu.memref_slice %arg12[%dma_wait3A_1309, %dma_wait3A_1321, %dma_wait3A_1322] : memref<3x256x16xf32, #tpu.memory_space<vmem>> -> memref<1x256x16xf32, #tpu.memory_space<vmem>>
    %dma_wait3A_1324 = tpu.memref_squeeze %dma_wait3A_1323 : memref<1x256x16xf32, #tpu.memory_space<vmem>> -> memref<256x16xf32, #tpu.memory_space<vmem>>
    tpu.wait_dma2 semaphore(%arg14 : memref<!tpu.dma_semaphore, #tpu.memory_space<semaphore_mem>>) src(%dma_wait3A_1324 : memref<256x16xf32, #tpu.memory_space<vmem>>) dst(%dma_wait3A_1320 : memref<256x16xf32, #tpu.memory_space<hbm>>)
    %dma_wait3A_1325 = arith.constant 1 : i32
    %dma_wait3A_1326 = arith.constant 3 : i32
    %dma_wait3A_1327 = arith.constant 0 : i32
    %dma_wait3A_1328 = arith.constant 0 : i32
    %dma_wait3A_1329 = tpu.memref_slice %arg12[%dma_wait3A_1325, %dma_wait3A_1327, %dma_wait3A_1328] : memref<3x256x16xf32, #tpu.memory_space<vmem>> -> memref<1x256x16xf32, #tpu.memory_space<vmem>>
    %dma_wait3A_1330 = tpu.memref_squeeze %dma_wait3A_1329 : memref<1x256x16xf32, #tpu.memory_space<vmem>> -> memref<256x16xf32, #tpu.memory_space<vmem>>
    %dma_wait3A_1331 = arith.constant 96 : i32
    %dma_wait3A_1332 = tpu.memref_slice %arg8[%dma_wait3A_1326, %mul3A_2, %dma_wait3A_1331] : memref<4x8192x128xf32, #tpu.memory_space<hbm>> -> memref<1x256x16xf32, #tpu.memory_space<hbm>>
    %dma_wait3A_1333 = tpu.memref_squeeze %dma_wait3A_1332 : memref<1x256x16xf32, #tpu.memory_space<hbm>> -> memref<256x16xf32, #tpu.memory_space<hbm>>
    %dma_wait3A_1334 = arith.constant 96 : i32
    %dma_wait3A_1335 = tpu.memref_slice %arg8[%dma_wait3A_1326, %mul3A_2, %dma_wait3A_1334] : memref<4x8192x128xf32, #tpu.memory_space<hbm>> -> memref<1x256x16xf32, #tpu.memory_space<hbm>>
    %dma_wait3A_1336 = tpu.memref_squeeze %dma_wait3A_1335 : memref<1x256x16xf32, #tpu.memory_space<hbm>> -> memref<256x16xf32, #tpu.memory_space<hbm>>
    %dma_wait3A_1337 = arith.constant 0 : i32
    %dma_wait3A_1338 = arith.constant 0 : i32
    %dma_wait3A_1339 = tpu.memref_slice %arg12[%dma_wait3A_1325, %dma_wait3A_1337, %dma_wait3A_1338] : memref<3x256x16xf32, #tpu.memory_space<vmem>> -> memref<1x256x16xf32, #tpu.memory_space<vmem>>
    %dma_wait3A_1340 = tpu.memref_squeeze %dma_wait3A_1339 : memref<1x256x16xf32, #tpu.memory_space<vmem>> -> memref<256x16xf32, #tpu.memory_space<vmem>>
    tpu.wait_dma2 semaphore(%arg14 : memref<!tpu.dma_semaphore, #tpu.memory_space<semaphore_mem>>) src(%dma_wait3A_1340 : memref<256x16xf32, #tpu.memory_space<vmem>>) dst(%dma_wait3A_1336 : memref<256x16xf32, #tpu.memory_space<hbm>>)
    %dma_wait3A_1341 = arith.constant 1 : i32
    %dma_wait3A_1342 = arith.constant 3 : i32
    %dma_wait3A_1343 = arith.constant 0 : i32
    %dma_wait3A_1344 = arith.constant 0 : i32
    %dma_wait3A_1345 = tpu.memref_slice %arg12[%dma_wait3A_1341, %dma_wait3A_1343, %dma_wait3A_1344] : memref<3x256x16xf32, #tpu.memory_space<vmem>> -> memref<1x256x16xf32, #tpu.memory_space<vmem>>
    %dma_wait3A_1346 = tpu.memref_squeeze %dma_wait3A_1345 : memref<1x256x16xf32, #tpu.memory_space<vmem>> -> memref<256x16xf32, #tpu.memory_space<vmem>>
    %dma_wait3A_1347 = arith.constant 112 : i32
    %dma_wait3A_1348 = tpu.memref_slice %arg8[%dma_wait3A_1342, %mul3A_2, %dma_wait3A_1347] : memref<4x8192x128xf32, #tpu.memory_space<hbm>> -> memref<1x256x16xf32, #tpu.memory_space<hbm>>
    %dma_wait3A_1349 = tpu.memref_squeeze %dma_wait3A_1348 : memref<1x256x16xf32, #tpu.memory_space<hbm>> -> memref<256x16xf32, #tpu.memory_space<hbm>>
    %dma_wait3A_1350 = arith.constant 112 : i32
    %dma_wait3A_1351 = tpu.memref_slice %arg8[%dma_wait3A_1342, %mul3A_2, %dma_wait3A_1350] : memref<4x8192x128xf32, #tpu.memory_space<hbm>> -> memref<1x256x16xf32, #tpu.memory_space<hbm>>
    %dma_wait3A_1352 = tpu.memref_squeeze %dma_wait3A_1351 : memref<1x256x16xf32, #tpu.memory_space<hbm>> -> memref<256x16xf32, #tpu.memory_space<hbm>>
    %dma_wait3A_1353 = arith.constant 0 : i32
    %dma_wait3A_1354 = arith.constant 0 : i32
    %dma_wait3A_1355 = tpu.memref_slice %arg12[%dma_wait3A_1341, %dma_wait3A_1353, %dma_wait3A_1354] : memref<3x256x16xf32, #tpu.memory_space<vmem>> -> memref<1x256x16xf32, #tpu.memory_space<vmem>>
    %dma_wait3A_1356 = tpu.memref_squeeze %dma_wait3A_1355 : memref<1x256x16xf32, #tpu.memory_space<vmem>> -> memref<256x16xf32, #tpu.memory_space<vmem>>
    tpu.wait_dma2 semaphore(%arg14 : memref<!tpu.dma_semaphore, #tpu.memory_space<semaphore_mem>>) src(%dma_wait3A_1356 : memref<256x16xf32, #tpu.memory_space<vmem>>) dst(%dma_wait3A_1352 : memref<256x16xf32, #tpu.memory_space<hbm>>)
    return
  }
}

module attributes {stable_mosaic.version = 14 : i64} {
  func.func @_mlp_body(%arg0: i32, %arg1: memref<4x512x128xf32, #tpu.memory_space<vmem>>, %arg2: memref<512x256xf32, #tpu.memory_space<vmem>>, %arg3: memref<1x256xf32, #tpu.memory_space<vmem>>, %arg4: memref<256x128xf32, #tpu.memory_space<vmem>>, %arg5: memref<1x128xf32, #tpu.memory_space<vmem>>, %arg6: memref<128x1xf32, #tpu.memory_space<vmem>>, %arg7: memref<1x1xf32, #tpu.memory_space<vmem>>, %arg8: memref<512x1xf32, #tpu.memory_space<vmem>>) attributes {dimension_semantics = [#tpu.dimension_semantics<arbitrary>], iteration_bounds = array<i64: 16>, scalar_prefetch = 0 : i64, scratch_operands = 0 : i64, tpu.core_type = #tpu.core_type<tc>, window_params = [{transform_indices = @transform_0, window_bounds = array<i64: 4, 512, 128>}, {pipeline_mode = #tpu.pipeline_mode<synchronous>, transform_indices = @transform_1, window_bounds = array<i64: 512, 256>}, {pipeline_mode = #tpu.pipeline_mode<synchronous>, transform_indices = @transform_2, window_bounds = array<i64: 1, 256>}, {pipeline_mode = #tpu.pipeline_mode<synchronous>, transform_indices = @transform_3, window_bounds = array<i64: 256, 128>}, {pipeline_mode = #tpu.pipeline_mode<synchronous>, transform_indices = @transform_4, window_bounds = array<i64: 1, 128>}, {pipeline_mode = #tpu.pipeline_mode<synchronous>, transform_indices = @transform_5, window_bounds = array<i64: 128, 1>}, {pipeline_mode = #tpu.pipeline_mode<synchronous>, transform_indices = @transform_6, window_bounds = array<i64: 1, 1>}, {transform_indices = @transform_7, window_bounds = array<i64: 512, 1>}]} {
    %get3A = arith.constant 0 : index
    %get3A_0 = arith.constant 0 : index
    %get3A_1 = arith.constant 0 : index
    %get3A_2 = vector.load %arg1[%get3A, %get3A_0, %get3A_1] : memref<4x512x128xf32, #tpu.memory_space<vmem>>, vector<1x512x128xf32>
    %get3A_3 = vector.shape_cast %get3A_2 : vector<1x512x128xf32> to vector<512x128xf32>
    %get3A_4 = arith.constant 1 : index
    %get3A_5 = arith.constant 0 : index
    %get3A_6 = arith.constant 0 : index
    %get3A_7 = vector.load %arg1[%get3A_4, %get3A_5, %get3A_6] : memref<4x512x128xf32, #tpu.memory_space<vmem>>, vector<1x512x128xf32>
    %get3A_8 = vector.shape_cast %get3A_7 : vector<1x512x128xf32> to vector<512x128xf32>
    %get3A_9 = arith.constant 2 : index
    %get3A_10 = arith.constant 0 : index
    %get3A_11 = arith.constant 0 : index
    %get3A_12 = vector.load %arg1[%get3A_9, %get3A_10, %get3A_11] : memref<4x512x128xf32, #tpu.memory_space<vmem>>, vector<1x512x128xf32>
    %get3A_13 = vector.shape_cast %get3A_12 : vector<1x512x128xf32> to vector<512x128xf32>
    %get3A_14 = arith.constant 3 : index
    %get3A_15 = arith.constant 0 : index
    %get3A_16 = arith.constant 0 : index
    %get3A_17 = vector.load %arg1[%get3A_14, %get3A_15, %get3A_16] : memref<4x512x128xf32, #tpu.memory_space<vmem>>, vector<1x512x128xf32>
    %get3A_18 = vector.shape_cast %get3A_17 : vector<1x512x128xf32> to vector<512x128xf32>
    %concatenate3A = tpu.concatenate %get3A_3, %get3A_8, %get3A_13, %get3A_18 in 1 : vector<512x128xf32>, vector<512x128xf32>, vector<512x128xf32>, vector<512x128xf32> -> vector<512x512xf32>
    %get3A_19 = arith.constant 0 : index
    %get3A_20 = arith.constant 0 : index
    %get3A_21 = vector.load %arg2[%get3A_19, %get3A_20] : memref<512x256xf32, #tpu.memory_space<vmem>>, vector<512x256xf32>
    %dot_general3A = arith.constant dense<0.000000e+00> : vector<512x256xf32>
    %dot_general3A_22 = tpu.matmul %concatenate3A, %get3A_21, %dot_general3A {dimension_numbers = #tpu.dot_dimension_numbers<[1], [0], [0], [1], [0, 0, 1, 1], [], []>, transpose_lhs_hint = false} : vector<512x512xf32>, vector<512x256xf32>, vector<512x256xf32> -> vector<512x256xf32>
    %get3A_23 = arith.constant 0 : index
    %get3A_24 = arith.constant 0 : index
    %get3A_25 = vector.load %arg3[%get3A_23, %get3A_24] : memref<1x256xf32, #tpu.memory_space<vmem>>, vector<1x256xf32>
    %add3A = vector.broadcast %get3A_25 : vector<1x256xf32> to vector<512x256xf32>
    %add3A_26 = arith.addf %dot_general3A_22, %add3A : vector<512x256xf32>
    %max3A = arith.constant 0.000000e+00 : f32
    %max3A_27 = vector.broadcast %max3A : f32 to vector<512x256xf32>
    %max3A_28 = arith.maximumf %add3A_26, %max3A_27 : vector<512x256xf32>
    %get3A_29 = arith.constant 0 : index
    %get3A_30 = arith.constant 0 : index
    %get3A_31 = vector.load %arg4[%get3A_29, %get3A_30] : memref<256x128xf32, #tpu.memory_space<vmem>>, vector<256x128xf32>
    %dot_general3A_32 = arith.constant dense<0.000000e+00> : vector<512x128xf32>
    %dot_general3A_33 = tpu.matmul %max3A_28, %get3A_31, %dot_general3A_32 {dimension_numbers = #tpu.dot_dimension_numbers<[1], [0], [0], [1], [0, 0, 1, 1], [], []>, transpose_lhs_hint = false} : vector<512x256xf32>, vector<256x128xf32>, vector<512x128xf32> -> vector<512x128xf32>
    %get3A_34 = arith.constant 0 : index
    %get3A_35 = arith.constant 0 : index
    %get3A_36 = vector.load %arg5[%get3A_34, %get3A_35] : memref<1x128xf32, #tpu.memory_space<vmem>>, vector<1x128xf32>
    %add3A_37 = vector.broadcast %get3A_36 : vector<1x128xf32> to vector<512x128xf32>
    %add3A_38 = arith.addf %dot_general3A_33, %add3A_37 : vector<512x128xf32>
    %max3A_39 = arith.constant 0.000000e+00 : f32
    %max3A_40 = vector.broadcast %max3A_39 : f32 to vector<512x128xf32>
    %max3A_41 = arith.maximumf %add3A_38, %max3A_40 : vector<512x128xf32>
    %get3A_42 = arith.constant 0 : index
    %get3A_43 = arith.constant 0 : index
    %get3A_44 = vector.load %arg6[%get3A_42, %get3A_43] : memref<128x1xf32, #tpu.memory_space<vmem>>, vector<128x1xf32>
    %dot_general3A_45 = arith.constant dense<0.000000e+00> : vector<512x1xf32>
    %dot_general3A_46 = tpu.matmul %max3A_41, %get3A_44, %dot_general3A_45 {dimension_numbers = #tpu.dot_dimension_numbers<[1], [0], [0], [1], [0, 0, 1, 1], [], []>, transpose_lhs_hint = false} : vector<512x128xf32>, vector<128x1xf32>, vector<512x1xf32> -> vector<512x1xf32>
    %get3A_47 = arith.constant 0 : index
    %get3A_48 = arith.constant 0 : index
    %get3A_49 = vector.load %arg7[%get3A_47, %get3A_48] : memref<1x1xf32, #tpu.memory_space<vmem>>, vector<1x1xf32>
    %add3A_50 = vector.broadcast %get3A_49 : vector<1x1xf32> to vector<512x1xf32>
    %add3A_51 = arith.addf %dot_general3A_46, %add3A_50 : vector<512x1xf32>
    %swap3A = arith.constant 0 : index
    %swap3A_52 = arith.constant 0 : index
    %swap3A_53 = vector.load %arg8[%swap3A, %swap3A_52] : memref<512x1xf32, #tpu.memory_space<vmem>>, vector<512x1xf32>
    tpu.vector_store %arg8[%swap3A, %swap3A_52], %add3A_51 {strides = array<i32>} : memref<512x1xf32, #tpu.memory_space<vmem>>, vector<512x1xf32>,
    return
  }
  func.func @transform_0(%arg0: i32) -> (i32, i32, i32) {
    %c0_i32 = arith.constant 0 : i32
    %c0_i32_0 = arith.constant 0 : i32
    %c0_i32_1 = arith.constant 0 : i32
    return %c0_i32, %arg0, %c0_i32_0 : i32, i32, i32
  }
  func.func @transform_1(%arg0: i32) -> (i32, i32) {
    %c0_i32 = arith.constant 0 : i32
    %c0_i32_0 = arith.constant 0 : i32
    %c0_i32_1 = arith.constant 0 : i32
    return %c0_i32, %c0_i32_0 : i32, i32
  }
  func.func @transform_2(%arg0: i32) -> (i32, i32) {
    %c0_i32 = arith.constant 0 : i32
    %c0_i32_0 = arith.constant 0 : i32
    %c0_i32_1 = arith.constant 0 : i32
    return %c0_i32, %c0_i32_0 : i32, i32
  }
  func.func @transform_3(%arg0: i32) -> (i32, i32) {
    %c0_i32 = arith.constant 0 : i32
    %c0_i32_0 = arith.constant 0 : i32
    %c0_i32_1 = arith.constant 0 : i32
    return %c0_i32, %c0_i32_0 : i32, i32
  }
  func.func @transform_4(%arg0: i32) -> (i32, i32) {
    %c0_i32 = arith.constant 0 : i32
    %c0_i32_0 = arith.constant 0 : i32
    %c0_i32_1 = arith.constant 0 : i32
    return %c0_i32, %c0_i32_0 : i32, i32
  }
  func.func @transform_5(%arg0: i32) -> (i32, i32) {
    %c0_i32 = arith.constant 0 : i32
    %c0_i32_0 = arith.constant 0 : i32
    %c0_i32_1 = arith.constant 0 : i32
    return %c0_i32, %c0_i32_0 : i32, i32
  }
  func.func @transform_6(%arg0: i32) -> (i32, i32) {
    %c0_i32 = arith.constant 0 : i32
    %c0_i32_0 = arith.constant 0 : i32
    %c0_i32_1 = arith.constant 0 : i32
    return %c0_i32, %c0_i32_0 : i32, i32
  }
  func.func @transform_7(%arg0: i32) -> (i32, i32) {
    %c0_i32 = arith.constant 0 : i32
    %c0_i32_0 = arith.constant 0 : i32
    return %arg0, %c0_i32 : i32, i32
  }
}

</mosaic_0001>

<sc_bundles>
// kernel: kernel.6.cloned.1.call-start
scs
__scs_entry_jumppad:
0x0: {  	(pc) =	sbr.rel $0x88, $3  }
0x1: {  	(tag) =	ssettag $0x0;
	lr =	simm.s32 $0x1  }
0x2: {  	[smem:$0x3F91] =	sst lr;
	_ =	strace $0xD0000000  }
0x3: {  	_ = 	snop  }
0x4: {  	_ = 	snop  }
0x5: {  	_ = 	snop  }
0x6: {  	_ = 	snop  }
0x7: {  	_ = 	snop  }
__scs_overlays_trampoline_lowered:
0x8: {  	[smem:$0x3FA0] =	sst s0  }
0x9: {  	[smem:$0x3FA1] =	sst s1  }
0xa: {  	[smem:$0x3FA2] =	sst s2  }
0xb: {  	[smem:$0x3FA3] =	sst s3  }
0xc: {  	[smem:$0x3FA4] =	sst s4  }
0xd: {  	[smem:$0x3FA5] =	sst s5  }
0xe: {  	[smem:$0x3FA6] =	sst s6  }
0xf: {  	[smem:$0x3FA7] =	sst s7  }
0x10: {  	[smem:$0x3FA8] =	sst s8  }
0x11: {  	[smem:$0x3FA9] =	sst s9;
	s0 =	simm.s32 @!p0 $0x0  }
0x12: {  	s1 =	sld [smem:$0x3F8F];
	s0 =	simm.s32 @p0 $0x1  }
0x13: {  	[smem:$0x3FAA] =	sst s0;
	s0 =	simm.s32 @!p1 $0x0  }
0x14: {  	s2 =	sld [smem:$0x3F8E];
	s0 =	simm.s32 @p1 $0x1  }
0x15: {  	[smem:$0x3FAB] =	sst s0;
	s0 =	simm.s32 @!p2 $0x0  }
0x16: {  	s3 =	sld [smem:$0x3FDB];
	s0 =	simm.s32 @p2 $0x1  }
0x17: {  	s4 =	simm.s32 $0x1BF5;
	[smem:$0x3FAD] =	sst s0  }
0x18: {  	s0 =	sld [smem:$0x3F90];
	_ =	swait.ge [sflag:s4], $0x0  }
0x19: {  	s7 =	sld [smem:$0x3F91]  }
0x1a: {  	s8 =	sadd.s32 $0xFFFFE003, lr  }
0x1b: {  	s9 =	sadd.s32 $0xFFFFFEF7, lr;
	s5 =	simm.s32 $0xFFFFFFFF;
	p2 =	slt.u32 s8, $0xFFFFF086  }
0x1c: {  	p1 =	slt.u32 s9, $0xF7A;
	s5 =	simm.s32 @!p2 $0x0  }
0x1d: {  	s5 =	simm.s32 @p1 $0x1;
	p0 =	seq.s32 s7, s2  }
0x1e: {  	s7 =	smul.u32 @!p0 $0xF7A, s2;
	p2 =	seq.s32 @!p0 s5, $0x0  }
0x1f: {  	s9 =	smul.u32 $0xF7A, s1;
	s8 =	simm.s32 @!p0 $0x1BF5;
	p2 =	por !p2, p0  }
0x20: {  	[sflag:s8] =	ssyncset.s32 @!p0 $0xFFFFF086;
	s6 =	sadd.s32 @!p0 s3, s7;
	s7 =	simm.s32 @!p0 $0x108  }
0x21: {  	s3 =	sadd.s32 s3, s9;
	s6 =	sadd.s32 @!p0 $0x88, s6;
	s7 =	simm.s32 @p2 $0x1082  }
0x22: {  	[simem:s7], [sflag:s8] =	dma.local @!p0 [hbm:s6], $0xF7A  }
0x23: {  	s9 =	sor.u32 $0xD0000000, s2;
	s6 =	simm.s32 $0x108;
	_ =	swait.ge @!p0 [sflag:s8], $0x0  }
0x24: {  	s3 =	sadd.s32 $0x88, s3;
	s6 =	simm.s32 @!p1 $0x1082;
	[sflag:s4] =	ssyncset.s32 $0xFFFFF086  }
0x25: {  	[simem:s6], [sflag:s4] =	dma.local [hbm:s3], $0xF7A  }
0x26: {  	[smem:$0x3F91] =	sst s1;
	(tag) =	ssettag s2;
	_ =	strace s9  }
0x27: {  	s1 =	sld [smem:$0x3FA1]  }
0x28: {  	s2 =	sld [smem:$0x3FA2]  }
0x29: {  	s4 =	sld [smem:$0x3FA4]  }
0x2a: {  	p0 =	seq.s32 s5, $0x0;
	s5 =	sld [smem:$0x3FA5]  }
0x2b: {  	s6 =	sld [smem:$0x3FA6]  }
0x2c: {  	s7 =	sld [smem:$0x3FA7]  }
0x2d: {  	s3 =	simm.s32 $0x108;
	s8 =	sld [smem:$0x3FA8]  }
0x2e: {  	s3 =	simm.s32 @!p0 $0x1082;
	s9 =	sld [smem:$0x3FA9]  }
0x2f: {  	lr =	sadd.s32 s0, s3;
	s0 =	sld [smem:$0x3FA0]  }
0x30: {  	s3 =	sld [smem:$0x3FA3]  }
0x31: {  	[smem:$0x3FAC] =	sst s10  }
0x32: {  	s10 =	sld [smem:$0x3FAA];
	_ =	sdelay $0x3  }
0x33: {  	p0 =	seq.s32 s10, $0x1;
	s10 =	sld [smem:$0x3FAC];
	_ =	sdelay $0x3  }
0x34: {  	[smem:$0x3FAC] =	sst s10  }
0x35: {  	s10 =	sld [smem:$0x3FAB];
	_ =	sdelay $0x3  }
0x36: {  	p1 =	seq.s32 s10, $0x1;
	s10 =	sld [smem:$0x3FAC];
	_ =	sdelay $0x3  }
0x37: {  	[smem:$0x3FAC] =	sst s10  }
0x38: {  	s10 =	sld [smem:$0x3FAD]  }
0x39: {  	_ = 	snop;
	(pc) =	sbr.ind lr, $3  }
0x3a: {  	_ = 	snop  }
0x3b: {  	_ = 	snop  }
0x3c: {  	p2 =	seq.s32 s10, $0x1;
	s10 =	sld [smem:$0x3FAC]  }
0x3d: {  	_ =	shalt  }
0x3e: {  	_ =	shalt  }
0x3f: {  	_ =	shalt  }
0x40: {  	_ =	shalt  }
0x41: {  	_ =	shalt  }
0x42: {  	_ =	shalt  }
0x43: {  	_ =	shalt  }
0x44: {  	_ =	shalt  }
0x45: {  	_ =	shalt  }
0x46: {  	_ =	shalt  }
0x47: {  	_ =	shalt  }
0x48: {  	_ =	shalt  }
0x49: {  	_ =	shalt  }
0x4a: {  	_ =	shalt  }
0x4b: {  	_ =	shalt  }
0x4c: {  	_ =	shalt  }
0x4d: {  	_ =	shalt  }
0x4e: {  	_ =	shalt  }
0x4f: {  	_ =	shalt  }
0x50: {  	_ =	shalt  }
0x51: {  	_ =	shalt  }
0x52: {  	_ =	shalt  }
0x53: {  	_ =	shalt  }
0x54: {  	_ =	shalt  }
0x55: {  	_ =	shalt  }
0x56: {  	_ =	shalt  }
0x57: {  	_ =	shalt  }
0x58: {  	_ =	shalt  }
0x59: {  	_ =	shalt  }
0x5a: {  	_ =	shalt  }
0x5b: {  	_ =	shalt  }
0x5c: {  	_ =	shalt  }
0x5d: {  	_ =	shalt  }
0x5e: {  	_ =	shalt  }
0x5f: {  	_ =	shalt  }
0x60: {  	_ =	shalt  }
0x61: {  	_ =	shalt  }
0x62: {  	_ =	shalt  }
0x63: {  	_ =	shalt  }
0x64: {  	_ =	shalt  }
0x65: {  	_ =	shalt  }
0x66: {  	_ =	shalt  }
0x67: {  	_ =	shalt  }
0x68: {  	_ =	shalt  }
0x69: {  	_ =	shalt  }
0x6a: {  	_ =	shalt  }
0x6b: {  	_ =	shalt  }
0x6c: {  	_ =	shalt  }
0x6d: {  	_ =	shalt  }
0x6e: {  	_ =	shalt  }
0x6f: {  	_ =	shalt  }
0x70: {  	_ =	shalt  }
0x71: {  	_ =	shalt  }
0x72: {  	_ =	shalt  }
0x73: {  	_ =	shalt  }
0x74: {  	_ =	shalt  }
0x75: {  	_ =	shalt  }
0x76: {  	_ =	shalt  }
0x77: {  	_ =	shalt  }
0x78: {  	_ =	shalt  }
0x79: {  	_ =	shalt  }
0x7a: {  	_ =	shalt  }
0x7b: {  	_ =	shalt  }
0x7c: {  	_ =	shalt  }
0x7d: {  	_ =	shalt  }
0x7e: {  	_ =	shalt  }
0x7f: {  	_ =	shalt  }
0x80: {  	_ =	shalt  }
0x81: {  	_ =	shalt  }
0x82: {  	_ =	shalt  }
0x83: {  	_ =	shalt  }
0x84: {  	_ =	shalt  }
0x85: {  	_ =	shalt  }
0x86: {  	_ =	shalt  }
0x87: {  	_ =	shalt  }
.Lfunc_end0:
.L_simem_size_0:
called_computation_lowered:
.L_overlay_start_0:
0x88: {  	s2 =	sld [smem:$0x3FD9]  }
0x89: {  	s3 =	sld [smem:$0x3FFE];
	_ =	sdelay $0x1  }
0x8a: {  	s1 =	srdreg.scid  }
0x8b: {  	s0 =	sand.u32 $0x1, s1  }
0x8c: {  	s17 =	sshll.u32 s0, $0xA;
	s2 =	sadd.s32 s3, s2  }
0x8d: {  	s2 =	sadd.s32 s2, s17  }
0x8e: {  	[smem:$0x3FB8] =	sst s2  }
0x8f: {  	_ = 	snop  }
0x90: {  	s2 =	sld [smem:$0x3FC9];
	(tm) =	ssettm $0x1  }
0x91: {  	s18 =	sld [smem:$0x3FFB];
	_ =	sdelay $0x3  }
0x92: {  	_ =	strace s18  }
0x93: {  	s3 =	sld [smem:$0x3FFC];
	_ =	sdelay $0x3  }
0x94: {  	_ =	strace s3  }
0x95: {  	s3 =	sld [smem:$0x3FFD];
	_ =	sdelay $0x3  }
0x96: {  	_ =	strace s3  }
0x97: {  	_ =	strace $0x8FFFFFFF  }
0x98: {  	s19 =	sld [smem:$0x3FDB];
	_ =	sdelay $0x1  }
0x99: {  	s4 =	simm.s32 $_scs_section_size  }
0x9a: {  	s5 =	simm.s32 $_size__tile_overlayer_lowered;
	s6 =	simm.s32 $_tile_overlayer_lowered  }
0x9b: {  	s22 =	simm.s32 $0x1BFF;
	s21 =	sshll.u32 s6, $0x1;
	s3 =	sadd.s32 s4, s19  }
0x9c: {  	s7 =	simm.s32 $0x0;
	s20 =	sshll.u32 s5, $0x1;
	s5 =	sadd.s32 s21, s3  }
0x9d: {  	[timem:s7], [sflag:s22] =	dma.local [hbm:s5], s20  }
0x9e: {  	_ =	swait.ge [sflag:s22], s20  }
0x9f: {  	s4 =	ssub.s32 $0x0, s20;
	[sflag:s22] =	ssyncset.done $0x0  }
0xa0: {  	[sflag:s22] =	ssyncadd.s32 s4;
	_ =	sdelay $0x1  }
0xa1: {  	s23 =	simm.s32 $0x1B8B  }
0xa2: {  	_ =	swait.ge [sflag:s23], $0x1  }
0xa3: {  	[sflag:s23] =	ssyncset.done $0x0  }
0xa4: {  	s25 =	simm.s32 $0x1B8E;
	s24 =	sld [smem:$0x3FFE];
	[sflag:s23] =	ssyncadd.s32 $0xFFFFFFFF  }
0xa5: {  	s26 =	simm.s32 $execute0_lowered;
	[smem:$0x3FD2] =	sst s25  }
0xa6: {  	s5 =	sshll.u32 s26, $0x1;
	_ =	strace $0x80000046;
	[dreg:$0x1] =	wrdreg $0xFFFFFFFF  }
0xa7: {  	s28 =	simm.s32 $_size_execute0_lowered;
	s3 =	sadd.s32 s3, s5;
	[dreg:$0x0] =	wrdreg $0x0  }
0xa8: {  	s5 =	sshll.u32 s28, $0x1;
	[dreg:$0x2] =	wrdreg s3  }
0xa9: {  	[dreg:$0x3] =	wrdreg s5  }
0xaa: {  	[dreg:$0x4] =	wrdreg $0xC0  }
0xab: {  	_ =	task [dreg:s7], $0x5FFFF  }
0xac: {  	[dreg:$0x1] =	wrdreg $0xFFFFFFFF  }
0xad: {  	[dreg:$0x0] =	wrdreg $0x60  }
0xae: {  	[dreg:$0x2] =	wrdreg s24  }
0xaf: {  	[dreg:$0x3] =	wrdreg s2  }
0xb0: {  	[dreg:$0x4] =	wrdreg $0x9  }
0xb1: {  	_ =	task.clear_ibuf [dreg:s7], $0x5FFFF;
	_ =	strace $0x90000046  }
0xb2: {  	s29 =	simm.s32 $0x9;
	_ =	strace $0x80000048  }
0xb3: {  	_ =	swait.ge [sflag:s29], $0x1  }
0xb4: {  	[sflag:s29] =	ssyncadd.s32 $0xFFFFFFFF  }
0xb5: {  	_ =	strace $0x90000048  }
0xb6: {  	_ =	sfence  }
0xb7: {  	s30 =	sld [smem:$0x0];
	_ =	sdelay $0x2  }
0xb8: {  	s31 =	sshll.u32 s1, $0xD;
	s1 =	sshrl.u32 s1, $0x2  }
0xb9: {  	s3 =	sand.u32 $0x4000, s31;
	s1 =	sadd.s32 s1, s30  }
0xba: {  	s0 =	sor.u32 s3, s0;
	s1 =	sshll.u32 s1, $0x11  }
0xbb: {  	s0 =	sor.u32 s1, s0  }
0xbc: {  	s0 =	sadd.s32 $0x8F2B, s0  }
0xbd: {  	[sflag:s0] =	ssyncadd.remote.s32 $0x1  }
0xbe: {  	_ =	sfence.sel $0xFFFF  }
0xbf: {  	[dreg:$0x0] =	wrdreg $0xFFFFFFFF;
	(pc) =	sbr.abs _section_cstart, $3  }
0xc0: {  	[dreg:$0x1] =	wrdreg $0xFFFFFFFF  }
0xc1: {  	_ =	task.clear_ibuf [dreg:s7], $0x2FFFF;
	_ =	strace $0x9FFFFFFF  }
0xc2: {  	(tm) =	ssettm $0x7FFFFFFF  }
0xc3: {  	_ =	shalt  }
tec
execute0_lowered:
.L_overlay_start_1:
0x0: {  	(tag) =	ssettag $0x1  }
0x1: {  	s0 =	srdreg.scid;
	s1 =	rddreg [dreg:$0x0]  }
0x2: {  	s3 =	stileid.u32;
	s15 =	rddreg [dreg:$0x1];
	s2 =	sand.u32 $0x1, s0  }
0x3: {  	s23 =	simm.s32 $0x0;
	s3 =	sshll.u32 s3, $0x9;
	s4 =	sshll.u32 s2, $0x8  }
0x4: {  	[smem:$0x7FF] =	sst s23;
	s5 =	sadd.s32 $0xA400, s1;
	s3 =	sor.u32 s4, s3  }
0x5: {  	s9 =	sadd.s32 $0x7C00, s1;
	s10 =	sadd.s32 $0x5400, s1;
	s4 =	sshrl.u32 s3, $0x3  }
0x6: {  	_ =	strace $0x80000047;
	s0 =	sadd.s32 s15, s4;
	s16 =	sadd.s32 s5, s4  }
0x7: {  	s6 =	sor.u32 $0x800, s4;
	s7 =	sor.u32 $0x1000, s4;
	[dreg:$0x3] =	wrdreg s0  }
0x8: {  	s8 =	sor.u32 $0x1800, s4;
	s20 =	sadd.s32 s9, s4;
	[dreg:$0x4] =	wrdreg s16  }
0x9: {  	s25 =	sor.u32 $0x2000, s4;
	s4 =	sadd.s32 s10, s4;
	[dreg:$0x8] =	wrdreg s20  }
0xa: {  	s17 =	sadd.s32 s5, s6;
	[dreg:$0xd] =	wrdreg s4  }
0xb: {  	s18 =	sadd.s32 s5, s7;
	[dreg:$0x5] =	wrdreg s17  }
0xc: {  	s19 =	sadd.s32 s5, s8;
	[dreg:$0x6] =	wrdreg s18  }
0xd: {  	s21 =	sadd.s32 s9, s6;
	[dreg:$0x7] =	wrdreg s19  }
0xe: {  	s22 =	sadd.s32 s9, s7;
	[dreg:$0x9] =	wrdreg s21  }
0xf: {  	s24 =	sadd.s32 s9, s8;
	[dreg:$0xa] =	wrdreg s22  }
0x10: {  	s26 =	sadd.s32 s9, s25;
	[dreg:$0xb] =	wrdreg s24  }
0x11: {  	s6 =	sadd.s32 s10, s6;
	[dreg:$0xc] =	wrdreg s26  }
0x12: {  	s9 =	sadd.s32 s10, s7;
	[dreg:$0xe] =	wrdreg s6  }
0x13: {  	s3 =	sshll.u32 s3, $0x4;
	s11 =	sadd.s32 s10, s8;
	[dreg:$0xf] =	wrdreg s9  }
0x14: {  	s3 =	sadd.s32 s3, s1;
	s12 =	sadd.s32 s10, s25;
	[dreg:$0x10] =	wrdreg s11  }
0x15: {  	s31 =	simm.s32 $0x200;
	s13 =	sadd.s32 $0xC400, s3;
	[dreg:$0x11] =	wrdreg s12  }
0x16: {  	s29 =	simm.s32 $0x300;
	s14 =	sadd.s32 $0xC404, s3;
	[dreg:$0x12] =	wrdreg s13  }
0x17: {  	s28 =	simm.s32 $0x400;
	s15 =	sadd.s32 $0xC408, s3;
	[dreg:$0x13] =	wrdreg s14  }
0x18: {  	s30 =	simm.s32 $0x3;
	s16 =	sadd.s32 $0xC40C, s3;
	[dreg:$0x14] =	wrdreg s15  }
0x19: {  	p0 =	por $0x0, $0x0;
	s20 =	sadd.s32 $0x2C40C, s3;
	[dreg:$0x15] =	wrdreg s16  }
0x1a: {  	s2 =	ssub.s32 $0x2, s2;
	s25 =	sadd.s32 $0x4C40C, s3;
	[dreg:$0x19] =	wrdreg s20  }
0x1b: {  	s4 =	sadd.s32 $0x6C402, s3;
	s5 =	sadd.s32 $0x6C404, s3;
	[dreg:$0x1d] =	wrdreg s25  }
0x1c: {  	s7 =	sadd.s32 $0x6C408, s3;
	s8 =	sadd.s32 $0x6C40A, s3;
	[dreg:$0x1f] =	wrdreg s4  }
0x1d: {  	s10 =	sadd.s32 $0x6C40C, s3;
	s17 =	sadd.s32 $0x2C400, s3;
	[smem:$0x7F8] =	sst s5  }
0x1e: {  	s18 =	sadd.s32 $0x2C404, s3;
	s19 =	sadd.s32 $0x2C408, s3;
	[smem:$0x7FA] =	sst s7  }
0x1f: {  	s21 =	sadd.s32 $0x4C400, s3;
	s22 =	sadd.s32 $0x4C404, s3;
	[smem:$0x7FB] =	sst s8  }
0x20: {  	s24 =	sadd.s32 $0x4C408, s3;
	s26 =	sadd.s32 $0x6C400, s3;
	[smem:$0x7FC] =	sst s10  }
0x21: {  	s6 =	sadd.s32 $0x6C406, s3;
	s13 =	sadd.s32 $0x189600, s1;
	s0 =	rddreg [dreg:$0x3]  }
0x22: {  	s9 =	sshrl.u32 s2, $0x1;
	s11 =	sadd.s32 $0x6C40E, s3;
	[dreg:$0x16] =	wrdreg s17  }
0x23: {  	s3 =	sadd.s32 $0x2C00, s1;
	s4 =	simm.s32 $0x100;
	[dreg:$0x17] =	wrdreg s18  }
0x24: {  	s25 =	simm.s32 $0x600;
	s20 =	simm.s32 $0x900;
	[dreg:$0x18] =	wrdreg s19  }
0x25: {  	s15 =	simm.s32 $0xA00;
	s16 =	simm.s32 $0xB00;
	[dreg:$0x1a] =	wrdreg s21  }
0x26: {  	s14 =	simm.s32 $0xC00;
	s5 =	simm.s32 $0x80;
	[dreg:$0x1b] =	wrdreg s22  }
0x27: {  	s10 =	simm.s32 $0x6F00;
	[dreg:$0x1c] =	wrdreg s24;
	s2 =	ssub.s32 s2, s9  }
0x28: {  	s7 =	simm.s32 $0x7F00;
	[dreg:$0x1e] =	wrdreg s26;
	s12 =	smax.u32 s2, $0x1  }
0x29: {  	s8 =	simm.s32 $0x10;
	[smem:$0x7F9] =	sst s6;
	p1 =	sne.s32 s12, $0x1  }
.Ltmp0:
0x2a: {  	[smem:$0x7FD] =	sst s11;
	s26 =	simm.s32 $0x500;
	(pc) =	sbr.rel @!p1 .LBB2_5-.Ltmp0, $4  }
0x2b: {  	s24 =	simm.s32 $0x700;
	s22 =	simm.s32 $0x800;
	s11 =	simm.s32 $0xD00  }
0x2c: {  	s9 =	simm.s32 $0xE00;
	s19 =	simm.s32 $0xF00;
	s21 =	simm.s32 $0x2F00  }
0x2d: {  	s17 =	simm.s32 $0x4F00;
	s6 =	simm.s32 $0x1;
	s18 =	simm.s32 $0x20  }
0x2e: {  	s2 =	simm.s32 $0x2;
	s1 =	sadd.s32 $0xFFFFFFFF, s12;
	s12 =	simm.s32 $0x8F00  }
0x2f: {  	[smem:$0x7F7] =	sst s1  }
0x30: {  	[tilespmem:s23], [sflag:$0x3] =	stream.linear.gather [hbm4b:s0+s23], $0x100, $0x38;
	[tilespmem:$0x9F00] =	vst v63  }
0x31: {  	s1 =	rddreg [dreg:$0x4]  }
0x32: {  	[tilespmem:s4], [sflag:$0x3] =	stream.linear.gather [hbm4b:s1+s23], $0x100, $0x38;
	[tilespmem:$0x9F00] =	vst v63  }
0x33: {  	s0 =	rddreg [dreg:$0x5]  }
0x34: {  	[tilespmem:s31], [sflag:$0x3] =	stream.linear.gather [hbm4b:s0+s23], $0x100, $0x38;
	[tilespmem:$0x9F00] =	vst v63  }
0x35: {  	s1 =	rddreg [dreg:$0x6]  }
0x36: {  	[tilespmem:s29], [sflag:$0x3] =	stream.linear.gather [hbm4b:s1+s23], $0x100, $0x38;
	[tilespmem:$0x9F00] =	vst v63  }
0x37: {  	s0 =	rddreg [dreg:$0x7]  }
0x38: {  	[tilespmem:s28], [sflag:$0x3] =	stream.linear.gather [hbm4b:s0+s23], $0x100, $0x38;
	[tilespmem:$0x9F00] =	vst v63  }
0x39: {  	s1 =	rddreg [dreg:$0x8]  }
0x3a: {  	[tilespmem:s26], [sflag:$0x3] =	stream.linear.gather [hbm4b:s1+s23], $0x100, $0x38;
	[tilespmem:$0x9F00] =	vst v63  }
0x3b: {  	s0 =	rddreg [dreg:$0x9]  }
0x3c: {  	[tilespmem:s25], [sflag:$0x3] =	stream.linear.gather [hbm4b:s0+s23], $0x100, $0x38;
	[tilespmem:$0x9F00] =	vst v63  }
0x3d: {  	s1 =	rddreg [dreg:$0xa]  }
0x3e: {  	[tilespmem:s24], [sflag:$0x3] =	stream.linear.gather [hbm4b:s1+s23], $0x100, $0x38;
	[tilespmem:$0x9F00] =	vst v63  }
0x3f: {  	s0 =	rddreg [dreg:$0xb]  }
0x40: {  	[tilespmem:s22], [sflag:$0x3] =	stream.linear.gather [hbm4b:s0+s23], $0x100, $0x38;
	[tilespmem:$0x9F00] =	vst v63  }
0x41: {  	s1 =	rddreg [dreg:$0xc]  }
0x42: {  	[tilespmem:s20], [sflag:$0x3] =	stream.linear.gather [hbm4b:s1+s23], $0x100, $0x38;
	[tilespmem:$0x9F00] =	vst v63  }
0x43: {  	s0 =	rddreg [dreg:$0xd]  }
0x44: {  	[tilespmem:s15], [sflag:$0x3] =	stream.linear.gather [hbm4b:s0+s23], $0x100, $0x38;
	[tilespmem:$0x9F00] =	vst v63  }
0x45: {  	s1 =	rddreg [dreg:$0xe]  }
0x46: {  	[tilespmem:s16], [sflag:$0x3] =	stream.linear.gather [hbm4b:s1+s23], $0x100, $0x38;
	[tilespmem:$0x9F00] =	vst v63  }
0x47: {  	s0 =	rddreg [dreg:$0xf]  }
0x48: {  	[tilespmem:s14], [sflag:$0x3] =	stream.linear.gather [hbm4b:s0+s23], $0x100, $0x38;
	[tilespmem:$0x9F00] =	vst v63  }
0x49: {  	s1 =	rddreg [dreg:$0x10]  }
0x4a: {  	[tilespmem:s11], [sflag:$0x3] =	stream.linear.gather [hbm4b:s1+s23], $0x100, $0x38;
	[tilespmem:$0x9F00] =	vst v63  }
0x4b: {  	s0 =	rddreg [dreg:$0x11]  }
0x4c: {  	[tilespmem:s9], [sflag:$0x3] =	stream.linear.gather [hbm4b:s0+s23], $0x100, $0x38;
	[tilespmem:$0x9F00] =	vst v63  }
0x4d: {  	_ =	swait.ge [sflag:s30], $0x100  }
0x4e: {  	[sflag:s30] =	ssyncset.done $0x0  }
0x4f: {  	[sflag:s30] =	ssyncadd.s32 $0xFFFFFF00  }
0x50: {  	[tilespmem:s19], [sflag:$0x1] =	stream.indirect.gather [hbm4b:s13+s4], $0x20, s23, s4, $0xb8;
	[tilespmem:$0x9F00] =	vst v63  }
0x51: {  	_ =	swait.ge [sflag:s30], $0x100  }
0x52: {  	[sflag:s30] =	ssyncset.done $0x0  }
0x53: {  	[sflag:s30] =	ssyncadd.s32 $0xFFFFFF00  }
0x54: {  	[tilespmem:s21], [sflag:$0x1] =	stream.indirect.gather [hbm4b:s13+s4], $0x20, s4, s4, $0xb8;
	[tilespmem:$0x9F00] =	vst v63  }
0x55: {  	_ =	swait.ge [sflag:s30], $0x100  }
0x56: {  	[sflag:s30] =	ssyncset.done $0x0  }
0x57: {  	[sflag:s30] =	ssyncadd.s32 $0xFFFFFF00  }
0x58: {  	[tilespmem:s17], [sflag:$0x1] =	stream.indirect.gather [hbm4b:s13+s4], $0x20, s31, s4, $0xb8;
	[tilespmem:$0x9F00] =	vst v63  }
0x59: {  	_ =	swait.ge [sflag:s30], $0x100  }
0x5a: {  	[sflag:s30] =	ssyncset.done $0x0  }
0x5b: {  	[sflag:s30] =	ssyncadd.s32 $0xFFFFFF00  }
0x5c: {  	_ =	swait.ge [sflag:s30], $0x100  }
0x5d: {  	[sflag:s30] =	ssyncset.done $0x0  }
0x5e: {  	[sflag:s30] =	ssyncadd.s32 $0xFFFFFF00  }
0x5f: {  	_ =	swait.ge [sflag:s30], $0x100  }
0x60: {  	[sflag:s30] =	ssyncset.done $0x0  }
0x61: {  	[sflag:s30] =	ssyncadd.s32 $0xFFFFFF00  }
0x62: {  	_ =	swait.ge [sflag:s30], $0x100  }
0x63: {  	[sflag:s30] =	ssyncset.done $0x0  }
0x64: {  	[sflag:s30] =	ssyncadd.s32 $0xFFFFFF00  }
0x65: {  	_ =	swait.ge [sflag:s30], $0x100  }
0x66: {  	[sflag:s30] =	ssyncset.done $0x0  }
0x67: {  	[sflag:s30] =	ssyncadd.s32 $0xFFFFFF00  }
0x68: {  	_ =	swait.ge [sflag:s30], $0x100  }
0x69: {  	[sflag:s30] =	ssyncset.done $0x0  }
0x6a: {  	[sflag:s30] =	ssyncadd.s32 $0xFFFFFF00  }
0x6b: {  	_ =	swait.ge [sflag:s30], $0x100  }
0x6c: {  	[sflag:s30] =	ssyncset.done $0x0  }
0x6d: {  	[sflag:s30] =	ssyncadd.s32 $0xFFFFFF00  }
0x6e: {  	_ =	swait.ge [sflag:s30], $0x100  }
0x6f: {  	[sflag:s30] =	ssyncset.done $0x0  }
0x70: {  	[sflag:s30] =	ssyncadd.s32 $0xFFFFFF00  }
0x71: {  	_ =	swait.ge [sflag:s30], $0x100  }
0x72: {  	[sflag:s30] =	ssyncset.done $0x0  }
0x73: {  	[sflag:s30] =	ssyncadd.s32 $0xFFFFFF00  }
0x74: {  	_ =	swait.ge [sflag:s30], $0x100  }
0x75: {  	[sflag:s30] =	ssyncset.done $0x0  }
0x76: {  	[sflag:s30] =	ssyncadd.s32 $0xFFFFFF00  }
0x77: {  	_ =	swait.ge [sflag:s30], $0x100  }
0x78: {  	[sflag:s30] =	ssyncset.done $0x0  }
0x79: {  	[sflag:s30] =	ssyncadd.s32 $0xFFFFFF00  }
0x7a: {  	_ =	swait.ge [sflag:s30], $0x100  }
0x7b: {  	[sflag:s30] =	ssyncset.done $0x0  }
0x7c: {  	[sflag:s30] =	ssyncadd.s32 $0xFFFFFF00  }
0x7d: {  	_ =	swait.ge [sflag:s6], $0x2000  }
0x7e: {  	[sflag:s6] =	ssyncset.done $0x0  }
0x7f: {  	s1 =	rddreg [dreg:$0x12];
	[sflag:s6] =	ssyncadd.s32 $0xFFFFE000  }
0x80: {  	[hbm4b:s1+s18] =	stream.strided.scatter [tilespmem:s19], [sflag:$0x2], $0x2000, s5, s18, $0x38;
	[tilespmem:$0x9F00] =	vst v63  }
0x81: {  	_ =	swait.ge [sflag:s2], $0x2000  }
0x82: {  	[sflag:s2] =	ssyncset.done $0x0  }
0x83: {  	[sflag:s2] =	ssyncadd.s32 $0xFFFFE000  }
0x84: {  	[tilespmem:s19], [sflag:$0x1] =	stream.indirect.gather [hbm4b:s13+s4], $0x20, s29, s4, $0xb8;
	[tilespmem:$0x9F00] =	vst v63  }
0x85: {  	_ =	swait.ge [sflag:s6], $0x2000  }
0x86: {  	[sflag:s6] =	ssyncset.done $0x0  }
0x87: {  	s1 =	rddreg [dreg:$0x13];
	[sflag:s6] =	ssyncadd.s32 $0xFFFFE000  }
0x88: {  	[hbm4b:s1+s18] =	stream.strided.scatter [tilespmem:s21], [sflag:$0x2], $0x2000, s5, s18, $0x38;
	[tilespmem:$0x9F00] =	vst v63  }
0x89: {  	_ =	swait.ge [sflag:s2], $0x2000  }
0x8a: {  	[sflag:s2] =	ssyncset.done $0x0  }
0x8b: {  	[sflag:s2] =	ssyncadd.s32 $0xFFFFE000  }
0x8c: {  	[tilespmem:s21], [sflag:$0x1] =	stream.indirect.gather [hbm4b:s13+s4], $0x20, s28, s4, $0xb8;
	[tilespmem:$0x9F00] =	vst v63  }
0x8d: {  	_ =	swait.ge [sflag:s6], $0x2000  }
0x8e: {  	[sflag:s6] =	ssyncset.done $0x0  }
0x8f: {  	s1 =	rddreg [dreg:$0x14];
	[sflag:s6] =	ssyncadd.s32 $0xFFFFE000  }
0x90: {  	[hbm4b:s1+s18] =	stream.strided.scatter [tilespmem:s17], [sflag:$0x2], $0x2000, s5, s18, $0x38;
	[tilespmem:$0x9F00] =	vst v63  }
0x91: {  	_ =	swait.ge [sflag:s2], $0x2000  }
0x92: {  	[sflag:s2] =	ssyncset.done $0x0  }
0x93: {  	[sflag:s2] =	ssyncadd.s32 $0xFFFFE000  }
0x94: {  	[tilespmem:s17], [sflag:$0x1] =	stream.indirect.gather [hbm4b:s13+s4], $0x20, s26, s4, $0xb8;
	[tilespmem:$0x9F00] =	vst v63  }
0x95: {  	_ =	swait.ge [sflag:s6], $0x2000  }
0x96: {  	[sflag:s6] =	ssyncset.done $0x0  }
0x97: {  	s1 =	rddreg [dreg:$0x15];
	[sflag:s6] =	ssyncadd.s32 $0xFFFFE000  }
0x98: {  	[hbm4b:s1+s18] =	stream.strided.scatter [tilespmem:s19], [sflag:$0x2], $0x2000, s5, s18, $0x38;
	[tilespmem:$0x9F00] =	vst v63  }
0x99: {  	_ =	swait.ge [sflag:s2], $0x2000  }
0x9a: {  	[sflag:s2] =	ssyncset.done $0x0  }
0x9b: {  	[sflag:s2] =	ssyncadd.s32 $0xFFFFE000  }
0x9c: {  	[tilespmem:s19], [sflag:$0x1] =	stream.indirect.gather [hbm4b:s13+s4], $0x20, s25, s4, $0xb8;
	[tilespmem:$0x9F00] =	vst v63  }
0x9d: {  	_ =	swait.ge [sflag:s6], $0x2000  }
0x9e: {  	[sflag:s6] =	ssyncset.done $0x0  }
0x9f: {  	s25 =	rddreg [dreg:$0x16];
	[sflag:s6] =	ssyncadd.s32 $0xFFFFE000  }
0xa0: {  	[hbm4b:s25+s18] =	stream.strided.scatter [tilespmem:s21], [sflag:$0x2], $0x2000, s5, s18, $0x38;
	[tilespmem:$0x9F00] =	vst v63  }
0xa1: {  	_ =	swait.ge [sflag:s2], $0x2000  }
0xa2: {  	[sflag:s2] =	ssyncset.done $0x0  }
0xa3: {  	[sflag:s2] =	ssyncadd.s32 $0xFFFFE000  }
0xa4: {  	[tilespmem:s21], [sflag:$0x1] =	stream.indirect.gather [hbm4b:s13+s4], $0x20, s24, s4, $0xb8;
	[tilespmem:$0x9F00] =	vst v63  }
0xa5: {  	_ =	swait.ge [sflag:s6], $0x2000  }
0xa6: {  	[sflag:s6] =	ssyncset.done $0x0  }
0xa7: {  	s26 =	rddreg [dreg:$0x17];
	[sflag:s6] =	ssyncadd.s32 $0xFFFFE000  }
0xa8: {  	[hbm4b:s26+s18] =	stream.strided.scatter [tilespmem:s17], [sflag:$0x2], $0x2000, s5, s18, $0x38;
	[tilespmem:$0x9F00] =	vst v63  }
0xa9: {  	_ =	swait.ge [sflag:s2], $0x2000  }
0xaa: {  	[sflag:s2] =	ssyncset.done $0x0  }
0xab: {  	[sflag:s2] =	ssyncadd.s32 $0xFFFFE000  }
0xac: {  	[tilespmem:s17], [sflag:$0x1] =	stream.indirect.gather [hbm4b:s13+s4], $0x20, s22, s4, $0xb8;
	[tilespmem:$0x9F00] =	vst v63  }
0xad: {  	_ =	swait.ge [sflag:s6], $0x2000  }
0xae: {  	[sflag:s6] =	ssyncset.done $0x0  }
0xaf: {  	s1 =	rddreg [dreg:$0x18];
	[sflag:s6] =	ssyncadd.s32 $0xFFFFE000  }
0xb0: {  	[hbm4b:s1+s18] =	stream.strided.scatter [tilespmem:s19], [sflag:$0x2], $0x2000, s5, s18, $0x38;
	[tilespmem:$0x9F00] =	vst v63  }
0xb1: {  	_ =	swait.ge [sflag:s2], $0x2000  }
0xb2: {  	[sflag:s2] =	ssyncset.done $0x0  }
0xb3: {  	[sflag:s2] =	ssyncadd.s32 $0xFFFFE000  }
0xb4: {  	[tilespmem:s19], [sflag:$0x1] =	stream.indirect.gather [hbm4b:s13+s4], $0x20, s20, s4, $0xb8;
	[tilespmem:$0x9F00] =	vst v63  }
0xb5: {  	_ =	swait.ge [sflag:s6], $0x2000  }
0xb6: {  	[sflag:s6] =	ssyncset.done $0x0  }
0xb7: {  	s20 =	rddreg [dreg:$0x19];
	[sflag:s6] =	ssyncadd.s32 $0xFFFFE000  }
0xb8: {  	[hbm4b:s20+s18] =	stream.strided.scatter [tilespmem:s21], [sflag:$0x2], $0x2000, s5, s18, $0x38;
	[tilespmem:$0x9F00] =	vst v63  }
0xb9: {  	_ =	swait.ge [sflag:s6], $0x2000  }
0xba: {  	[sflag:s6] =	ssyncset.done $0x0  }
0xbb: {  	s22 =	rddreg [dreg:$0x1a];
	[sflag:s6] =	ssyncadd.s32 $0xFFFFE000  }
0xbc: {  	[hbm4b:s22+s18] =	stream.strided.scatter [tilespmem:s17], [sflag:$0x2], $0x2000, s5, s18, $0x38;
	[tilespmem:$0x9F00] =	vst v63  }
0xbd: {  	_ =	swait.ge [sflag:s6], $0x2000  }
0xbe: {  	[sflag:s6] =	ssyncset.done $0x0  }
0xbf: {  	s24 =	rddreg [dreg:$0x1b];
	[sflag:s6] =	ssyncadd.s32 $0xFFFFE000  }
0xc0: {  	[hbm4b:s24+s18] =	stream.strided.scatter [tilespmem:s19], [sflag:$0x2], $0x2000, s5, s18, $0x38;
	[tilespmem:$0x9F00] =	vst v63  }
0xc1: {  	_ = 	snop  }
0xc2: {  	[tilespmem:s10], [sflag:$0x1] =	stream.indirect.gather [hbm4b:s3+s4], $0x10, s15, s4, $0xb8;
	[tilespmem:$0x9F00] =	vst v63  }
0xc3: {  	_ = 	snop  }
0xc4: {  	[tilespmem:s7], [sflag:$0x1] =	stream.indirect.gather [hbm4b:s3+s4], $0x10, s16, s4, $0xb8;
	[tilespmem:$0x9F00] =	vst v63  }
0xc5: {  	_ = 	snop  }
0xc6: {  	[tilespmem:s12], [sflag:$0x1] =	stream.indirect.gather [hbm4b:s3+s4], $0x10, s14, s4, $0xb8;
	[tilespmem:$0x9F00] =	vst v63  }
0xc7: {  	s25 =	rddreg [dreg:$0x1c]  }
0xc8: {  	[hbm4b:s25+s18] =	stream.strided.scatter [tilespmem:s17], [sflag:$0x2], $0x2000, s5, s18, $0x38;
	[tilespmem:$0x9F00] =	vst v63  }
0xc9: {  	s26 =	rddreg [dreg:$0x1d]  }
0xca: {  	[hbm4b:s26+s18] =	stream.strided.scatter [tilespmem:s17], [sflag:$0x2], $0x2000, s5, s18, $0x38;
	[tilespmem:$0x9F00] =	vst v63  }
0xcb: {  	_ =	swait.ge [sflag:s6], $0x1000  }
0xcc: {  	[sflag:s6] =	ssyncset.done $0x0  }
0xcd: {  	s1 =	rddreg [dreg:$0x1e];
	[sflag:s6] =	ssyncadd.s32 $0xFFFFF000  }
0xce: {  	[hbm4b:s1+s8] =	stream.strided.scatter [tilespmem:s10], [sflag:$0x2], $0x1000, s5, s8, $0x38;
	[tilespmem:$0x9F00] =	vst v63  }
0xcf: {  	_ =	swait.ge [sflag:s2], $0x1000  }
0xd0: {  	[sflag:s2] =	ssyncset.done $0x0  }
0xd1: {  	[sflag:s2] =	ssyncadd.s32 $0xFFFFF000  }
0xd2: {  	[tilespmem:s10], [sflag:$0x1] =	stream.indirect.gather [hbm4b:s3+s4], $0x10, s11, s4, $0xb8;
	[tilespmem:$0x9F00] =	vst v63  }
0xd3: {  	_ =	swait.ge [sflag:s6], $0x1000  }
0xd4: {  	[sflag:s6] =	ssyncset.done $0x0  }
0xd5: {  	s14 =	rddreg [dreg:$0x1f];
	[sflag:s6] =	ssyncadd.s32 $0xFFFFF000  }
0xd6: {  	[hbm4b:s14+s8] =	stream.strided.scatter [tilespmem:s7], [sflag:$0x2], $0x1000, s5, s8, $0x38;
	[tilespmem:$0x9F00] =	vst v63  }
0xd7: {  	_ =	swait.ge [sflag:s2], $0x1000  }
0xd8: {  	[sflag:s2] =	ssyncset.done $0x0  }
0xd9: {  	[sflag:s2] =	ssyncadd.s32 $0xFFFFF000  }
0xda: {  	[tilespmem:s7], [sflag:$0x1] =	stream.indirect.gather [hbm4b:s3+s4], $0x10, s9, s4, $0xb8;
	[tilespmem:$0x9F00] =	vst v63  }
0xdb: {  	_ =	swait.ge [sflag:s6], $0x1000  }
0xdc: {  	s15 =	sld [smem:$0x7F8]  }
0xdd: {  	[sflag:s6] =	ssyncset.done $0x0  }
0xde: {  	[sflag:s6] =	ssyncadd.s32 $0xFFFFF000  }
0xdf: {  	[hbm4b:s15+s8] =	stream.strided.scatter [tilespmem:s12], [sflag:$0x2], $0x1000, s5, s8, $0x38;
	[tilespmem:$0x9F00] =	vst v63  }
0xe0: {  	_ =	swait.ge [sflag:s6], $0x1000  }
0xe1: {  	s16 =	sld [smem:$0x7F9]  }
0xe2: {  	[sflag:s6] =	ssyncset.done $0x0  }
0xe3: {  	[sflag:s6] =	ssyncadd.s32 $0xFFFFF000  }
0xe4: {  	[hbm4b:s16+s8] =	stream.strided.scatter [tilespmem:s10], [sflag:$0x2], $0x1000, s5, s8, $0x38;
	[tilespmem:$0x9F00] =	vst v63  }
0xe5: {  	_ =	swait.ge [sflag:s6], $0x1000  }
0xe6: {  	s20 =	sld [smem:$0x7FA]  }
0xe7: {  	[sflag:s6] =	ssyncset.done $0x0  }
0xe8: {  	s22 =	sld [smem:$0x7FB];
	[sflag:s6] =	ssyncadd.s32 $0xFFFFF000  }
0xe9: {  	[hbm4b:s20+s8] =	stream.strided.scatter [tilespmem:s7], [sflag:$0x2], $0x1000, s5, s8, $0x38;
	[tilespmem:$0x9F00] =	vst v63  }
0xea: {  	s24 =	sld [smem:$0x7FC]  }
0xeb: {  	[hbm4b:s22+s8] =	stream.strided.scatter [tilespmem:s7], [sflag:$0x2], $0x1000, s5, s8, $0x38;
	[tilespmem:$0x9F00] =	vst v63  }
0xec: {  	s25 =	sld [smem:$0x7FD]  }
0xed: {  	[hbm4b:s24+s8] =	stream.strided.scatter [tilespmem:s7], [sflag:$0x2], $0x1000, s5, s8, $0x38;
	[tilespmem:$0x9F00] =	vst v63  }
0xee: {  	_ = 	snop  }
0xef: {  	[hbm4b:s25+s8] =	stream.strided.scatter [tilespmem:s7], [sflag:$0x2], $0x1000, s5, s8, $0x38;
	[tilespmem:$0x9F00] =	vst v63  }
0xf0: {  	_ =	swait.ge [sflag:s2], $0x2000  }
0xf1: {  	[sflag:s2] =	ssyncset.done $0x0  }
0xf2: {  	[sflag:s2] =	ssyncadd.s32 $0xFFFFE000  }
0xf3: {  	_ =	swait.ge [sflag:s2], $0x2000  }
0xf4: {  	[sflag:s2] =	ssyncset.done $0x0  }
0xf5: {  	[sflag:s2] =	ssyncadd.s32 $0xFFFFE000  }
0xf6: {  	_ =	swait.ge [sflag:s2], $0x2000  }
0xf7: {  	[sflag:s2] =	ssyncset.done $0x0  }
0xf8: {  	[sflag:s2] =	ssyncadd.s32 $0xFFFFE000  }
0xf9: {  	_ =	swait.ge [sflag:s2], $0x2000  }
0xfa: {  	[sflag:s2] =	ssyncset.done $0x0  }
0xfb: {  	[sflag:s2] =	ssyncadd.s32 $0xFFFFE000  }
0xfc: {  	_ =	swait.ge [sflag:s2], $0x2000  }
0xfd: {  	[sflag:s2] =	ssyncset.done $0x0  }
0xfe: {  	[sflag:s2] =	ssyncadd.s32 $0xFFFFE000  }
0xff: {  	_ =	swait.ge [sflag:s2], $0x1000  }
0x100: {  	[sflag:s2] =	ssyncset.done $0x0  }
0x101: {  	[sflag:s2] =	ssyncadd.s32 $0xFFFFF000  }
0x102: {  	_ =	swait.ge [sflag:s2], $0x1000  }
0x103: {  	[sflag:s2] =	ssyncset.done $0x0  }
0x104: {  	[sflag:s2] =	ssyncadd.s32 $0xFFFFF000  }
0x105: {  	_ =	swait.ge [sflag:s2], $0x1000  }
0x106: {  	[sflag:s2] =	ssyncset.done $0x0  }
0x107: {  	[sflag:s2] =	ssyncadd.s32 $0xFFFFF000  }
0x108: {  	_ =	swait.ge [sflag:s2], $0x1000  }
0x109: {  	[sflag:s2] =	ssyncset.done $0x0  }
0x10a: {  	[sflag:s2] =	ssyncadd.s32 $0xFFFFF000  }
0x10b: {  	_ =	swait.ge [sflag:s2], $0x1000  }
0x10c: {  	s26 =	sld [smem:$0x7F7];
	_ =	sdelay $0x2  }
0x10d: {  	p0 =	por $0x1, $0x1;
	s31 =	simm.s32 $0x300;
	p1 =	sne.s32 s26, $0x1  }
.Ltmp1:
0x10e: {  	s29 =	simm.s32 $0x400;
	s28 =	simm.s32 $0x500;
	(pc) =	sbr.rel @!p1 .LBB2_6-.Ltmp1, $4  }
0x10f: {  	s12 =	simm.s32 $0x200;
	s20 =	simm.s32 $0xB00;
	[sflag:s2] =	ssyncset.done $0x0  }
0x110: {  	s22 =	simm.s32 $0x900;
	s24 =	simm.s32 $0x800;
	[sflag:s2] =	ssyncadd.s32 $0xFFFFF000  }
0x111: {  	s25 =	simm.s32 $0x700;
	_ =	swait.ge [sflag:s2], $0x1000;
	s1 =	sadd.s32 $0xFFFFFFFF, s26  }
0x112: {  	s0 =	rddreg [dreg:$0x3];
	[sflag:s2] =	ssyncset.done $0x0;
	s26 =	simm.s32 $0x600  }
0x113: {  	s16 =	simm.s32 $0xC00;
	s11 =	simm.s32 $0xD00;
	s14 =	simm.s32 $0xE00  }
.LBB2_3:
0x114: {  	[sflag:s2] =	ssyncadd.s32 $0xFFFFF000  }
0x115: {  	[tilespmem:s23], [sflag:$0x3] =	stream.linear.gather [hbm4b:s0+s23], $0x100, $0x38;
	[tilespmem:$0x9F00] =	vst v63  }
0x116: {  	s9 =	rddreg [dreg:$0x4]  }
0x117: {  	[tilespmem:s4], [sflag:$0x3] =	stream.linear.gather [hbm4b:s9+s23], $0x100, $0x38;
	[tilespmem:$0x9F00] =	vst v63  }
0x118: {  	s0 =	rddreg [dreg:$0x5]  }
0x119: {  	[tilespmem:s12], [sflag:$0x3] =	stream.linear.gather [hbm4b:s0+s23], $0x100, $0x38;
	[tilespmem:$0x9F00] =	vst v63  }
0x11a: {  	s15 =	rddreg [dreg:$0x6]  }
0x11b: {  	[tilespmem:s31], [sflag:$0x3] =	stream.linear.gather [hbm4b:s15+s23], $0x100, $0x38;
	[tilespmem:$0x9F00] =	vst v63  }
0x11c: {  	s0 =	rddreg [dreg:$0x7]  }
0x11d: {  	[tilespmem:s29], [sflag:$0x3] =	stream.linear.gather [hbm4b:s0+s23], $0x100, $0x38;
	[tilespmem:$0x9F00] =	vst v63  }
0x11e: {  	s15 =	rddreg [dreg:$0x8]  }
0x11f: {  	[tilespmem:s28], [sflag:$0x3] =	stream.linear.gather [hbm4b:s15+s23], $0x100, $0x38;
	[tilespmem:$0x9F00] =	vst v63  }
0x120: {  	s0 =	rddreg [dreg:$0x9]  }
0x121: {  	[tilespmem:s26], [sflag:$0x3] =	stream.linear.gather [hbm4b:s0+s23], $0x100, $0x38;
	[tilespmem:$0x9F00] =	vst v63  }
0x122: {  	s15 =	rddreg [dreg:$0xa]  }
0x123: {  	[tilespmem:s25], [sflag:$0x3] =	stream.linear.gather [hbm4b:s15+s23], $0x100, $0x38;
	[tilespmem:$0x9F00] =	vst v63  }
0x124: {  	s0 =	rddreg [dreg:$0xb]  }
0x125: {  	[tilespmem:s24], [sflag:$0x3] =	stream.linear.gather [hbm4b:s0+s23], $0x100, $0x38;
	[tilespmem:$0x9F00] =	vst v63  }
0x126: {  	s15 =	rddreg [dreg:$0xc]  }
0x127: {  	[tilespmem:s22], [sflag:$0x3] =	stream.linear.gather [hbm4b:s15+s23], $0x100, $0x38;
	[tilespmem:$0x9F00] =	vst v63  }
0x128: {  	s0 =	rddreg [dreg:$0xd];
	s15 =	simm.s32 $0xA00  }
0x129: {  	[tilespmem:s15], [sflag:$0x3] =	stream.linear.gather [hbm4b:s0+s23], $0x100, $0x38;
	[tilespmem:$0x9F00] =	vst v63  }
0x12a: {  	s9 =	rddreg [dreg:$0xe]  }
0x12b: {  	[tilespmem:s20], [sflag:$0x3] =	stream.linear.gather [hbm4b:s9+s23], $0x100, $0x38;
	[tilespmem:$0x9F00] =	vst v63  }
0x12c: {  	s0 =	rddreg [dreg:$0xf]  }
0x12d: {  	[tilespmem:s16], [sflag:$0x3] =	stream.linear.gather [hbm4b:s0+s23], $0x100, $0x38;
	[tilespmem:$0x9F00] =	vst v63  }
0x12e: {  	s9 =	rddreg [dreg:$0x10]  }
0x12f: {  	[tilespmem:s11], [sflag:$0x3] =	stream.linear.gather [hbm4b:s9+s23], $0x100, $0x38;
	[tilespmem:$0x9F00] =	vst v63  }
0x130: {  	s0 =	rddreg [dreg:$0x11]  }
0x131: {  	[tilespmem:s14], [sflag:$0x3] =	stream.linear.gather [hbm4b:s0+s23], $0x100, $0x38;
	[tilespmem:$0x9F00] =	vst v63  }
0x132: {  	_ =	swait.ge [sflag:s30], $0x100  }
0x133: {  	[sflag:s30] =	ssyncset.done $0x0  }
0x134: {  	[sflag:s30] =	ssyncadd.s32 $0xFFFFFF00  }
0x135: {  	[tilespmem:s19], [sflag:$0x1] =	stream.indirect.gather [hbm4b:s13+s4], $0x20, s23, s4, $0xb8;
	[tilespmem:$0x9F00] =	vst v63  }
0x136: {  	_ =	swait.ge [sflag:s30], $0x100  }
0x137: {  	[sflag:s30] =	ssyncset.done $0x0  }
0x138: {  	[sflag:s30] =	ssyncadd.s32 $0xFFFFFF00  }
0x139: {  	[tilespmem:s21], [sflag:$0x1] =	stream.indirect.gather [hbm4b:s13+s4], $0x20, s4, s4, $0xb8;
	[tilespmem:$0x9F00] =	vst v63  }
0x13a: {  	_ =	swait.ge [sflag:s30], $0x100  }
0x13b: {  	[sflag:s30] =	ssyncset.done $0x0  }
0x13c: {  	[sflag:s30] =	ssyncadd.s32 $0xFFFFFF00  }
0x13d: {  	[tilespmem:s17], [sflag:$0x1] =	stream.indirect.gather [hbm4b:s13+s4], $0x20, s12, s4, $0xb8;
	[tilespmem:$0x9F00] =	vst v63  }
0x13e: {  	_ =	swait.ge [sflag:s30], $0x100  }
0x13f: {  	[sflag:s30] =	ssyncset.done $0x0  }
0x140: {  	[sflag:s30] =	ssyncadd.s32 $0xFFFFFF00  }
0x141: {  	_ =	swait.ge [sflag:s30], $0x100  }
0x142: {  	[sflag:s30] =	ssyncset.done $0x0  }
0x143: {  	[sflag:s30] =	ssyncadd.s32 $0xFFFFFF00  }
0x144: {  	_ =	swait.ge [sflag:s30], $0x100  }
0x145: {  	[sflag:s30] =	ssyncset.done $0x0  }
0x146: {  	[sflag:s30] =	ssyncadd.s32 $0xFFFFFF00  }
0x147: {  	_ =	swait.ge [sflag:s30], $0x100  }
0x148: {  	[sflag:s30] =	ssyncset.done $0x0  }
0x149: {  	[sflag:s30] =	ssyncadd.s32 $0xFFFFFF00  }
0x14a: {  	_ =	swait.ge [sflag:s30], $0x100  }
0x14b: {  	[sflag:s30] =	ssyncset.done $0x0  }
0x14c: {  	[sflag:s30] =	ssyncadd.s32 $0xFFFFFF00  }
0x14d: {  	_ =	swait.ge [sflag:s30], $0x100  }
0x14e: {  	[sflag:s30] =	ssyncset.done $0x0  }
0x14f: {  	[sflag:s30] =	ssyncadd.s32 $0xFFFFFF00  }
0x150: {  	_ =	swait.ge [sflag:s30], $0x100  }
0x151: {  	[sflag:s30] =	ssyncset.done $0x0  }
0x152: {  	[sflag:s30] =	ssyncadd.s32 $0xFFFFFF00  }
0x153: {  	_ =	swait.ge [sflag:s30], $0x100  }
0x154: {  	[sflag:s30] =	ssyncset.done $0x0  }
0x155: {  	[sflag:s30] =	ssyncadd.s32 $0xFFFFFF00  }
0x156: {  	_ =	swait.ge [sflag:s30], $0x100  }
0x157: {  	[sflag:s30] =	ssyncset.done $0x0  }
0x158: {  	[sflag:s30] =	ssyncadd.s32 $0xFFFFFF00  }
0x159: {  	_ =	swait.ge [sflag:s30], $0x100  }
0x15a: {  	[sflag:s30] =	ssyncset.done $0x0  }
0x15b: {  	[sflag:s30] =	ssyncadd.s32 $0xFFFFFF00  }
0x15c: {  	_ =	swait.ge [sflag:s30], $0x100  }
0x15d: {  	[sflag:s30] =	ssyncset.done $0x0  }
0x15e: {  	[sflag:s30] =	ssyncadd.s32 $0xFFFFFF00  }
0x15f: {  	_ =	swait.ge [sflag:s30], $0x100  }
0x160: {  	[sflag:s30] =	ssyncset.done $0x0  }
0x161: {  	[sflag:s30] =	ssyncadd.s32 $0xFFFFFF00  }
0x162: {  	_ =	swait.ge [sflag:s6], $0x2000  }
0x163: {  	[sflag:s6] =	ssyncset.done $0x0  }
0x164: {  	s9 =	rddreg [dreg:$0x12];
	[sflag:s6] =	ssyncadd.s32 $0xFFFFE000  }
0x165: {  	[hbm4b:s9+s18] =	stream.strided.scatter [tilespmem:s19], [sflag:$0x2], $0x2000, s5, s18, $0x38;
	[tilespmem:$0x9F00] =	vst v63  }
0x166: {  	_ =	swait.ge [sflag:s2], $0x2000  }
0x167: {  	[sflag:s2] =	ssyncset.done $0x0  }
0x168: {  	[sflag:s2] =	ssyncadd.s32 $0xFFFFE000  }
0x169: {  	[tilespmem:s19], [sflag:$0x1] =	stream.indirect.gather [hbm4b:s13+s4], $0x20, s31, s4, $0xb8;
	[tilespmem:$0x9F00] =	vst v63  }
0x16a: {  	_ =	swait.ge [sflag:s6], $0x2000  }
0x16b: {  	[sflag:s6] =	ssyncset.done $0x0  }
0x16c: {  	s9 =	rddreg [dreg:$0x13];
	[sflag:s6] =	ssyncadd.s32 $0xFFFFE000  }
0x16d: {  	[hbm4b:s9+s18] =	stream.strided.scatter [tilespmem:s21], [sflag:$0x2], $0x2000, s5, s18, $0x38;
	[tilespmem:$0x9F00] =	vst v63  }
0x16e: {  	_ =	swait.ge [sflag:s2], $0x2000  }
0x16f: {  	[sflag:s2] =	ssyncset.done $0x0  }
0x170: {  	[sflag:s2] =	ssyncadd.s32 $0xFFFFE000  }
0x171: {  	[tilespmem:s21], [sflag:$0x1] =	stream.indirect.gather [hbm4b:s13+s4], $0x20, s29, s4, $0xb8;
	[tilespmem:$0x9F00] =	vst v63  }
0x172: {  	_ =	swait.ge [sflag:s6], $0x2000  }
0x173: {  	[sflag:s6] =	ssyncset.done $0x0  }
0x174: {  	s9 =	rddreg [dreg:$0x14];
	[sflag:s6] =	ssyncadd.s32 $0xFFFFE000  }
0x175: {  	[hbm4b:s9+s18] =	stream.strided.scatter [tilespmem:s17], [sflag:$0x2], $0x2000, s5, s18, $0x38;
	[tilespmem:$0x9F00] =	vst v63  }
0x176: {  	_ =	swait.ge [sflag:s2], $0x2000  }
0x177: {  	[sflag:s2] =	ssyncset.done $0x0  }
0x178: {  	[sflag:s2] =	ssyncadd.s32 $0xFFFFE000  }
0x179: {  	[tilespmem:s17], [sflag:$0x1] =	stream.indirect.gather [hbm4b:s13+s4], $0x20, s28, s4, $0xb8;
	[tilespmem:$0x9F00] =	vst v63  }
0x17a: {  	_ =	swait.ge [sflag:s6], $0x2000  }
0x17b: {  	[sflag:s6] =	ssyncset.done $0x0  }
0x17c: {  	s9 =	rddreg [dreg:$0x15];
	[sflag:s6] =	ssyncadd.s32 $0xFFFFE000  }
0x17d: {  	[hbm4b:s9+s18] =	stream.strided.scatter [tilespmem:s19], [sflag:$0x2], $0x2000, s5, s18, $0x38;
	[tilespmem:$0x9F00] =	vst v63  }
0x17e: {  	_ =	swait.ge [sflag:s2], $0x2000  }
0x17f: {  	[sflag:s2] =	ssyncset.done $0x0  }
0x180: {  	[sflag:s2] =	ssyncadd.s32 $0xFFFFE000  }
0x181: {  	[tilespmem:s19], [sflag:$0x1] =	stream.indirect.gather [hbm4b:s13+s4], $0x20, s26, s4, $0xb8;
	[tilespmem:$0x9F00] =	vst v63  }
0x182: {  	_ =	swait.ge [sflag:s6], $0x2000  }
0x183: {  	[sflag:s6] =	ssyncset.done $0x0  }
0x184: {  	s9 =	rddreg [dreg:$0x16];
	[sflag:s6] =	ssyncadd.s32 $0xFFFFE000  }
0x185: {  	[hbm4b:s9+s18] =	stream.strided.scatter [tilespmem:s21], [sflag:$0x2], $0x2000, s5, s18, $0x38;
	[tilespmem:$0x9F00] =	vst v63  }
0x186: {  	_ =	swait.ge [sflag:s2], $0x2000  }
0x187: {  	[sflag:s2] =	ssyncset.done $0x0  }
0x188: {  	[sflag:s2] =	ssyncadd.s32 $0xFFFFE000  }
0x189: {  	[tilespmem:s21], [sflag:$0x1] =	stream.indirect.gather [hbm4b:s13+s4], $0x20, s25, s4, $0xb8;
	[tilespmem:$0x9F00] =	vst v63  }
0x18a: {  	_ =	swait.ge [sflag:s6], $0x2000  }
0x18b: {  	[sflag:s6] =	ssyncset.done $0x0  }
0x18c: {  	s9 =	rddreg [dreg:$0x17];
	[sflag:s6] =	ssyncadd.s32 $0xFFFFE000  }
0x18d: {  	[hbm4b:s9+s18] =	stream.strided.scatter [tilespmem:s17], [sflag:$0x2], $0x2000, s5, s18, $0x38;
	[tilespmem:$0x9F00] =	vst v63  }
0x18e: {  	_ =	swait.ge [sflag:s2], $0x2000  }
0x18f: {  	[sflag:s2] =	ssyncset.done $0x0  }
0x190: {  	[sflag:s2] =	ssyncadd.s32 $0xFFFFE000  }
0x191: {  	[tilespmem:s17], [sflag:$0x1] =	stream.indirect.gather [hbm4b:s13+s4], $0x20, s24, s4, $0xb8;
	[tilespmem:$0x9F00] =	vst v63  }
0x192: {  	_ =	swait.ge [sflag:s6], $0x2000  }
0x193: {  	[sflag:s6] =	ssyncset.done $0x0  }
0x194: {  	s9 =	rddreg [dreg:$0x18];
	[sflag:s6] =	ssyncadd.s32 $0xFFFFE000  }
0x195: {  	[hbm4b:s9+s18] =	stream.strided.scatter [tilespmem:s19], [sflag:$0x2], $0x2000, s5, s18, $0x38;
	[tilespmem:$0x9F00] =	vst v63  }
0x196: {  	_ =	swait.ge [sflag:s2], $0x2000  }
0x197: {  	[sflag:s2] =	ssyncset.done $0x0  }
0x198: {  	[sflag:s2] =	ssyncadd.s32 $0xFFFFE000  }
0x199: {  	[tilespmem:s19], [sflag:$0x1] =	stream.indirect.gather [hbm4b:s13+s4], $0x20, s22, s4, $0xb8;
	[tilespmem:$0x9F00] =	vst v63  }
0x19a: {  	_ =	swait.ge [sflag:s6], $0x2000  }
0x19b: {  	[sflag:s6] =	ssyncset.done $0x0  }
0x19c: {  	s9 =	rddreg [dreg:$0x19];
	[sflag:s6] =	ssyncadd.s32 $0xFFFFE000  }
0x19d: {  	[hbm4b:s9+s18] =	stream.strided.scatter [tilespmem:s21], [sflag:$0x2], $0x2000, s5, s18, $0x38;
	[tilespmem:$0x9F00] =	vst v63  }
0x19e: {  	_ =	swait.ge [sflag:s6], $0x2000  }
0x19f: {  	[sflag:s6] =	ssyncset.done $0x0  }
0x1a0: {  	s9 =	rddreg [dreg:$0x1a];
	[sflag:s6] =	ssyncadd.s32 $0xFFFFE000  }
0x1a1: {  	[hbm4b:s9+s18] =	stream.strided.scatter [tilespmem:s17], [sflag:$0x2], $0x2000, s5, s18, $0x38;
	[tilespmem:$0x9F00] =	vst v63  }
0x1a2: {  	_ =	swait.ge [sflag:s6], $0x2000  }
0x1a3: {  	[sflag:s6] =	ssyncset.done $0x0  }
0x1a4: {  	s9 =	rddreg [dreg:$0x1b];
	[sflag:s6] =	ssyncadd.s32 $0xFFFFE000  }
0x1a5: {  	[hbm4b:s9+s18] =	stream.strided.scatter [tilespmem:s19], [sflag:$0x2], $0x2000, s5, s18, $0x38;
	[tilespmem:$0x9F00] =	vst v63  }
0x1a6: {  	_ = 	snop  }
0x1a7: {  	[tilespmem:s10], [sflag:$0x1] =	stream.indirect.gather [hbm4b:s3+s4], $0x10, s15, s4, $0xb8;
	[tilespmem:$0x9F00] =	vst v63  }
0x1a8: {  	_ = 	snop  }
0x1a9: {  	[tilespmem:s7], [sflag:$0x1] =	stream.indirect.gather [hbm4b:s3+s4], $0x10, s20, s4, $0xb8;
	[tilespmem:$0x9F00] =	vst v63  }
0x1aa: {  	s15 =	simm.s32 $0x8F00  }
0x1ab: {  	[tilespmem:s15], [sflag:$0x1] =	stream.indirect.gather [hbm4b:s3+s4], $0x10, s16, s4, $0xb8;
	[tilespmem:$0x9F00] =	vst v63  }
0x1ac: {  	s0 =	rddreg [dreg:$0x1c]  }
0x1ad: {  	[hbm4b:s0+s18] =	stream.strided.scatter [tilespmem:s17], [sflag:$0x2], $0x2000, s5, s18, $0x38;
	[tilespmem:$0x9F00] =	vst v63  }
0x1ae: {  	s9 =	rddreg [dreg:$0x1d]  }
0x1af: {  	[hbm4b:s9+s18] =	stream.strided.scatter [tilespmem:s17], [sflag:$0x2], $0x2000, s5, s18, $0x38;
	[tilespmem:$0x9F00] =	vst v63  }
0x1b0: {  	_ =	swait.ge [sflag:s6], $0x1000  }
0x1b1: {  	[sflag:s6] =	ssyncset.done $0x0  }
0x1b2: {  	s9 =	rddreg [dreg:$0x1e];
	[sflag:s6] =	ssyncadd.s32 $0xFFFFF000  }
0x1b3: {  	[hbm4b:s9+s8] =	stream.strided.scatter [tilespmem:s10], [sflag:$0x2], $0x1000, s5, s8, $0x38;
	[tilespmem:$0x9F00] =	vst v63  }
0x1b4: {  	_ =	swait.ge [sflag:s2], $0x1000  }
0x1b5: {  	[sflag:s2] =	ssyncset.done $0x0  }
0x1b6: {  	[sflag:s2] =	ssyncadd.s32 $0xFFFFF000  }
0x1b7: {  	[tilespmem:s10], [sflag:$0x1] =	stream.indirect.gather [hbm4b:s3+s4], $0x10, s11, s4, $0xb8;
	[tilespmem:$0x9F00] =	vst v63  }
0x1b8: {  	_ =	swait.ge [sflag:s6], $0x1000  }
0x1b9: {  	[sflag:s6] =	ssyncset.done $0x0  }
0x1ba: {  	s9 =	rddreg [dreg:$0x1f];
	[sflag:s6] =	ssyncadd.s32 $0xFFFFF000  }
0x1bb: {  	[hbm4b:s9+s8] =	stream.strided.scatter [tilespmem:s7], [sflag:$0x2], $0x1000, s5, s8, $0x38;
	[tilespmem:$0x9F00] =	vst v63  }
0x1bc: {  	_ =	swait.ge [sflag:s2], $0x1000  }
0x1bd: {  	[sflag:s2] =	ssyncset.done $0x0  }
0x1be: {  	[sflag:s2] =	ssyncadd.s32 $0xFFFFF000  }
0x1bf: {  	[tilespmem:s7], [sflag:$0x1] =	stream.indirect.gather [hbm4b:s3+s4], $0x10, s14, s4, $0xb8;
	[tilespmem:$0x9F00] =	vst v63  }
0x1c0: {  	_ =	swait.ge [sflag:s6], $0x1000  }
0x1c1: {  	s9 =	sld [smem:$0x7F8]  }
0x1c2: {  	[sflag:s6] =	ssyncset.done $0x0  }
0x1c3: {  	[sflag:s6] =	ssyncadd.s32 $0xFFFFF000  }
0x1c4: {  	[hbm4b:s9+s8] =	stream.strided.scatter [tilespmem:s15], [sflag:$0x2], $0x1000, s5, s8, $0x38;
	[tilespmem:$0x9F00] =	vst v63  }
0x1c5: {  	_ =	swait.ge [sflag:s6], $0x1000  }
0x1c6: {  	s15 =	sld [smem:$0x7F9]  }
0x1c7: {  	[sflag:s6] =	ssyncset.done $0x0  }
0x1c8: {  	[sflag:s6] =	ssyncadd.s32 $0xFFFFF000  }
0x1c9: {  	[hbm4b:s15+s8] =	stream.strided.scatter [tilespmem:s10], [sflag:$0x2], $0x1000, s5, s8, $0x38;
	[tilespmem:$0x9F00] =	vst v63  }
0x1ca: {  	_ =	swait.ge [sflag:s6], $0x1000  }
0x1cb: {  	s9 =	sld [smem:$0x7FA]  }
0x1cc: {  	[sflag:s6] =	ssyncset.done $0x0  }
0x1cd: {  	s15 =	sld [smem:$0x7FB];
	[sflag:s6] =	ssyncadd.s32 $0xFFFFF000  }
0x1ce: {  	[hbm4b:s9+s8] =	stream.strided.scatter [tilespmem:s7], [sflag:$0x2], $0x1000, s5, s8, $0x38;
	[tilespmem:$0x9F00] =	vst v63  }
0x1cf: {  	s0 =	sld [smem:$0x7FC]  }
0x1d0: {  	[hbm4b:s15+s8] =	stream.strided.scatter [tilespmem:s7], [sflag:$0x2], $0x1000, s5, s8, $0x38;
	[tilespmem:$0x9F00] =	vst v63  }
0x1d1: {  	s15 =	sld [smem:$0x7FD]  }
0x1d2: {  	[hbm4b:s0+s8] =	stream.strided.scatter [tilespmem:s7], [sflag:$0x2], $0x1000, s5, s8, $0x38;
	[tilespmem:$0x9F00] =	vst v63  }
0x1d3: {  	_ = 	snop  }
0x1d4: {  	[hbm4b:s15+s8] =	stream.strided.scatter [tilespmem:s7], [sflag:$0x2], $0x1000, s5, s8, $0x38;
	[tilespmem:$0x9F00] =	vst v63  }
0x1d5: {  	_ =	swait.ge [sflag:s2], $0x2000  }
0x1d6: {  	[sflag:s2] =	ssyncset.done $0x0  }
0x1d7: {  	[sflag:s2] =	ssyncadd.s32 $0xFFFFE000  }
0x1d8: {  	_ =	swait.ge [sflag:s2], $0x2000  }
0x1d9: {  	[sflag:s2] =	ssyncset.done $0x0  }
0x1da: {  	[sflag:s2] =	ssyncadd.s32 $0xFFFFE000  }
0x1db: {  	_ =	swait.ge [sflag:s2], $0x2000  }
0x1dc: {  	[sflag:s2] =	ssyncset.done $0x0  }
0x1dd: {  	[sflag:s2] =	ssyncadd.s32 $0xFFFFE000  }
0x1de: {  	_ =	swait.ge [sflag:s2], $0x2000  }
0x1df: {  	[sflag:s2] =	ssyncset.done $0x0  }
0x1e0: {  	[sflag:s2] =	ssyncadd.s32 $0xFFFFE000  }
0x1e1: {  	_ =	swait.ge [sflag:s2], $0x2000  }
0x1e2: {  	[sflag:s2] =	ssyncset.done $0x0  }
0x1e3: {  	[sflag:s2] =	ssyncadd.s32 $0xFFFFE000  }
0x1e4: {  	_ =	swait.ge [sflag:s2], $0x1000  }
0x1e5: {  	[sflag:s2] =	ssyncset.done $0x0  }
0x1e6: {  	[sflag:s2] =	ssyncadd.s32 $0xFFFFF000  }
0x1e7: {  	_ =	swait.ge [sflag:s2], $0x1000  }
0x1e8: {  	[sflag:s2] =	ssyncset.done $0x0  }
0x1e9: {  	[sflag:s2] =	ssyncadd.s32 $0xFFFFF000  }
0x1ea: {  	_ =	swait.ge [sflag:s2], $0x1000  }
0x1eb: {  	[sflag:s2] =	ssyncset.done $0x0  }
0x1ec: {  	[sflag:s2] =	ssyncadd.s32 $0xFFFFF000  }
0x1ed: {  	_ =	swait.ge [sflag:s2], $0x1000  }
0x1ee: {  	[sflag:s2] =	ssyncset.done $0x0  }
0x1ef: {  	p1 =	sne.s32 s1, $0x1;
	[sflag:s2] =	ssyncadd.s32 $0xFFFFF000  }
.Ltmp2:
0x1f0: {  	_ =	swait.ge [sflag:s2], $0x1000;
	(pc) =	sbr.rel @p1 .LBB2_3-.Ltmp2, $4  }
0x1f1: {  	[sflag:s2] =	ssyncset.done $0x0  }
0x1f2: {  	[sflag:s2] =	ssyncadd.s32 $0xFFFFF000  }
0x1f3: {  	_ =	swait.ge [sflag:s2], $0x1000  }
0x1f4: {  	s1 =	sadd.s32 $0xFFFFFFFF, s1;
	s0 =	rddreg [dreg:$0x3];
	[sflag:s2] =	ssyncset.done $0x0  }
0x1f5: {  	s9 =	simm.s32 $0xE00;
	s11 =	simm.s32 $0xD00  }
0x1f6: {  	s12 =	simm.s32 $0x8F00;
	s14 =	simm.s32 $0xC00;
	s15 =	simm.s32 $0xA00  }
0x1f7: {  	s16 =	simm.s32 $0xB00;
	s20 =	simm.s32 $0x900;
	s22 =	simm.s32 $0x800  }
0x1f8: {  	s24 =	simm.s32 $0x700;
	s25 =	simm.s32 $0x600;
	s26 =	simm.s32 $0x500  }
0x1f9: {  	s28 =	simm.s32 $0x400;
	s29 =	simm.s32 $0x300;
	s31 =	simm.s32 $0x200  }
.LBB2_5:
0x1fa: {  	[sflag:s2] =	ssyncadd.s32 @p0 $0xFFFFF000  }
0x1fb: {  	[tilespmem:s23], [sflag:$0x3] =	stream.linear.gather [hbm4b:s0+s23], $0x100, $0x38;
	[tilespmem:$0x9F00] =	vst v63  }
0x1fc: {  	s1 =	rddreg [dreg:$0x4]  }
0x1fd: {  	[tilespmem:s4], [sflag:$0x3] =	stream.linear.gather [hbm4b:s1+s23], $0x100, $0x38;
	[tilespmem:$0x9F00] =	vst v63  }
0x1fe: {  	s0 =	rddreg [dreg:$0x5]  }
0x1ff: {  	[tilespmem:s31], [sflag:$0x3] =	stream.linear.gather [hbm4b:s0+s23], $0x100, $0x38;
	[tilespmem:$0x9F00] =	vst v63  }
0x200: {  	s1 =	rddreg [dreg:$0x6]  }
0x201: {  	[tilespmem:s29], [sflag:$0x3] =	stream.linear.gather [hbm4b:s1+s23], $0x100, $0x38;
	[tilespmem:$0x9F00] =	vst v63  }
0x202: {  	s0 =	rddreg [dreg:$0x7]  }
0x203: {  	[tilespmem:s28], [sflag:$0x3] =	stream.linear.gather [hbm4b:s0+s23], $0x100, $0x38;
	[tilespmem:$0x9F00] =	vst v63  }
0x204: {  	s1 =	rddreg [dreg:$0x8]  }
0x205: {  	[tilespmem:s26], [sflag:$0x3] =	stream.linear.gather [hbm4b:s1+s23], $0x100, $0x38;
	[tilespmem:$0x9F00] =	vst v63  }
0x206: {  	s0 =	rddreg [dreg:$0x9]  }
0x207: {  	[tilespmem:s25], [sflag:$0x3] =	stream.linear.gather [hbm4b:s0+s23], $0x100, $0x38;
	[tilespmem:$0x9F00] =	vst v63  }
0x208: {  	s1 =	rddreg [dreg:$0xa]  }
0x209: {  	[tilespmem:s24], [sflag:$0x3] =	stream.linear.gather [hbm4b:s1+s23], $0x100, $0x38;
	[tilespmem:$0x9F00] =	vst v63  }
0x20a: {  	s0 =	rddreg [dreg:$0xb]  }
0x20b: {  	[tilespmem:s22], [sflag:$0x3] =	stream.linear.gather [hbm4b:s0+s23], $0x100, $0x38;
	[tilespmem:$0x9F00] =	vst v63  }
0x20c: {  	s1 =	rddreg [dreg:$0xc]  }
0x20d: {  	[tilespmem:s20], [sflag:$0x3] =	stream.linear.gather [hbm4b:s1+s23], $0x100, $0x38;
	[tilespmem:$0x9F00] =	vst v63  }
0x20e: {  	s0 =	rddreg [dreg:$0xd]  }
0x20f: {  	[tilespmem:s15], [sflag:$0x3] =	stream.linear.gather [hbm4b:s0+s23], $0x100, $0x38;
	[tilespmem:$0x9F00] =	vst v63  }
0x210: {  	s1 =	rddreg [dreg:$0xe]  }
0x211: {  	[tilespmem:s16], [sflag:$0x3] =	stream.linear.gather [hbm4b:s1+s23], $0x100, $0x38;
	[tilespmem:$0x9F00] =	vst v63  }
0x212: {  	s0 =	rddreg [dreg:$0xf]  }
0x213: {  	[tilespmem:s14], [sflag:$0x3] =	stream.linear.gather [hbm4b:s0+s23], $0x100, $0x38;
	[tilespmem:$0x9F00] =	vst v63  }
0x214: {  	s1 =	rddreg [dreg:$0x10]  }
0x215: {  	[tilespmem:s11], [sflag:$0x3] =	stream.linear.gather [hbm4b:s1+s23], $0x100, $0x38;
	[tilespmem:$0x9F00] =	vst v63  }
0x216: {  	s0 =	rddreg [dreg:$0x11]  }
0x217: {  	[tilespmem:s9], [sflag:$0x3] =	stream.linear.gather [hbm4b:s0+s23], $0x100, $0x38;
	[tilespmem:$0x9F00] =	vst v63  }
0x218: {  	_ =	swait.ge [sflag:s30], $0x100  }
0x219: {  	[sflag:s30] =	ssyncset.done $0x0  }
0x21a: {  	[sflag:s30] =	ssyncadd.s32 $0xFFFFFF00  }
0x21b: {  	[tilespmem:s19], [sflag:$0x1] =	stream.indirect.gather [hbm4b:s13+s4], $0x20, s23, s4, $0xb8;
	[tilespmem:$0x9F00] =	vst v63  }
0x21c: {  	_ =	swait.ge [sflag:s30], $0x100  }
0x21d: {  	[sflag:s30] =	ssyncset.done $0x0  }
0x21e: {  	[sflag:s30] =	ssyncadd.s32 $0xFFFFFF00  }
0x21f: {  	[tilespmem:s21], [sflag:$0x1] =	stream.indirect.gather [hbm4b:s13+s4], $0x20, s4, s4, $0xb8;
	[tilespmem:$0x9F00] =	vst v63  }
0x220: {  	_ =	swait.ge [sflag:s30], $0x100  }
0x221: {  	[sflag:s30] =	ssyncset.done $0x0  }
0x222: {  	[sflag:s30] =	ssyncadd.s32 $0xFFFFFF00  }
0x223: {  	[tilespmem:s17], [sflag:$0x1] =	stream.indirect.gather [hbm4b:s13+s4], $0x20, s31, s4, $0xb8;
	[tilespmem:$0x9F00] =	vst v63  }
0x224: {  	_ =	swait.ge [sflag:s30], $0x100  }
0x225: {  	[sflag:s30] =	ssyncset.done $0x0  }
0x226: {  	[sflag:s30] =	ssyncadd.s32 $0xFFFFFF00  }
0x227: {  	_ =	swait.ge [sflag:s30], $0x100  }
0x228: {  	[sflag:s30] =	ssyncset.done $0x0  }
0x229: {  	[sflag:s30] =	ssyncadd.s32 $0xFFFFFF00  }
0x22a: {  	_ =	swait.ge [sflag:s30], $0x100  }
0x22b: {  	[sflag:s30] =	ssyncset.done $0x0  }
0x22c: {  	[sflag:s30] =	ssyncadd.s32 $0xFFFFFF00  }
0x22d: {  	_ =	swait.ge [sflag:s30], $0x100  }
0x22e: {  	[sflag:s30] =	ssyncset.done $0x0  }
0x22f: {  	[sflag:s30] =	ssyncadd.s32 $0xFFFFFF00  }
0x230: {  	_ =	swait.ge [sflag:s30], $0x100  }
0x231: {  	[sflag:s30] =	ssyncset.done $0x0  }
0x232: {  	[sflag:s30] =	ssyncadd.s32 $0xFFFFFF00  }
0x233: {  	_ =	swait.ge [sflag:s30], $0x100  }
0x234: {  	[sflag:s30] =	ssyncset.done $0x0  }
0x235: {  	[sflag:s30] =	ssyncadd.s32 $0xFFFFFF00  }
0x236: {  	_ =	swait.ge [sflag:s30], $0x100  }
0x237: {  	[sflag:s30] =	ssyncset.done $0x0  }
0x238: {  	[sflag:s30] =	ssyncadd.s32 $0xFFFFFF00  }
0x239: {  	_ =	swait.ge [sflag:s30], $0x100  }
0x23a: {  	[sflag:s30] =	ssyncset.done $0x0  }
0x23b: {  	[sflag:s30] =	ssyncadd.s32 $0xFFFFFF00  }
0x23c: {  	_ =	swait.ge [sflag:s30], $0x100  }
0x23d: {  	[sflag:s30] =	ssyncset.done $0x0  }
0x23e: {  	[sflag:s30] =	ssyncadd.s32 $0xFFFFFF00  }
0x23f: {  	_ =	swait.ge [sflag:s30], $0x100  }
0x240: {  	[sflag:s30] =	ssyncset.done $0x0  }
0x241: {  	[sflag:s30] =	ssyncadd.s32 $0xFFFFFF00  }
0x242: {  	_ =	swait.ge [sflag:s30], $0x100  }
0x243: {  	[sflag:s30] =	ssyncset.done $0x0  }
0x244: {  	[sflag:s30] =	ssyncadd.s32 $0xFFFFFF00  }
0x245: {  	_ =	swait.ge [sflag:s30], $0x100  }
0x246: {  	[sflag:s30] =	ssyncset.done $0x0  }
0x247: {  	[sflag:s30] =	ssyncadd.s32 $0xFFFFFF00  }
0x248: {  	_ =	swait.ge [sflag:s6], $0x2000  }
0x249: {  	[sflag:s6] =	ssyncset.done $0x0  }
0x24a: {  	s31 =	rddreg [dreg:$0x12];
	[sflag:s6] =	ssyncadd.s32 $0xFFFFE000  }
0x24b: {  	[hbm4b:s31+s18] =	stream.strided.scatter [tilespmem:s19], [sflag:$0x2], $0x2000, s5, s18, $0x38;
	[tilespmem:$0x9F00] =	vst v63  }
0x24c: {  	_ =	swait.ge [sflag:s2], $0x2000  }
0x24d: {  	[sflag:s2] =	ssyncset.done $0x0  }
0x24e: {  	[sflag:s2] =	ssyncadd.s32 $0xFFFFE000  }
0x24f: {  	[tilespmem:s19], [sflag:$0x1] =	stream.indirect.gather [hbm4b:s13+s4], $0x20, s29, s4, $0xb8;
	[tilespmem:$0x9F00] =	vst v63  }
0x250: {  	_ =	swait.ge [sflag:s6], $0x2000  }
0x251: {  	[sflag:s6] =	ssyncset.done $0x0  }
0x252: {  	s1 =	rddreg [dreg:$0x13];
	[sflag:s6] =	ssyncadd.s32 $0xFFFFE000  }
0x253: {  	[hbm4b:s1+s18] =	stream.strided.scatter [tilespmem:s21], [sflag:$0x2], $0x2000, s5, s18, $0x38;
	[tilespmem:$0x9F00] =	vst v63  }
0x254: {  	_ =	swait.ge [sflag:s2], $0x2000  }
0x255: {  	[sflag:s2] =	ssyncset.done $0x0  }
0x256: {  	[sflag:s2] =	ssyncadd.s32 $0xFFFFE000  }
0x257: {  	[tilespmem:s21], [sflag:$0x1] =	stream.indirect.gather [hbm4b:s13+s4], $0x20, s28, s4, $0xb8;
	[tilespmem:$0x9F00] =	vst v63  }
0x258: {  	_ =	swait.ge [sflag:s6], $0x2000  }
0x259: {  	[sflag:s6] =	ssyncset.done $0x0  }
0x25a: {  	s23 =	rddreg [dreg:$0x14];
	[sflag:s6] =	ssyncadd.s32 $0xFFFFE000  }
0x25b: {  	[hbm4b:s23+s18] =	stream.strided.scatter [tilespmem:s17], [sflag:$0x2], $0x2000, s5, s18, $0x38;
	[tilespmem:$0x9F00] =	vst v63  }
0x25c: {  	_ =	swait.ge [sflag:s2], $0x2000  }
0x25d: {  	[sflag:s2] =	ssyncset.done $0x0  }
0x25e: {  	[sflag:s2] =	ssyncadd.s32 $0xFFFFE000  }
0x25f: {  	[tilespmem:s17], [sflag:$0x1] =	stream.indirect.gather [hbm4b:s13+s4], $0x20, s26, s4, $0xb8;
	[tilespmem:$0x9F00] =	vst v63  }
0x260: {  	_ =	swait.ge [sflag:s6], $0x2000  }
0x261: {  	[sflag:s6] =	ssyncset.done $0x0  }
0x262: {  	s26 =	rddreg [dreg:$0x15];
	[sflag:s6] =	ssyncadd.s32 $0xFFFFE000  }
0x263: {  	[hbm4b:s26+s18] =	stream.strided.scatter [tilespmem:s19], [sflag:$0x2], $0x2000, s5, s18, $0x38;
	[tilespmem:$0x9F00] =	vst v63  }
0x264: {  	_ =	swait.ge [sflag:s2], $0x2000  }
0x265: {  	[sflag:s2] =	ssyncset.done $0x0  }
0x266: {  	[sflag:s2] =	ssyncadd.s32 $0xFFFFE000  }
0x267: {  	[tilespmem:s19], [sflag:$0x1] =	stream.indirect.gather [hbm4b:s13+s4], $0x20, s25, s4, $0xb8;
	[tilespmem:$0x9F00] =	vst v63  }
0x268: {  	_ =	swait.ge [sflag:s6], $0x2000  }
0x269: {  	[sflag:s6] =	ssyncset.done $0x0  }
0x26a: {  	s28 =	rddreg [dreg:$0x16];
	[sflag:s6] =	ssyncadd.s32 $0xFFFFE000  }
0x26b: {  	[hbm4b:s28+s18] =	stream.strided.scatter [tilespmem:s21], [sflag:$0x2], $0x2000, s5, s18, $0x38;
	[tilespmem:$0x9F00] =	vst v63  }
0x26c: {  	_ =	swait.ge [sflag:s2], $0x2000  }
0x26d: {  	[sflag:s2] =	ssyncset.done $0x0  }
0x26e: {  	[sflag:s2] =	ssyncadd.s32 $0xFFFFE000  }
0x26f: {  	[tilespmem:s21], [sflag:$0x1] =	stream.indirect.gather [hbm4b:s13+s4], $0x20, s24, s4, $0xb8;
	[tilespmem:$0x9F00] =	vst v63  }
0x270: {  	_ =	swait.ge [sflag:s6], $0x2000  }
0x271: {  	[sflag:s6] =	ssyncset.done $0x0  }
0x272: {  	s29 =	rddreg [dreg:$0x17];
	[sflag:s6] =	ssyncadd.s32 $0xFFFFE000  }
0x273: {  	[hbm4b:s29+s18] =	stream.strided.scatter [tilespmem:s17], [sflag:$0x2], $0x2000, s5, s18, $0x38;
	[tilespmem:$0x9F00] =	vst v63  }
0x274: {  	_ =	swait.ge [sflag:s2], $0x2000  }
0x275: {  	[sflag:s2] =	ssyncset.done $0x0  }
0x276: {  	[sflag:s2] =	ssyncadd.s32 $0xFFFFE000  }
0x277: {  	[tilespmem:s17], [sflag:$0x1] =	stream.indirect.gather [hbm4b:s13+s4], $0x20, s22, s4, $0xb8;
	[tilespmem:$0x9F00] =	vst v63  }
0x278: {  	_ =	swait.ge [sflag:s6], $0x2000  }
0x279: {  	[sflag:s6] =	ssyncset.done $0x0  }
0x27a: {  	s30 =	rddreg [dreg:$0x18];
	[sflag:s6] =	ssyncadd.s32 $0xFFFFE000  }
0x27b: {  	[hbm4b:s30+s18] =	stream.strided.scatter [tilespmem:s19], [sflag:$0x2], $0x2000, s5, s18, $0x38;
	[tilespmem:$0x9F00] =	vst v63  }
0x27c: {  	_ =	swait.ge [sflag:s2], $0x2000  }
0x27d: {  	[sflag:s2] =	ssyncset.done $0x0  }
0x27e: {  	[sflag:s2] =	ssyncadd.s32 $0xFFFFE000  }
0x27f: {  	[tilespmem:s19], [sflag:$0x1] =	stream.indirect.gather [hbm4b:s13+s4], $0x20, s20, s4, $0xb8;
	[tilespmem:$0x9F00] =	vst v63  }
0x280: {  	_ =	swait.ge [sflag:s6], $0x2000  }
0x281: {  	[sflag:s6] =	ssyncset.done $0x0  }
0x282: {  	s31 =	rddreg [dreg:$0x19];
	[sflag:s6] =	ssyncadd.s32 $0xFFFFE000  }
0x283: {  	[hbm4b:s31+s18] =	stream.strided.scatter [tilespmem:s21], [sflag:$0x2], $0x2000, s5, s18, $0x38;
	[tilespmem:$0x9F00] =	vst v63  }
0x284: {  	_ =	swait.ge [sflag:s6], $0x2000  }
0x285: {  	[sflag:s6] =	ssyncset.done $0x0  }
0x286: {  	s1 =	rddreg [dreg:$0x1a];
	[sflag:s6] =	ssyncadd.s32 $0xFFFFE000  }
0x287: {  	[hbm4b:s1+s18] =	stream.strided.scatter [tilespmem:s17], [sflag:$0x2], $0x2000, s5, s18, $0x38;
	[tilespmem:$0x9F00] =	vst v63  }
0x288: {  	_ =	swait.ge [sflag:s6], $0x2000  }
0x289: {  	[sflag:s6] =	ssyncset.done $0x0  }
0x28a: {  	s13 =	rddreg [dreg:$0x1b];
	[sflag:s6] =	ssyncadd.s32 $0xFFFFE000  }
0x28b: {  	[hbm4b:s13+s18] =	stream.strided.scatter [tilespmem:s19], [sflag:$0x2], $0x2000, s5, s18, $0x38;
	[tilespmem:$0x9F00] =	vst v63  }
0x28c: {  	_ = 	snop  }
0x28d: {  	[tilespmem:s10], [sflag:$0x1] =	stream.indirect.gather [hbm4b:s3+s4], $0x10, s15, s4, $0xb8;
	[tilespmem:$0x9F00] =	vst v63  }
0x28e: {  	_ = 	snop  }
0x28f: {  	[tilespmem:s7], [sflag:$0x1] =	stream.indirect.gather [hbm4b:s3+s4], $0x10, s16, s4, $0xb8;
	[tilespmem:$0x9F00] =	vst v63  }
0x290: {  	_ = 	snop  }
0x291: {  	[tilespmem:s12], [sflag:$0x1] =	stream.indirect.gather [hbm4b:s3+s4], $0x10, s14, s4, $0xb8;
	[tilespmem:$0x9F00] =	vst v63  }
0x292: {  	s20 =	rddreg [dreg:$0x1c]  }
0x293: {  	[hbm4b:s20+s18] =	stream.strided.scatter [tilespmem:s17], [sflag:$0x2], $0x2000, s5, s18, $0x38;
	[tilespmem:$0x9F00] =	vst v63  }
0x294: {  	s21 =	rddreg [dreg:$0x1d]  }
0x295: {  	[hbm4b:s21+s18] =	stream.strided.scatter [tilespmem:s17], [sflag:$0x2], $0x2000, s5, s18, $0x38;
	[tilespmem:$0x9F00] =	vst v63  }
0x296: {  	_ =	swait.ge [sflag:s6], $0x1000  }
0x297: {  	[sflag:s6] =	ssyncset.done $0x0  }
0x298: {  	s22 =	rddreg [dreg:$0x1e];
	[sflag:s6] =	ssyncadd.s32 $0xFFFFF000  }
0x299: {  	[hbm4b:s22+s8] =	stream.strided.scatter [tilespmem:s10], [sflag:$0x2], $0x1000, s5, s8, $0x38;
	[tilespmem:$0x9F00] =	vst v63  }
0x29a: {  	_ =	swait.ge [sflag:s2], $0x1000  }
0x29b: {  	[sflag:s2] =	ssyncset.done $0x0  }
0x29c: {  	[sflag:s2] =	ssyncadd.s32 $0xFFFFF000  }
0x29d: {  	[tilespmem:s10], [sflag:$0x1] =	stream.indirect.gather [hbm4b:s3+s4], $0x10, s11, s4, $0xb8;
	[tilespmem:$0x9F00] =	vst v63  }
0x29e: {  	_ =	swait.ge [sflag:s6], $0x1000  }
0x29f: {  	[sflag:s6] =	ssyncset.done $0x0  }
0x2a0: {  	s23 =	rddreg [dreg:$0x1f];
	[sflag:s6] =	ssyncadd.s32 $0xFFFFF000  }
0x2a1: {  	[hbm4b:s23+s8] =	stream.strided.scatter [tilespmem:s7], [sflag:$0x2], $0x1000, s5, s8, $0x38;
	[tilespmem:$0x9F00] =	vst v63  }
0x2a2: {  	_ =	swait.ge [sflag:s2], $0x1000  }
0x2a3: {  	[sflag:s2] =	ssyncset.done $0x0  }
0x2a4: {  	[sflag:s2] =	ssyncadd.s32 $0xFFFFF000  }
0x2a5: {  	[tilespmem:s7], [sflag:$0x1] =	stream.indirect.gather [hbm4b:s3+s4], $0x10, s9, s4, $0xb8;
	[tilespmem:$0x9F00] =	vst v63  }
0x2a6: {  	_ =	swait.ge [sflag:s6], $0x1000  }
0x2a7: {  	s24 =	sld [smem:$0x7F8]  }
0x2a8: {  	[sflag:s6] =	ssyncset.done $0x0  }
0x2a9: {  	[sflag:s6] =	ssyncadd.s32 $0xFFFFF000  }
0x2aa: {  	[hbm4b:s24+s8] =	stream.strided.scatter [tilespmem:s12], [sflag:$0x2], $0x1000, s5, s8, $0x38;
	[tilespmem:$0x9F00] =	vst v63  }
0x2ab: {  	_ =	swait.ge [sflag:s6], $0x1000  }
0x2ac: {  	s25 =	sld [smem:$0x7F9]  }
0x2ad: {  	[sflag:s6] =	ssyncset.done $0x0  }
0x2ae: {  	[sflag:s6] =	ssyncadd.s32 $0xFFFFF000  }
0x2af: {  	[hbm4b:s25+s8] =	stream.strided.scatter [tilespmem:s10], [sflag:$0x2], $0x1000, s5, s8, $0x38;
	[tilespmem:$0x9F00] =	vst v63  }
0x2b0: {  	_ =	swait.ge [sflag:s6], $0x1000  }
0x2b1: {  	s26 =	sld [smem:$0x7FA]  }
0x2b2: {  	[sflag:s6] =	ssyncset.done $0x0  }
0x2b3: {  	s28 =	sld [smem:$0x7FB];
	[sflag:s6] =	ssyncadd.s32 $0xFFFFF000  }
0x2b4: {  	[hbm4b:s26+s8] =	stream.strided.scatter [tilespmem:s7], [sflag:$0x2], $0x1000, s5, s8, $0x38;
	[tilespmem:$0x9F00] =	vst v63  }
0x2b5: {  	s29 =	sld [smem:$0x7FC]  }
0x2b6: {  	[hbm4b:s28+s8] =	stream.strided.scatter [tilespmem:s7], [sflag:$0x2], $0x1000, s5, s8, $0x38;
	[tilespmem:$0x9F00] =	vst v63  }
0x2b7: {  	s30 =	sld [smem:$0x7FD]  }
0x2b8: {  	[hbm4b:s29+s8] =	stream.strided.scatter [tilespmem:s7], [sflag:$0x2], $0x1000, s5, s8, $0x38;
	[tilespmem:$0x9F00] =	vst v63  }
0x2b9: {  	_ = 	snop  }
0x2ba: {  	[hbm4b:s30+s8] =	stream.strided.scatter [tilespmem:s7], [sflag:$0x2], $0x1000, s5, s8, $0x38;
	[tilespmem:$0x9F00] =	vst v63  }
0x2bb: {  	_ =	swait.ge [sflag:s2], $0x2000  }
0x2bc: {  	[sflag:s2] =	ssyncset.done $0x0  }
0x2bd: {  	[sflag:s2] =	ssyncadd.s32 $0xFFFFE000  }
0x2be: {  	_ =	swait.ge [sflag:s2], $0x2000  }
0x2bf: {  	[sflag:s2] =	ssyncset.done $0x0  }
0x2c0: {  	[sflag:s2] =	ssyncadd.s32 $0xFFFFE000  }
0x2c1: {  	_ =	swait.ge [sflag:s2], $0x2000  }
0x2c2: {  	[sflag:s2] =	ssyncset.done $0x0  }
0x2c3: {  	[sflag:s2] =	ssyncadd.s32 $0xFFFFE000  }
0x2c4: {  	_ =	swait.ge [sflag:s2], $0x2000  }
0x2c5: {  	[sflag:s2] =	ssyncset.done $0x0  }
0x2c6: {  	[sflag:s2] =	ssyncadd.s32 $0xFFFFE000  }
0x2c7: {  	_ =	swait.ge [sflag:s2], $0x2000  }
0x2c8: {  	[sflag:s2] =	ssyncset.done $0x0  }
0x2c9: {  	[sflag:s2] =	ssyncadd.s32 $0xFFFFE000  }
0x2ca: {  	_ =	swait.ge [sflag:s2], $0x1000  }
0x2cb: {  	[sflag:s2] =	ssyncset.done $0x0  }
0x2cc: {  	[sflag:s2] =	ssyncadd.s32 $0xFFFFF000  }
0x2cd: {  	_ =	swait.ge [sflag:s2], $0x1000  }
0x2ce: {  	[sflag:s2] =	ssyncset.done $0x0  }
0x2cf: {  	[sflag:s2] =	ssyncadd.s32 $0xFFFFF000  }
0x2d0: {  	_ =	swait.ge [sflag:s2], $0x1000  }
0x2d1: {  	[sflag:s2] =	ssyncset.done $0x0  }
0x2d2: {  	[sflag:s2] =	ssyncadd.s32 $0xFFFFF000  }
0x2d3: {  	_ =	swait.ge [sflag:s2], $0x1000  }
0x2d4: {  	[sflag:s2] =	ssyncset.done $0x0  }
0x2d5: {  	[sflag:s2] =	ssyncadd.s32 $0xFFFFF000  }
0x2d6: {  	_ =	swait.ge [sflag:s2], $0x1000  }
0x2d7: {  	[sflag:s2] =	ssyncset.done $0x0  }
0x2d8: {  	[sflag:s2] =	ssyncadd.s32 $0xFFFFF000  }
0x2d9: {  	_ =	swait.ge [sflag:s2], $0x1000  }
0x2da: {  	[sflag:s2] =	ssyncset.done $0x0  }
0x2db: {  	[sflag:s2] =	ssyncadd.s32 $0xFFFFF000  }
0x2dc: {  	_ =	sfence.sel $0x180000  }
0x2dd: {  	[bflag:$0x0] =	sbarrier.arrive $0xFFFF  }
0x2de: {  	_ =	strace $0x90000047  }
0x2df: {  	s31 =	stileid.u32;
	[bflag:$0x2] =	sbarrier.arrive $0xFFFF  }
0x2e0: {  	p0 =	sne.s32 s31, $0x0;
	s0 =	rddreg [dreg:$0x2]  }
0x2e1: {  	s0 =	sadd.s32 @!p0 $0x100000, s0  }
0x2e2: {  	[sflag:s0] =	ssyncadd.tile.s32 @!p0 $0x1;
	_ =	shalt  }
.LBB2_6:
.Ltmp3:
0x2e3: {  	s9 =	simm.s32 $0xE00;
	s11 =	simm.s32 $0xD00;
	(pc) =	sbr.rel .LBB2_5-.Ltmp3, $4  }
0x2e4: {  	s12 =	simm.s32 $0x8F00;
	s14 =	simm.s32 $0xC00;
	s15 =	simm.s32 $0xA00  }
0x2e5: {  	s16 =	simm.s32 $0xB00;
	s20 =	simm.s32 $0x900;
	s22 =	simm.s32 $0x800  }
0x2e6: {  	s24 =	simm.s32 $0x700;
	s25 =	simm.s32 $0x600;
	s26 =	simm.s32 $0x500  }
0x2e7: {  	s28 =	simm.s32 $0x400;
	s29 =	simm.s32 $0x300;
	s31 =	simm.s32 $0x200  }
.Lfunc_end2:
_tile_overlayer_lowered:
.L_overlay_start_2:
0x2e8: {  	(tag) =	ssettag $0x2  }
0x2e9: {  	s0 =	rddreg [dreg:$0x0];
	s2 =	stileid.u32  }
0x2ea: {  	s1 =	rddreg [dreg:$0x1];
	p0 =	sne.s32 s2, $0x0  }
0x2eb: {  	s3 =	rddreg [dreg:$0x2];
	[bflag:$0x3] =	sbarrier.arrive $0xFFFF;
	s2 =	simm.s32 @!p0 $0x1C04  }
0x2ec: {  	[timem:s3], [sflag:s2] =	dma.local @!p0 [hbm:s0], s1  }
0x2ed: {  	s0 =	simm.s32 @!p0 $0x4  }
0x2ee: {  	_ =	swait.ge @!p0 [sflag:s0], s1  }
0x2ef: {  	s1 =	ssub.s32 @!p0 $0x0, s1;
	[sflag:s0] =	ssyncset.done @!p0 $0x0  }
0x2f0: {  	[sflag:s0] =	ssyncadd.s32 @!p0 s1  }
0x2f1: {  	[bflag:$0x3] =	sbarrier.arrive $0xFFFF  }
0x2f2: {  	_ =	shalt  }

// kernel: kernel.9.cloned.1.call-start
scs
__scs_entry_jumppad:
0x0: {  	(pc) =	sbr.rel $0x88, $3  }
0x1: {  	(tag) =	ssettag $0x0;
	lr =	simm.s32 $0x1  }
0x2: {  	[smem:$0x3F91] =	sst lr;
	_ =	strace $0xD0000000  }
0x3: {  	_ = 	snop  }
0x4: {  	_ = 	snop  }
0x5: {  	_ = 	snop  }
0x6: {  	_ = 	snop  }
0x7: {  	_ = 	snop  }
__scs_overlays_trampoline_lowered:
0x8: {  	[smem:$0x3FA0] =	sst s0  }
0x9: {  	[smem:$0x3FA1] =	sst s1  }
0xa: {  	[smem:$0x3FA2] =	sst s2  }
0xb: {  	[smem:$0x3FA3] =	sst s3  }
0xc: {  	[smem:$0x3FA4] =	sst s4  }
0xd: {  	[smem:$0x3FA5] =	sst s5  }
0xe: {  	[smem:$0x3FA6] =	sst s6  }
0xf: {  	[smem:$0x3FA7] =	sst s7  }
0x10: {  	[smem:$0x3FA8] =	sst s8  }
0x11: {  	[smem:$0x3FA9] =	sst s9;
	s0 =	simm.s32 @!p0 $0x0  }
0x12: {  	s1 =	sld [smem:$0x3F8F];
	s0 =	simm.s32 @p0 $0x1  }
0x13: {  	[smem:$0x3FAA] =	sst s0;
	s0 =	simm.s32 @!p1 $0x0  }
0x14: {  	s2 =	sld [smem:$0x3F8E];
	s0 =	simm.s32 @p1 $0x1  }
0x15: {  	[smem:$0x3FAB] =	sst s0;
	s0 =	simm.s32 @!p2 $0x0  }
0x16: {  	s3 =	sld [smem:$0x3FDB];
	s0 =	simm.s32 @p2 $0x1  }
0x17: {  	s4 =	simm.s32 $0x1BF5;
	[smem:$0x3FAD] =	sst s0  }
0x18: {  	s0 =	sld [smem:$0x3F90];
	_ =	swait.ge [sflag:s4], $0x0  }
0x19: {  	s7 =	sld [smem:$0x3F91]  }
0x1a: {  	s8 =	sadd.s32 $0xFFFFE003, lr  }
0x1b: {  	s9 =	sadd.s32 $0xFFFFFEF7, lr;
	s5 =	simm.s32 $0xFFFFFFFF;
	p2 =	slt.u32 s8, $0xFFFFF086  }
0x1c: {  	p1 =	slt.u32 s9, $0xF7A;
	s5 =	simm.s32 @!p2 $0x0  }
0x1d: {  	s5 =	simm.s32 @p1 $0x1;
	p0 =	seq.s32 s7, s2  }
0x1e: {  	s7 =	smul.u32 @!p0 $0xF7A, s2;
	p2 =	seq.s32 @!p0 s5, $0x0  }
0x1f: {  	s9 =	smul.u32 $0xF7A, s1;
	s8 =	simm.s32 @!p0 $0x1BF5;
	p2 =	por !p2, p0  }
0x20: {  	[sflag:s8] =	ssyncset.s32 @!p0 $0xFFFFF086;
	s6 =	sadd.s32 @!p0 s3, s7;
	s7 =	simm.s32 @!p0 $0x108  }
0x21: {  	s3 =	sadd.s32 s3, s9;
	s6 =	sadd.s32 @!p0 $0x88, s6;
	s7 =	simm.s32 @p2 $0x1082  }
0x22: {  	[simem:s7], [sflag:s8] =	dma.local @!p0 [hbm:s6], $0xF7A  }
0x23: {  	s9 =	sor.u32 $0xD0000000, s2;
	s6 =	simm.s32 $0x108;
	_ =	swait.ge @!p0 [sflag:s8], $0x0  }
0x24: {  	s3 =	sadd.s32 $0x88, s3;
	s6 =	simm.s32 @!p1 $0x1082;
	[sflag:s4] =	ssyncset.s32 $0xFFFFF086  }
0x25: {  	[simem:s6], [sflag:s4] =	dma.local [hbm:s3], $0xF7A  }
0x26: {  	[smem:$0x3F91] =	sst s1;
	(tag) =	ssettag s2;
	_ =	strace s9  }
0x27: {  	s1 =	sld [smem:$0x3FA1]  }
0x28: {  	s2 =	sld [smem:$0x3FA2]  }
0x29: {  	s4 =	sld [smem:$0x3FA4]  }
0x2a: {  	p0 =	seq.s32 s5, $0x0;
	s5 =	sld [smem:$0x3FA5]  }
0x2b: {  	s6 =	sld [smem:$0x3FA6]  }
0x2c: {  	s7 =	sld [smem:$0x3FA7]  }
0x2d: {  	s3 =	simm.s32 $0x108;
	s8 =	sld [smem:$0x3FA8]  }
0x2e: {  	s3 =	simm.s32 @!p0 $0x1082;
	s9 =	sld [smem:$0x3FA9]  }
0x2f: {  	lr =	sadd.s32 s0, s3;
	s0 =	sld [smem:$0x3FA0]  }
0x30: {  	s3 =	sld [smem:$0x3FA3]  }
0x31: {  	[smem:$0x3FAC] =	sst s10  }
0x32: {  	s10 =	sld [smem:$0x3FAA];
	_ =	sdelay $0x3  }
0x33: {  	p0 =	seq.s32 s10, $0x1;
	s10 =	sld [smem:$0x3FAC];
	_ =	sdelay $0x3  }
0x34: {  	[smem:$0x3FAC] =	sst s10  }
0x35: {  	s10 =	sld [smem:$0x3FAB];
	_ =	sdelay $0x3  }
0x36: {  	p1 =	seq.s32 s10, $0x1;
	s10 =	sld [smem:$0x3FAC];
	_ =	sdelay $0x3  }
0x37: {  	[smem:$0x3FAC] =	sst s10  }
0x38: {  	s10 =	sld [smem:$0x3FAD]  }
0x39: {  	_ = 	snop;
	(pc) =	sbr.ind lr, $3  }
0x3a: {  	_ = 	snop  }
0x3b: {  	_ = 	snop  }
0x3c: {  	p2 =	seq.s32 s10, $0x1;
	s10 =	sld [smem:$0x3FAC]  }
0x3d: {  	_ =	shalt  }
0x3e: {  	_ =	shalt  }
0x3f: {  	_ =	shalt  }
0x40: {  	_ =	shalt  }
0x41: {  	_ =	shalt  }
0x42: {  	_ =	shalt  }
0x43: {  	_ =	shalt  }
0x44: {  	_ =	shalt  }
0x45: {  	_ =	shalt  }
0x46: {  	_ =	shalt  }
0x47: {  	_ =	shalt  }
0x48: {  	_ =	shalt  }
0x49: {  	_ =	shalt  }
0x4a: {  	_ =	shalt  }
0x4b: {  	_ =	shalt  }
0x4c: {  	_ =	shalt  }
0x4d: {  	_ =	shalt  }
0x4e: {  	_ =	shalt  }
0x4f: {  	_ =	shalt  }
0x50: {  	_ =	shalt  }
0x51: {  	_ =	shalt  }
0x52: {  	_ =	shalt  }
0x53: {  	_ =	shalt  }
0x54: {  	_ =	shalt  }
0x55: {  	_ =	shalt  }
0x56: {  	_ =	shalt  }
0x57: {  	_ =	shalt  }
0x58: {  	_ =	shalt  }
0x59: {  	_ =	shalt  }
0x5a: {  	_ =	shalt  }
0x5b: {  	_ =	shalt  }
0x5c: {  	_ =	shalt  }
0x5d: {  	_ =	shalt  }
0x5e: {  	_ =	shalt  }
0x5f: {  	_ =	shalt  }
0x60: {  	_ =	shalt  }
0x61: {  	_ =	shalt  }
0x62: {  	_ =	shalt  }
0x63: {  	_ =	shalt  }
0x64: {  	_ =	shalt  }
0x65: {  	_ =	shalt  }
0x66: {  	_ =	shalt  }
0x67: {  	_ =	shalt  }
0x68: {  	_ =	shalt  }
0x69: {  	_ =	shalt  }
0x6a: {  	_ =	shalt  }
0x6b: {  	_ =	shalt  }
0x6c: {  	_ =	shalt  }
0x6d: {  	_ =	shalt  }
0x6e: {  	_ =	shalt  }
0x6f: {  	_ =	shalt  }
0x70: {  	_ =	shalt  }
0x71: {  	_ =	shalt  }
0x72: {  	_ =	shalt  }
0x73: {  	_ =	shalt  }
0x74: {  	_ =	shalt  }
0x75: {  	_ =	shalt  }
0x76: {  	_ =	shalt  }
0x77: {  	_ =	shalt  }
0x78: {  	_ =	shalt  }
0x79: {  	_ =	shalt  }
0x7a: {  	_ =	shalt  }
0x7b: {  	_ =	shalt  }
0x7c: {  	_ =	shalt  }
0x7d: {  	_ =	shalt  }
0x7e: {  	_ =	shalt  }
0x7f: {  	_ =	shalt  }
0x80: {  	_ =	shalt  }
0x81: {  	_ =	shalt  }
0x82: {  	_ =	shalt  }
0x83: {  	_ =	shalt  }
0x84: {  	_ =	shalt  }
0x85: {  	_ =	shalt  }
0x86: {  	_ =	shalt  }
0x87: {  	_ =	shalt  }
.Lfunc_end0:
.L_simem_size_0:
called_computation.1_lowered:
.L_overlay_start_0:
0x88: {  	s2 =	sld [smem:$0x3FD9]  }
0x89: {  	s3 =	sld [smem:$0x3FFE];
	_ =	sdelay $0x1  }
0x8a: {  	s1 =	srdreg.scid  }
0x8b: {  	s0 =	sand.u32 $0x1, s1  }
0x8c: {  	s17 =	sshll.u32 s0, $0xA;
	s2 =	sadd.s32 s3, s2  }
0x8d: {  	s2 =	sadd.s32 s2, s17  }
0x8e: {  	[smem:$0x3FB8] =	sst s2  }
0x8f: {  	_ = 	snop  }
0x90: {  	s18 =	sld [smem:$0x3FC9];
	(tm) =	ssettm $0x1  }
0x91: {  	s19 =	sld [smem:$0x3FFB];
	_ =	sdelay $0x3  }
0x92: {  	_ =	strace s19  }
0x93: {  	s2 =	sld [smem:$0x3FFC];
	_ =	sdelay $0x3  }
0x94: {  	_ =	strace s2  }
0x95: {  	s2 =	sld [smem:$0x3FFD];
	_ =	sdelay $0x3  }
0x96: {  	_ =	strace s2  }
0x97: {  	_ =	strace $0x8FFFFFFF  }
0x98: {  	s20 =	sld [smem:$0x3FDB];
	_ =	sdelay $0x1  }
0x99: {  	s4 =	simm.s32 $_scs_section_size  }
0x9a: {  	s5 =	simm.s32 $_size__tile_overlayer_lowered;
	s6 =	simm.s32 $_tile_overlayer_lowered  }
0x9b: {  	s7 =	simm.s32 $0x1BFF;
	s21 =	sshll.u32 s6, $0x1;
	s4 =	sadd.s32 s4, s20  }
0x9c: {  	s22 =	simm.s32 $0x0;
	s5 =	sshll.u32 s5, $0x1;
	s6 =	sadd.s32 s21, s4  }
0x9d: {  	[timem:s22], [sflag:s7] =	dma.local [hbm:s6], s5  }
0x9e: {  	_ =	swait.ge [sflag:s7], s5  }
0x9f: {  	s5 =	ssub.s32 $0x0, s5;
	[sflag:s7] =	ssyncset.done $0x0  }
0xa0: {  	[sflag:s7] =	ssyncadd.s32 s5;
	_ =	sdelay $0x1  }
0xa1: {  	s23 =	simm.s32 $0x1B8B  }
0xa2: {  	_ =	swait.ge [sflag:s23], $0x1  }
0xa3: {  	[sflag:s23] =	ssyncset.done $0x0  }
0xa4: {  	[sflag:s23] =	ssyncadd.s32 $0xFFFFFFFF  }
0xa5: {  	s5 =	sld [smem:$0x0]  }
0xa6: {  	s6 =	sand.u32 $0xFFFFFFFE, s1  }
0xa7: {  	p0 =	sne.s32 s1, s6  }
0xa8: {  	s6 =	sshll.u32 @p0 s6, $0xE  }
0xa9: {  	s6 =	sadd.s32 @p0 $0x11B8D, s6;
	s7 =	sshll.u32 @p0 s5, $0x11  }
0xaa: {  	s6 =	sor.u32 @p0 s7, s6  }
0xab: {  	[sflag:s6] =	ssyncadd.remote.s32 @p0 $0x1;
	_ =	sdelay $0x1  }
0xac: {  	s6 =	simm.s32 @p0 $0x1B8D  }
0xad: {  	_ =	swait.eq @p0 [sflag:s6], $0x1  }
0xae: {  	[sflag:s6] =	ssyncadd.s32 @p0 $0xFFFFFFFF  }
0xaf: {  	s7 =	sshll.u32 @!p0 s1, $0xE  }
0xb0: {  	s7 =	sor.u32 @!p0 $0x4000, s7;
	s6 =	simm.s32 @!p0 $0x1B8D  }
0xb1: {  	s5 =	sshll.u32 @!p0 s5, $0x11;
	s7 =	sadd.s32 @!p0 $0x11B8D, s7;
	_ =	swait.eq @!p0 [sflag:s6], $0x1  }
0xb2: {  	s5 =	sor.u32 @!p0 s5, s7;
	[sflag:s6] =	ssyncadd.s32 @!p0 $0xFFFFFFFF  }
0xb3: {  	s25 =	simm.s32 $0x1B8E;
	s24 =	sld [smem:$0x3FFE];
	[sflag:s5] =	ssyncadd.remote.s32 @!p0 $0x1  }
0xb4: {  	s26 =	simm.s32 $execute0_lowered;
	[smem:$0x3FD2] =	sst s25  }
0xb5: {  	s6 =	sshll.u32 s26, $0x1;
	_ =	strace $0x80000049;
	[dreg:$0x1] =	wrdreg $0xFFFFFFFF  }
0xb6: {  	s28 =	simm.s32 $_size_execute0_lowered;
	s4 =	sadd.s32 s4, s6;
	[dreg:$0x0] =	wrdreg $0x0  }
0xb7: {  	s6 =	sshll.u32 s28, $0x1;
	[dreg:$0x2] =	wrdreg s4  }
0xb8: {  	[dreg:$0x3] =	wrdreg s6  }
0xb9: {  	[dreg:$0x4] =	wrdreg $0xC0  }
0xba: {  	_ =	task [dreg:s22], $0x5FFFF  }
0xbb: {  	[dreg:$0x1] =	wrdreg $0xFFFFFFFF  }
0xbc: {  	[dreg:$0x0] =	wrdreg $0x60  }
0xbd: {  	[dreg:$0x2] =	wrdreg s24  }
0xbe: {  	[dreg:$0x3] =	wrdreg s18  }
0xbf: {  	[dreg:$0x4] =	wrdreg $0xA  }
0xc0: {  	_ =	task.clear_ibuf [dreg:s22], $0x5FFFF;
	_ =	strace $0x90000049  }
0xc1: {  	s29 =	simm.s32 $0xA;
	_ =	strace $0x8000004B  }
0xc2: {  	_ =	swait.ge [sflag:s29], $0x1  }
0xc3: {  	[sflag:s29] =	ssyncadd.s32 $0xFFFFFFFF  }
0xc4: {  	_ =	strace $0x9000004B  }
0xc5: {  	_ =	sfence  }
0xc6: {  	s30 =	sld [smem:$0x0];
	_ =	sdelay $0x2  }
0xc7: {  	s31 =	sshll.u32 s1, $0xD;
	s1 =	sshrl.u32 s1, $0x2  }
0xc8: {  	s4 =	sand.u32 $0x4000, s31;
	s1 =	sadd.s32 s1, s30  }
0xc9: {  	s0 =	sor.u32 s4, s0;
	s1 =	sshll.u32 s1, $0x11  }
0xca: {  	s0 =	sor.u32 s1, s0  }
0xcb: {  	s0 =	sadd.s32 $0x8F2B, s0  }
0xcc: {  	[sflag:s0] =	ssyncadd.remote.s32 $0x1  }
0xcd: {  	_ =	sfence.sel $0xFFFF  }
0xce: {  	[dreg:$0x0] =	wrdreg $0xFFFFFFFF;
	(pc) =	sbr.abs _section_cstart, $3  }
0xcf: {  	[dreg:$0x1] =	wrdreg $0xFFFFFFFF  }
0xd0: {  	_ =	task.clear_ibuf [dreg:s22], $0x2FFFF;
	_ =	strace $0x9FFFFFFF  }
0xd1: {  	(tm) =	ssettm $0x7FFFFFFF  }
tec
execute0_lowered:
.L_overlay_start_1:
0x0: {  	(tag) =	ssettag $0x1  }
0x1: {  	s0 =	srdreg.scid  }
0x2: {  	s3 =	stileid.u32;
	s2 =	sand.u32 $0x1, s0  }
0x3: {  	s14 =	sshll.u32 s3, $0x9;
	s15 =	sshll.u32 s2, $0x8  }
0x4: {  	s1 =	rddreg [dreg:$0x0];
	s0 =	sor.u32 s15, s14  }
0x5: {  	s4 =	rddreg [dreg:$0x1];
	s23 =	simm.s32 $0x0;
	s3 =	sshrl.u32 s0, $0x3  }
0x6: {  	[smem:$0x7FF] =	sst s23;
	s5 =	sor.u32 $0x400, s3  }
0x7: {  	s6 =	sadd.s32 $0xA400, s1;
	_ =	strace $0x8000004A;
	s4 =	sadd.s32 s4, s5  }
0x8: {  	s7 =	sor.u32 $0xC00, s3;
	s16 =	sadd.s32 s6, s5;
	[dreg:$0x3] =	wrdreg s4  }
0x9: {  	s8 =	sor.u32 $0x1400, s3;
	s17 =	sadd.s32 s6, s7;
	[dreg:$0x4] =	wrdreg s16  }
0xa: {  	s9 =	sor.u32 $0x1C00, s3;
	s18 =	sadd.s32 s6, s8;
	[dreg:$0x5] =	wrdreg s17  }
0xb: {  	s10 =	sadd.s32 $0x7C00, s1;
	s19 =	sadd.s32 s6, s9;
	[dreg:$0x6] =	wrdreg s18  }
0xc: {  	s20 =	sadd.s32 s10, s5;
	[dreg:$0x7] =	wrdreg s19  }
0xd: {  	s21 =	sadd.s32 s10, s7;
	[dreg:$0x8] =	wrdreg s20  }
0xe: {  	s22 =	sadd.s32 s10, s8;
	[dreg:$0x9] =	wrdreg s21  }
0xf: {  	s3 =	sor.u32 $0x2400, s3;
	s24 =	sadd.s32 s10, s9;
	[dreg:$0xa] =	wrdreg s22  }
0x10: {  	s25 =	sadd.s32 $0x5400, s1;
	s26 =	sadd.s32 s10, s3;
	[dreg:$0xb] =	wrdreg s24  }
0x11: {  	s10 =	sadd.s32 s25, s5;
	[dreg:$0xc] =	wrdreg s26  }
0x12: {  	s11 =	sadd.s32 s25, s7;
	[dreg:$0xd] =	wrdreg s10  }
0x13: {  	s12 =	sadd.s32 s25, s8;
	[dreg:$0xe] =	wrdreg s11  }
0x14: {  	s0 =	sshll.u32 s0, $0x4;
	s13 =	sadd.s32 s25, s9;
	[dreg:$0xf] =	wrdreg s12  }
0x15: {  	s0 =	sadd.s32 s0, s1;
	s3 =	sadd.s32 s25, s3;
	[dreg:$0x10] =	wrdreg s13  }
0x16: {  	s14 =	sadd.s32 $0x8C400, s0;
	[dreg:$0x11] =	wrdreg s3  }
0x17: {  	s15 =	sadd.s32 $0x8C404, s0;
	[dreg:$0x12] =	wrdreg s14  }
0x18: {  	s25 =	sadd.s32 $0xCC408, s0;
	[dreg:$0x13] =	wrdreg s15  }
0x19: {  	s31 =	simm.s32 $0x200;
	s5 =	sadd.s32 $0xEC402, s0;
	[dreg:$0x1c] =	wrdreg s25  }
0x1a: {  	s29 =	simm.s32 $0x300;
	s6 =	sadd.s32 $0xEC404, s0;
	[dreg:$0x1f] =	wrdreg s5  }
0x1b: {  	s28 =	simm.s32 $0x400;
	s7 =	sadd.s32 $0xEC406, s0;
	[smem:$0x7F8] =	sst s6  }
0x1c: {  	s30 =	simm.s32 $0x3;
	s8 =	sadd.s32 $0xEC408, s0;
	[smem:$0x7F9] =	sst s7  }
0x1d: {  	p0 =	por $0x0, $0x0;
	s9 =	sadd.s32 $0xEC40A, s0;
	[smem:$0x7FA] =	sst s8  }
0x1e: {  	s2 =	ssub.s32 $0x2, s2;
	s16 =	sadd.s32 $0x8C408, s0;
	[smem:$0x7FB] =	sst s9  }
0x1f: {  	s17 =	sadd.s32 $0x8C40C, s0;
	s18 =	sadd.s32 $0xAC400, s0;
	[dreg:$0x14] =	wrdreg s16  }
0x20: {  	s19 =	sadd.s32 $0xAC404, s0;
	s20 =	sadd.s32 $0xAC408, s0;
	[dreg:$0x15] =	wrdreg s17  }
0x21: {  	s21 =	sadd.s32 $0xAC40C, s0;
	s22 =	sadd.s32 $0xCC400, s0;
	[dreg:$0x16] =	wrdreg s18  }
0x22: {  	s24 =	sadd.s32 $0xCC404, s0;
	s26 =	sadd.s32 $0xCC40C, s0;
	[dreg:$0x17] =	wrdreg s19  }
0x23: {  	s4 =	sadd.s32 $0xEC400, s0;
	s13 =	sadd.s32 $0x189600, s1;
	[dreg:$0x18] =	wrdreg s20  }
0x24: {  	s10 =	sshrl.u32 s2, $0x1;
	s11 =	sadd.s32 $0xEC40C, s0;
	[dreg:$0x19] =	wrdreg s21  }
0x25: {  	s0 =	sadd.s32 $0xEC40E, s0;
	s3 =	sadd.s32 $0x2C00, s1;
	[dreg:$0x1a] =	wrdreg s22  }
0x26: {  	s25 =	simm.s32 $0x600;
	s15 =	simm.s32 $0xA00;
	[dreg:$0x1b] =	wrdreg s24  }
0x27: {  	s14 =	simm.s32 $0xC00;
	s9 =	simm.s32 $0xE00;
	[dreg:$0x1d] =	wrdreg s26  }
0x28: {  	s6 =	simm.s32 $0x1;
	s5 =	simm.s32 $0x80;
	[dreg:$0x1e] =	wrdreg s4  }
0x29: {  	s7 =	simm.s32 $0x7F00;
	s2 =	ssub.s32 s2, s10;
	[smem:$0x7FC] =	sst s11  }
0x2a: {  	s8 =	simm.s32 $0x10;
	[smem:$0x7FD] =	sst s0;
	s12 =	smax.u32 s2, $0x1  }
0x2b: {  	s4 =	simm.s32 $0x100;
	s26 =	simm.s32 $0x500;
	p1 =	sne.s32 s12, $0x1  }
.Ltmp0:
0x2c: {  	s24 =	simm.s32 $0x700;
	s22 =	simm.s32 $0x800;
	(pc) =	sbr.rel @!p1 .LBB2_5-.Ltmp0, $4  }
0x2d: {  	s20 =	simm.s32 $0x900;
	s16 =	simm.s32 $0xB00;
	s11 =	simm.s32 $0xD00  }
0x2e: {  	s19 =	simm.s32 $0xF00;
	s21 =	simm.s32 $0x2F00;
	s17 =	simm.s32 $0x4F00  }
0x2f: {  	s18 =	simm.s32 $0x20;
	s10 =	simm.s32 $0x6F00;
	s0 =	rddreg [dreg:$0x3]  }
0x30: {  	s2 =	simm.s32 $0x2;
	s1 =	sadd.s32 $0xFFFFFFFF, s12;
	s12 =	simm.s32 $0x8F00  }
0x31: {  	[smem:$0x7F7] =	sst s1  }
0x32: {  	[tilespmem:s23], [sflag:$0x3] =	stream.linear.gather [hbm4b:s0+s23], $0x100, $0x38;
	[tilespmem:$0x9F00] =	vst v63  }
0x33: {  	s1 =	rddreg [dreg:$0x4]  }
0x34: {  	[tilespmem:s4], [sflag:$0x3] =	stream.linear.gather [hbm4b:s1+s23], $0x100, $0x38;
	[tilespmem:$0x9F00] =	vst v63  }
0x35: {  	s0 =	rddreg [dreg:$0x5]  }
0x36: {  	[tilespmem:s31], [sflag:$0x3] =	stream.linear.gather [hbm4b:s0+s23], $0x100, $0x38;
	[tilespmem:$0x9F00] =	vst v63  }
0x37: {  	s1 =	rddreg [dreg:$0x6]  }
0x38: {  	[tilespmem:s29], [sflag:$0x3] =	stream.linear.gather [hbm4b:s1+s23], $0x100, $0x38;
	[tilespmem:$0x9F00] =	vst v63  }
0x39: {  	s0 =	rddreg [dreg:$0x7]  }
0x3a: {  	[tilespmem:s28], [sflag:$0x3] =	stream.linear.gather [hbm4b:s0+s23], $0x100, $0x38;
	[tilespmem:$0x9F00] =	vst v63  }
0x3b: {  	s1 =	rddreg [dreg:$0x8]  }
0x3c: {  	[tilespmem:s26], [sflag:$0x3] =	stream.linear.gather [hbm4b:s1+s23], $0x100, $0x38;
	[tilespmem:$0x9F00] =	vst v63  }
0x3d: {  	s0 =	rddreg [dreg:$0x9]  }
0x3e: {  	[tilespmem:s25], [sflag:$0x3] =	stream.linear.gather [hbm4b:s0+s23], $0x100, $0x38;
	[tilespmem:$0x9F00] =	vst v63  }
0x3f: {  	s1 =	rddreg [dreg:$0xa]  }
0x40: {  	[tilespmem:s24], [sflag:$0x3] =	stream.linear.gather [hbm4b:s1+s23], $0x100, $0x38;
	[tilespmem:$0x9F00] =	vst v63  }
0x41: {  	s0 =	rddreg [dreg:$0xb]  }
0x42: {  	[tilespmem:s22], [sflag:$0x3] =	stream.linear.gather [hbm4b:s0+s23], $0x100, $0x38;
	[tilespmem:$0x9F00] =	vst v63  }
0x43: {  	s1 =	rddreg [dreg:$0xc]  }
0x44: {  	[tilespmem:s20], [sflag:$0x3] =	stream.linear.gather [hbm4b:s1+s23], $0x100, $0x38;
	[tilespmem:$0x9F00] =	vst v63  }
0x45: {  	s0 =	rddreg [dreg:$0xd]  }
0x46: {  	[tilespmem:s15], [sflag:$0x3] =	stream.linear.gather [hbm4b:s0+s23], $0x100, $0x38;
	[tilespmem:$0x9F00] =	vst v63  }
0x47: {  	s1 =	rddreg [dreg:$0xe]  }
0x48: {  	[tilespmem:s16], [sflag:$0x3] =	stream.linear.gather [hbm4b:s1+s23], $0x100, $0x38;
	[tilespmem:$0x9F00] =	vst v63  }
0x49: {  	s0 =	rddreg [dreg:$0xf]  }
0x4a: {  	[tilespmem:s14], [sflag:$0x3] =	stream.linear.gather [hbm4b:s0+s23], $0x100, $0x38;
	[tilespmem:$0x9F00] =	vst v63  }
0x4b: {  	s1 =	rddreg [dreg:$0x10]  }
0x4c: {  	[tilespmem:s11], [sflag:$0x3] =	stream.linear.gather [hbm4b:s1+s23], $0x100, $0x38;
	[tilespmem:$0x9F00] =	vst v63  }
0x4d: {  	s0 =	rddreg [dreg:$0x11]  }
0x4e: {  	[tilespmem:s9], [sflag:$0x3] =	stream.linear.gather [hbm4b:s0+s23], $0x100, $0x38;
	[tilespmem:$0x9F00] =	vst v63  }
0x4f: {  	_ =	swait.ge [sflag:s30], $0x100  }
0x50: {  	[sflag:s30] =	ssyncset.done $0x0  }
0x51: {  	[sflag:s30] =	ssyncadd.s32 $0xFFFFFF00  }
0x52: {  	[tilespmem:s19], [sflag:$0x1] =	stream.indirect.gather [hbm4b:s13+s4], $0x20, s23, s4, $0xb8;
	[tilespmem:$0x9F00] =	vst v63  }
0x53: {  	_ =	swait.ge [sflag:s30], $0x100  }
0x54: {  	[sflag:s30] =	ssyncset.done $0x0  }
0x55: {  	[sflag:s30] =	ssyncadd.s32 $0xFFFFFF00  }
0x56: {  	[tilespmem:s21], [sflag:$0x1] =	stream.indirect.gather [hbm4b:s13+s4], $0x20, s4, s4, $0xb8;
	[tilespmem:$0x9F00] =	vst v63  }
0x57: {  	_ =	swait.ge [sflag:s30], $0x100  }
0x58: {  	[sflag:s30] =	ssyncset.done $0x0  }
0x59: {  	[sflag:s30] =	ssyncadd.s32 $0xFFFFFF00  }
0x5a: {  	[tilespmem:s17], [sflag:$0x1] =	stream.indirect.gather [hbm4b:s13+s4], $0x20, s31, s4, $0xb8;
	[tilespmem:$0x9F00] =	vst v63  }
0x5b: {  	_ =	swait.ge [sflag:s30], $0x100  }
0x5c: {  	[sflag:s30] =	ssyncset.done $0x0  }
0x5d: {  	[sflag:s30] =	ssyncadd.s32 $0xFFFFFF00  }
0x5e: {  	_ =	swait.ge [sflag:s30], $0x100  }
0x5f: {  	[sflag:s30] =	ssyncset.done $0x0  }
0x60: {  	[sflag:s30] =	ssyncadd.s32 $0xFFFFFF00  }
0x61: {  	_ =	swait.ge [sflag:s30], $0x100  }
0x62: {  	[sflag:s30] =	ssyncset.done $0x0  }
0x63: {  	[sflag:s30] =	ssyncadd.s32 $0xFFFFFF00  }
0x64: {  	_ =	swait.ge [sflag:s30], $0x100  }
0x65: {  	[sflag:s30] =	ssyncset.done $0x0  }
0x66: {  	[sflag:s30] =	ssyncadd.s32 $0xFFFFFF00  }
0x67: {  	_ =	swait.ge [sflag:s30], $0x100  }
0x68: {  	[sflag:s30] =	ssyncset.done $0x0  }
0x69: {  	[sflag:s30] =	ssyncadd.s32 $0xFFFFFF00  }
0x6a: {  	_ =	swait.ge [sflag:s30], $0x100  }
0x6b: {  	[sflag:s30] =	ssyncset.done $0x0  }
0x6c: {  	[sflag:s30] =	ssyncadd.s32 $0xFFFFFF00  }
0x6d: {  	_ =	swait.ge [sflag:s30], $0x100  }
0x6e: {  	[sflag:s30] =	ssyncset.done $0x0  }
0x6f: {  	[sflag:s30] =	ssyncadd.s32 $0xFFFFFF00  }
0x70: {  	_ =	swait.ge [sflag:s30], $0x100  }
0x71: {  	[sflag:s30] =	ssyncset.done $0x0  }
0x72: {  	[sflag:s30] =	ssyncadd.s32 $0xFFFFFF00  }
0x73: {  	_ =	swait.ge [sflag:s30], $0x100  }
0x74: {  	[sflag:s30] =	ssyncset.done $0x0  }
0x75: {  	[sflag:s30] =	ssyncadd.s32 $0xFFFFFF00  }
0x76: {  	_ =	swait.ge [sflag:s30], $0x100  }
0x77: {  	[sflag:s30] =	ssyncset.done $0x0  }
0x78: {  	[sflag:s30] =	ssyncadd.s32 $0xFFFFFF00  }
0x79: {  	_ =	swait.ge [sflag:s30], $0x100  }
0x7a: {  	[sflag:s30] =	ssyncset.done $0x0  }
0x7b: {  	[sflag:s30] =	ssyncadd.s32 $0xFFFFFF00  }
0x7c: {  	_ =	swait.ge [sflag:s30], $0x100  }
0x7d: {  	[sflag:s30] =	ssyncset.done $0x0  }
0x7e: {  	[sflag:s30] =	ssyncadd.s32 $0xFFFFFF00  }
0x7f: {  	_ =	swait.ge [sflag:s6], $0x2000  }
0x80: {  	[sflag:s6] =	ssyncset.done $0x0  }
0x81: {  	s1 =	rddreg [dreg:$0x12];
	[sflag:s6] =	ssyncadd.s32 $0xFFFFE000  }
0x82: {  	[hbm4b:s1+s18] =	stream.strided.scatter [tilespmem:s19], [sflag:$0x2], $0x2000, s5, s18, $0x38;
	[tilespmem:$0x9F00] =	vst v63  }
0x83: {  	_ =	swait.ge [sflag:s2], $0x2000  }
0x84: {  	[sflag:s2] =	ssyncset.done $0x0  }
0x85: {  	[sflag:s2] =	ssyncadd.s32 $0xFFFFE000  }
0x86: {  	[tilespmem:s19], [sflag:$0x1] =	stream.indirect.gather [hbm4b:s13+s4], $0x20, s29, s4, $0xb8;
	[tilespmem:$0x9F00] =	vst v63  }
0x87: {  	_ =	swait.ge [sflag:s6], $0x2000  }
0x88: {  	[sflag:s6] =	ssyncset.done $0x0  }
0x89: {  	s1 =	rddreg [dreg:$0x13];
	[sflag:s6] =	ssyncadd.s32 $0xFFFFE000  }
0x8a: {  	[hbm4b:s1+s18] =	stream.strided.scatter [tilespmem:s21], [sflag:$0x2], $0x2000, s5, s18, $0x38;
	[tilespmem:$0x9F00] =	vst v63  }
0x8b: {  	_ =	swait.ge [sflag:s2], $0x2000  }
0x8c: {  	[sflag:s2] =	ssyncset.done $0x0  }
0x8d: {  	[sflag:s2] =	ssyncadd.s32 $0xFFFFE000  }
0x8e: {  	[tilespmem:s21], [sflag:$0x1] =	stream.indirect.gather [hbm4b:s13+s4], $0x20, s28, s4, $0xb8;
	[tilespmem:$0x9F00] =	vst v63  }
0x8f: {  	_ =	swait.ge [sflag:s6], $0x2000  }
0x90: {  	[sflag:s6] =	ssyncset.done $0x0  }
0x91: {  	s1 =	rddreg [dreg:$0x14];
	[sflag:s6] =	ssyncadd.s32 $0xFFFFE000  }
0x92: {  	[hbm4b:s1+s18] =	stream.strided.scatter [tilespmem:s17], [sflag:$0x2], $0x2000, s5, s18, $0x38;
	[tilespmem:$0x9F00] =	vst v63  }
0x93: {  	_ =	swait.ge [sflag:s2], $0x2000  }
0x94: {  	[sflag:s2] =	ssyncset.done $0x0  }
0x95: {  	[sflag:s2] =	ssyncadd.s32 $0xFFFFE000  }
0x96: {  	[tilespmem:s17], [sflag:$0x1] =	stream.indirect.gather [hbm4b:s13+s4], $0x20, s26, s4, $0xb8;
	[tilespmem:$0x9F00] =	vst v63  }
0x97: {  	_ =	swait.ge [sflag:s6], $0x2000  }
0x98: {  	[sflag:s6] =	ssyncset.done $0x0  }
0x99: {  	s1 =	rddreg [dreg:$0x15];
	[sflag:s6] =	ssyncadd.s32 $0xFFFFE000  }
0x9a: {  	[hbm4b:s1+s18] =	stream.strided.scatter [tilespmem:s19], [sflag:$0x2], $0x2000, s5, s18, $0x38;
	[tilespmem:$0x9F00] =	vst v63  }
0x9b: {  	_ =	swait.ge [sflag:s2], $0x2000  }
0x9c: {  	[sflag:s2] =	ssyncset.done $0x0  }
0x9d: {  	[sflag:s2] =	ssyncadd.s32 $0xFFFFE000  }
0x9e: {  	[tilespmem:s19], [sflag:$0x1] =	stream.indirect.gather [hbm4b:s13+s4], $0x20, s25, s4, $0xb8;
	[tilespmem:$0x9F00] =	vst v63  }
0x9f: {  	_ =	swait.ge [sflag:s6], $0x2000  }
0xa0: {  	[sflag:s6] =	ssyncset.done $0x0  }
0xa1: {  	s25 =	rddreg [dreg:$0x16];
	[sflag:s6] =	ssyncadd.s32 $0xFFFFE000  }
0xa2: {  	[hbm4b:s25+s18] =	stream.strided.scatter [tilespmem:s21], [sflag:$0x2], $0x2000, s5, s18, $0x38;
	[tilespmem:$0x9F00] =	vst v63  }
0xa3: {  	_ =	swait.ge [sflag:s2], $0x2000  }
0xa4: {  	[sflag:s2] =	ssyncset.done $0x0  }
0xa5: {  	[sflag:s2] =	ssyncadd.s32 $0xFFFFE000  }
0xa6: {  	[tilespmem:s21], [sflag:$0x1] =	stream.indirect.gather [hbm4b:s13+s4], $0x20, s24, s4, $0xb8;
	[tilespmem:$0x9F00] =	vst v63  }
0xa7: {  	_ =	swait.ge [sflag:s6], $0x2000  }
0xa8: {  	[sflag:s6] =	ssyncset.done $0x0  }
0xa9: {  	s26 =	rddreg [dreg:$0x17];
	[sflag:s6] =	ssyncadd.s32 $0xFFFFE000  }
0xaa: {  	[hbm4b:s26+s18] =	stream.strided.scatter [tilespmem:s17], [sflag:$0x2], $0x2000, s5, s18, $0x38;
	[tilespmem:$0x9F00] =	vst v63  }
0xab: {  	_ =	swait.ge [sflag:s2], $0x2000  }
0xac: {  	[sflag:s2] =	ssyncset.done $0x0  }
0xad: {  	[sflag:s2] =	ssyncadd.s32 $0xFFFFE000  }
0xae: {  	[tilespmem:s17], [sflag:$0x1] =	stream.indirect.gather [hbm4b:s13+s4], $0x20, s22, s4, $0xb8;
	[tilespmem:$0x9F00] =	vst v63  }
0xaf: {  	_ =	swait.ge [sflag:s6], $0x2000  }
0xb0: {  	[sflag:s6] =	ssyncset.done $0x0  }
0xb1: {  	s1 =	rddreg [dreg:$0x18];
	[sflag:s6] =	ssyncadd.s32 $0xFFFFE000  }
0xb2: {  	[hbm4b:s1+s18] =	stream.strided.scatter [tilespmem:s19], [sflag:$0x2], $0x2000, s5, s18, $0x38;
	[tilespmem:$0x9F00] =	vst v63  }
0xb3: {  	_ =	swait.ge [sflag:s2], $0x2000  }
0xb4: {  	[sflag:s2] =	ssyncset.done $0x0  }
0xb5: {  	[sflag:s2] =	ssyncadd.s32 $0xFFFFE000  }
0xb6: {  	[tilespmem:s19], [sflag:$0x1] =	stream.indirect.gather [hbm4b:s13+s4], $0x20, s20, s4, $0xb8;
	[tilespmem:$0x9F00] =	vst v63  }
0xb7: {  	_ =	swait.ge [sflag:s6], $0x2000  }
0xb8: {  	[sflag:s6] =	ssyncset.done $0x0  }
0xb9: {  	s20 =	rddreg [dreg:$0x19];
	[sflag:s6] =	ssyncadd.s32 $0xFFFFE000  }
0xba: {  	[hbm4b:s20+s18] =	stream.strided.scatter [tilespmem:s21], [sflag:$0x2], $0x2000, s5, s18, $0x38;
	[tilespmem:$0x9F00] =	vst v63  }
0xbb: {  	_ =	swait.ge [sflag:s6], $0x2000  }
0xbc: {  	[sflag:s6] =	ssyncset.done $0x0  }
0xbd: {  	s22 =	rddreg [dreg:$0x1a];
	[sflag:s6] =	ssyncadd.s32 $0xFFFFE000  }
0xbe: {  	[hbm4b:s22+s18] =	stream.strided.scatter [tilespmem:s17], [sflag:$0x2], $0x2000, s5, s18, $0x38;
	[tilespmem:$0x9F00] =	vst v63  }
0xbf: {  	_ =	swait.ge [sflag:s6], $0x2000  }
0xc0: {  	[sflag:s6] =	ssyncset.done $0x0  }
0xc1: {  	s24 =	rddreg [dreg:$0x1b];
	[sflag:s6] =	ssyncadd.s32 $0xFFFFE000  }
0xc2: {  	[hbm4b:s24+s18] =	stream.strided.scatter [tilespmem:s19], [sflag:$0x2], $0x2000, s5, s18, $0x38;
	[tilespmem:$0x9F00] =	vst v63  }
0xc3: {  	_ = 	snop  }
0xc4: {  	[tilespmem:s10], [sflag:$0x1] =	stream.indirect.gather [hbm4b:s3+s4], $0x10, s15, s4, $0xb8;
	[tilespmem:$0x9F00] =	vst v63  }
0xc5: {  	_ = 	snop  }
0xc6: {  	[tilespmem:s7], [sflag:$0x1] =	stream.indirect.gather [hbm4b:s3+s4], $0x10, s16, s4, $0xb8;
	[tilespmem:$0x9F00] =	vst v63  }
0xc7: {  	_ = 	snop  }
0xc8: {  	[tilespmem:s12], [sflag:$0x1] =	stream.indirect.gather [hbm4b:s3+s4], $0x10, s14, s4, $0xb8;
	[tilespmem:$0x9F00] =	vst v63  }
0xc9: {  	s25 =	rddreg [dreg:$0x1c]  }
0xca: {  	[hbm4b:s25+s18] =	stream.strided.scatter [tilespmem:s17], [sflag:$0x2], $0x2000, s5, s18, $0x38;
	[tilespmem:$0x9F00] =	vst v63  }
0xcb: {  	s26 =	rddreg [dreg:$0x1d]  }
0xcc: {  	[hbm4b:s26+s18] =	stream.strided.scatter [tilespmem:s17], [sflag:$0x2], $0x2000, s5, s18, $0x38;
	[tilespmem:$0x9F00] =	vst v63  }
0xcd: {  	_ =	swait.ge [sflag:s6], $0x1000  }
0xce: {  	[sflag:s6] =	ssyncset.done $0x0  }
0xcf: {  	s1 =	rddreg [dreg:$0x1e];
	[sflag:s6] =	ssyncadd.s32 $0xFFFFF000  }
0xd0: {  	[hbm4b:s1+s8] =	stream.strided.scatter [tilespmem:s10], [sflag:$0x2], $0x1000, s5, s8, $0x38;
	[tilespmem:$0x9F00] =	vst v63  }
0xd1: {  	_ =	swait.ge [sflag:s2], $0x1000  }
0xd2: {  	[sflag:s2] =	ssyncset.done $0x0  }
0xd3: {  	[sflag:s2] =	ssyncadd.s32 $0xFFFFF000  }
0xd4: {  	[tilespmem:s10], [sflag:$0x1] =	stream.indirect.gather [hbm4b:s3+s4], $0x10, s11, s4, $0xb8;
	[tilespmem:$0x9F00] =	vst v63  }
0xd5: {  	_ =	swait.ge [sflag:s6], $0x1000  }
0xd6: {  	[sflag:s6] =	ssyncset.done $0x0  }
0xd7: {  	s14 =	rddreg [dreg:$0x1f];
	[sflag:s6] =	ssyncadd.s32 $0xFFFFF000  }
0xd8: {  	[hbm4b:s14+s8] =	stream.strided.scatter [tilespmem:s7], [sflag:$0x2], $0x1000, s5, s8, $0x38;
	[tilespmem:$0x9F00] =	vst v63  }
0xd9: {  	_ =	swait.ge [sflag:s2], $0x1000  }
0xda: {  	[sflag:s2] =	ssyncset.done $0x0  }
0xdb: {  	[sflag:s2] =	ssyncadd.s32 $0xFFFFF000  }
0xdc: {  	[tilespmem:s7], [sflag:$0x1] =	stream.indirect.gather [hbm4b:s3+s4], $0x10, s9, s4, $0xb8;
	[tilespmem:$0x9F00] =	vst v63  }
0xdd: {  	_ =	swait.ge [sflag:s6], $0x1000  }
0xde: {  	s15 =	sld [smem:$0x7F8]  }
0xdf: {  	[sflag:s6] =	ssyncset.done $0x0  }
0xe0: {  	[sflag:s6] =	ssyncadd.s32 $0xFFFFF000  }
0xe1: {  	[hbm4b:s15+s8] =	stream.strided.scatter [tilespmem:s12], [sflag:$0x2], $0x1000, s5, s8, $0x38;
	[tilespmem:$0x9F00] =	vst v63  }
0xe2: {  	_ =	swait.ge [sflag:s6], $0x1000  }
0xe3: {  	s16 =	sld [smem:$0x7F9]  }
0xe4: {  	[sflag:s6] =	ssyncset.done $0x0  }
0xe5: {  	[sflag:s6] =	ssyncadd.s32 $0xFFFFF000  }
0xe6: {  	[hbm4b:s16+s8] =	stream.strided.scatter [tilespmem:s10], [sflag:$0x2], $0x1000, s5, s8, $0x38;
	[tilespmem:$0x9F00] =	vst v63  }
0xe7: {  	_ =	swait.ge [sflag:s6], $0x1000  }
0xe8: {  	s20 =	sld [smem:$0x7FA]  }
0xe9: {  	[sflag:s6] =	ssyncset.done $0x0  }
0xea: {  	s22 =	sld [smem:$0x7FB];
	[sflag:s6] =	ssyncadd.s32 $0xFFFFF000  }
0xeb: {  	[hbm4b:s20+s8] =	stream.strided.scatter [tilespmem:s7], [sflag:$0x2], $0x1000, s5, s8, $0x38;
	[tilespmem:$0x9F00] =	vst v63  }
0xec: {  	s24 =	sld [smem:$0x7FC]  }
0xed: {  	[hbm4b:s22+s8] =	stream.strided.scatter [tilespmem:s7], [sflag:$0x2], $0x1000, s5, s8, $0x38;
	[tilespmem:$0x9F00] =	vst v63  }
0xee: {  	s25 =	sld [smem:$0x7FD]  }
0xef: {  	[hbm4b:s24+s8] =	stream.strided.scatter [tilespmem:s7], [sflag:$0x2], $0x1000, s5, s8, $0x38;
	[tilespmem:$0x9F00] =	vst v63  }
0xf0: {  	_ = 	snop  }
0xf1: {  	[hbm4b:s25+s8] =	stream.strided.scatter [tilespmem:s7], [sflag:$0x2], $0x1000, s5, s8, $0x38;
	[tilespmem:$0x9F00] =	vst v63  }
0xf2: {  	_ =	swait.ge [sflag:s2], $0x2000  }
0xf3: {  	[sflag:s2] =	ssyncset.done $0x0  }
0xf4: {  	[sflag:s2] =	ssyncadd.s32 $0xFFFFE000  }
0xf5: {  	_ =	swait.ge [sflag:s2], $0x2000  }
0xf6: {  	[sflag:s2] =	ssyncset.done $0x0  }
0xf7: {  	[sflag:s2] =	ssyncadd.s32 $0xFFFFE000  }
0xf8: {  	_ =	swait.ge [sflag:s2], $0x2000  }
0xf9: {  	[sflag:s2] =	ssyncset.done $0x0  }
0xfa: {  	[sflag:s2] =	ssyncadd.s32 $0xFFFFE000  }
0xfb: {  	_ =	swait.ge [sflag:s2], $0x2000  }
0xfc: {  	[sflag:s2] =	ssyncset.done $0x0  }
0xfd: {  	[sflag:s2] =	ssyncadd.s32 $0xFFFFE000  }
0xfe: {  	_ =	swait.ge [sflag:s2], $0x2000  }
0xff: {  	[sflag:s2] =	ssyncset.done $0x0  }
0x100: {  	[sflag:s2] =	ssyncadd.s32 $0xFFFFE000  }
0x101: {  	_ =	swait.ge [sflag:s2], $0x1000  }
0x102: {  	[sflag:s2] =	ssyncset.done $0x0  }
0x103: {  	[sflag:s2] =	ssyncadd.s32 $0xFFFFF000  }
0x104: {  	_ =	swait.ge [sflag:s2], $0x1000  }
0x105: {  	[sflag:s2] =	ssyncset.done $0x0  }
0x106: {  	[sflag:s2] =	ssyncadd.s32 $0xFFFFF000  }
0x107: {  	_ =	swait.ge [sflag:s2], $0x1000  }
0x108: {  	[sflag:s2] =	ssyncset.done $0x0  }
0x109: {  	[sflag:s2] =	ssyncadd.s32 $0xFFFFF000  }
0x10a: {  	_ =	swait.ge [sflag:s2], $0x1000  }
0x10b: {  	[sflag:s2] =	ssyncset.done $0x0  }
0x10c: {  	[sflag:s2] =	ssyncadd.s32 $0xFFFFF000  }
0x10d: {  	_ =	swait.ge [sflag:s2], $0x1000  }
0x10e: {  	s26 =	sld [smem:$0x7F7];
	_ =	sdelay $0x2  }
0x10f: {  	p0 =	por $0x1, $0x1;
	s31 =	simm.s32 $0x300;
	p1 =	sne.s32 s26, $0x1  }
.Ltmp1:
0x110: {  	s29 =	simm.s32 $0x400;
	s28 =	simm.s32 $0x500;
	(pc) =	sbr.rel @!p1 .LBB2_6-.Ltmp1, $4  }
0x111: {  	s12 =	simm.s32 $0x200;
	s20 =	simm.s32 $0xB00;
	[sflag:s2] =	ssyncset.done $0x0  }
0x112: {  	s22 =	simm.s32 $0x900;
	s24 =	simm.s32 $0x800;
	[sflag:s2] =	ssyncadd.s32 $0xFFFFF000  }
0x113: {  	s25 =	simm.s32 $0x700;
	_ =	swait.ge [sflag:s2], $0x1000;
	s1 =	sadd.s32 $0xFFFFFFFF, s26  }
0x114: {  	s0 =	rddreg [dreg:$0x3];
	[sflag:s2] =	ssyncset.done $0x0;
	s26 =	simm.s32 $0x600  }
0x115: {  	s16 =	simm.s32 $0xC00;
	s11 =	simm.s32 $0xD00;
	s14 =	simm.s32 $0xE00  }
.LBB2_3:
0x116: {  	[sflag:s2] =	ssyncadd.s32 $0xFFFFF000  }
0x117: {  	[tilespmem:s23], [sflag:$0x3] =	stream.linear.gather [hbm4b:s0+s23], $0x100, $0x38;
	[tilespmem:$0x9F00] =	vst v63  }
0x118: {  	s9 =	rddreg [dreg:$0x4]  }
0x119: {  	[tilespmem:s4], [sflag:$0x3] =	stream.linear.gather [hbm4b:s9+s23], $0x100, $0x38;
	[tilespmem:$0x9F00] =	vst v63  }
0x11a: {  	s0 =	rddreg [dreg:$0x5]  }
0x11b: {  	[tilespmem:s12], [sflag:$0x3] =	stream.linear.gather [hbm4b:s0+s23], $0x100, $0x38;
	[tilespmem:$0x9F00] =	vst v63  }
0x11c: {  	s15 =	rddreg [dreg:$0x6]  }
0x11d: {  	[tilespmem:s31], [sflag:$0x3] =	stream.linear.gather [hbm4b:s15+s23], $0x100, $0x38;
	[tilespmem:$0x9F00] =	vst v63  }
0x11e: {  	s0 =	rddreg [dreg:$0x7]  }
0x11f: {  	[tilespmem:s29], [sflag:$0x3] =	stream.linear.gather [hbm4b:s0+s23], $0x100, $0x38;
	[tilespmem:$0x9F00] =	vst v63  }
0x120: {  	s15 =	rddreg [dreg:$0x8]  }
0x121: {  	[tilespmem:s28], [sflag:$0x3] =	stream.linear.gather [hbm4b:s15+s23], $0x100, $0x38;
	[tilespmem:$0x9F00] =	vst v63  }
0x122: {  	s0 =	rddreg [dreg:$0x9]  }
0x123: {  	[tilespmem:s26], [sflag:$0x3] =	stream.linear.gather [hbm4b:s0+s23], $0x100, $0x38;
	[tilespmem:$0x9F00] =	vst v63  }
0x124: {  	s15 =	rddreg [dreg:$0xa]  }
0x125: {  	[tilespmem:s25], [sflag:$0x3] =	stream.linear.gather [hbm4b:s15+s23], $0x100, $0x38;
	[tilespmem:$0x9F00] =	vst v63  }
0x126: {  	s0 =	rddreg [dreg:$0xb]  }
0x127: {  	[tilespmem:s24], [sflag:$0x3] =	stream.linear.gather [hbm4b:s0+s23], $0x100, $0x38;
	[tilespmem:$0x9F00] =	vst v63  }
0x128: {  	s15 =	rddreg [dreg:$0xc]  }
0x129: {  	[tilespmem:s22], [sflag:$0x3] =	stream.linear.gather [hbm4b:s15+s23], $0x100, $0x38;
	[tilespmem:$0x9F00] =	vst v63  }
0x12a: {  	s0 =	rddreg [dreg:$0xd];
	s15 =	simm.s32 $0xA00  }
0x12b: {  	[tilespmem:s15], [sflag:$0x3] =	stream.linear.gather [hbm4b:s0+s23], $0x100, $0x38;
	[tilespmem:$0x9F00] =	vst v63  }
0x12c: {  	s9 =	rddreg [dreg:$0xe]  }
0x12d: {  	[tilespmem:s20], [sflag:$0x3] =	stream.linear.gather [hbm4b:s9+s23], $0x100, $0x38;
	[tilespmem:$0x9F00] =	vst v63  }
0x12e: {  	s0 =	rddreg [dreg:$0xf]  }
0x12f: {  	[tilespmem:s16], [sflag:$0x3] =	stream.linear.gather [hbm4b:s0+s23], $0x100, $0x38;
	[tilespmem:$0x9F00] =	vst v63  }
0x130: {  	s9 =	rddreg [dreg:$0x10]  }
0x131: {  	[tilespmem:s11], [sflag:$0x3] =	stream.linear.gather [hbm4b:s9+s23], $0x100, $0x38;
	[tilespmem:$0x9F00] =	vst v63  }
0x132: {  	s0 =	rddreg [dreg:$0x11]  }
0x133: {  	[tilespmem:s14], [sflag:$0x3] =	stream.linear.gather [hbm4b:s0+s23], $0x100, $0x38;
	[tilespmem:$0x9F00] =	vst v63  }
0x134: {  	_ =	swait.ge [sflag:s30], $0x100  }
0x135: {  	[sflag:s30] =	ssyncset.done $0x0  }
0x136: {  	[sflag:s30] =	ssyncadd.s32 $0xFFFFFF00  }
0x137: {  	[tilespmem:s19], [sflag:$0x1] =	stream.indirect.gather [hbm4b:s13+s4], $0x20, s23, s4, $0xb8;
	[tilespmem:$0x9F00] =	vst v63  }
0x138: {  	_ =	swait.ge [sflag:s30], $0x100  }
0x139: {  	[sflag:s30] =	ssyncset.done $0x0  }
0x13a: {  	[sflag:s30] =	ssyncadd.s32 $0xFFFFFF00  }
0x13b: {  	[tilespmem:s21], [sflag:$0x1] =	stream.indirect.gather [hbm4b:s13+s4], $0x20, s4, s4, $0xb8;
	[tilespmem:$0x9F00] =	vst v63  }
0x13c: {  	_ =	swait.ge [sflag:s30], $0x100  }
0x13d: {  	[sflag:s30] =	ssyncset.done $0x0  }
0x13e: {  	[sflag:s30] =	ssyncadd.s32 $0xFFFFFF00  }
0x13f: {  	[tilespmem:s17], [sflag:$0x1] =	stream.indirect.gather [hbm4b:s13+s4], $0x20, s12, s4, $0xb8;
	[tilespmem:$0x9F00] =	vst v63  }
0x140: {  	_ =	swait.ge [sflag:s30], $0x100  }
0x141: {  	[sflag:s30] =	ssyncset.done $0x0  }
0x142: {  	[sflag:s30] =	ssyncadd.s32 $0xFFFFFF00  }
0x143: {  	_ =	swait.ge [sflag:s30], $0x100  }
0x144: {  	[sflag:s30] =	ssyncset.done $0x0  }
0x145: {  	[sflag:s30] =	ssyncadd.s32 $0xFFFFFF00  }
0x146: {  	_ =	swait.ge [sflag:s30], $0x100  }
0x147: {  	[sflag:s30] =	ssyncset.done $0x0  }
0x148: {  	[sflag:s30] =	ssyncadd.s32 $0xFFFFFF00  }
0x149: {  	_ =	swait.ge [sflag:s30], $0x100  }
0x14a: {  	[sflag:s30] =	ssyncset.done $0x0  }
0x14b: {  	[sflag:s30] =	ssyncadd.s32 $0xFFFFFF00  }
0x14c: {  	_ =	swait.ge [sflag:s30], $0x100  }
0x14d: {  	[sflag:s30] =	ssyncset.done $0x0  }
0x14e: {  	[sflag:s30] =	ssyncadd.s32 $0xFFFFFF00  }
0x14f: {  	_ =	swait.ge [sflag:s30], $0x100  }
0x150: {  	[sflag:s30] =	ssyncset.done $0x0  }
0x151: {  	[sflag:s30] =	ssyncadd.s32 $0xFFFFFF00  }
0x152: {  	_ =	swait.ge [sflag:s30], $0x100  }
0x153: {  	[sflag:s30] =	ssyncset.done $0x0  }
0x154: {  	[sflag:s30] =	ssyncadd.s32 $0xFFFFFF00  }
0x155: {  	_ =	swait.ge [sflag:s30], $0x100  }
0x156: {  	[sflag:s30] =	ssyncset.done $0x0  }
0x157: {  	[sflag:s30] =	ssyncadd.s32 $0xFFFFFF00  }
0x158: {  	_ =	swait.ge [sflag:s30], $0x100  }
0x159: {  	[sflag:s30] =	ssyncset.done $0x0  }
0x15a: {  	[sflag:s30] =	ssyncadd.s32 $0xFFFFFF00  }
0x15b: {  	_ =	swait.ge [sflag:s30], $0x100  }
0x15c: {  	[sflag:s30] =	ssyncset.done $0x0  }
0x15d: {  	[sflag:s30] =	ssyncadd.s32 $0xFFFFFF00  }
0x15e: {  	_ =	swait.ge [sflag:s30], $0x100  }
0x15f: {  	[sflag:s30] =	ssyncset.done $0x0  }
0x160: {  	[sflag:s30] =	ssyncadd.s32 $0xFFFFFF00  }
0x161: {  	_ =	swait.ge [sflag:s30], $0x100  }
0x162: {  	[sflag:s30] =	ssyncset.done $0x0  }
0x163: {  	[sflag:s30] =	ssyncadd.s32 $0xFFFFFF00  }
0x164: {  	_ =	swait.ge [sflag:s6], $0x2000  }
0x165: {  	[sflag:s6] =	ssyncset.done $0x0  }
0x166: {  	s9 =	rddreg [dreg:$0x12];
	[sflag:s6] =	ssyncadd.s32 $0xFFFFE000  }
0x167: {  	[hbm4b:s9+s18] =	stream.strided.scatter [tilespmem:s19], [sflag:$0x2], $0x2000, s5, s18, $0x38;
	[tilespmem:$0x9F00] =	vst v63  }
0x168: {  	_ =	swait.ge [sflag:s2], $0x2000  }
0x169: {  	[sflag:s2] =	ssyncset.done $0x0  }
0x16a: {  	[sflag:s2] =	ssyncadd.s32 $0xFFFFE000  }
0x16b: {  	[tilespmem:s19], [sflag:$0x1] =	stream.indirect.gather [hbm4b:s13+s4], $0x20, s31, s4, $0xb8;
	[tilespmem:$0x9F00] =	vst v63  }
0x16c: {  	_ =	swait.ge [sflag:s6], $0x2000  }
0x16d: {  	[sflag:s6] =	ssyncset.done $0x0  }
0x16e: {  	s9 =	rddreg [dreg:$0x13];
	[sflag:s6] =	ssyncadd.s32 $0xFFFFE000  }
0x16f: {  	[hbm4b:s9+s18] =	stream.strided.scatter [tilespmem:s21], [sflag:$0x2], $0x2000, s5, s18, $0x38;
	[tilespmem:$0x9F00] =	vst v63  }
0x170: {  	_ =	swait.ge [sflag:s2], $0x2000  }
0x171: {  	[sflag:s2] =	ssyncset.done $0x0  }
0x172: {  	[sflag:s2] =	ssyncadd.s32 $0xFFFFE000  }
0x173: {  	[tilespmem:s21], [sflag:$0x1] =	stream.indirect.gather [hbm4b:s13+s4], $0x20, s29, s4, $0xb8;
	[tilespmem:$0x9F00] =	vst v63  }
0x174: {  	_ =	swait.ge [sflag:s6], $0x2000  }
0x175: {  	[sflag:s6] =	ssyncset.done $0x0  }
0x176: {  	s9 =	rddreg [dreg:$0x14];
	[sflag:s6] =	ssyncadd.s32 $0xFFFFE000  }
0x177: {  	[hbm4b:s9+s18] =	stream.strided.scatter [tilespmem:s17], [sflag:$0x2], $0x2000, s5, s18, $0x38;
	[tilespmem:$0x9F00] =	vst v63  }
0x178: {  	_ =	swait.ge [sflag:s2], $0x2000  }
0x179: {  	[sflag:s2] =	ssyncset.done $0x0  }
0x17a: {  	[sflag:s2] =	ssyncadd.s32 $0xFFFFE000  }
0x17b: {  	[tilespmem:s17], [sflag:$0x1] =	stream.indirect.gather [hbm4b:s13+s4], $0x20, s28, s4, $0xb8;
	[tilespmem:$0x9F00] =	vst v63  }
0x17c: {  	_ =	swait.ge [sflag:s6], $0x2000  }
0x17d: {  	[sflag:s6] =	ssyncset.done $0x0  }
0x17e: {  	s9 =	rddreg [dreg:$0x15];
	[sflag:s6] =	ssyncadd.s32 $0xFFFFE000  }
0x17f: {  	[hbm4b:s9+s18] =	stream.strided.scatter [tilespmem:s19], [sflag:$0x2], $0x2000, s5, s18, $0x38;
	[tilespmem:$0x9F00] =	vst v63  }
0x180: {  	_ =	swait.ge [sflag:s2], $0x2000  }
0x181: {  	[sflag:s2] =	ssyncset.done $0x0  }
0x182: {  	[sflag:s2] =	ssyncadd.s32 $0xFFFFE000  }
0x183: {  	[tilespmem:s19], [sflag:$0x1] =	stream.indirect.gather [hbm4b:s13+s4], $0x20, s26, s4, $0xb8;
	[tilespmem:$0x9F00] =	vst v63  }
0x184: {  	_ =	swait.ge [sflag:s6], $0x2000  }
0x185: {  	[sflag:s6] =	ssyncset.done $0x0  }
0x186: {  	s9 =	rddreg [dreg:$0x16];
	[sflag:s6] =	ssyncadd.s32 $0xFFFFE000  }
0x187: {  	[hbm4b:s9+s18] =	stream.strided.scatter [tilespmem:s21], [sflag:$0x2], $0x2000, s5, s18, $0x38;
	[tilespmem:$0x9F00] =	vst v63  }
0x188: {  	_ =	swait.ge [sflag:s2], $0x2000  }
0x189: {  	[sflag:s2] =	ssyncset.done $0x0  }
0x18a: {  	[sflag:s2] =	ssyncadd.s32 $0xFFFFE000  }
0x18b: {  	[tilespmem:s21], [sflag:$0x1] =	stream.indirect.gather [hbm4b:s13+s4], $0x20, s25, s4, $0xb8;
	[tilespmem:$0x9F00] =	vst v63  }
0x18c: {  	_ =	swait.ge [sflag:s6], $0x2000  }
0x18d: {  	[sflag:s6] =	ssyncset.done $0x0  }
0x18e: {  	s9 =	rddreg [dreg:$0x17];
	[sflag:s6] =	ssyncadd.s32 $0xFFFFE000  }
0x18f: {  	[hbm4b:s9+s18] =	stream.strided.scatter [tilespmem:s17], [sflag:$0x2], $0x2000, s5, s18, $0x38;
	[tilespmem:$0x9F00] =	vst v63  }
0x190: {  	_ =	swait.ge [sflag:s2], $0x2000  }
0x191: {  	[sflag:s2] =	ssyncset.done $0x0  }
0x192: {  	[sflag:s2] =	ssyncadd.s32 $0xFFFFE000  }
0x193: {  	[tilespmem:s17], [sflag:$0x1] =	stream.indirect.gather [hbm4b:s13+s4], $0x20, s24, s4, $0xb8;
	[tilespmem:$0x9F00] =	vst v63  }
0x194: {  	_ =	swait.ge [sflag:s6], $0x2000  }
0x195: {  	[sflag:s6] =	ssyncset.done $0x0  }
0x196: {  	s9 =	rddreg [dreg:$0x18];
	[sflag:s6] =	ssyncadd.s32 $0xFFFFE000  }
0x197: {  	[hbm4b:s9+s18] =	stream.strided.scatter [tilespmem:s19], [sflag:$0x2], $0x2000, s5, s18, $0x38;
	[tilespmem:$0x9F00] =	vst v63  }
0x198: {  	_ =	swait.ge [sflag:s2], $0x2000  }
0x199: {  	[sflag:s2] =	ssyncset.done $0x0  }
0x19a: {  	[sflag:s2] =	ssyncadd.s32 $0xFFFFE000  }
0x19b: {  	[tilespmem:s19], [sflag:$0x1] =	stream.indirect.gather [hbm4b:s13+s4], $0x20, s22, s4, $0xb8;
	[tilespmem:$0x9F00] =	vst v63  }
0x19c: {  	_ =	swait.ge [sflag:s6], $0x2000  }
0x19d: {  	[sflag:s6] =	ssyncset.done $0x0  }
0x19e: {  	s9 =	rddreg [dreg:$0x19];
	[sflag:s6] =	ssyncadd.s32 $0xFFFFE000  }
0x19f: {  	[hbm4b:s9+s18] =	stream.strided.scatter [tilespmem:s21], [sflag:$0x2], $0x2000, s5, s18, $0x38;
	[tilespmem:$0x9F00] =	vst v63  }
0x1a0: {  	_ =	swait.ge [sflag:s6], $0x2000  }
0x1a1: {  	[sflag:s6] =	ssyncset.done $0x0  }
0x1a2: {  	s9 =	rddreg [dreg:$0x1a];
	[sflag:s6] =	ssyncadd.s32 $0xFFFFE000  }
0x1a3: {  	[hbm4b:s9+s18] =	stream.strided.scatter [tilespmem:s17], [sflag:$0x2], $0x2000, s5, s18, $0x38;
	[tilespmem:$0x9F00] =	vst v63  }
0x1a4: {  	_ =	swait.ge [sflag:s6], $0x2000  }
0x1a5: {  	[sflag:s6] =	ssyncset.done $0x0  }
0x1a6: {  	s9 =	rddreg [dreg:$0x1b];
	[sflag:s6] =	ssyncadd.s32 $0xFFFFE000  }
0x1a7: {  	[hbm4b:s9+s18] =	stream.strided.scatter [tilespmem:s19], [sflag:$0x2], $0x2000, s5, s18, $0x38;
	[tilespmem:$0x9F00] =	vst v63  }
0x1a8: {  	_ = 	snop  }
0x1a9: {  	[tilespmem:s10], [sflag:$0x1] =	stream.indirect.gather [hbm4b:s3+s4], $0x10, s15, s4, $0xb8;
	[tilespmem:$0x9F00] =	vst v63  }
0x1aa: {  	_ = 	snop  }
0x1ab: {  	[tilespmem:s7], [sflag:$0x1] =	stream.indirect.gather [hbm4b:s3+s4], $0x10, s20, s4, $0xb8;
	[tilespmem:$0x9F00] =	vst v63  }
0x1ac: {  	s15 =	simm.s32 $0x8F00  }
0x1ad: {  	[tilespmem:s15], [sflag:$0x1] =	stream.indirect.gather [hbm4b:s3+s4], $0x10, s16, s4, $0xb8;
	[tilespmem:$0x9F00] =	vst v63  }
0x1ae: {  	s0 =	rddreg [dreg:$0x1c]  }
0x1af: {  	[hbm4b:s0+s18] =	stream.strided.scatter [tilespmem:s17], [sflag:$0x2], $0x2000, s5, s18, $0x38;
	[tilespmem:$0x9F00] =	vst v63  }
0x1b0: {  	s9 =	rddreg [dreg:$0x1d]  }
0x1b1: {  	[hbm4b:s9+s18] =	stream.strided.scatter [tilespmem:s17], [sflag:$0x2], $0x2000, s5, s18, $0x38;
	[tilespmem:$0x9F00] =	vst v63  }
0x1b2: {  	_ =	swait.ge [sflag:s6], $0x1000  }
0x1b3: {  	[sflag:s6] =	ssyncset.done $0x0  }
0x1b4: {  	s9 =	rddreg [dreg:$0x1e];
	[sflag:s6] =	ssyncadd.s32 $0xFFFFF000  }
0x1b5: {  	[hbm4b:s9+s8] =	stream.strided.scatter [tilespmem:s10], [sflag:$0x2], $0x1000, s5, s8, $0x38;
	[tilespmem:$0x9F00] =	vst v63  }
0x1b6: {  	_ =	swait.ge [sflag:s2], $0x1000  }
0x1b7: {  	[sflag:s2] =	ssyncset.done $0x0  }
0x1b8: {  	[sflag:s2] =	ssyncadd.s32 $0xFFFFF000  }
0x1b9: {  	[tilespmem:s10], [sflag:$0x1] =	stream.indirect.gather [hbm4b:s3+s4], $0x10, s11, s4, $0xb8;
	[tilespmem:$0x9F00] =	vst v63  }
0x1ba: {  	_ =	swait.ge [sflag:s6], $0x1000  }
0x1bb: {  	[sflag:s6] =	ssyncset.done $0x0  }
0x1bc: {  	s9 =	rddreg [dreg:$0x1f];
	[sflag:s6] =	ssyncadd.s32 $0xFFFFF000  }
0x1bd: {  	[hbm4b:s9+s8] =	stream.strided.scatter [tilespmem:s7], [sflag:$0x2], $0x1000, s5, s8, $0x38;
	[tilespmem:$0x9F00] =	vst v63  }
0x1be: {  	_ =	swait.ge [sflag:s2], $0x1000  }
0x1bf: {  	[sflag:s2] =	ssyncset.done $0x0  }
0x1c0: {  	[sflag:s2] =	ssyncadd.s32 $0xFFFFF000  }
0x1c1: {  	[tilespmem:s7], [sflag:$0x1] =	stream.indirect.gather [hbm4b:s3+s4], $0x10, s14, s4, $0xb8;
	[tilespmem:$0x9F00] =	vst v63  }
0x1c2: {  	_ =	swait.ge [sflag:s6], $0x1000  }
0x1c3: {  	s9 =	sld [smem:$0x7F8]  }
0x1c4: {  	[sflag:s6] =	ssyncset.done $0x0  }
0x1c5: {  	[sflag:s6] =	ssyncadd.s32 $0xFFFFF000  }
0x1c6: {  	[hbm4b:s9+s8] =	stream.strided.scatter [tilespmem:s15], [sflag:$0x2], $0x1000, s5, s8, $0x38;
	[tilespmem:$0x9F00] =	vst v63  }
0x1c7: {  	_ =	swait.ge [sflag:s6], $0x1000  }
0x1c8: {  	s15 =	sld [smem:$0x7F9]  }
0x1c9: {  	[sflag:s6] =	ssyncset.done $0x0  }
0x1ca: {  	[sflag:s6] =	ssyncadd.s32 $0xFFFFF000  }
0x1cb: {  	[hbm4b:s15+s8] =	stream.strided.scatter [tilespmem:s10], [sflag:$0x2], $0x1000, s5, s8, $0x38;
	[tilespmem:$0x9F00] =	vst v63  }
0x1cc: {  	_ =	swait.ge [sflag:s6], $0x1000  }
0x1cd: {  	s9 =	sld [smem:$0x7FA]  }
0x1ce: {  	[sflag:s6] =	ssyncset.done $0x0  }
0x1cf: {  	s15 =	sld [smem:$0x7FB];
	[sflag:s6] =	ssyncadd.s32 $0xFFFFF000  }
0x1d0: {  	[hbm4b:s9+s8] =	stream.strided.scatter [tilespmem:s7], [sflag:$0x2], $0x1000, s5, s8, $0x38;
	[tilespmem:$0x9F00] =	vst v63  }
0x1d1: {  	s0 =	sld [smem:$0x7FC]  }
0x1d2: {  	[hbm4b:s15+s8] =	stream.strided.scatter [tilespmem:s7], [sflag:$0x2], $0x1000, s5, s8, $0x38;
	[tilespmem:$0x9F00] =	vst v63  }
0x1d3: {  	s15 =	sld [smem:$0x7FD]  }
0x1d4: {  	[hbm4b:s0+s8] =	stream.strided.scatter [tilespmem:s7], [sflag:$0x2], $0x1000, s5, s8, $0x38;
	[tilespmem:$0x9F00] =	vst v63  }
0x1d5: {  	_ = 	snop  }
0x1d6: {  	[hbm4b:s15+s8] =	stream.strided.scatter [tilespmem:s7], [sflag:$0x2], $0x1000, s5, s8, $0x38;
	[tilespmem:$0x9F00] =	vst v63  }
0x1d7: {  	_ =	swait.ge [sflag:s2], $0x2000  }
0x1d8: {  	[sflag:s2] =	ssyncset.done $0x0  }
0x1d9: {  	[sflag:s2] =	ssyncadd.s32 $0xFFFFE000  }
0x1da: {  	_ =	swait.ge [sflag:s2], $0x2000  }
0x1db: {  	[sflag:s2] =	ssyncset.done $0x0  }
0x1dc: {  	[sflag:s2] =	ssyncadd.s32 $0xFFFFE000  }
0x1dd: {  	_ =	swait.ge [sflag:s2], $0x2000  }
0x1de: {  	[sflag:s2] =	ssyncset.done $0x0  }
0x1df: {  	[sflag:s2] =	ssyncadd.s32 $0xFFFFE000  }
0x1e0: {  	_ =	swait.ge [sflag:s2], $0x2000  }
0x1e1: {  	[sflag:s2] =	ssyncset.done $0x0  }
0x1e2: {  	[sflag:s2] =	ssyncadd.s32 $0xFFFFE000  }
0x1e3: {  	_ =	swait.ge [sflag:s2], $0x2000  }
0x1e4: {  	[sflag:s2] =	ssyncset.done $0x0  }
0x1e5: {  	[sflag:s2] =	ssyncadd.s32 $0xFFFFE000  }
0x1e6: {  	_ =	swait.ge [sflag:s2], $0x1000  }
0x1e7: {  	[sflag:s2] =	ssyncset.done $0x0  }
0x1e8: {  	[sflag:s2] =	ssyncadd.s32 $0xFFFFF000  }
0x1e9: {  	_ =	swait.ge [sflag:s2], $0x1000  }
0x1ea: {  	[sflag:s2] =	ssyncset.done $0x0  }
0x1eb: {  	[sflag:s2] =	ssyncadd.s32 $0xFFFFF000  }
0x1ec: {  	_ =	swait.ge [sflag:s2], $0x1000  }
0x1ed: {  	[sflag:s2] =	ssyncset.done $0x0  }
0x1ee: {  	[sflag:s2] =	ssyncadd.s32 $0xFFFFF000  }
0x1ef: {  	_ =	swait.ge [sflag:s2], $0x1000  }
0x1f0: {  	[sflag:s2] =	ssyncset.done $0x0  }
0x1f1: {  	p1 =	sne.s32 s1, $0x1;
	[sflag:s2] =	ssyncadd.s32 $0xFFFFF000  }
.Ltmp2:
0x1f2: {  	_ =	swait.ge [sflag:s2], $0x1000;
	(pc) =	sbr.rel @p1 .LBB2_3-.Ltmp2, $4  }
0x1f3: {  	[sflag:s2] =	ssyncset.done $0x0  }
0x1f4: {  	[sflag:s2] =	ssyncadd.s32 $0xFFFFF000  }
0x1f5: {  	_ =	swait.ge [sflag:s2], $0x1000  }
0x1f6: {  	s1 =	sadd.s32 $0xFFFFFFFF, s1;
	s0 =	rddreg [dreg:$0x3];
	[sflag:s2] =	ssyncset.done $0x0  }
0x1f7: {  	s9 =	simm.s32 $0xE00;
	s11 =	simm.s32 $0xD00  }
0x1f8: {  	s12 =	simm.s32 $0x8F00;
	s14 =	simm.s32 $0xC00;
	s15 =	simm.s32 $0xA00  }
0x1f9: {  	s16 =	simm.s32 $0xB00;
	s20 =	simm.s32 $0x900;
	s22 =	simm.s32 $0x800  }
0x1fa: {  	s24 =	simm.s32 $0x700;
	s25 =	simm.s32 $0x600;
	s26 =	simm.s32 $0x500  }
0x1fb: {  	s28 =	simm.s32 $0x400;
	s29 =	simm.s32 $0x300;
	s31 =	simm.s32 $0x200  }
.LBB2_5:
0x1fc: {  	[sflag:s2] =	ssyncadd.s32 @p0 $0xFFFFF000  }
0x1fd: {  	[tilespmem:s23], [sflag:$0x3] =	stream.linear.gather [hbm4b:s0+s23], $0x100, $0x38;
	[tilespmem:$0x9F00] =	vst v63  }
0x1fe: {  	s1 =	rddreg [dreg:$0x4]  }
0x1ff: {  	[tilespmem:s4], [sflag:$0x3] =	stream.linear.gather [hbm4b:s1+s23], $0x100, $0x38;
	[tilespmem:$0x9F00] =	vst v63  }
0x200: {  	s0 =	rddreg [dreg:$0x5]  }
0x201: {  	[tilespmem:s31], [sflag:$0x3] =	stream.linear.gather [hbm4b:s0+s23], $0x100, $0x38;
	[tilespmem:$0x9F00] =	vst v63  }
0x202: {  	s1 =	rddreg [dreg:$0x6]  }
0x203: {  	[tilespmem:s29], [sflag:$0x3] =	stream.linear.gather [hbm4b:s1+s23], $0x100, $0x38;
	[tilespmem:$0x9F00] =	vst v63  }
0x204: {  	s0 =	rddreg [dreg:$0x7]  }
0x205: {  	[tilespmem:s28], [sflag:$0x3] =	stream.linear.gather [hbm4b:s0+s23], $0x100, $0x38;
	[tilespmem:$0x9F00] =	vst v63  }
0x206: {  	s1 =	rddreg [dreg:$0x8]  }
0x207: {  	[tilespmem:s26], [sflag:$0x3] =	stream.linear.gather [hbm4b:s1+s23], $0x100, $0x38;
	[tilespmem:$0x9F00] =	vst v63  }
0x208: {  	s0 =	rddreg [dreg:$0x9]  }
0x209: {  	[tilespmem:s25], [sflag:$0x3] =	stream.linear.gather [hbm4b:s0+s23], $0x100, $0x38;
	[tilespmem:$0x9F00] =	vst v63  }
0x20a: {  	s1 =	rddreg [dreg:$0xa]  }
0x20b: {  	[tilespmem:s24], [sflag:$0x3] =	stream.linear.gather [hbm4b:s1+s23], $0x100, $0x38;
	[tilespmem:$0x9F00] =	vst v63  }
0x20c: {  	s0 =	rddreg [dreg:$0xb]  }
0x20d: {  	[tilespmem:s22], [sflag:$0x3] =	stream.linear.gather [hbm4b:s0+s23], $0x100, $0x38;
	[tilespmem:$0x9F00] =	vst v63  }
0x20e: {  	s1 =	rddreg [dreg:$0xc]  }
0x20f: {  	[tilespmem:s20], [sflag:$0x3] =	stream.linear.gather [hbm4b:s1+s23], $0x100, $0x38;
	[tilespmem:$0x9F00] =	vst v63  }
0x210: {  	s0 =	rddreg [dreg:$0xd]  }
0x211: {  	[tilespmem:s15], [sflag:$0x3] =	stream.linear.gather [hbm4b:s0+s23], $0x100, $0x38;
	[tilespmem:$0x9F00] =	vst v63  }
0x212: {  	s1 =	rddreg [dreg:$0xe]  }
0x213: {  	[tilespmem:s16], [sflag:$0x3] =	stream.linear.gather [hbm4b:s1+s23], $0x100, $0x38;
	[tilespmem:$0x9F00] =	vst v63  }
0x214: {  	s0 =	rddreg [dreg:$0xf]  }
0x215: {  	[tilespmem:s14], [sflag:$0x3] =	stream.linear.gather [hbm4b:s0+s23], $0x100, $0x38;
	[tilespmem:$0x9F00] =	vst v63  }
0x216: {  	s1 =	rddreg [dreg:$0x10]  }
0x217: {  	[tilespmem:s11], [sflag:$0x3] =	stream.linear.gather [hbm4b:s1+s23], $0x100, $0x38;
	[tilespmem:$0x9F00] =	vst v63  }
0x218: {  	s0 =	rddreg [dreg:$0x11]  }
0x219: {  	[tilespmem:s9], [sflag:$0x3] =	stream.linear.gather [hbm4b:s0+s23], $0x100, $0x38;
	[tilespmem:$0x9F00] =	vst v63  }
0x21a: {  	_ =	swait.ge [sflag:s30], $0x100  }
0x21b: {  	[sflag:s30] =	ssyncset.done $0x0  }
0x21c: {  	[sflag:s30] =	ssyncadd.s32 $0xFFFFFF00  }
0x21d: {  	[tilespmem:s19], [sflag:$0x1] =	stream.indirect.gather [hbm4b:s13+s4], $0x20, s23, s4, $0xb8;
	[tilespmem:$0x9F00] =	vst v63  }
0x21e: {  	_ =	swait.ge [sflag:s30], $0x100  }
0x21f: {  	[sflag:s30] =	ssyncset.done $0x0  }
0x220: {  	[sflag:s30] =	ssyncadd.s32 $0xFFFFFF00  }
0x221: {  	[tilespmem:s21], [sflag:$0x1] =	stream.indirect.gather [hbm4b:s13+s4], $0x20, s4, s4, $0xb8;
	[tilespmem:$0x9F00] =	vst v63  }
0x222: {  	_ =	swait.ge [sflag:s30], $0x100  }
0x223: {  	[sflag:s30] =	ssyncset.done $0x0  }
0x224: {  	[sflag:s30] =	ssyncadd.s32 $0xFFFFFF00  }
0x225: {  	[tilespmem:s17], [sflag:$0x1] =	stream.indirect.gather [hbm4b:s13+s4], $0x20, s31, s4, $0xb8;
	[tilespmem:$0x9F00] =	vst v63  }
0x226: {  	_ =	swait.ge [sflag:s30], $0x100  }
0x227: {  	[sflag:s30] =	ssyncset.done $0x0  }
0x228: {  	[sflag:s30] =	ssyncadd.s32 $0xFFFFFF00  }
0x229: {  	_ =	swait.ge [sflag:s30], $0x100  }
0x22a: {  	[sflag:s30] =	ssyncset.done $0x0  }
0x22b: {  	[sflag:s30] =	ssyncadd.s32 $0xFFFFFF00  }
0x22c: {  	_ =	swait.ge [sflag:s30], $0x100  }
0x22d: {  	[sflag:s30] =	ssyncset.done $0x0  }
0x22e: {  	[sflag:s30] =	ssyncadd.s32 $0xFFFFFF00  }
0x22f: {  	_ =	swait.ge [sflag:s30], $0x100  }
0x230: {  	[sflag:s30] =	ssyncset.done $0x0  }
0x231: {  	[sflag:s30] =	ssyncadd.s32 $0xFFFFFF00  }
0x232: {  	_ =	swait.ge [sflag:s30], $0x100  }
0x233: {  	[sflag:s30] =	ssyncset.done $0x0  }
0x234: {  	[sflag:s30] =	ssyncadd.s32 $0xFFFFFF00  }
0x235: {  	_ =	swait.ge [sflag:s30], $0x100  }
0x236: {  	[sflag:s30] =	ssyncset.done $0x0  }
0x237: {  	[sflag:s30] =	ssyncadd.s32 $0xFFFFFF00  }
0x238: {  	_ =	swait.ge [sflag:s30], $0x100  }
0x239: {  	[sflag:s30] =	ssyncset.done $0x0  }
0x23a: {  	[sflag:s30] =	ssyncadd.s32 $0xFFFFFF00  }
0x23b: {  	_ =	swait.ge [sflag:s30], $0x100  }
0x23c: {  	[sflag:s30] =	ssyncset.done $0x0  }
0x23d: {  	[sflag:s30] =	ssyncadd.s32 $0xFFFFFF00  }
0x23e: {  	_ =	swait.ge [sflag:s30], $0x100  }
0x23f: {  	[sflag:s30] =	ssyncset.done $0x0  }
0x240: {  	[sflag:s30] =	ssyncadd.s32 $0xFFFFFF00  }
0x241: {  	_ =	swait.ge [sflag:s30], $0x100  }
0x242: {  	[sflag:s30] =	ssyncset.done $0x0  }
0x243: {  	[sflag:s30] =	ssyncadd.s32 $0xFFFFFF00  }
0x244: {  	_ =	swait.ge [sflag:s30], $0x100  }
0x245: {  	[sflag:s30] =	ssyncset.done $0x0  }
0x246: {  	[sflag:s30] =	ssyncadd.s32 $0xFFFFFF00  }
0x247: {  	_ =	swait.ge [sflag:s30], $0x100  }
0x248: {  	[sflag:s30] =	ssyncset.done $0x0  }
0x249: {  	[sflag:s30] =	ssyncadd.s32 $0xFFFFFF00  }
0x24a: {  	_ =	swait.ge [sflag:s6], $0x2000  }
0x24b: {  	[sflag:s6] =	ssyncset.done $0x0  }
0x24c: {  	s31 =	rddreg [dreg:$0x12];
	[sflag:s6] =	ssyncadd.s32 $0xFFFFE000  }
0x24d: {  	[hbm4b:s31+s18] =	stream.strided.scatter [tilespmem:s19], [sflag:$0x2], $0x2000, s5, s18, $0x38;
	[tilespmem:$0x9F00] =	vst v63  }
0x24e: {  	_ =	swait.ge [sflag:s2], $0x2000  }
0x24f: {  	[sflag:s2] =	ssyncset.done $0x0  }
0x250: {  	[sflag:s2] =	ssyncadd.s32 $0xFFFFE000  }
0x251: {  	[tilespmem:s19], [sflag:$0x1] =	stream.indirect.gather [hbm4b:s13+s4], $0x20, s29, s4, $0xb8;
	[tilespmem:$0x9F00] =	vst v63  }
0x252: {  	_ =	swait.ge [sflag:s6], $0x2000  }
0x253: {  	[sflag:s6] =	ssyncset.done $0x0  }
0x254: {  	s1 =	rddreg [dreg:$0x13];
	[sflag:s6] =	ssyncadd.s32 $0xFFFFE000  }
0x255: {  	[hbm4b:s1+s18] =	stream.strided.scatter [tilespmem:s21], [sflag:$0x2], $0x2000, s5, s18, $0x38;
	[tilespmem:$0x9F00] =	vst v63  }
0x256: {  	_ =	swait.ge [sflag:s2], $0x2000  }
0x257: {  	[sflag:s2] =	ssyncset.done $0x0  }
0x258: {  	[sflag:s2] =	ssyncadd.s32 $0xFFFFE000  }
0x259: {  	[tilespmem:s21], [sflag:$0x1] =	stream.indirect.gather [hbm4b:s13+s4], $0x20, s28, s4, $0xb8;
	[tilespmem:$0x9F00] =	vst v63  }
0x25a: {  	_ =	swait.ge [sflag:s6], $0x2000  }
0x25b: {  	[sflag:s6] =	ssyncset.done $0x0  }
0x25c: {  	s23 =	rddreg [dreg:$0x14];
	[sflag:s6] =	ssyncadd.s32 $0xFFFFE000  }
0x25d: {  	[hbm4b:s23+s18] =	stream.strided.scatter [tilespmem:s17], [sflag:$0x2], $0x2000, s5, s18, $0x38;
	[tilespmem:$0x9F00] =	vst v63  }
0x25e: {  	_ =	swait.ge [sflag:s2], $0x2000  }
0x25f: {  	[sflag:s2] =	ssyncset.done $0x0  }
0x260: {  	[sflag:s2] =	ssyncadd.s32 $0xFFFFE000  }
0x261: {  	[tilespmem:s17], [sflag:$0x1] =	stream.indirect.gather [hbm4b:s13+s4], $0x20, s26, s4, $0xb8;
	[tilespmem:$0x9F00] =	vst v63  }
0x262: {  	_ =	swait.ge [sflag:s6], $0x2000  }
0x263: {  	[sflag:s6] =	ssyncset.done $0x0  }
0x264: {  	s26 =	rddreg [dreg:$0x15];
	[sflag:s6] =	ssyncadd.s32 $0xFFFFE000  }
0x265: {  	[hbm4b:s26+s18] =	stream.strided.scatter [tilespmem:s19], [sflag:$0x2], $0x2000, s5, s18, $0x38;
	[tilespmem:$0x9F00] =	vst v63  }
0x266: {  	_ =	swait.ge [sflag:s2], $0x2000  }
0x267: {  	[sflag:s2] =	ssyncset.done $0x0  }
0x268: {  	[sflag:s2] =	ssyncadd.s32 $0xFFFFE000  }
0x269: {  	[tilespmem:s19], [sflag:$0x1] =	stream.indirect.gather [hbm4b:s13+s4], $0x20, s25, s4, $0xb8;
	[tilespmem:$0x9F00] =	vst v63  }
0x26a: {  	_ =	swait.ge [sflag:s6], $0x2000  }
0x26b: {  	[sflag:s6] =	ssyncset.done $0x0  }
0x26c: {  	s28 =	rddreg [dreg:$0x16];
	[sflag:s6] =	ssyncadd.s32 $0xFFFFE000  }
0x26d: {  	[hbm4b:s28+s18] =	stream.strided.scatter [tilespmem:s21], [sflag:$0x2], $0x2000, s5, s18, $0x38;
	[tilespmem:$0x9F00] =	vst v63  }
0x26e: {  	_ =	swait.ge [sflag:s2], $0x2000  }
0x26f: {  	[sflag:s2] =	ssyncset.done $0x0  }
0x270: {  	[sflag:s2] =	ssyncadd.s32 $0xFFFFE000  }
0x271: {  	[tilespmem:s21], [sflag:$0x1] =	stream.indirect.gather [hbm4b:s13+s4], $0x20, s24, s4, $0xb8;
	[tilespmem:$0x9F00] =	vst v63  }
0x272: {  	_ =	swait.ge [sflag:s6], $0x2000  }
0x273: {  	[sflag:s6] =	ssyncset.done $0x0  }
0x274: {  	s29 =	rddreg [dreg:$0x17];
	[sflag:s6] =	ssyncadd.s32 $0xFFFFE000  }
0x275: {  	[hbm4b:s29+s18] =	stream.strided.scatter [tilespmem:s17], [sflag:$0x2], $0x2000, s5, s18, $0x38;
	[tilespmem:$0x9F00] =	vst v63  }
0x276: {  	_ =	swait.ge [sflag:s2], $0x2000  }
0x277: {  	[sflag:s2] =	ssyncset.done $0x0  }
0x278: {  	[sflag:s2] =	ssyncadd.s32 $0xFFFFE000  }
0x279: {  	[tilespmem:s17], [sflag:$0x1] =	stream.indirect.gather [hbm4b:s13+s4], $0x20, s22, s4, $0xb8;
	[tilespmem:$0x9F00] =	vst v63  }
0x27a: {  	_ =	swait.ge [sflag:s6], $0x2000  }
0x27b: {  	[sflag:s6] =	ssyncset.done $0x0  }
0x27c: {  	s30 =	rddreg [dreg:$0x18];
	[sflag:s6] =	ssyncadd.s32 $0xFFFFE000  }
0x27d: {  	[hbm4b:s30+s18] =	stream.strided.scatter [tilespmem:s19], [sflag:$0x2], $0x2000, s5, s18, $0x38;
	[tilespmem:$0x9F00] =	vst v63  }
0x27e: {  	_ =	swait.ge [sflag:s2], $0x2000  }
0x27f: {  	[sflag:s2] =	ssyncset.done $0x0  }
0x280: {  	[sflag:s2] =	ssyncadd.s32 $0xFFFFE000  }
0x281: {  	[tilespmem:s19], [sflag:$0x1] =	stream.indirect.gather [hbm4b:s13+s4], $0x20, s20, s4, $0xb8;
	[tilespmem:$0x9F00] =	vst v63  }
0x282: {  	_ =	swait.ge [sflag:s6], $0x2000  }
0x283: {  	[sflag:s6] =	ssyncset.done $0x0  }
0x284: {  	s31 =	rddreg [dreg:$0x19];
	[sflag:s6] =	ssyncadd.s32 $0xFFFFE000  }
0x285: {  	[hbm4b:s31+s18] =	stream.strided.scatter [tilespmem:s21], [sflag:$0x2], $0x2000, s5, s18, $0x38;
	[tilespmem:$0x9F00] =	vst v63  }
0x286: {  	_ =	swait.ge [sflag:s6], $0x2000  }
0x287: {  	[sflag:s6] =	ssyncset.done $0x0  }
0x288: {  	s1 =	rddreg [dreg:$0x1a];
	[sflag:s6] =	ssyncadd.s32 $0xFFFFE000  }
0x289: {  	[hbm4b:s1+s18] =	stream.strided.scatter [tilespmem:s17], [sflag:$0x2], $0x2000, s5, s18, $0x38;
	[tilespmem:$0x9F00] =	vst v63  }
0x28a: {  	_ =	swait.ge [sflag:s6], $0x2000  }
0x28b: {  	[sflag:s6] =	ssyncset.done $0x0  }
0x28c: {  	s13 =	rddreg [dreg:$0x1b];
	[sflag:s6] =	ssyncadd.s32 $0xFFFFE000  }
0x28d: {  	[hbm4b:s13+s18] =	stream.strided.scatter [tilespmem:s19], [sflag:$0x2], $0x2000, s5, s18, $0x38;
	[tilespmem:$0x9F00] =	vst v63  }
0x28e: {  	_ = 	snop  }
0x28f: {  	[tilespmem:s10], [sflag:$0x1] =	stream.indirect.gather [hbm4b:s3+s4], $0x10, s15, s4, $0xb8;
	[tilespmem:$0x9F00] =	vst v63  }
0x290: {  	_ = 	snop  }
0x291: {  	[tilespmem:s7], [sflag:$0x1] =	stream.indirect.gather [hbm4b:s3+s4], $0x10, s16, s4, $0xb8;
	[tilespmem:$0x9F00] =	vst v63  }
0x292: {  	_ = 	snop  }
0x293: {  	[tilespmem:s12], [sflag:$0x1] =	stream.indirect.gather [hbm4b:s3+s4], $0x10, s14, s4, $0xb8;
	[tilespmem:$0x9F00] =	vst v63  }
0x294: {  	s20 =	rddreg [dreg:$0x1c]  }
0x295: {  	[hbm4b:s20+s18] =	stream.strided.scatter [tilespmem:s17], [sflag:$0x2], $0x2000, s5, s18, $0x38;
	[tilespmem:$0x9F00] =	vst v63  }
0x296: {  	s21 =	rddreg [dreg:$0x1d]  }
0x297: {  	[hbm4b:s21+s18] =	stream.strided.scatter [tilespmem:s17], [sflag:$0x2], $0x2000, s5, s18, $0x38;
	[tilespmem:$0x9F00] =	vst v63  }
0x298: {  	_ =	swait.ge [sflag:s6], $0x1000  }
0x299: {  	[sflag:s6] =	ssyncset.done $0x0  }
0x29a: {  	s22 =	rddreg [dreg:$0x1e];
	[sflag:s6] =	ssyncadd.s32 $0xFFFFF000  }
0x29b: {  	[hbm4b:s22+s8] =	stream.strided.scatter [tilespmem:s10], [sflag:$0x2], $0x1000, s5, s8, $0x38;
	[tilespmem:$0x9F00] =	vst v63  }
0x29c: {  	_ =	swait.ge [sflag:s2], $0x1000  }
0x29d: {  	[sflag:s2] =	ssyncset.done $0x0  }
0x29e: {  	[sflag:s2] =	ssyncadd.s32 $0xFFFFF000  }
0x29f: {  	[tilespmem:s10], [sflag:$0x1] =	stream.indirect.gather [hbm4b:s3+s4], $0x10, s11, s4, $0xb8;
	[tilespmem:$0x9F00] =	vst v63  }
0x2a0: {  	_ =	swait.ge [sflag:s6], $0x1000  }
0x2a1: {  	[sflag:s6] =	ssyncset.done $0x0  }
0x2a2: {  	s23 =	rddreg [dreg:$0x1f];
	[sflag:s6] =	ssyncadd.s32 $0xFFFFF000  }
0x2a3: {  	[hbm4b:s23+s8] =	stream.strided.scatter [tilespmem:s7], [sflag:$0x2], $0x1000, s5, s8, $0x38;
	[tilespmem:$0x9F00] =	vst v63  }
0x2a4: {  	_ =	swait.ge [sflag:s2], $0x1000  }
0x2a5: {  	[sflag:s2] =	ssyncset.done $0x0  }
0x2a6: {  	[sflag:s2] =	ssyncadd.s32 $0xFFFFF000  }
0x2a7: {  	[tilespmem:s7], [sflag:$0x1] =	stream.indirect.gather [hbm4b:s3+s4], $0x10, s9, s4, $0xb8;
	[tilespmem:$0x9F00] =	vst v63  }
0x2a8: {  	_ =	swait.ge [sflag:s6], $0x1000  }
0x2a9: {  	s24 =	sld [smem:$0x7F8]  }
0x2aa: {  	[sflag:s6] =	ssyncset.done $0x0  }
0x2ab: {  	[sflag:s6] =	ssyncadd.s32 $0xFFFFF000  }
0x2ac: {  	[hbm4b:s24+s8] =	stream.strided.scatter [tilespmem:s12], [sflag:$0x2], $0x1000, s5, s8, $0x38;
	[tilespmem:$0x9F00] =	vst v63  }
0x2ad: {  	_ =	swait.ge [sflag:s6], $0x1000  }
0x2ae: {  	s25 =	sld [smem:$0x7F9]  }
0x2af: {  	[sflag:s6] =	ssyncset.done $0x0  }
0x2b0: {  	[sflag:s6] =	ssyncadd.s32 $0xFFFFF000  }
0x2b1: {  	[hbm4b:s25+s8] =	stream.strided.scatter [tilespmem:s10], [sflag:$0x2], $0x1000, s5, s8, $0x38;
	[tilespmem:$0x9F00] =	vst v63  }
0x2b2: {  	_ =	swait.ge [sflag:s6], $0x1000  }
0x2b3: {  	s26 =	sld [smem:$0x7FA]  }
0x2b4: {  	[sflag:s6] =	ssyncset.done $0x0  }
0x2b5: {  	s28 =	sld [smem:$0x7FB];
	[sflag:s6] =	ssyncadd.s32 $0xFFFFF000  }
0x2b6: {  	[hbm4b:s26+s8] =	stream.strided.scatter [tilespmem:s7], [sflag:$0x2], $0x1000, s5, s8, $0x38;
	[tilespmem:$0x9F00] =	vst v63  }
0x2b7: {  	s29 =	sld [smem:$0x7FC]  }
0x2b8: {  	[hbm4b:s28+s8] =	stream.strided.scatter [tilespmem:s7], [sflag:$0x2], $0x1000, s5, s8, $0x38;
	[tilespmem:$0x9F00] =	vst v63  }
0x2b9: {  	s30 =	sld [smem:$0x7FD]  }
0x2ba: {  	[hbm4b:s29+s8] =	stream.strided.scatter [tilespmem:s7], [sflag:$0x2], $0x1000, s5, s8, $0x38;
	[tilespmem:$0x9F00] =	vst v63  }
0x2bb: {  	_ = 	snop  }
0x2bc: {  	[hbm4b:s30+s8] =	stream.strided.scatter [tilespmem:s7], [sflag:$0x2], $0x1000, s5, s8, $0x38;
	[tilespmem:$0x9F00] =	vst v63  }
0x2bd: {  	_ =	swait.ge [sflag:s2], $0x2000  }
0x2be: {  	[sflag:s2] =	ssyncset.done $0x0  }
0x2bf: {  	[sflag:s2] =	ssyncadd.s32 $0xFFFFE000  }
0x2c0: {  	_ =	swait.ge [sflag:s2], $0x2000  }
0x2c1: {  	[sflag:s2] =	ssyncset.done $0x0  }
0x2c2: {  	[sflag:s2] =	ssyncadd.s32 $0xFFFFE000  }
0x2c3: {  	_ =	swait.ge [sflag:s2], $0x2000  }
0x2c4: {  	[sflag:s2] =	ssyncset.done $0x0  }
0x2c5: {  	[sflag:s2] =	ssyncadd.s32 $0xFFFFE000  }
0x2c6: {  	_ =	swait.ge [sflag:s2], $0x2000  }
0x2c7: {  	[sflag:s2] =	ssyncset.done $0x0  }
0x2c8: {  	[sflag:s2] =	ssyncadd.s32 $0xFFFFE000  }
0x2c9: {  	_ =	swait.ge [sflag:s2], $0x2000  }
0x2ca: {  	[sflag:s2] =	ssyncset.done $0x0  }
0x2cb: {  	[sflag:s2] =	ssyncadd.s32 $0xFFFFE000  }
0x2cc: {  	_ =	swait.ge [sflag:s2], $0x1000  }
0x2cd: {  	[sflag:s2] =	ssyncset.done $0x0  }
0x2ce: {  	[sflag:s2] =	ssyncadd.s32 $0xFFFFF000  }
0x2cf: {  	_ =	swait.ge [sflag:s2], $0x1000  }
0x2d0: {  	[sflag:s2] =	ssyncset.done $0x0  }
0x2d1: {  	[sflag:s2] =	ssyncadd.s32 $0xFFFFF000  }
0x2d2: {  	_ =	swait.ge [sflag:s2], $0x1000  }
0x2d3: {  	[sflag:s2] =	ssyncset.done $0x0  }
0x2d4: {  	[sflag:s2] =	ssyncadd.s32 $0xFFFFF000  }
0x2d5: {  	_ =	swait.ge [sflag:s2], $0x1000  }
0x2d6: {  	[sflag:s2] =	ssyncset.done $0x0  }
0x2d7: {  	[sflag:s2] =	ssyncadd.s32 $0xFFFFF000  }
0x2d8: {  	_ =	swait.ge [sflag:s2], $0x1000  }
0x2d9: {  	[sflag:s2] =	ssyncset.done $0x0  }
0x2da: {  	[sflag:s2] =	ssyncadd.s32 $0xFFFFF000  }
0x2db: {  	_ =	swait.ge [sflag:s2], $0x1000  }
0x2dc: {  	[sflag:s2] =	ssyncset.done $0x0  }
0x2dd: {  	[sflag:s2] =	ssyncadd.s32 $0xFFFFF000  }
0x2de: {  	_ =	sfence.sel $0x180000  }
0x2df: {  	[bflag:$0x0] =	sbarrier.arrive $0xFFFF  }
0x2e0: {  	_ =	strace $0x9000004A  }
0x2e1: {  	s31 =	stileid.u32;
	[bflag:$0x2] =	sbarrier.arrive $0xFFFF  }
0x2e2: {  	p0 =	sne.s32 s31, $0x0;
	s0 =	rddreg [dreg:$0x2]  }
0x2e3: {  	s0 =	sadd.s32 @!p0 $0x100000, s0  }
0x2e4: {  	[sflag:s0] =	ssyncadd.tile.s32 @!p0 $0x1;
	_ =	shalt  }
.LBB2_6:
.Ltmp3:
0x2e5: {  	s9 =	simm.s32 $0xE00;
	s11 =	simm.s32 $0xD00;
	(pc) =	sbr.rel .LBB2_5-.Ltmp3, $4  }
0x2e6: {  	s12 =	simm.s32 $0x8F00;
	s14 =	simm.s32 $0xC00;
	s15 =	simm.s32 $0xA00  }
0x2e7: {  	s16 =	simm.s32 $0xB00;
	s20 =	simm.s32 $0x900;
	s22 =	simm.s32 $0x800  }
0x2e8: {  	s24 =	simm.s32 $0x700;
	s25 =	simm.s32 $0x600;
	s26 =	simm.s32 $0x500  }
0x2e9: {  	s28 =	simm.s32 $0x400;
	s29 =	simm.s32 $0x300;
	s31 =	simm.s32 $0x200  }
.Lfunc_end2:
_tile_overlayer_lowered:
.L_overlay_start_2:
0x2ea: {  	(tag) =	ssettag $0x2  }
0x2eb: {  	s0 =	rddreg [dreg:$0x0];
	s2 =	stileid.u32  }
0x2ec: {  	s1 =	rddreg [dreg:$0x1];
	p0 =	sne.s32 s2, $0x0  }
0x2ed: {  	s3 =	rddreg [dreg:$0x2];
	[bflag:$0x3] =	sbarrier.arrive $0xFFFF;
	s2 =	simm.s32 @!p0 $0x1C04  }
0x2ee: {  	[timem:s3], [sflag:s2] =	dma.local @!p0 [hbm:s0], s1  }
0x2ef: {  	s0 =	simm.s32 @!p0 $0x4  }
0x2f0: {  	_ =	swait.ge @!p0 [sflag:s0], s1  }
0x2f1: {  	s1 =	ssub.s32 @!p0 $0x0, s1;
	[sflag:s0] =	ssyncset.done @!p0 $0x0  }
0x2f2: {  	[sflag:s0] =	ssyncadd.s32 @!p0 s1  }
0x2f3: {  	[bflag:$0x3] =	sbarrier.arrive $0xFFFF  }
0x2f4: {  	_ =	shalt  }

</sc_bundles>
